<compile_context>
chip_gen: v7x
topology: tpu7x:2x2x1
jax: 0.10.2.dev20260603
libtpu: 0.0.44.dev20260713+nightly
codegen_flags: <defaults>
</compile_context>

<pallas_src>
import functools

import jax
import jax.numpy as jnp
from jax import lax
from jax.experimental import pallas as pl
from jax.experimental.pallas import tpu as pltpu
from jax.experimental.pallas import tpu_sc as plsc

N_NODES = 10000
D = 128
N_EDGES = 320000

NC = 2
NS = 16
NW = NC * NS
EPW = N_EDGES // NW
C = 80
NCH = EPW // C
GPC = C // 16
NBUF = 6
DW = D // 2
DWP = 72
DU = 8


def _sc_body(z_h, u_h, v_h, out_h, idxu, idxv,
             zu0, zu1, zu2, zu3, zu4, zu5,
             zv0, zv1, zv2, zv3, zv4, zv5, outf,
             su0, su1, su2, su3, su4, su5,
             sv0, sv1, sv2, sv3, sv4, sv5):
    zus = (zu0, zu1, zu2, zu3, zu4, zu5)
    zvs = (zv0, zv1, zv2, zv3, zv4, zv5)
    sus = (su0, su1, su2, su3, su4, su5)
    svs = (sv0, sv1, sv2, sv3, sv4, sv5)

    cid = lax.axis_index("c")
    sid = lax.axis_index("s")
    wid = sid * NC + cid

    pltpu.sync_copy(u_h.at[wid], idxu)
    pltpu.sync_copy(v_h.at[wid], idxv)

    lanes = lax.iota(jnp.int32, 16)

    def issue(k, b):
        pltpu.async_copy(z_h.at[idxu.at[k]], zus[b], sus[b])
        pltpu.async_copy(z_h.at[idxv.at[k]], zvs[b], svs[b])

    def wait(k, b):
        pltpu.make_async_copy(z_h.at[idxu.at[k]], zus[b], sus[b]).wait()
        pltpu.make_async_copy(z_h.at[idxv.at[k]], zvs[b], svs[b]).wait()

    def compute(k, b):
        zu = zus[b]
        zv = zvs[b]

        def gbody(g, carry):
            eids = g * 16 + lanes

            def dbody(dd, accs):
                news = list(accs)
                for d2 in range(DU):
                    colv = lax.broadcast(dd * DU + d2, (16,))
                    pu = plsc.load_gather(zu, [eids, colv])
                    pv = plsc.load_gather(zv, [eids, colv])
                    au0, au1 = plsc.unpack(
                        plsc.bitcast(pu, jnp.bfloat16),
                        format=plsc.PackFormat.INTERLEAVED)
                    av0, av1 = plsc.unpack(
                        plsc.bitcast(pv, jnp.bfloat16),
                        format=plsc.PackFormat.INTERLEAVED)
                    news[(2 * d2) % 4] = news[(2 * d2) % 4] + au0 * av0
                    news[(2 * d2 + 1) % 4] = news[(2 * d2 + 1) % 4] + au1 * av1
                return tuple(news)

            zv16 = jnp.zeros((16,), jnp.float32)
            accs = lax.fori_loop(0, DW // DU, dbody, (zv16, zv16, zv16, zv16))
            acc = (accs[0] + accs[1]) + (accs[2] + accs[3])
            plsc.store_scatter(outf, [k * C + g * 16 + lanes], acc)
            return carry

        lax.fori_loop(0, GPC, gbody, 0)

    for b in range(NBUF):
        issue(b, b)

    def ringbody(j, carry):
        for b in range(NBUF):
            k = NBUF * j + b
            wait(k, b)
            compute(k, b)
            nk = k + NBUF

            @pl.when(nk < NCH)
            def _():
                issue(nk, b)
        return carry

    lax.fori_loop(0, NCH // NBUF, ringbody, 0)

    for k in range(NBUF * (NCH // NBUF), NCH):
        b = k % NBUF
        wait(k, b)
        compute(k, b)

    pltpu.sync_copy(outf, out_h.at[pl.ds(wid * EPW, EPW)])


@jax.jit
def _decode(z, u3, v3):
    mesh = plsc.VectorSubcoreMesh(core_axis_name="c", subcore_axis_name="s")
    return pl.kernel(
        _sc_body,
        mesh=mesh,
        compiler_params=pltpu.CompilerParams(needs_layout_passes=False, use_tc_tiling_on_sc=False),
        out_type=jax.ShapeDtypeStruct((N_EDGES,), jnp.float32),
        scratch_types=[
            pltpu.VMEM((NCH, C), jnp.int32),
            pltpu.VMEM((NCH, C), jnp.int32),
        ] + [pltpu.VMEM((C, DWP), jnp.int32)] * (2 * NBUF) + [
            pltpu.VMEM((EPW,), jnp.float32),
        ] + [pltpu.SemaphoreType.DMA] * (2 * NBUF),
    )(z, u3, v3)


def kernel(z, edge_index_query):
    eiq = edge_index_query.astype(jnp.int32)
    u3 = eiq[0].reshape(NW, NCH, C)
    v3 = eiq[1].reshape(NW, NCH, C)
    z_pk = lax.bitcast_convert_type(
        z.astype(jnp.bfloat16).reshape(N_NODES, DW, 2), jnp.int32)
    z_pk = jnp.pad(z_pk, ((0, 0), (0, DWP - DW)))
    return _decode(z_pk, u3, v3)

# --- scband reference (transcript-rebuilt; emitter-appended) ---
"""Pipeline reference for scband-graph-decoder-89842125897989 (READ-ONLY COPY).

The authoritative reference and input builder live on the scoring server;
editing this copy changes nothing except your own understanding.
"""

import jax, jax.numpy as jnp
import numpy as np

N_NODES = 10000
D = 128
N_EDGES = 320000

def setup_inputs(seed: int = 0) -> dict:
    key = jax.random.key(seed)
    k1, k2 = jax.random.split(key)
    z = jax.random.normal(k1, (N_NODES, D), dtype=jnp.float32)
    edge_index_query = jax.random.randint(k2, (2, N_EDGES), 0, N_NODES, dtype=jnp.int64)
    return {"z": z, "edge_index_query": edge_index_query}

def reference(z, edge_index_query):
    # Faithful translation of GraphDecoder.forward with edge_index_query provided:
    # u, v = edge_index_query; return (z[u] * z[v]).sum(dim=-1)
    u = edge_index_query[0]
    v = edge_index_query[1]
    zu = jnp.take(z, u, axis=0)
    zv = jnp.take(z, v, axis=0)
    return jnp.sum(zu * zv, axis=-1)

if __name__ == "__main__":
    import jax
    _d = setup_inputs()
    print(jax.jit(kernel)(*tuple(_d.values())))

</pallas_src>

<mosaic_0001>
#map = affine_map<(d0, d1) -> (0, 0)>
#map1 = affine_map<(d0, d1) -> (0, 0, 0)>
#map2 = affine_map<(d0, d1) -> (0)>
module attributes {stable_mosaic.version = 14 : i64} {
  func.func @_sc_body(%arg0: i32, %arg1: i32, %arg2: memref<10000x72xi32, #tpu.memory_space<hbm>>, %arg3: memref<32x125x80xi32, #tpu.memory_space<hbm>>, %arg4: memref<32x125x80xi32, #tpu.memory_space<hbm>>, %arg5: memref<320000xf32, #tpu.memory_space<hbm>>, %arg6: memref<125x80xi32, #tpu.memory_space<vmem>>, %arg7: memref<125x80xi32, #tpu.memory_space<vmem>>, %arg8: memref<80x72xi32, #tpu.memory_space<vmem>>, %arg9: memref<80x72xi32, #tpu.memory_space<vmem>>, %arg10: memref<80x72xi32, #tpu.memory_space<vmem>>, %arg11: memref<80x72xi32, #tpu.memory_space<vmem>>, %arg12: memref<80x72xi32, #tpu.memory_space<vmem>>, %arg13: memref<80x72xi32, #tpu.memory_space<vmem>>, %arg14: memref<80x72xi32, #tpu.memory_space<vmem>>, %arg15: memref<80x72xi32, #tpu.memory_space<vmem>>, %arg16: memref<80x72xi32, #tpu.memory_space<vmem>>, %arg17: memref<80x72xi32, #tpu.memory_space<vmem>>, %arg18: memref<80x72xi32, #tpu.memory_space<vmem>>, %arg19: memref<80x72xi32, #tpu.memory_space<vmem>>, %arg20: memref<10000xf32, #tpu.memory_space<vmem>>, %arg21: memref<!tpu.dma_semaphore, #tpu.memory_space<semaphore_mem>>, %arg22: memref<!tpu.dma_semaphore, #tpu.memory_space<semaphore_mem>>, %arg23: memref<!tpu.dma_semaphore, #tpu.memory_space<semaphore_mem>>, %arg24: memref<!tpu.dma_semaphore, #tpu.memory_space<semaphore_mem>>, %arg25: memref<!tpu.dma_semaphore, #tpu.memory_space<semaphore_mem>>, %arg26: memref<!tpu.dma_semaphore, #tpu.memory_space<semaphore_mem>>, %arg27: memref<!tpu.dma_semaphore, #tpu.memory_space<semaphore_mem>>, %arg28: memref<!tpu.dma_semaphore, #tpu.memory_space<semaphore_mem>>, %arg29: memref<!tpu.dma_semaphore, #tpu.memory_space<semaphore_mem>>, %arg30: memref<!tpu.dma_semaphore, #tpu.memory_space<semaphore_mem>>, %arg31: memref<!tpu.dma_semaphore, #tpu.memory_space<semaphore_mem>>, %arg32: memref<!tpu.dma_semaphore, #tpu.memory_space<semaphore_mem>>) attributes {dimension_semantics = [#tpu.dimension_semantics<core_parallel>, #tpu.dimension_semantics<subcore_parallel>], iteration_bounds = array<i64: 2, 16>, scalar_prefetch = 0 : i64, scratch_operands = 27 : i64, tpu.core_type = #tpu.core_type<sc_vector_subcore>, window_params = [{transform_indices = #map}, {transform_indices = #map1}, {transform_indices = #map1}, {transform_indices = #map2}]} {
    %mul3A = arith.constant 2 : i32
    %mul3A_0 = arith.muli %arg1, %mul3A : i32
    %add3A = arith.addi %mul3A_0, %arg0 : i32
    "tpu.region"() ({
      %run_scoped3A = tpu.sem_alloc : memref<!tpu.dma_semaphore, #tpu.memory_space<semaphore_mem>>
      %dma_start3A_190 = arith.constant 0 : i32
      %dma_start3A_191 = arith.constant 0 : i32
      %dma_start3A_192 = tpu.memref_slice %arg3[%add3A, %dma_start3A_190, %dma_start3A_191] : memref<32x125x80xi32, #tpu.memory_space<hbm>> -> memref<1x125x80xi32, #tpu.memory_space<hbm>>
      %dma_start3A_193 = tpu.memref_squeeze %dma_start3A_192 : memref<1x125x80xi32, #tpu.memory_space<hbm>> -> memref<125x80xi32, #tpu.memory_space<hbm>>
      %dma_start3A_194 = arith.constant 0 : i32
      %dma_start3A_195 = arith.constant 0 : i32
      %dma_start3A_196 = tpu.memref_slice %arg3[%add3A, %dma_start3A_194, %dma_start3A_195] : memref<32x125x80xi32, #tpu.memory_space<hbm>> -> memref<1x125x80xi32, #tpu.memory_space<hbm>>
      %dma_start3A_197 = tpu.memref_squeeze %dma_start3A_196 : memref<1x125x80xi32, #tpu.memory_space<hbm>> -> memref<125x80xi32, #tpu.memory_space<hbm>>
      tpu.enqueue_dma source(%dma_start3A_197 : memref<125x80xi32, #tpu.memory_space<hbm>>) target(%arg6 : memref<125x80xi32, #tpu.memory_space<vmem>>) target_semaphore(%run_scoped3A : memref<!tpu.dma_semaphore, #tpu.memory_space<semaphore_mem>>)
      %dma_wait3A_198 = arith.constant 0 : i32
      %dma_wait3A_199 = arith.constant 0 : i32
      %dma_wait3A_200 = tpu.memref_slice %arg3[%add3A, %dma_wait3A_198, %dma_wait3A_199] : memref<32x125x80xi32, #tpu.memory_space<hbm>> -> memref<1x125x80xi32, #tpu.memory_space<hbm>>
      %dma_wait3A_201 = tpu.memref_squeeze %dma_wait3A_200 : memref<1x125x80xi32, #tpu.memory_space<hbm>> -> memref<125x80xi32, #tpu.memory_space<hbm>>
      %dma_wait3A_202 = arith.constant 0 : i32
      %dma_wait3A_203 = arith.constant 0 : i32
      %dma_wait3A_204 = tpu.memref_slice %arg3[%add3A, %dma_wait3A_202, %dma_wait3A_203] : memref<32x125x80xi32, #tpu.memory_space<hbm>> -> memref<1x125x80xi32, #tpu.memory_space<hbm>>
      %dma_wait3A_205 = tpu.memref_squeeze %dma_wait3A_204 : memref<1x125x80xi32, #tpu.memory_space<hbm>> -> memref<125x80xi32, #tpu.memory_space<hbm>>
      tpu.wait_dma2 semaphore(%run_scoped3A : memref<!tpu.dma_semaphore, #tpu.memory_space<semaphore_mem>>) src(%dma_wait3A_205 : memref<125x80xi32, #tpu.memory_space<hbm>>) dst(%arg6 : memref<125x80xi32, #tpu.memory_space<vmem>>)
      tpu.yield
    }) : () -> ()
    "tpu.region"() ({
      %run_scoped3A = tpu.sem_alloc : memref<!tpu.dma_semaphore, #tpu.memory_space<semaphore_mem>>
      %dma_start3A_190 = arith.constant 0 : i32
      %dma_start3A_191 = arith.constant 0 : i32
      %dma_start3A_192 = tpu.memref_slice %arg4[%add3A, %dma_start3A_190, %dma_start3A_191] : memref<32x125x80xi32, #tpu.memory_space<hbm>> -> memref<1x125x80xi32, #tpu.memory_space<hbm>>
      %dma_start3A_193 = tpu.memref_squeeze %dma_start3A_192 : memref<1x125x80xi32, #tpu.memory_space<hbm>> -> memref<125x80xi32, #tpu.memory_space<hbm>>
      %dma_start3A_194 = arith.constant 0 : i32
      %dma_start3A_195 = arith.constant 0 : i32
      %dma_start3A_196 = tpu.memref_slice %arg4[%add3A, %dma_start3A_194, %dma_start3A_195] : memref<32x125x80xi32, #tpu.memory_space<hbm>> -> memref<1x125x80xi32, #tpu.memory_space<hbm>>
      %dma_start3A_197 = tpu.memref_squeeze %dma_start3A_196 : memref<1x125x80xi32, #tpu.memory_space<hbm>> -> memref<125x80xi32, #tpu.memory_space<hbm>>
      tpu.enqueue_dma source(%dma_start3A_197 : memref<125x80xi32, #tpu.memory_space<hbm>>) target(%arg7 : memref<125x80xi32, #tpu.memory_space<vmem>>) target_semaphore(%run_scoped3A : memref<!tpu.dma_semaphore, #tpu.memory_space<semaphore_mem>>)
      %dma_wait3A_198 = arith.constant 0 : i32
      %dma_wait3A_199 = arith.constant 0 : i32
      %dma_wait3A_200 = tpu.memref_slice %arg4[%add3A, %dma_wait3A_198, %dma_wait3A_199] : memref<32x125x80xi32, #tpu.memory_space<hbm>> -> memref<1x125x80xi32, #tpu.memory_space<hbm>>
      %dma_wait3A_201 = tpu.memref_squeeze %dma_wait3A_200 : memref<1x125x80xi32, #tpu.memory_space<hbm>> -> memref<125x80xi32, #tpu.memory_space<hbm>>
      %dma_wait3A_202 = arith.constant 0 : i32
      %dma_wait3A_203 = arith.constant 0 : i32
      %dma_wait3A_204 = tpu.memref_slice %arg4[%add3A, %dma_wait3A_202, %dma_wait3A_203] : memref<32x125x80xi32, #tpu.memory_space<hbm>> -> memref<1x125x80xi32, #tpu.memory_space<hbm>>
      %dma_wait3A_205 = tpu.memref_squeeze %dma_wait3A_204 : memref<1x125x80xi32, #tpu.memory_space<hbm>> -> memref<125x80xi32, #tpu.memory_space<hbm>>
      tpu.wait_dma2 semaphore(%run_scoped3A : memref<!tpu.dma_semaphore, #tpu.memory_space<semaphore_mem>>) src(%dma_wait3A_205 : memref<125x80xi32, #tpu.memory_space<hbm>>) dst(%arg7 : memref<125x80xi32, #tpu.memory_space<vmem>>)
      tpu.yield
    }) : () -> ()
    %iota3A = tpu.iota {dimensions = array<i32: 0>} : vector<16xi32>
    %dma_start3A = arith.constant 0 : i32
    %dma_start3A_1 = arith.constant 0 : i32
    %dma_start3A_2 = tpu.memref_slice %arg6[%dma_start3A, %dma_start3A_1] : memref<125x80xi32, #tpu.memory_space<vmem>> -> memref<1x80xi32, #tpu.memory_space<vmem>>
    %dma_start3A_3 = tpu.memref_squeeze %dma_start3A_2 : memref<1x80xi32, #tpu.memory_space<vmem>> -> memref<80xi32, #tpu.memory_space<vmem>>
    %dma_start3A_4 = arith.constant 0 : i32
    %dma_start3A_5 = arith.constant 0 : i32
    %dma_start3A_6 = tpu.memref_slice %arg2[%dma_start3A_4, %dma_start3A_5] : memref<10000x72xi32, #tpu.memory_space<hbm>> -> memref<10000x72xi32, #tpu.memory_space<hbm>>
    tpu.enqueue_indirect_dma source(%dma_start3A_6 : memref<10000x72xi32, #tpu.memory_space<hbm>>) target(%arg8 : memref<80x72xi32, #tpu.memory_space<vmem>>) offsets(%dma_start3A_3 : memref<80xi32, #tpu.memory_space<vmem>>) semaphore(%arg21 : memref<!tpu.dma_semaphore, #tpu.memory_space<semaphore_mem>>)
    %dma_start3A_7 = arith.constant 0 : i32
    %dma_start3A_8 = arith.constant 0 : i32
    %dma_start3A_9 = tpu.memref_slice %arg7[%dma_start3A_7, %dma_start3A_8] : memref<125x80xi32, #tpu.memory_space<vmem>> -> memref<1x80xi32, #tpu.memory_space<vmem>>
    %dma_start3A_10 = tpu.memref_squeeze %dma_start3A_9 : memref<1x80xi32, #tpu.memory_space<vmem>> -> memref<80xi32, #tpu.memory_space<vmem>>
    %dma_start3A_11 = arith.constant 0 : i32
    %dma_start3A_12 = arith.constant 0 : i32
    %dma_start3A_13 = tpu.memref_slice %arg2[%dma_start3A_11, %dma_start3A_12] : memref<10000x72xi32, #tpu.memory_space<hbm>> -> memref<10000x72xi32, #tpu.memory_space<hbm>>
    tpu.enqueue_indirect_dma source(%dma_start3A_13 : memref<10000x72xi32, #tpu.memory_space<hbm>>) target(%arg14 : memref<80x72xi32, #tpu.memory_space<vmem>>) offsets(%dma_start3A_10 : memref<80xi32, #tpu.memory_space<vmem>>) semaphore(%arg27 : memref<!tpu.dma_semaphore, #tpu.memory_space<semaphore_mem>>)
    %dma_start3A_14 = arith.constant 1 : i32
    %dma_start3A_15 = arith.constant 0 : i32
    %dma_start3A_16 = tpu.memref_slice %arg6[%dma_start3A_14, %dma_start3A_15] : memref<125x80xi32, #tpu.memory_space<vmem>> -> memref<1x80xi32, #tpu.memory_space<vmem>>
    %dma_start3A_17 = tpu.memref_squeeze %dma_start3A_16 : memref<1x80xi32, #tpu.memory_space<vmem>> -> memref<80xi32, #tpu.memory_space<vmem>>
    %dma_start3A_18 = arith.constant 0 : i32
    %dma_start3A_19 = arith.constant 0 : i32
    %dma_start3A_20 = tpu.memref_slice %arg2[%dma_start3A_18, %dma_start3A_19] : memref<10000x72xi32, #tpu.memory_space<hbm>> -> memref<10000x72xi32, #tpu.memory_space<hbm>>
    tpu.enqueue_indirect_dma source(%dma_start3A_20 : memref<10000x72xi32, #tpu.memory_space<hbm>>) target(%arg9 : memref<80x72xi32, #tpu.memory_space<vmem>>) offsets(%dma_start3A_17 : memref<80xi32, #tpu.memory_space<vmem>>) semaphore(%arg22 : memref<!tpu.dma_semaphore, #tpu.memory_space<semaphore_mem>>)
    %dma_start3A_21 = arith.constant 1 : i32
    %dma_start3A_22 = arith.constant 0 : i32
    %dma_start3A_23 = tpu.memref_slice %arg7[%dma_start3A_21, %dma_start3A_22] : memref<125x80xi32, #tpu.memory_space<vmem>> -> memref<1x80xi32, #tpu.memory_space<vmem>>
    %dma_start3A_24 = tpu.memref_squeeze %dma_start3A_23 : memref<1x80xi32, #tpu.memory_space<vmem>> -> memref<80xi32, #tpu.memory_space<vmem>>
    %dma_start3A_25 = arith.constant 0 : i32
    %dma_start3A_26 = arith.constant 0 : i32
    %dma_start3A_27 = tpu.memref_slice %arg2[%dma_start3A_25, %dma_start3A_26] : memref<10000x72xi32, #tpu.memory_space<hbm>> -> memref<10000x72xi32, #tpu.memory_space<hbm>>
    tpu.enqueue_indirect_dma source(%dma_start3A_27 : memref<10000x72xi32, #tpu.memory_space<hbm>>) target(%arg15 : memref<80x72xi32, #tpu.memory_space<vmem>>) offsets(%dma_start3A_24 : memref<80xi32, #tpu.memory_space<vmem>>) semaphore(%arg28 : memref<!tpu.dma_semaphore, #tpu.memory_space<semaphore_mem>>)
    %dma_start3A_28 = arith.constant 2 : i32
    %dma_start3A_29 = arith.constant 0 : i32
    %dma_start3A_30 = tpu.memref_slice %arg6[%dma_start3A_28, %dma_start3A_29] : memref<125x80xi32, #tpu.memory_space<vmem>> -> memref<1x80xi32, #tpu.memory_space<vmem>>
    %dma_start3A_31 = tpu.memref_squeeze %dma_start3A_30 : memref<1x80xi32, #tpu.memory_space<vmem>> -> memref<80xi32, #tpu.memory_space<vmem>>
    %dma_start3A_32 = arith.constant 0 : i32
    %dma_start3A_33 = arith.constant 0 : i32
    %dma_start3A_34 = tpu.memref_slice %arg2[%dma_start3A_32, %dma_start3A_33] : memref<10000x72xi32, #tpu.memory_space<hbm>> -> memref<10000x72xi32, #tpu.memory_space<hbm>>
    tpu.enqueue_indirect_dma source(%dma_start3A_34 : memref<10000x72xi32, #tpu.memory_space<hbm>>) target(%arg10 : memref<80x72xi32, #tpu.memory_space<vmem>>) offsets(%dma_start3A_31 : memref<80xi32, #tpu.memory_space<vmem>>) semaphore(%arg23 : memref<!tpu.dma_semaphore, #tpu.memory_space<semaphore_mem>>)
    %dma_start3A_35 = arith.constant 2 : i32
    %dma_start3A_36 = arith.constant 0 : i32
    %dma_start3A_37 = tpu.memref_slice %arg7[%dma_start3A_35, %dma_start3A_36] : memref<125x80xi32, #tpu.memory_space<vmem>> -> memref<1x80xi32, #tpu.memory_space<vmem>>
    %dma_start3A_38 = tpu.memref_squeeze %dma_start3A_37 : memref<1x80xi32, #tpu.memory_space<vmem>> -> memref<80xi32, #tpu.memory_space<vmem>>
    %dma_start3A_39 = arith.constant 0 : i32
    %dma_start3A_40 = arith.constant 0 : i32
    %dma_start3A_41 = tpu.memref_slice %arg2[%dma_start3A_39, %dma_start3A_40] : memref<10000x72xi32, #tpu.memory_space<hbm>> -> memref<10000x72xi32, #tpu.memory_space<hbm>>
    tpu.enqueue_indirect_dma source(%dma_start3A_41 : memref<10000x72xi32, #tpu.memory_space<hbm>>) target(%arg16 : memref<80x72xi32, #tpu.memory_space<vmem>>) offsets(%dma_start3A_38 : memref<80xi32, #tpu.memory_space<vmem>>) semaphore(%arg29 : memref<!tpu.dma_semaphore, #tpu.memory_space<semaphore_mem>>)
    %dma_start3A_42 = arith.constant 3 : i32
    %dma_start3A_43 = arith.constant 0 : i32
    %dma_start3A_44 = tpu.memref_slice %arg6[%dma_start3A_42, %dma_start3A_43] : memref<125x80xi32, #tpu.memory_space<vmem>> -> memref<1x80xi32, #tpu.memory_space<vmem>>
    %dma_start3A_45 = tpu.memref_squeeze %dma_start3A_44 : memref<1x80xi32, #tpu.memory_space<vmem>> -> memref<80xi32, #tpu.memory_space<vmem>>
    %dma_start3A_46 = arith.constant 0 : i32
    %dma_start3A_47 = arith.constant 0 : i32
    %dma_start3A_48 = tpu.memref_slice %arg2[%dma_start3A_46, %dma_start3A_47] : memref<10000x72xi32, #tpu.memory_space<hbm>> -> memref<10000x72xi32, #tpu.memory_space<hbm>>
    tpu.enqueue_indirect_dma source(%dma_start3A_48 : memref<10000x72xi32, #tpu.memory_space<hbm>>) target(%arg11 : memref<80x72xi32, #tpu.memory_space<vmem>>) offsets(%dma_start3A_45 : memref<80xi32, #tpu.memory_space<vmem>>) semaphore(%arg24 : memref<!tpu.dma_semaphore, #tpu.memory_space<semaphore_mem>>)
    %dma_start3A_49 = arith.constant 3 : i32
    %dma_start3A_50 = arith.constant 0 : i32
    %dma_start3A_51 = tpu.memref_slice %arg7[%dma_start3A_49, %dma_start3A_50] : memref<125x80xi32, #tpu.memory_space<vmem>> -> memref<1x80xi32, #tpu.memory_space<vmem>>
    %dma_start3A_52 = tpu.memref_squeeze %dma_start3A_51 : memref<1x80xi32, #tpu.memory_space<vmem>> -> memref<80xi32, #tpu.memory_space<vmem>>
    %dma_start3A_53 = arith.constant 0 : i32
    %dma_start3A_54 = arith.constant 0 : i32
    %dma_start3A_55 = tpu.memref_slice %arg2[%dma_start3A_53, %dma_start3A_54] : memref<10000x72xi32, #tpu.memory_space<hbm>> -> memref<10000x72xi32, #tpu.memory_space<hbm>>
    tpu.enqueue_indirect_dma source(%dma_start3A_55 : memref<10000x72xi32, #tpu.memory_space<hbm>>) target(%arg17 : memref<80x72xi32, #tpu.memory_space<vmem>>) offsets(%dma_start3A_52 : memref<80xi32, #tpu.memory_space<vmem>>) semaphore(%arg30 : memref<!tpu.dma_semaphore, #tpu.memory_space<semaphore_mem>>)
    %dma_start3A_56 = arith.constant 4 : i32
    %dma_start3A_57 = arith.constant 0 : i32
    %dma_start3A_58 = tpu.memref_slice %arg6[%dma_start3A_56, %dma_start3A_57] : memref<125x80xi32, #tpu.memory_space<vmem>> -> memref<1x80xi32, #tpu.memory_space<vmem>>
    %dma_start3A_59 = tpu.memref_squeeze %dma_start3A_58 : memref<1x80xi32, #tpu.memory_space<vmem>> -> memref<80xi32, #tpu.memory_space<vmem>>
    %dma_start3A_60 = arith.constant 0 : i32
    %dma_start3A_61 = arith.constant 0 : i32
    %dma_start3A_62 = tpu.memref_slice %arg2[%dma_start3A_60, %dma_start3A_61] : memref<10000x72xi32, #tpu.memory_space<hbm>> -> memref<10000x72xi32, #tpu.memory_space<hbm>>
    tpu.enqueue_indirect_dma source(%dma_start3A_62 : memref<10000x72xi32, #tpu.memory_space<hbm>>) target(%arg12 : memref<80x72xi32, #tpu.memory_space<vmem>>) offsets(%dma_start3A_59 : memref<80xi32, #tpu.memory_space<vmem>>) semaphore(%arg25 : memref<!tpu.dma_semaphore, #tpu.memory_space<semaphore_mem>>)
    %dma_start3A_63 = arith.constant 4 : i32
    %dma_start3A_64 = arith.constant 0 : i32
    %dma_start3A_65 = tpu.memref_slice %arg7[%dma_start3A_63, %dma_start3A_64] : memref<125x80xi32, #tpu.memory_space<vmem>> -> memref<1x80xi32, #tpu.memory_space<vmem>>
    %dma_start3A_66 = tpu.memref_squeeze %dma_start3A_65 : memref<1x80xi32, #tpu.memory_space<vmem>> -> memref<80xi32, #tpu.memory_space<vmem>>
    %dma_start3A_67 = arith.constant 0 : i32
    %dma_start3A_68 = arith.constant 0 : i32
    %dma_start3A_69 = tpu.memref_slice %arg2[%dma_start3A_67, %dma_start3A_68] : memref<10000x72xi32, #tpu.memory_space<hbm>> -> memref<10000x72xi32, #tpu.memory_space<hbm>>
    tpu.enqueue_indirect_dma source(%dma_start3A_69 : memref<10000x72xi32, #tpu.memory_space<hbm>>) target(%arg18 : memref<80x72xi32, #tpu.memory_space<vmem>>) offsets(%dma_start3A_66 : memref<80xi32, #tpu.memory_space<vmem>>) semaphore(%arg31 : memref<!tpu.dma_semaphore, #tpu.memory_space<semaphore_mem>>)
    %dma_start3A_70 = arith.constant 5 : i32
    %dma_start3A_71 = arith.constant 0 : i32
    %dma_start3A_72 = tpu.memref_slice %arg6[%dma_start3A_70, %dma_start3A_71] : memref<125x80xi32, #tpu.memory_space<vmem>> -> memref<1x80xi32, #tpu.memory_space<vmem>>
    %dma_start3A_73 = tpu.memref_squeeze %dma_start3A_72 : memref<1x80xi32, #tpu.memory_space<vmem>> -> memref<80xi32, #tpu.memory_space<vmem>>
    %dma_start3A_74 = arith.constant 0 : i32
    %dma_start3A_75 = arith.constant 0 : i32
    %dma_start3A_76 = tpu.memref_slice %arg2[%dma_start3A_74, %dma_start3A_75] : memref<10000x72xi32, #tpu.memory_space<hbm>> -> memref<10000x72xi32, #tpu.memory_space<hbm>>
    tpu.enqueue_indirect_dma source(%dma_start3A_76 : memref<10000x72xi32, #tpu.memory_space<hbm>>) target(%arg13 : memref<80x72xi32, #tpu.memory_space<vmem>>) offsets(%dma_start3A_73 : memref<80xi32, #tpu.memory_space<vmem>>) semaphore(%arg26 : memref<!tpu.dma_semaphore, #tpu.memory_space<semaphore_mem>>)
    %dma_start3A_77 = arith.constant 5 : i32
    %dma_start3A_78 = arith.constant 0 : i32
    %dma_start3A_79 = tpu.memref_slice %arg7[%dma_start3A_77, %dma_start3A_78] : memref<125x80xi32, #tpu.memory_space<vmem>> -> memref<1x80xi32, #tpu.memory_space<vmem>>
    %dma_start3A_80 = tpu.memref_squeeze %dma_start3A_79 : memref<1x80xi32, #tpu.memory_space<vmem>> -> memref<80xi32, #tpu.memory_space<vmem>>
    %dma_start3A_81 = arith.constant 0 : i32
    %dma_start3A_82 = arith.constant 0 : i32
    %dma_start3A_83 = tpu.memref_slice %arg2[%dma_start3A_81, %dma_start3A_82] : memref<10000x72xi32, #tpu.memory_space<hbm>> -> memref<10000x72xi32, #tpu.memory_space<hbm>>
    tpu.enqueue_indirect_dma source(%dma_start3A_83 : memref<10000x72xi32, #tpu.memory_space<hbm>>) target(%arg19 : memref<80x72xi32, #tpu.memory_space<vmem>>) offsets(%dma_start3A_80 : memref<80xi32, #tpu.memory_space<vmem>>) semaphore(%arg32 : memref<!tpu.dma_semaphore, #tpu.memory_space<semaphore_mem>>)
    %scan3A = arith.constant 0 : i32
    %scan3A_84 = arith.constant 0 : i32
    %scan3A_85 = arith.constant 20 : i32
    %scan3A_86 = arith.addi %scan3A_84, %scan3A_85 : i32
    %scan3A_87 = arith.constant 1 : i32
    scf.for %scan3A_190 = %scan3A_84 to %scan3A_86 step %scan3A_87  : i32 {
      %mul3A_191 = arith.constant 6 : i32
      %mul3A_192 = arith.muli %mul3A_191, %scan3A_190 : i32
      %add3A_193 = arith.constant 0 : i32
      %add3A_194 = arith.addi %mul3A_192, %add3A_193 : i32
      %dma_wait3A_195 = arith.constant 0 : i32
      %dma_wait3A_196 = tpu.memref_slice %arg6[%add3A_194, %dma_wait3A_195] : memref<125x80xi32, #tpu.memory_space<vmem>> -> memref<1x80xi32, #tpu.memory_space<vmem>>
      %dma_wait3A_197 = tpu.memref_squeeze %dma_wait3A_196 : memref<1x80xi32, #tpu.memory_space<vmem>> -> memref<80xi32, #tpu.memory_space<vmem>>
      %dma_wait3A_198 = arith.constant 0 : i32
      %dma_wait3A_199 = arith.constant 0 : i32
      %dma_wait3A_200 = tpu.memref_slice %arg2[%dma_wait3A_198, %dma_wait3A_199] : memref<10000x72xi32, #tpu.memory_space<hbm>> -> memref<10000x72xi32, #tpu.memory_space<hbm>>
      tpu.wait_indirect_dma semaphore(%arg21 : memref<!tpu.dma_semaphore, #tpu.memory_space<semaphore_mem>>) src(%dma_wait3A_200 : memref<10000x72xi32, #tpu.memory_space<hbm>>) dst(%arg8 : memref<80x72xi32, #tpu.memory_space<vmem>>)
      %dma_wait3A_201 = arith.constant 0 : i32
      %dma_wait3A_202 = tpu.memref_slice %arg7[%add3A_194, %dma_wait3A_201] : memref<125x80xi32, #tpu.memory_space<vmem>> -> memref<1x80xi32, #tpu.memory_space<vmem>>
      %dma_wait3A_203 = tpu.memref_squeeze %dma_wait3A_202 : memref<1x80xi32, #tpu.memory_space<vmem>> -> memref<80xi32, #tpu.memory_space<vmem>>
      %dma_wait3A_204 = arith.constant 0 : i32
      %dma_wait3A_205 = arith.constant 0 : i32
      %dma_wait3A_206 = tpu.memref_slice %arg2[%dma_wait3A_204, %dma_wait3A_205] : memref<10000x72xi32, #tpu.memory_space<hbm>> -> memref<10000x72xi32, #tpu.memory_space<hbm>>
      tpu.wait_indirect_dma semaphore(%arg27 : memref<!tpu.dma_semaphore, #tpu.memory_space<semaphore_mem>>) src(%dma_wait3A_206 : memref<10000x72xi32, #tpu.memory_space<hbm>>) dst(%arg14 : memref<80x72xi32, #tpu.memory_space<vmem>>)
      %scan3A_207 = arith.constant 0 : i32
      %scan3A_208 = arith.constant 0 : i32
      %scan3A_209 = arith.constant 5 : i32
      %scan3A_210 = arith.addi %scan3A_208, %scan3A_209 : i32
      %scan3A_211 = arith.constant 1 : i32
      scf.for %scan3A_362 = %scan3A_208 to %scan3A_210 step %scan3A_211  : i32 {
        %mul3A_363 = arith.constant 16 : i32
        %mul3A_364 = arith.muli %scan3A_362, %mul3A_363 : i32
        %add3A_365 = vector.broadcast %mul3A_364 : i32 to vector<16xi32>
        %add3A_366 = arith.addi %add3A_365, %iota3A : vector<16xi32>
        %broadcast_in_dim3A = arith.constant 0.000000e+00 : f32
        %broadcast_in_dim3A_367 = vector.broadcast %broadcast_in_dim3A : f32 to vector<16xf32>
        %scan3A_368 = arith.constant 0 : i32
        %scan3A_369 = arith.constant 8 : i32
        %scan3A_370 = arith.addi %scan3A_368, %scan3A_369 : i32
        %scan3A_371 = arith.constant 1 : i32
        %scan3A_372:4 = scf.for %scan3A_384 = %scan3A_368 to %scan3A_370 step %scan3A_371 iter_args(%scan3A_385 = %broadcast_in_dim3A_367, %scan3A_386 = %broadcast_in_dim3A_367, %scan3A_387 = %broadcast_in_dim3A_367, %scan3A_388 = %broadcast_in_dim3A_367) -> (vector<16xf32>, vector<16xf32>, vector<16xf32>, vector<16xf32>)  : i32 {
          %mul3A_389 = arith.constant 8 : i32
          %mul3A_390 = arith.muli %scan3A_384, %mul3A_389 : i32
          %add3A_391 = arith.constant 0 : i32
          %add3A_392 = arith.addi %mul3A_390, %add3A_391 : i32
          %broadcast_in_dim3A_393 = vector.broadcast %add3A_392 : i32 to vector<16xi32>
          %gather3A = tpu.vector_load_idx %arg8[%add3A_366, %broadcast_in_dim3A_393] : memref<80x72xi32, #tpu.memory_space<vmem>>[vector<16xi32>, vector<16xi32>], vector<16xi32>,
          %gather3A_394 = tpu.vector_load_idx %arg14[%add3A_366, %broadcast_in_dim3A_393] : memref<80x72xi32, #tpu.memory_space<vmem>>[vector<16xi32>, vector<16xi32>], vector<16xi32>,
          %bitcast3A = vector.bitcast %gather3A : vector<16xi32> to vector<32xbf16>
          %unpack3A = tpu.unpack_subelements %bitcast3A, 0 {pack_format = #tpu.pack_format<interleaved>} : vector<32xbf16> -> vector<16xf32>
          %unpack3A_395 = tpu.unpack_subelements %bitcast3A, 1 {pack_format = #tpu.pack_format<interleaved>} : vector<32xbf16> -> vector<16xf32>
          %bitcast3A_396 = vector.bitcast %gather3A_394 : vector<16xi32> to vector<32xbf16>
          %unpack3A_397 = tpu.unpack_subelements %bitcast3A_396, 0 {pack_format = #tpu.pack_format<interleaved>} : vector<32xbf16> -> vector<16xf32>
          %unpack3A_398 = tpu.unpack_subelements %bitcast3A_396, 1 {pack_format = #tpu.pack_format<interleaved>} : vector<32xbf16> -> vector<16xf32>
          %mul3A_399 = arith.mulf %unpack3A, %unpack3A_397 : vector<16xf32>
          %add3A_400 = arith.addf %scan3A_385, %mul3A_399 : vector<16xf32>
          %mul3A_401 = arith.mulf %unpack3A_395, %unpack3A_398 : vector<16xf32>
          %add3A_402 = arith.addf %scan3A_386, %mul3A_401 : vector<16xf32>
          %mul3A_403 = arith.constant 8 : i32
          %mul3A_404 = arith.muli %scan3A_384, %mul3A_403 : i32
          %add3A_405 = arith.constant 1 : i32
          %add3A_406 = arith.addi %mul3A_404, %add3A_405 : i32
          %broadcast_in_dim3A_407 = vector.broadcast %add3A_406 : i32 to vector<16xi32>
          %gather3A_408 = tpu.vector_load_idx %arg8[%add3A_366, %broadcast_in_dim3A_407] : memref<80x72xi32, #tpu.memory_space<vmem>>[vector<16xi32>, vector<16xi32>], vector<16xi32>,
          %gather3A_409 = tpu.vector_load_idx %arg14[%add3A_366, %broadcast_in_dim3A_407] : memref<80x72xi32, #tpu.memory_space<vmem>>[vector<16xi32>, vector<16xi32>], vector<16xi32>,
          %bitcast3A_410 = vector.bitcast %gather3A_408 : vector<16xi32> to vector<32xbf16>
          %unpack3A_411 = tpu.unpack_subelements %bitcast3A_410, 0 {pack_format = #tpu.pack_format<interleaved>} : vector<32xbf16> -> vector<16xf32>
          %unpack3A_412 = tpu.unpack_subelements %bitcast3A_410, 1 {pack_format = #tpu.pack_format<interleaved>} : vector<32xbf16> -> vector<16xf32>
          %bitcast3A_413 = vector.bitcast %gather3A_409 : vector<16xi32> to vector<32xbf16>
          %unpack3A_414 = tpu.unpack_subelements %bitcast3A_413, 0 {pack_format = #tpu.pack_format<interleaved>} : vector<32xbf16> -> vector<16xf32>
          %unpack3A_415 = tpu.unpack_subelements %bitcast3A_413, 1 {pack_format = #tpu.pack_format<interleaved>} : vector<32xbf16> -> vector<16xf32>
          %mul3A_416 = arith.mulf %unpack3A_411, %unpack3A_414 : vector<16xf32>
          %add3A_417 = arith.addf %scan3A_387, %mul3A_416 : vector<16xf32>
          %mul3A_418 = arith.mulf %unpack3A_412, %unpack3A_415 : vector<16xf32>
          %add3A_419 = arith.addf %scan3A_388, %mul3A_418 : vector<16xf32>
          %mul3A_420 = arith.constant 8 : i32
          %mul3A_421 = arith.muli %scan3A_384, %mul3A_420 : i32
          %add3A_422 = arith.constant 2 : i32
          %add3A_423 = arith.addi %mul3A_421, %add3A_422 : i32
          %broadcast_in_dim3A_424 = vector.broadcast %add3A_423 : i32 to vector<16xi32>
          %gather3A_425 = tpu.vector_load_idx %arg8[%add3A_366, %broadcast_in_dim3A_424] : memref<80x72xi32, #tpu.memory_space<vmem>>[vector<16xi32>, vector<16xi32>], vector<16xi32>,
          %gather3A_426 = tpu.vector_load_idx %arg14[%add3A_366, %broadcast_in_dim3A_424] : memref<80x72xi32, #tpu.memory_space<vmem>>[vector<16xi32>, vector<16xi32>], vector<16xi32>,
          %bitcast3A_427 = vector.bitcast %gather3A_425 : vector<16xi32> to vector<32xbf16>
          %unpack3A_428 = tpu.unpack_subelements %bitcast3A_427, 0 {pack_format = #tpu.pack_format<interleaved>} : vector<32xbf16> -> vector<16xf32>
          %unpack3A_429 = tpu.unpack_subelements %bitcast3A_427, 1 {pack_format = #tpu.pack_format<interleaved>} : vector<32xbf16> -> vector<16xf32>
          %bitcast3A_430 = vector.bitcast %gather3A_426 : vector<16xi32> to vector<32xbf16>
          %unpack3A_431 = tpu.unpack_subelements %bitcast3A_430, 0 {pack_format = #tpu.pack_format<interleaved>} : vector<32xbf16> -> vector<16xf32>
          %unpack3A_432 = tpu.unpack_subelements %bitcast3A_430, 1 {pack_format = #tpu.pack_format<interleaved>} : vector<32xbf16> -> vector<16xf32>
          %mul3A_433 = arith.mulf %unpack3A_428, %unpack3A_431 : vector<16xf32>
          %add3A_434 = arith.addf %add3A_400, %mul3A_433 : vector<16xf32>
          %mul3A_435 = arith.mulf %unpack3A_429, %unpack3A_432 : vector<16xf32>
          %add3A_436 = arith.addf %add3A_402, %mul3A_435 : vector<16xf32>
          %mul3A_437 = arith.constant 8 : i32
          %mul3A_438 = arith.muli %scan3A_384, %mul3A_437 : i32
          %add3A_439 = arith.constant 3 : i32
          %add3A_440 = arith.addi %mul3A_438, %add3A_439 : i32
          %broadcast_in_dim3A_441 = vector.broadcast %add3A_440 : i32 to vector<16xi32>
          %gather3A_442 = tpu.vector_load_idx %arg8[%add3A_366, %broadcast_in_dim3A_441] : memref<80x72xi32, #tpu.memory_space<vmem>>[vector<16xi32>, vector<16xi32>], vector<16xi32>,
          %gather3A_443 = tpu.vector_load_idx %arg14[%add3A_366, %broadcast_in_dim3A_441] : memref<80x72xi32, #tpu.memory_space<vmem>>[vector<16xi32>, vector<16xi32>], vector<16xi32>,
          %bitcast3A_444 = vector.bitcast %gather3A_442 : vector<16xi32> to vector<32xbf16>
          %unpack3A_445 = tpu.unpack_subelements %bitcast3A_444, 0 {pack_format = #tpu.pack_format<interleaved>} : vector<32xbf16> -> vector<16xf32>
          %unpack3A_446 = tpu.unpack_subelements %bitcast3A_444, 1 {pack_format = #tpu.pack_format<interleaved>} : vector<32xbf16> -> vector<16xf32>
          %bitcast3A_447 = vector.bitcast %gather3A_443 : vector<16xi32> to vector<32xbf16>
          %unpack3A_448 = tpu.unpack_subelements %bitcast3A_447, 0 {pack_format = #tpu.pack_format<interleaved>} : vector<32xbf16> -> vector<16xf32>
          %unpack3A_449 = tpu.unpack_subelements %bitcast3A_447, 1 {pack_format = #tpu.pack_format<interleaved>} : vector<32xbf16> -> vector<16xf32>
          %mul3A_450 = arith.mulf %unpack3A_445, %unpack3A_448 : vector<16xf32>
          %add3A_451 = arith.addf %add3A_417, %mul3A_450 : vector<16xf32>
          %mul3A_452 = arith.mulf %unpack3A_446, %unpack3A_449 : vector<16xf32>
          %add3A_453 = arith.addf %add3A_419, %mul3A_452 : vector<16xf32>
          %mul3A_454 = arith.constant 8 : i32
          %mul3A_455 = arith.muli %scan3A_384, %mul3A_454 : i32
          %add3A_456 = arith.constant 4 : i32
          %add3A_457 = arith.addi %mul3A_455, %add3A_456 : i32
          %broadcast_in_dim3A_458 = vector.broadcast %add3A_457 : i32 to vector<16xi32>
          %gather3A_459 = tpu.vector_load_idx %arg8[%add3A_366, %broadcast_in_dim3A_458] : memref<80x72xi32, #tpu.memory_space<vmem>>[vector<16xi32>, vector<16xi32>], vector<16xi32>,
          %gather3A_460 = tpu.vector_load_idx %arg14[%add3A_366, %broadcast_in_dim3A_458] : memref<80x72xi32, #tpu.memory_space<vmem>>[vector<16xi32>, vector<16xi32>], vector<16xi32>,
          %bitcast3A_461 = vector.bitcast %gather3A_459 : vector<16xi32> to vector<32xbf16>
          %unpack3A_462 = tpu.unpack_subelements %bitcast3A_461, 0 {pack_format = #tpu.pack_format<interleaved>} : vector<32xbf16> -> vector<16xf32>
          %unpack3A_463 = tpu.unpack_subelements %bitcast3A_461, 1 {pack_format = #tpu.pack_format<interleaved>} : vector<32xbf16> -> vector<16xf32>
          %bitcast3A_464 = vector.bitcast %gather3A_460 : vector<16xi32> to vector<32xbf16>
          %unpack3A_465 = tpu.unpack_subelements %bitcast3A_464, 0 {pack_format = #tpu.pack_format<interleaved>} : vector<32xbf16> -> vector<16xf32>
          %unpack3A_466 = tpu.unpack_subelements %bitcast3A_464, 1 {pack_format = #tpu.pack_format<interleaved>} : vector<32xbf16> -> vector<16xf32>
          %mul3A_467 = arith.mulf %unpack3A_462, %unpack3A_465 : vector<16xf32>
          %add3A_468 = arith.addf %add3A_434, %mul3A_467 : vector<16xf32>
          %mul3A_469 = arith.mulf %unpack3A_463, %unpack3A_466 : vector<16xf32>
          %add3A_470 = arith.addf %add3A_436, %mul3A_469 : vector<16xf32>
          %mul3A_471 = arith.constant 8 : i32
          %mul3A_472 = arith.muli %scan3A_384, %mul3A_471 : i32
          %add3A_473 = arith.constant 5 : i32
          %add3A_474 = arith.addi %mul3A_472, %add3A_473 : i32
          %broadcast_in_dim3A_475 = vector.broadcast %add3A_474 : i32 to vector<16xi32>
          %gather3A_476 = tpu.vector_load_idx %arg8[%add3A_366, %broadcast_in_dim3A_475] : memref<80x72xi32, #tpu.memory_space<vmem>>[vector<16xi32>, vector<16xi32>], vector<16xi32>,
          %gather3A_477 = tpu.vector_load_idx %arg14[%add3A_366, %broadcast_in_dim3A_475] : memref<80x72xi32, #tpu.memory_space<vmem>>[vector<16xi32>, vector<16xi32>], vector<16xi32>,
          %bitcast3A_478 = vector.bitcast %gather3A_476 : vector<16xi32> to vector<32xbf16>
          %unpack3A_479 = tpu.unpack_subelements %bitcast3A_478, 0 {pack_format = #tpu.pack_format<interleaved>} : vector<32xbf16> -> vector<16xf32>
          %unpack3A_480 = tpu.unpack_subelements %bitcast3A_478, 1 {pack_format = #tpu.pack_format<interleaved>} : vector<32xbf16> -> vector<16xf32>
          %bitcast3A_481 = vector.bitcast %gather3A_477 : vector<16xi32> to vector<32xbf16>
          %unpack3A_482 = tpu.unpack_subelements %bitcast3A_481, 0 {pack_format = #tpu.pack_format<interleaved>} : vector<32xbf16> -> vector<16xf32>
          %unpack3A_483 = tpu.unpack_subelements %bitcast3A_481, 1 {pack_format = #tpu.pack_format<interleaved>} : vector<32xbf16> -> vector<16xf32>
          %mul3A_484 = arith.mulf %unpack3A_479, %unpack3A_482 : vector<16xf32>
          %add3A_485 = arith.addf %add3A_451, %mul3A_484 : vector<16xf32>
          %mul3A_486 = arith.mulf %unpack3A_480, %unpack3A_483 : vector<16xf32>
          %add3A_487 = arith.addf %add3A_453, %mul3A_486 : vector<16xf32>
          %mul3A_488 = arith.constant 8 : i32
          %mul3A_489 = arith.muli %scan3A_384, %mul3A_488 : i32
          %add3A_490 = arith.constant 6 : i32
          %add3A_491 = arith.addi %mul3A_489, %add3A_490 : i32
          %broadcast_in_dim3A_492 = vector.broadcast %add3A_491 : i32 to vector<16xi32>
          %gather3A_493 = tpu.vector_load_idx %arg8[%add3A_366, %broadcast_in_dim3A_492] : memref<80x72xi32, #tpu.memory_space<vmem>>[vector<16xi32>, vector<16xi32>], vector<16xi32>,
          %gather3A_494 = tpu.vector_load_idx %arg14[%add3A_366, %broadcast_in_dim3A_492] : memref<80x72xi32, #tpu.memory_space<vmem>>[vector<16xi32>, vector<16xi32>], vector<16xi32>,
          %bitcast3A_495 = vector.bitcast %gather3A_493 : vector<16xi32> to vector<32xbf16>
          %unpack3A_496 = tpu.unpack_subelements %bitcast3A_495, 0 {pack_format = #tpu.pack_format<interleaved>} : vector<32xbf16> -> vector<16xf32>
          %unpack3A_497 = tpu.unpack_subelements %bitcast3A_495, 1 {pack_format = #tpu.pack_format<interleaved>} : vector<32xbf16> -> vector<16xf32>
          %bitcast3A_498 = vector.bitcast %gather3A_494 : vector<16xi32> to vector<32xbf16>
          %unpack3A_499 = tpu.unpack_subelements %bitcast3A_498, 0 {pack_format = #tpu.pack_format<interleaved>} : vector<32xbf16> -> vector<16xf32>
          %unpack3A_500 = tpu.unpack_subelements %bitcast3A_498, 1 {pack_format = #tpu.pack_format<interleaved>} : vector<32xbf16> -> vector<16xf32>
          %mul3A_501 = arith.mulf %unpack3A_496, %unpack3A_499 : vector<16xf32>
          %add3A_502 = arith.addf %add3A_468, %mul3A_501 : vector<16xf32>
          %mul3A_503 = arith.mulf %unpack3A_497, %unpack3A_500 : vector<16xf32>
          %add3A_504 = arith.addf %add3A_470, %mul3A_503 : vector<16xf32>
          %mul3A_505 = arith.constant 8 : i32
          %mul3A_506 = arith.muli %scan3A_384, %mul3A_505 : i32
          %add3A_507 = arith.constant 7 : i32
          %add3A_508 = arith.addi %mul3A_506, %add3A_507 : i32
          %broadcast_in_dim3A_509 = vector.broadcast %add3A_508 : i32 to vector<16xi32>
          %gather3A_510 = tpu.vector_load_idx %arg8[%add3A_366, %broadcast_in_dim3A_509] : memref<80x72xi32, #tpu.memory_space<vmem>>[vector<16xi32>, vector<16xi32>], vector<16xi32>,
          %gather3A_511 = tpu.vector_load_idx %arg14[%add3A_366, %broadcast_in_dim3A_509] : memref<80x72xi32, #tpu.memory_space<vmem>>[vector<16xi32>, vector<16xi32>], vector<16xi32>,
          %bitcast3A_512 = vector.bitcast %gather3A_510 : vector<16xi32> to vector<32xbf16>
          %unpack3A_513 = tpu.unpack_subelements %bitcast3A_512, 0 {pack_format = #tpu.pack_format<interleaved>} : vector<32xbf16> -> vector<16xf32>
          %unpack3A_514 = tpu.unpack_subelements %bitcast3A_512, 1 {pack_format = #tpu.pack_format<interleaved>} : vector<32xbf16> -> vector<16xf32>
          %bitcast3A_515 = vector.bitcast %gather3A_511 : vector<16xi32> to vector<32xbf16>
          %unpack3A_516 = tpu.unpack_subelements %bitcast3A_515, 0 {pack_format = #tpu.pack_format<interleaved>} : vector<32xbf16> -> vector<16xf32>
          %unpack3A_517 = tpu.unpack_subelements %bitcast3A_515, 1 {pack_format = #tpu.pack_format<interleaved>} : vector<32xbf16> -> vector<16xf32>
          %mul3A_518 = arith.mulf %unpack3A_513, %unpack3A_516 : vector<16xf32>
          %add3A_519 = arith.addf %add3A_485, %mul3A_518 : vector<16xf32>
          %mul3A_520 = arith.mulf %unpack3A_514, %unpack3A_517 : vector<16xf32>
          %add3A_521 = arith.addf %add3A_487, %mul3A_520 : vector<16xf32>
          scf.yield %add3A_502, %add3A_504, %add3A_519, %add3A_521 : vector<16xf32>, vector<16xf32>, vector<16xf32>, vector<16xf32>
        }
        %scan3A_373 = arith.constant 8 : i32
        %add3A_374 = arith.addf %scan3A_372#0, %scan3A_372#1 : vector<16xf32>
        %add3A_375 = arith.addf %scan3A_372#2, %scan3A_372#3 : vector<16xf32>
        %add3A_376 = arith.addf %add3A_374, %add3A_375 : vector<16xf32>
        %mul3A_377 = arith.constant 80 : i32
        %mul3A_378 = arith.muli %add3A_194, %mul3A_377 : i32
        %mul3A_379 = arith.constant 16 : i32
        %mul3A_380 = arith.muli %scan3A_362, %mul3A_379 : i32
        %add3A_381 = arith.addi %mul3A_378, %mul3A_380 : i32
        %add3A_382 = vector.broadcast %add3A_381 : i32 to vector<16xi32>
        %add3A_383 = arith.addi %add3A_382, %iota3A : vector<16xi32>
        tpu.vector_store_idx %arg20[%add3A_383], %add3A_376 : memref<10000xf32, #tpu.memory_space<vmem>>[vector<16xi32>], vector<16xf32>,
      }
      %scan3A_212 = arith.constant 5 : i32
      %add3A_213 = arith.constant 6 : i32
      %add3A_214 = arith.addi %add3A_194, %add3A_213 : i32
      %lt3A = arith.constant 125 : i32
      %lt3A_215 = arith.cmpi slt, %add3A_214, %lt3A : i32
      %convert_element_type3A = arith.extui %lt3A_215 : i1 to i32
      %cond3A = arith.constant 0 : i32
      %cond3A_216 = arith.cmpi ne, %convert_element_type3A, %cond3A : i32
      scf.if %cond3A_216 {
        %dma_start3A_362 = arith.constant 0 : i32
        %dma_start3A_363 = tpu.memref_slice %arg6[%add3A_214, %dma_start3A_362] : memref<125x80xi32, #tpu.memory_space<vmem>> -> memref<1x80xi32, #tpu.memory_space<vmem>>
        %dma_start3A_364 = tpu.memref_squeeze %dma_start3A_363 : memref<1x80xi32, #tpu.memory_space<vmem>> -> memref<80xi32, #tpu.memory_space<vmem>>
        %dma_start3A_365 = arith.constant 0 : i32
        %dma_start3A_366 = arith.constant 0 : i32
        %dma_start3A_367 = tpu.memref_slice %arg2[%dma_start3A_365, %dma_start3A_366] : memref<10000x72xi32, #tpu.memory_space<hbm>> -> memref<10000x72xi32, #tpu.memory_space<hbm>>
        tpu.enqueue_indirect_dma source(%dma_start3A_367 : memref<10000x72xi32, #tpu.memory_space<hbm>>) target(%arg8 : memref<80x72xi32, #tpu.memory_space<vmem>>) offsets(%dma_start3A_364 : memref<80xi32, #tpu.memory_space<vmem>>) semaphore(%arg21 : memref<!tpu.dma_semaphore, #tpu.memory_space<semaphore_mem>>)
        %dma_start3A_368 = arith.constant 0 : i32
        %dma_start3A_369 = tpu.memref_slice %arg7[%add3A_214, %dma_start3A_368] : memref<125x80xi32, #tpu.memory_space<vmem>> -> memref<1x80xi32, #tpu.memory_space<vmem>>
        %dma_start3A_370 = tpu.memref_squeeze %dma_start3A_369 : memref<1x80xi32, #tpu.memory_space<vmem>> -> memref<80xi32, #tpu.memory_space<vmem>>
        %dma_start3A_371 = arith.constant 0 : i32
        %dma_start3A_372 = arith.constant 0 : i32
        %dma_start3A_373 = tpu.memref_slice %arg2[%dma_start3A_371, %dma_start3A_372] : memref<10000x72xi32, #tpu.memory_space<hbm>> -> memref<10000x72xi32, #tpu.memory_space<hbm>>
        tpu.enqueue_indirect_dma source(%dma_start3A_373 : memref<10000x72xi32, #tpu.memory_space<hbm>>) target(%arg14 : memref<80x72xi32, #tpu.memory_space<vmem>>) offsets(%dma_start3A_370 : memref<80xi32, #tpu.memory_space<vmem>>) semaphore(%arg27 : memref<!tpu.dma_semaphore, #tpu.memory_space<semaphore_mem>>)
      } else {
      }
      %mul3A_217 = arith.constant 6 : i32
      %mul3A_218 = arith.muli %mul3A_217, %scan3A_190 : i32
      %add3A_219 = arith.constant 1 : i32
      %add3A_220 = arith.addi %mul3A_218, %add3A_219 : i32
      %dma_wait3A_221 = arith.constant 0 : i32
      %dma_wait3A_222 = tpu.memref_slice %arg6[%add3A_220, %dma_wait3A_221] : memref<125x80xi32, #tpu.memory_space<vmem>> -> memref<1x80xi32, #tpu.memory_space<vmem>>
      %dma_wait3A_223 = tpu.memref_squeeze %dma_wait3A_222 : memref<1x80xi32, #tpu.memory_space<vmem>> -> memref<80xi32, #tpu.memory_space<vmem>>
      %dma_wait3A_224 = arith.constant 0 : i32
      %dma_wait3A_225 = arith.constant 0 : i32
      %dma_wait3A_226 = tpu.memref_slice %arg2[%dma_wait3A_224, %dma_wait3A_225] : memref<10000x72xi32, #tpu.memory_space<hbm>> -> memref<10000x72xi32, #tpu.memory_space<hbm>>
      tpu.wait_indirect_dma semaphore(%arg22 : memref<!tpu.dma_semaphore, #tpu.memory_space<semaphore_mem>>) src(%dma_wait3A_226 : memref<10000x72xi32, #tpu.memory_space<hbm>>) dst(%arg9 : memref<80x72xi32, #tpu.memory_space<vmem>>)
      %dma_wait3A_227 = arith.constant 0 : i32
      %dma_wait3A_228 = tpu.memref_slice %arg7[%add3A_220, %dma_wait3A_227] : memref<125x80xi32, #tpu.memory_space<vmem>> -> memref<1x80xi32, #tpu.memory_space<vmem>>
      %dma_wait3A_229 = tpu.memref_squeeze %dma_wait3A_228 : memref<1x80xi32, #tpu.memory_space<vmem>> -> memref<80xi32, #tpu.memory_space<vmem>>
      %dma_wait3A_230 = arith.constant 0 : i32
      %dma_wait3A_231 = arith.constant 0 : i32
      %dma_wait3A_232 = tpu.memref_slice %arg2[%dma_wait3A_230, %dma_wait3A_231] : memref<10000x72xi32, #tpu.memory_space<hbm>> -> memref<10000x72xi32, #tpu.memory_space<hbm>>
      tpu.wait_indirect_dma semaphore(%arg28 : memref<!tpu.dma_semaphore, #tpu.memory_space<semaphore_mem>>) src(%dma_wait3A_232 : memref<10000x72xi32, #tpu.memory_space<hbm>>) dst(%arg15 : memref<80x72xi32, #tpu.memory_space<vmem>>)
      %scan3A_233 = arith.constant 0 : i32
      %scan3A_234 = arith.constant 0 : i32
      %scan3A_235 = arith.constant 5 : i32
      %scan3A_236 = arith.addi %scan3A_234, %scan3A_235 : i32
      %scan3A_237 = arith.constant 1 : i32
      scf.for %scan3A_362 = %scan3A_234 to %scan3A_236 step %scan3A_237  : i32 {
        %mul3A_363 = arith.constant 16 : i32
        %mul3A_364 = arith.muli %scan3A_362, %mul3A_363 : i32
        %add3A_365 = vector.broadcast %mul3A_364 : i32 to vector<16xi32>
        %add3A_366 = arith.addi %add3A_365, %iota3A : vector<16xi32>
        %broadcast_in_dim3A = arith.constant 0.000000e+00 : f32
        %broadcast_in_dim3A_367 = vector.broadcast %broadcast_in_dim3A : f32 to vector<16xf32>
        %scan3A_368 = arith.constant 0 : i32
        %scan3A_369 = arith.constant 8 : i32
        %scan3A_370 = arith.addi %scan3A_368, %scan3A_369 : i32
        %scan3A_371 = arith.constant 1 : i32
        %scan3A_372:4 = scf.for %scan3A_384 = %scan3A_368 to %scan3A_370 step %scan3A_371 iter_args(%scan3A_385 = %broadcast_in_dim3A_367, %scan3A_386 = %broadcast_in_dim3A_367, %scan3A_387 = %broadcast_in_dim3A_367, %scan3A_388 = %broadcast_in_dim3A_367) -> (vector<16xf32>, vector<16xf32>, vector<16xf32>, vector<16xf32>)  : i32 {
          %mul3A_389 = arith.constant 8 : i32
          %mul3A_390 = arith.muli %scan3A_384, %mul3A_389 : i32
          %add3A_391 = arith.constant 0 : i32
          %add3A_392 = arith.addi %mul3A_390, %add3A_391 : i32
          %broadcast_in_dim3A_393 = vector.broadcast %add3A_392 : i32 to vector<16xi32>
          %gather3A = tpu.vector_load_idx %arg9[%add3A_366, %broadcast_in_dim3A_393] : memref<80x72xi32, #tpu.memory_space<vmem>>[vector<16xi32>, vector<16xi32>], vector<16xi32>,
          %gather3A_394 = tpu.vector_load_idx %arg15[%add3A_366, %broadcast_in_dim3A_393] : memref<80x72xi32, #tpu.memory_space<vmem>>[vector<16xi32>, vector<16xi32>], vector<16xi32>,
          %bitcast3A = vector.bitcast %gather3A : vector<16xi32> to vector<32xbf16>
          %unpack3A = tpu.unpack_subelements %bitcast3A, 0 {pack_format = #tpu.pack_format<interleaved>} : vector<32xbf16> -> vector<16xf32>
          %unpack3A_395 = tpu.unpack_subelements %bitcast3A, 1 {pack_format = #tpu.pack_format<interleaved>} : vector<32xbf16> -> vector<16xf32>
          %bitcast3A_396 = vector.bitcast %gather3A_394 : vector<16xi32> to vector<32xbf16>
          %unpack3A_397 = tpu.unpack_subelements %bitcast3A_396, 0 {pack_format = #tpu.pack_format<interleaved>} : vector<32xbf16> -> vector<16xf32>
          %unpack3A_398 = tpu.unpack_subelements %bitcast3A_396, 1 {pack_format = #tpu.pack_format<interleaved>} : vector<32xbf16> -> vector<16xf32>
          %mul3A_399 = arith.mulf %unpack3A, %unpack3A_397 : vector<16xf32>
          %add3A_400 = arith.addf %scan3A_385, %mul3A_399 : vector<16xf32>
          %mul3A_401 = arith.mulf %unpack3A_395, %unpack3A_398 : vector<16xf32>
          %add3A_402 = arith.addf %scan3A_386, %mul3A_401 : vector<16xf32>
          %mul3A_403 = arith.constant 8 : i32
          %mul3A_404 = arith.muli %scan3A_384, %mul3A_403 : i32
          %add3A_405 = arith.constant 1 : i32
          %add3A_406 = arith.addi %mul3A_404, %add3A_405 : i32
          %broadcast_in_dim3A_407 = vector.broadcast %add3A_406 : i32 to vector<16xi32>
          %gather3A_408 = tpu.vector_load_idx %arg9[%add3A_366, %broadcast_in_dim3A_407] : memref<80x72xi32, #tpu.memory_space<vmem>>[vector<16xi32>, vector<16xi32>], vector<16xi32>,
          %gather3A_409 = tpu.vector_load_idx %arg15[%add3A_366, %broadcast_in_dim3A_407] : memref<80x72xi32, #tpu.memory_space<vmem>>[vector<16xi32>, vector<16xi32>], vector<16xi32>,
          %bitcast3A_410 = vector.bitcast %gather3A_408 : vector<16xi32> to vector<32xbf16>
          %unpack3A_411 = tpu.unpack_subelements %bitcast3A_410, 0 {pack_format = #tpu.pack_format<interleaved>} : vector<32xbf16> -> vector<16xf32>
          %unpack3A_412 = tpu.unpack_subelements %bitcast3A_410, 1 {pack_format = #tpu.pack_format<interleaved>} : vector<32xbf16> -> vector<16xf32>
          %bitcast3A_413 = vector.bitcast %gather3A_409 : vector<16xi32> to vector<32xbf16>
          %unpack3A_414 = tpu.unpack_subelements %bitcast3A_413, 0 {pack_format = #tpu.pack_format<interleaved>} : vector<32xbf16> -> vector<16xf32>
          %unpack3A_415 = tpu.unpack_subelements %bitcast3A_413, 1 {pack_format = #tpu.pack_format<interleaved>} : vector<32xbf16> -> vector<16xf32>
          %mul3A_416 = arith.mulf %unpack3A_411, %unpack3A_414 : vector<16xf32>
          %add3A_417 = arith.addf %scan3A_387, %mul3A_416 : vector<16xf32>
          %mul3A_418 = arith.mulf %unpack3A_412, %unpack3A_415 : vector<16xf32>
          %add3A_419 = arith.addf %scan3A_388, %mul3A_418 : vector<16xf32>
          %mul3A_420 = arith.constant 8 : i32
          %mul3A_421 = arith.muli %scan3A_384, %mul3A_420 : i32
          %add3A_422 = arith.constant 2 : i32
          %add3A_423 = arith.addi %mul3A_421, %add3A_422 : i32
          %broadcast_in_dim3A_424 = vector.broadcast %add3A_423 : i32 to vector<16xi32>
          %gather3A_425 = tpu.vector_load_idx %arg9[%add3A_366, %broadcast_in_dim3A_424] : memref<80x72xi32, #tpu.memory_space<vmem>>[vector<16xi32>, vector<16xi32>], vector<16xi32>,
          %gather3A_426 = tpu.vector_load_idx %arg15[%add3A_366, %broadcast_in_dim3A_424] : memref<80x72xi32, #tpu.memory_space<vmem>>[vector<16xi32>, vector<16xi32>], vector<16xi32>,
          %bitcast3A_427 = vector.bitcast %gather3A_425 : vector<16xi32> to vector<32xbf16>
          %unpack3A_428 = tpu.unpack_subelements %bitcast3A_427, 0 {pack_format = #tpu.pack_format<interleaved>} : vector<32xbf16> -> vector<16xf32>
          %unpack3A_429 = tpu.unpack_subelements %bitcast3A_427, 1 {pack_format = #tpu.pack_format<interleaved>} : vector<32xbf16> -> vector<16xf32>
          %bitcast3A_430 = vector.bitcast %gather3A_426 : vector<16xi32> to vector<32xbf16>
          %unpack3A_431 = tpu.unpack_subelements %bitcast3A_430, 0 {pack_format = #tpu.pack_format<interleaved>} : vector<32xbf16> -> vector<16xf32>
          %unpack3A_432 = tpu.unpack_subelements %bitcast3A_430, 1 {pack_format = #tpu.pack_format<interleaved>} : vector<32xbf16> -> vector<16xf32>
          %mul3A_433 = arith.mulf %unpack3A_428, %unpack3A_431 : vector<16xf32>
          %add3A_434 = arith.addf %add3A_400, %mul3A_433 : vector<16xf32>
          %mul3A_435 = arith.mulf %unpack3A_429, %unpack3A_432 : vector<16xf32>
          %add3A_436 = arith.addf %add3A_402, %mul3A_435 : vector<16xf32>
          %mul3A_437 = arith.constant 8 : i32
          %mul3A_438 = arith.muli %scan3A_384, %mul3A_437 : i32
          %add3A_439 = arith.constant 3 : i32
          %add3A_440 = arith.addi %mul3A_438, %add3A_439 : i32
          %broadcast_in_dim3A_441 = vector.broadcast %add3A_440 : i32 to vector<16xi32>
          %gather3A_442 = tpu.vector_load_idx %arg9[%add3A_366, %broadcast_in_dim3A_441] : memref<80x72xi32, #tpu.memory_space<vmem>>[vector<16xi32>, vector<16xi32>], vector<16xi32>,
          %gather3A_443 = tpu.vector_load_idx %arg15[%add3A_366, %broadcast_in_dim3A_441] : memref<80x72xi32, #tpu.memory_space<vmem>>[vector<16xi32>, vector<16xi32>], vector<16xi32>,
          %bitcast3A_444 = vector.bitcast %gather3A_442 : vector<16xi32> to vector<32xbf16>
          %unpack3A_445 = tpu.unpack_subelements %bitcast3A_444, 0 {pack_format = #tpu.pack_format<interleaved>} : vector<32xbf16> -> vector<16xf32>
          %unpack3A_446 = tpu.unpack_subelements %bitcast3A_444, 1 {pack_format = #tpu.pack_format<interleaved>} : vector<32xbf16> -> vector<16xf32>
          %bitcast3A_447 = vector.bitcast %gather3A_443 : vector<16xi32> to vector<32xbf16>
          %unpack3A_448 = tpu.unpack_subelements %bitcast3A_447, 0 {pack_format = #tpu.pack_format<interleaved>} : vector<32xbf16> -> vector<16xf32>
          %unpack3A_449 = tpu.unpack_subelements %bitcast3A_447, 1 {pack_format = #tpu.pack_format<interleaved>} : vector<32xbf16> -> vector<16xf32>
          %mul3A_450 = arith.mulf %unpack3A_445, %unpack3A_448 : vector<16xf32>
          %add3A_451 = arith.addf %add3A_417, %mul3A_450 : vector<16xf32>
          %mul3A_452 = arith.mulf %unpack3A_446, %unpack3A_449 : vector<16xf32>
          %add3A_453 = arith.addf %add3A_419, %mul3A_452 : vector<16xf32>
          %mul3A_454 = arith.constant 8 : i32
          %mul3A_455 = arith.muli %scan3A_384, %mul3A_454 : i32
          %add3A_456 = arith.constant 4 : i32
          %add3A_457 = arith.addi %mul3A_455, %add3A_456 : i32
          %broadcast_in_dim3A_458 = vector.broadcast %add3A_457 : i32 to vector<16xi32>
          %gather3A_459 = tpu.vector_load_idx %arg9[%add3A_366, %broadcast_in_dim3A_458] : memref<80x72xi32, #tpu.memory_space<vmem>>[vector<16xi32>, vector<16xi32>], vector<16xi32>,
          %gather3A_460 = tpu.vector_load_idx %arg15[%add3A_366, %broadcast_in_dim3A_458] : memref<80x72xi32, #tpu.memory_space<vmem>>[vector<16xi32>, vector<16xi32>], vector<16xi32>,
          %bitcast3A_461 = vector.bitcast %gather3A_459 : vector<16xi32> to vector<32xbf16>
          %unpack3A_462 = tpu.unpack_subelements %bitcast3A_461, 0 {pack_format = #tpu.pack_format<interleaved>} : vector<32xbf16> -> vector<16xf32>
          %unpack3A_463 = tpu.unpack_subelements %bitcast3A_461, 1 {pack_format = #tpu.pack_format<interleaved>} : vector<32xbf16> -> vector<16xf32>
          %bitcast3A_464 = vector.bitcast %gather3A_460 : vector<16xi32> to vector<32xbf16>
          %unpack3A_465 = tpu.unpack_subelements %bitcast3A_464, 0 {pack_format = #tpu.pack_format<interleaved>} : vector<32xbf16> -> vector<16xf32>
          %unpack3A_466 = tpu.unpack_subelements %bitcast3A_464, 1 {pack_format = #tpu.pack_format<interleaved>} : vector<32xbf16> -> vector<16xf32>
          %mul3A_467 = arith.mulf %unpack3A_462, %unpack3A_465 : vector<16xf32>
          %add3A_468 = arith.addf %add3A_434, %mul3A_467 : vector<16xf32>
          %mul3A_469 = arith.mulf %unpack3A_463, %unpack3A_466 : vector<16xf32>
          %add3A_470 = arith.addf %add3A_436, %mul3A_469 : vector<16xf32>
          %mul3A_471 = arith.constant 8 : i32
          %mul3A_472 = arith.muli %scan3A_384, %mul3A_471 : i32
          %add3A_473 = arith.constant 5 : i32
          %add3A_474 = arith.addi %mul3A_472, %add3A_473 : i32
          %broadcast_in_dim3A_475 = vector.broadcast %add3A_474 : i32 to vector<16xi32>
          %gather3A_476 = tpu.vector_load_idx %arg9[%add3A_366, %broadcast_in_dim3A_475] : memref<80x72xi32, #tpu.memory_space<vmem>>[vector<16xi32>, vector<16xi32>], vector<16xi32>,
          %gather3A_477 = tpu.vector_load_idx %arg15[%add3A_366, %broadcast_in_dim3A_475] : memref<80x72xi32, #tpu.memory_space<vmem>>[vector<16xi32>, vector<16xi32>], vector<16xi32>,
          %bitcast3A_478 = vector.bitcast %gather3A_476 : vector<16xi32> to vector<32xbf16>
          %unpack3A_479 = tpu.unpack_subelements %bitcast3A_478, 0 {pack_format = #tpu.pack_format<interleaved>} : vector<32xbf16> -> vector<16xf32>
          %unpack3A_480 = tpu.unpack_subelements %bitcast3A_478, 1 {pack_format = #tpu.pack_format<interleaved>} : vector<32xbf16> -> vector<16xf32>
          %bitcast3A_481 = vector.bitcast %gather3A_477 : vector<16xi32> to vector<32xbf16>
          %unpack3A_482 = tpu.unpack_subelements %bitcast3A_481, 0 {pack_format = #tpu.pack_format<interleaved>} : vector<32xbf16> -> vector<16xf32>
          %unpack3A_483 = tpu.unpack_subelements %bitcast3A_481, 1 {pack_format = #tpu.pack_format<interleaved>} : vector<32xbf16> -> vector<16xf32>
          %mul3A_484 = arith.mulf %unpack3A_479, %unpack3A_482 : vector<16xf32>
          %add3A_485 = arith.addf %add3A_451, %mul3A_484 : vector<16xf32>
          %mul3A_486 = arith.mulf %unpack3A_480, %unpack3A_483 : vector<16xf32>
          %add3A_487 = arith.addf %add3A_453, %mul3A_486 : vector<16xf32>
          %mul3A_488 = arith.constant 8 : i32
          %mul3A_489 = arith.muli %scan3A_384, %mul3A_488 : i32
          %add3A_490 = arith.constant 6 : i32
          %add3A_491 = arith.addi %mul3A_489, %add3A_490 : i32
          %broadcast_in_dim3A_492 = vector.broadcast %add3A_491 : i32 to vector<16xi32>
          %gather3A_493 = tpu.vector_load_idx %arg9[%add3A_366, %broadcast_in_dim3A_492] : memref<80x72xi32, #tpu.memory_space<vmem>>[vector<16xi32>, vector<16xi32>], vector<16xi32>,
          %gather3A_494 = tpu.vector_load_idx %arg15[%add3A_366, %broadcast_in_dim3A_492] : memref<80x72xi32, #tpu.memory_space<vmem>>[vector<16xi32>, vector<16xi32>], vector<16xi32>,
          %bitcast3A_495 = vector.bitcast %gather3A_493 : vector<16xi32> to vector<32xbf16>
          %unpack3A_496 = tpu.unpack_subelements %bitcast3A_495, 0 {pack_format = #tpu.pack_format<interleaved>} : vector<32xbf16> -> vector<16xf32>
          %unpack3A_497 = tpu.unpack_subelements %bitcast3A_495, 1 {pack_format = #tpu.pack_format<interleaved>} : vector<32xbf16> -> vector<16xf32>
          %bitcast3A_498 = vector.bitcast %gather3A_494 : vector<16xi32> to vector<32xbf16>
          %unpack3A_499 = tpu.unpack_subelements %bitcast3A_498, 0 {pack_format = #tpu.pack_format<interleaved>} : vector<32xbf16> -> vector<16xf32>
          %unpack3A_500 = tpu.unpack_subelements %bitcast3A_498, 1 {pack_format = #tpu.pack_format<interleaved>} : vector<32xbf16> -> vector<16xf32>
          %mul3A_501 = arith.mulf %unpack3A_496, %unpack3A_499 : vector<16xf32>
          %add3A_502 = arith.addf %add3A_468, %mul3A_501 : vector<16xf32>
          %mul3A_503 = arith.mulf %unpack3A_497, %unpack3A_500 : vector<16xf32>
          %add3A_504 = arith.addf %add3A_470, %mul3A_503 : vector<16xf32>
          %mul3A_505 = arith.constant 8 : i32
          %mul3A_506 = arith.muli %scan3A_384, %mul3A_505 : i32
          %add3A_507 = arith.constant 7 : i32
          %add3A_508 = arith.addi %mul3A_506, %add3A_507 : i32
          %broadcast_in_dim3A_509 = vector.broadcast %add3A_508 : i32 to vector<16xi32>
          %gather3A_510 = tpu.vector_load_idx %arg9[%add3A_366, %broadcast_in_dim3A_509] : memref<80x72xi32, #tpu.memory_space<vmem>>[vector<16xi32>, vector<16xi32>], vector<16xi32>,
          %gather3A_511 = tpu.vector_load_idx %arg15[%add3A_366, %broadcast_in_dim3A_509] : memref<80x72xi32, #tpu.memory_space<vmem>>[vector<16xi32>, vector<16xi32>], vector<16xi32>,
          %bitcast3A_512 = vector.bitcast %gather3A_510 : vector<16xi32> to vector<32xbf16>
          %unpack3A_513 = tpu.unpack_subelements %bitcast3A_512, 0 {pack_format = #tpu.pack_format<interleaved>} : vector<32xbf16> -> vector<16xf32>
          %unpack3A_514 = tpu.unpack_subelements %bitcast3A_512, 1 {pack_format = #tpu.pack_format<interleaved>} : vector<32xbf16> -> vector<16xf32>
          %bitcast3A_515 = vector.bitcast %gather3A_511 : vector<16xi32> to vector<32xbf16>
          %unpack3A_516 = tpu.unpack_subelements %bitcast3A_515, 0 {pack_format = #tpu.pack_format<interleaved>} : vector<32xbf16> -> vector<16xf32>
          %unpack3A_517 = tpu.unpack_subelements %bitcast3A_515, 1 {pack_format = #tpu.pack_format<interleaved>} : vector<32xbf16> -> vector<16xf32>
          %mul3A_518 = arith.mulf %unpack3A_513, %unpack3A_516 : vector<16xf32>
          %add3A_519 = arith.addf %add3A_485, %mul3A_518 : vector<16xf32>
          %mul3A_520 = arith.mulf %unpack3A_514, %unpack3A_517 : vector<16xf32>
          %add3A_521 = arith.addf %add3A_487, %mul3A_520 : vector<16xf32>
          scf.yield %add3A_502, %add3A_504, %add3A_519, %add3A_521 : vector<16xf32>, vector<16xf32>, vector<16xf32>, vector<16xf32>
        }
        %scan3A_373 = arith.constant 8 : i32
        %add3A_374 = arith.addf %scan3A_372#0, %scan3A_372#1 : vector<16xf32>
        %add3A_375 = arith.addf %scan3A_372#2, %scan3A_372#3 : vector<16xf32>
        %add3A_376 = arith.addf %add3A_374, %add3A_375 : vector<16xf32>
        %mul3A_377 = arith.constant 80 : i32
        %mul3A_378 = arith.muli %add3A_220, %mul3A_377 : i32
        %mul3A_379 = arith.constant 16 : i32
        %mul3A_380 = arith.muli %scan3A_362, %mul3A_379 : i32
        %add3A_381 = arith.addi %mul3A_378, %mul3A_380 : i32
        %add3A_382 = vector.broadcast %add3A_381 : i32 to vector<16xi32>
        %add3A_383 = arith.addi %add3A_382, %iota3A : vector<16xi32>
        tpu.vector_store_idx %arg20[%add3A_383], %add3A_376 : memref<10000xf32, #tpu.memory_space<vmem>>[vector<16xi32>], vector<16xf32>,
      }
      %scan3A_238 = arith.constant 5 : i32
      %add3A_239 = arith.constant 6 : i32
      %add3A_240 = arith.addi %add3A_220, %add3A_239 : i32
      %lt3A_241 = arith.constant 125 : i32
      %lt3A_242 = arith.cmpi slt, %add3A_240, %lt3A_241 : i32
      %convert_element_type3A_243 = arith.extui %lt3A_242 : i1 to i32
      %cond3A_244 = arith.constant 0 : i32
      %cond3A_245 = arith.cmpi ne, %convert_element_type3A_243, %cond3A_244 : i32
      scf.if %cond3A_245 {
        %dma_start3A_362 = arith.constant 0 : i32
        %dma_start3A_363 = tpu.memref_slice %arg6[%add3A_240, %dma_start3A_362] : memref<125x80xi32, #tpu.memory_space<vmem>> -> memref<1x80xi32, #tpu.memory_space<vmem>>
        %dma_start3A_364 = tpu.memref_squeeze %dma_start3A_363 : memref<1x80xi32, #tpu.memory_space<vmem>> -> memref<80xi32, #tpu.memory_space<vmem>>
        %dma_start3A_365 = arith.constant 0 : i32
        %dma_start3A_366 = arith.constant 0 : i32
        %dma_start3A_367 = tpu.memref_slice %arg2[%dma_start3A_365, %dma_start3A_366] : memref<10000x72xi32, #tpu.memory_space<hbm>> -> memref<10000x72xi32, #tpu.memory_space<hbm>>
        tpu.enqueue_indirect_dma source(%dma_start3A_367 : memref<10000x72xi32, #tpu.memory_space<hbm>>) target(%arg9 : memref<80x72xi32, #tpu.memory_space<vmem>>) offsets(%dma_start3A_364 : memref<80xi32, #tpu.memory_space<vmem>>) semaphore(%arg22 : memref<!tpu.dma_semaphore, #tpu.memory_space<semaphore_mem>>)
        %dma_start3A_368 = arith.constant 0 : i32
        %dma_start3A_369 = tpu.memref_slice %arg7[%add3A_240, %dma_start3A_368] : memref<125x80xi32, #tpu.memory_space<vmem>> -> memref<1x80xi32, #tpu.memory_space<vmem>>
        %dma_start3A_370 = tpu.memref_squeeze %dma_start3A_369 : memref<1x80xi32, #tpu.memory_space<vmem>> -> memref<80xi32, #tpu.memory_space<vmem>>
        %dma_start3A_371 = arith.constant 0 : i32
        %dma_start3A_372 = arith.constant 0 : i32
        %dma_start3A_373 = tpu.memref_slice %arg2[%dma_start3A_371, %dma_start3A_372] : memref<10000x72xi32, #tpu.memory_space<hbm>> -> memref<10000x72xi32, #tpu.memory_space<hbm>>
        tpu.enqueue_indirect_dma source(%dma_start3A_373 : memref<10000x72xi32, #tpu.memory_space<hbm>>) target(%arg15 : memref<80x72xi32, #tpu.memory_space<vmem>>) offsets(%dma_start3A_370 : memref<80xi32, #tpu.memory_space<vmem>>) semaphore(%arg28 : memref<!tpu.dma_semaphore, #tpu.memory_space<semaphore_mem>>)
      } else {
      }
      %mul3A_246 = arith.constant 6 : i32
      %mul3A_247 = arith.muli %mul3A_246, %scan3A_190 : i32
      %add3A_248 = arith.constant 2 : i32
      %add3A_249 = arith.addi %mul3A_247, %add3A_248 : i32
      %dma_wait3A_250 = arith.constant 0 : i32
      %dma_wait3A_251 = tpu.memref_slice %arg6[%add3A_249, %dma_wait3A_250] : memref<125x80xi32, #tpu.memory_space<vmem>> -> memref<1x80xi32, #tpu.memory_space<vmem>>
      %dma_wait3A_252 = tpu.memref_squeeze %dma_wait3A_251 : memref<1x80xi32, #tpu.memory_space<vmem>> -> memref<80xi32, #tpu.memory_space<vmem>>
      %dma_wait3A_253 = arith.constant 0 : i32
      %dma_wait3A_254 = arith.constant 0 : i32
      %dma_wait3A_255 = tpu.memref_slice %arg2[%dma_wait3A_253, %dma_wait3A_254] : memref<10000x72xi32, #tpu.memory_space<hbm>> -> memref<10000x72xi32, #tpu.memory_space<hbm>>
      tpu.wait_indirect_dma semaphore(%arg23 : memref<!tpu.dma_semaphore, #tpu.memory_space<semaphore_mem>>) src(%dma_wait3A_255 : memref<10000x72xi32, #tpu.memory_space<hbm>>) dst(%arg10 : memref<80x72xi32, #tpu.memory_space<vmem>>)
      %dma_wait3A_256 = arith.constant 0 : i32
      %dma_wait3A_257 = tpu.memref_slice %arg7[%add3A_249, %dma_wait3A_256] : memref<125x80xi32, #tpu.memory_space<vmem>> -> memref<1x80xi32, #tpu.memory_space<vmem>>
      %dma_wait3A_258 = tpu.memref_squeeze %dma_wait3A_257 : memref<1x80xi32, #tpu.memory_space<vmem>> -> memref<80xi32, #tpu.memory_space<vmem>>
      %dma_wait3A_259 = arith.constant 0 : i32
      %dma_wait3A_260 = arith.constant 0 : i32
      %dma_wait3A_261 = tpu.memref_slice %arg2[%dma_wait3A_259, %dma_wait3A_260] : memref<10000x72xi32, #tpu.memory_space<hbm>> -> memref<10000x72xi32, #tpu.memory_space<hbm>>
      tpu.wait_indirect_dma semaphore(%arg29 : memref<!tpu.dma_semaphore, #tpu.memory_space<semaphore_mem>>) src(%dma_wait3A_261 : memref<10000x72xi32, #tpu.memory_space<hbm>>) dst(%arg16 : memref<80x72xi32, #tpu.memory_space<vmem>>)
      %scan3A_262 = arith.constant 0 : i32
      %scan3A_263 = arith.constant 0 : i32
      %scan3A_264 = arith.constant 5 : i32
      %scan3A_265 = arith.addi %scan3A_263, %scan3A_264 : i32
      %scan3A_266 = arith.constant 1 : i32
      scf.for %scan3A_362 = %scan3A_263 to %scan3A_265 step %scan3A_266  : i32 {
        %mul3A_363 = arith.constant 16 : i32
        %mul3A_364 = arith.muli %scan3A_362, %mul3A_363 : i32
        %add3A_365 = vector.broadcast %mul3A_364 : i32 to vector<16xi32>
        %add3A_366 = arith.addi %add3A_365, %iota3A : vector<16xi32>
        %broadcast_in_dim3A = arith.constant 0.000000e+00 : f32
        %broadcast_in_dim3A_367 = vector.broadcast %broadcast_in_dim3A : f32 to vector<16xf32>
        %scan3A_368 = arith.constant 0 : i32
        %scan3A_369 = arith.constant 8 : i32
        %scan3A_370 = arith.addi %scan3A_368, %scan3A_369 : i32
        %scan3A_371 = arith.constant 1 : i32
        %scan3A_372:4 = scf.for %scan3A_384 = %scan3A_368 to %scan3A_370 step %scan3A_371 iter_args(%scan3A_385 = %broadcast_in_dim3A_367, %scan3A_386 = %broadcast_in_dim3A_367, %scan3A_387 = %broadcast_in_dim3A_367, %scan3A_388 = %broadcast_in_dim3A_367) -> (vector<16xf32>, vector<16xf32>, vector<16xf32>, vector<16xf32>)  : i32 {
          %mul3A_389 = arith.constant 8 : i32
          %mul3A_390 = arith.muli %scan3A_384, %mul3A_389 : i32
          %add3A_391 = arith.constant 0 : i32
          %add3A_392 = arith.addi %mul3A_390, %add3A_391 : i32
          %broadcast_in_dim3A_393 = vector.broadcast %add3A_392 : i32 to vector<16xi32>
          %gather3A = tpu.vector_load_idx %arg10[%add3A_366, %broadcast_in_dim3A_393] : memref<80x72xi32, #tpu.memory_space<vmem>>[vector<16xi32>, vector<16xi32>], vector<16xi32>,
          %gather3A_394 = tpu.vector_load_idx %arg16[%add3A_366, %broadcast_in_dim3A_393] : memref<80x72xi32, #tpu.memory_space<vmem>>[vector<16xi32>, vector<16xi32>], vector<16xi32>,
          %bitcast3A = vector.bitcast %gather3A : vector<16xi32> to vector<32xbf16>
          %unpack3A = tpu.unpack_subelements %bitcast3A, 0 {pack_format = #tpu.pack_format<interleaved>} : vector<32xbf16> -> vector<16xf32>
          %unpack3A_395 = tpu.unpack_subelements %bitcast3A, 1 {pack_format = #tpu.pack_format<interleaved>} : vector<32xbf16> -> vector<16xf32>
          %bitcast3A_396 = vector.bitcast %gather3A_394 : vector<16xi32> to vector<32xbf16>
          %unpack3A_397 = tpu.unpack_subelements %bitcast3A_396, 0 {pack_format = #tpu.pack_format<interleaved>} : vector<32xbf16> -> vector<16xf32>
          %unpack3A_398 = tpu.unpack_subelements %bitcast3A_396, 1 {pack_format = #tpu.pack_format<interleaved>} : vector<32xbf16> -> vector<16xf32>
          %mul3A_399 = arith.mulf %unpack3A, %unpack3A_397 : vector<16xf32>
          %add3A_400 = arith.addf %scan3A_385, %mul3A_399 : vector<16xf32>
          %mul3A_401 = arith.mulf %unpack3A_395, %unpack3A_398 : vector<16xf32>
          %add3A_402 = arith.addf %scan3A_386, %mul3A_401 : vector<16xf32>
          %mul3A_403 = arith.constant 8 : i32
          %mul3A_404 = arith.muli %scan3A_384, %mul3A_403 : i32
          %add3A_405 = arith.constant 1 : i32
          %add3A_406 = arith.addi %mul3A_404, %add3A_405 : i32
          %broadcast_in_dim3A_407 = vector.broadcast %add3A_406 : i32 to vector<16xi32>
          %gather3A_408 = tpu.vector_load_idx %arg10[%add3A_366, %broadcast_in_dim3A_407] : memref<80x72xi32, #tpu.memory_space<vmem>>[vector<16xi32>, vector<16xi32>], vector<16xi32>,
          %gather3A_409 = tpu.vector_load_idx %arg16[%add3A_366, %broadcast_in_dim3A_407] : memref<80x72xi32, #tpu.memory_space<vmem>>[vector<16xi32>, vector<16xi32>], vector<16xi32>,
          %bitcast3A_410 = vector.bitcast %gather3A_408 : vector<16xi32> to vector<32xbf16>
          %unpack3A_411 = tpu.unpack_subelements %bitcast3A_410, 0 {pack_format = #tpu.pack_format<interleaved>} : vector<32xbf16> -> vector<16xf32>
          %unpack3A_412 = tpu.unpack_subelements %bitcast3A_410, 1 {pack_format = #tpu.pack_format<interleaved>} : vector<32xbf16> -> vector<16xf32>
          %bitcast3A_413 = vector.bitcast %gather3A_409 : vector<16xi32> to vector<32xbf16>
          %unpack3A_414 = tpu.unpack_subelements %bitcast3A_413, 0 {pack_format = #tpu.pack_format<interleaved>} : vector<32xbf16> -> vector<16xf32>
          %unpack3A_415 = tpu.unpack_subelements %bitcast3A_413, 1 {pack_format = #tpu.pack_format<interleaved>} : vector<32xbf16> -> vector<16xf32>
          %mul3A_416 = arith.mulf %unpack3A_411, %unpack3A_414 : vector<16xf32>
          %add3A_417 = arith.addf %scan3A_387, %mul3A_416 : vector<16xf32>
          %mul3A_418 = arith.mulf %unpack3A_412, %unpack3A_415 : vector<16xf32>
          %add3A_419 = arith.addf %scan3A_388, %mul3A_418 : vector<16xf32>
          %mul3A_420 = arith.constant 8 : i32
          %mul3A_421 = arith.muli %scan3A_384, %mul3A_420 : i32
          %add3A_422 = arith.constant 2 : i32
          %add3A_423 = arith.addi %mul3A_421, %add3A_422 : i32
          %broadcast_in_dim3A_424 = vector.broadcast %add3A_423 : i32 to vector<16xi32>
          %gather3A_425 = tpu.vector_load_idx %arg10[%add3A_366, %broadcast_in_dim3A_424] : memref<80x72xi32, #tpu.memory_space<vmem>>[vector<16xi32>, vector<16xi32>], vector<16xi32>,
          %gather3A_426 = tpu.vector_load_idx %arg16[%add3A_366, %broadcast_in_dim3A_424] : memref<80x72xi32, #tpu.memory_space<vmem>>[vector<16xi32>, vector<16xi32>], vector<16xi32>,
          %bitcast3A_427 = vector.bitcast %gather3A_425 : vector<16xi32> to vector<32xbf16>
          %unpack3A_428 = tpu.unpack_subelements %bitcast3A_427, 0 {pack_format = #tpu.pack_format<interleaved>} : vector<32xbf16> -> vector<16xf32>
          %unpack3A_429 = tpu.unpack_subelements %bitcast3A_427, 1 {pack_format = #tpu.pack_format<interleaved>} : vector<32xbf16> -> vector<16xf32>
          %bitcast3A_430 = vector.bitcast %gather3A_426 : vector<16xi32> to vector<32xbf16>
          %unpack3A_431 = tpu.unpack_subelements %bitcast3A_430, 0 {pack_format = #tpu.pack_format<interleaved>} : vector<32xbf16> -> vector<16xf32>
          %unpack3A_432 = tpu.unpack_subelements %bitcast3A_430, 1 {pack_format = #tpu.pack_format<interleaved>} : vector<32xbf16> -> vector<16xf32>
          %mul3A_433 = arith.mulf %unpack3A_428, %unpack3A_431 : vector<16xf32>
          %add3A_434 = arith.addf %add3A_400, %mul3A_433 : vector<16xf32>
          %mul3A_435 = arith.mulf %unpack3A_429, %unpack3A_432 : vector<16xf32>
          %add3A_436 = arith.addf %add3A_402, %mul3A_435 : vector<16xf32>
          %mul3A_437 = arith.constant 8 : i32
          %mul3A_438 = arith.muli %scan3A_384, %mul3A_437 : i32
          %add3A_439 = arith.constant 3 : i32
          %add3A_440 = arith.addi %mul3A_438, %add3A_439 : i32
          %broadcast_in_dim3A_441 = vector.broadcast %add3A_440 : i32 to vector<16xi32>
          %gather3A_442 = tpu.vector_load_idx %arg10[%add3A_366, %broadcast_in_dim3A_441] : memref<80x72xi32, #tpu.memory_space<vmem>>[vector<16xi32>, vector<16xi32>], vector<16xi32>,
          %gather3A_443 = tpu.vector_load_idx %arg16[%add3A_366, %broadcast_in_dim3A_441] : memref<80x72xi32, #tpu.memory_space<vmem>>[vector<16xi32>, vector<16xi32>], vector<16xi32>,
          %bitcast3A_444 = vector.bitcast %gather3A_442 : vector<16xi32> to vector<32xbf16>
          %unpack3A_445 = tpu.unpack_subelements %bitcast3A_444, 0 {pack_format = #tpu.pack_format<interleaved>} : vector<32xbf16> -> vector<16xf32>
          %unpack3A_446 = tpu.unpack_subelements %bitcast3A_444, 1 {pack_format = #tpu.pack_format<interleaved>} : vector<32xbf16> -> vector<16xf32>
          %bitcast3A_447 = vector.bitcast %gather3A_443 : vector<16xi32> to vector<32xbf16>
          %unpack3A_448 = tpu.unpack_subelements %bitcast3A_447, 0 {pack_format = #tpu.pack_format<interleaved>} : vector<32xbf16> -> vector<16xf32>
          %unpack3A_449 = tpu.unpack_subelements %bitcast3A_447, 1 {pack_format = #tpu.pack_format<interleaved>} : vector<32xbf16> -> vector<16xf32>
          %mul3A_450 = arith.mulf %unpack3A_445, %unpack3A_448 : vector<16xf32>
          %add3A_451 = arith.addf %add3A_417, %mul3A_450 : vector<16xf32>
          %mul3A_452 = arith.mulf %unpack3A_446, %unpack3A_449 : vector<16xf32>
          %add3A_453 = arith.addf %add3A_419, %mul3A_452 : vector<16xf32>
          %mul3A_454 = arith.constant 8 : i32
          %mul3A_455 = arith.muli %scan3A_384, %mul3A_454 : i32
          %add3A_456 = arith.constant 4 : i32
          %add3A_457 = arith.addi %mul3A_455, %add3A_456 : i32
          %broadcast_in_dim3A_458 = vector.broadcast %add3A_457 : i32 to vector<16xi32>
          %gather3A_459 = tpu.vector_load_idx %arg10[%add3A_366, %broadcast_in_dim3A_458] : memref<80x72xi32, #tpu.memory_space<vmem>>[vector<16xi32>, vector<16xi32>], vector<16xi32>,
          %gather3A_460 = tpu.vector_load_idx %arg16[%add3A_366, %broadcast_in_dim3A_458] : memref<80x72xi32, #tpu.memory_space<vmem>>[vector<16xi32>, vector<16xi32>], vector<16xi32>,
          %bitcast3A_461 = vector.bitcast %gather3A_459 : vector<16xi32> to vector<32xbf16>
          %unpack3A_462 = tpu.unpack_subelements %bitcast3A_461, 0 {pack_format = #tpu.pack_format<interleaved>} : vector<32xbf16> -> vector<16xf32>
          %unpack3A_463 = tpu.unpack_subelements %bitcast3A_461, 1 {pack_format = #tpu.pack_format<interleaved>} : vector<32xbf16> -> vector<16xf32>
          %bitcast3A_464 = vector.bitcast %gather3A_460 : vector<16xi32> to vector<32xbf16>
          %unpack3A_465 = tpu.unpack_subelements %bitcast3A_464, 0 {pack_format = #tpu.pack_format<interleaved>} : vector<32xbf16> -> vector<16xf32>
          %unpack3A_466 = tpu.unpack_subelements %bitcast3A_464, 1 {pack_format = #tpu.pack_format<interleaved>} : vector<32xbf16> -> vector<16xf32>
          %mul3A_467 = arith.mulf %unpack3A_462, %unpack3A_465 : vector<16xf32>
          %add3A_468 = arith.addf %add3A_434, %mul3A_467 : vector<16xf32>
          %mul3A_469 = arith.mulf %unpack3A_463, %unpack3A_466 : vector<16xf32>
          %add3A_470 = arith.addf %add3A_436, %mul3A_469 : vector<16xf32>
          %mul3A_471 = arith.constant 8 : i32
          %mul3A_472 = arith.muli %scan3A_384, %mul3A_471 : i32
          %add3A_473 = arith.constant 5 : i32
          %add3A_474 = arith.addi %mul3A_472, %add3A_473 : i32
          %broadcast_in_dim3A_475 = vector.broadcast %add3A_474 : i32 to vector<16xi32>
          %gather3A_476 = tpu.vector_load_idx %arg10[%add3A_366, %broadcast_in_dim3A_475] : memref<80x72xi32, #tpu.memory_space<vmem>>[vector<16xi32>, vector<16xi32>], vector<16xi32>,
          %gather3A_477 = tpu.vector_load_idx %arg16[%add3A_366, %broadcast_in_dim3A_475] : memref<80x72xi32, #tpu.memory_space<vmem>>[vector<16xi32>, vector<16xi32>], vector<16xi32>,
          %bitcast3A_478 = vector.bitcast %gather3A_476 : vector<16xi32> to vector<32xbf16>
          %unpack3A_479 = tpu.unpack_subelements %bitcast3A_478, 0 {pack_format = #tpu.pack_format<interleaved>} : vector<32xbf16> -> vector<16xf32>
          %unpack3A_480 = tpu.unpack_subelements %bitcast3A_478, 1 {pack_format = #tpu.pack_format<interleaved>} : vector<32xbf16> -> vector<16xf32>
          %bitcast3A_481 = vector.bitcast %gather3A_477 : vector<16xi32> to vector<32xbf16>
          %unpack3A_482 = tpu.unpack_subelements %bitcast3A_481, 0 {pack_format = #tpu.pack_format<interleaved>} : vector<32xbf16> -> vector<16xf32>
          %unpack3A_483 = tpu.unpack_subelements %bitcast3A_481, 1 {pack_format = #tpu.pack_format<interleaved>} : vector<32xbf16> -> vector<16xf32>
          %mul3A_484 = arith.mulf %unpack3A_479, %unpack3A_482 : vector<16xf32>
          %add3A_485 = arith.addf %add3A_451, %mul3A_484 : vector<16xf32>
          %mul3A_486 = arith.mulf %unpack3A_480, %unpack3A_483 : vector<16xf32>
          %add3A_487 = arith.addf %add3A_453, %mul3A_486 : vector<16xf32>
          %mul3A_488 = arith.constant 8 : i32
          %mul3A_489 = arith.muli %scan3A_384, %mul3A_488 : i32
          %add3A_490 = arith.constant 6 : i32
          %add3A_491 = arith.addi %mul3A_489, %add3A_490 : i32
          %broadcast_in_dim3A_492 = vector.broadcast %add3A_491 : i32 to vector<16xi32>
          %gather3A_493 = tpu.vector_load_idx %arg10[%add3A_366, %broadcast_in_dim3A_492] : memref<80x72xi32, #tpu.memory_space<vmem>>[vector<16xi32>, vector<16xi32>], vector<16xi32>,
          %gather3A_494 = tpu.vector_load_idx %arg16[%add3A_366, %broadcast_in_dim3A_492] : memref<80x72xi32, #tpu.memory_space<vmem>>[vector<16xi32>, vector<16xi32>], vector<16xi32>,
          %bitcast3A_495 = vector.bitcast %gather3A_493 : vector<16xi32> to vector<32xbf16>
          %unpack3A_496 = tpu.unpack_subelements %bitcast3A_495, 0 {pack_format = #tpu.pack_format<interleaved>} : vector<32xbf16> -> vector<16xf32>
          %unpack3A_497 = tpu.unpack_subelements %bitcast3A_495, 1 {pack_format = #tpu.pack_format<interleaved>} : vector<32xbf16> -> vector<16xf32>
          %bitcast3A_498 = vector.bitcast %gather3A_494 : vector<16xi32> to vector<32xbf16>
          %unpack3A_499 = tpu.unpack_subelements %bitcast3A_498, 0 {pack_format = #tpu.pack_format<interleaved>} : vector<32xbf16> -> vector<16xf32>
          %unpack3A_500 = tpu.unpack_subelements %bitcast3A_498, 1 {pack_format = #tpu.pack_format<interleaved>} : vector<32xbf16> -> vector<16xf32>
          %mul3A_501 = arith.mulf %unpack3A_496, %unpack3A_499 : vector<16xf32>
          %add3A_502 = arith.addf %add3A_468, %mul3A_501 : vector<16xf32>
          %mul3A_503 = arith.mulf %unpack3A_497, %unpack3A_500 : vector<16xf32>
          %add3A_504 = arith.addf %add3A_470, %mul3A_503 : vector<16xf32>
          %mul3A_505 = arith.constant 8 : i32
          %mul3A_506 = arith.muli %scan3A_384, %mul3A_505 : i32
          %add3A_507 = arith.constant 7 : i32
          %add3A_508 = arith.addi %mul3A_506, %add3A_507 : i32
          %broadcast_in_dim3A_509 = vector.broadcast %add3A_508 : i32 to vector<16xi32>
          %gather3A_510 = tpu.vector_load_idx %arg10[%add3A_366, %broadcast_in_dim3A_509] : memref<80x72xi32, #tpu.memory_space<vmem>>[vector<16xi32>, vector<16xi32>], vector<16xi32>,
          %gather3A_511 = tpu.vector_load_idx %arg16[%add3A_366, %broadcast_in_dim3A_509] : memref<80x72xi32, #tpu.memory_space<vmem>>[vector<16xi32>, vector<16xi32>], vector<16xi32>,
          %bitcast3A_512 = vector.bitcast %gather3A_510 : vector<16xi32> to vector<32xbf16>
          %unpack3A_513 = tpu.unpack_subelements %bitcast3A_512, 0 {pack_format = #tpu.pack_format<interleaved>} : vector<32xbf16> -> vector<16xf32>
          %unpack3A_514 = tpu.unpack_subelements %bitcast3A_512, 1 {pack_format = #tpu.pack_format<interleaved>} : vector<32xbf16> -> vector<16xf32>
          %bitcast3A_515 = vector.bitcast %gather3A_511 : vector<16xi32> to vector<32xbf16>
          %unpack3A_516 = tpu.unpack_subelements %bitcast3A_515, 0 {pack_format = #tpu.pack_format<interleaved>} : vector<32xbf16> -> vector<16xf32>
          %unpack3A_517 = tpu.unpack_subelements %bitcast3A_515, 1 {pack_format = #tpu.pack_format<interleaved>} : vector<32xbf16> -> vector<16xf32>
          %mul3A_518 = arith.mulf %unpack3A_513, %unpack3A_516 : vector<16xf32>
          %add3A_519 = arith.addf %add3A_485, %mul3A_518 : vector<16xf32>
          %mul3A_520 = arith.mulf %unpack3A_514, %unpack3A_517 : vector<16xf32>
          %add3A_521 = arith.addf %add3A_487, %mul3A_520 : vector<16xf32>
          scf.yield %add3A_502, %add3A_504, %add3A_519, %add3A_521 : vector<16xf32>, vector<16xf32>, vector<16xf32>, vector<16xf32>
        }
        %scan3A_373 = arith.constant 8 : i32
        %add3A_374 = arith.addf %scan3A_372#0, %scan3A_372#1 : vector<16xf32>
        %add3A_375 = arith.addf %scan3A_372#2, %scan3A_372#3 : vector<16xf32>
        %add3A_376 = arith.addf %add3A_374, %add3A_375 : vector<16xf32>
        %mul3A_377 = arith.constant 80 : i32
        %mul3A_378 = arith.muli %add3A_249, %mul3A_377 : i32
        %mul3A_379 = arith.constant 16 : i32
        %mul3A_380 = arith.muli %scan3A_362, %mul3A_379 : i32
        %add3A_381 = arith.addi %mul3A_378, %mul3A_380 : i32
        %add3A_382 = vector.broadcast %add3A_381 : i32 to vector<16xi32>
        %add3A_383 = arith.addi %add3A_382, %iota3A : vector<16xi32>
        tpu.vector_store_idx %arg20[%add3A_383], %add3A_376 : memref<10000xf32, #tpu.memory_space<vmem>>[vector<16xi32>], vector<16xf32>,
      }
      %scan3A_267 = arith.constant 5 : i32
      %add3A_268 = arith.constant 6 : i32
      %add3A_269 = arith.addi %add3A_249, %add3A_268 : i32
      %lt3A_270 = arith.constant 125 : i32
      %lt3A_271 = arith.cmpi slt, %add3A_269, %lt3A_270 : i32
      %convert_element_type3A_272 = arith.extui %lt3A_271 : i1 to i32
      %cond3A_273 = arith.constant 0 : i32
      %cond3A_274 = arith.cmpi ne, %convert_element_type3A_272, %cond3A_273 : i32
      scf.if %cond3A_274 {
        %dma_start3A_362 = arith.constant 0 : i32
        %dma_start3A_363 = tpu.memref_slice %arg6[%add3A_269, %dma_start3A_362] : memref<125x80xi32, #tpu.memory_space<vmem>> -> memref<1x80xi32, #tpu.memory_space<vmem>>
        %dma_start3A_364 = tpu.memref_squeeze %dma_start3A_363 : memref<1x80xi32, #tpu.memory_space<vmem>> -> memref<80xi32, #tpu.memory_space<vmem>>
        %dma_start3A_365 = arith.constant 0 : i32
        %dma_start3A_366 = arith.constant 0 : i32
        %dma_start3A_367 = tpu.memref_slice %arg2[%dma_start3A_365, %dma_start3A_366] : memref<10000x72xi32, #tpu.memory_space<hbm>> -> memref<10000x72xi32, #tpu.memory_space<hbm>>
        tpu.enqueue_indirect_dma source(%dma_start3A_367 : memref<10000x72xi32, #tpu.memory_space<hbm>>) target(%arg10 : memref<80x72xi32, #tpu.memory_space<vmem>>) offsets(%dma_start3A_364 : memref<80xi32, #tpu.memory_space<vmem>>) semaphore(%arg23 : memref<!tpu.dma_semaphore, #tpu.memory_space<semaphore_mem>>)
        %dma_start3A_368 = arith.constant 0 : i32
        %dma_start3A_369 = tpu.memref_slice %arg7[%add3A_269, %dma_start3A_368] : memref<125x80xi32, #tpu.memory_space<vmem>> -> memref<1x80xi32, #tpu.memory_space<vmem>>
        %dma_start3A_370 = tpu.memref_squeeze %dma_start3A_369 : memref<1x80xi32, #tpu.memory_space<vmem>> -> memref<80xi32, #tpu.memory_space<vmem>>
        %dma_start3A_371 = arith.constant 0 : i32
        %dma_start3A_372 = arith.constant 0 : i32
        %dma_start3A_373 = tpu.memref_slice %arg2[%dma_start3A_371, %dma_start3A_372] : memref<10000x72xi32, #tpu.memory_space<hbm>> -> memref<10000x72xi32, #tpu.memory_space<hbm>>
        tpu.enqueue_indirect_dma source(%dma_start3A_373 : memref<10000x72xi32, #tpu.memory_space<hbm>>) target(%arg16 : memref<80x72xi32, #tpu.memory_space<vmem>>) offsets(%dma_start3A_370 : memref<80xi32, #tpu.memory_space<vmem>>) semaphore(%arg29 : memref<!tpu.dma_semaphore, #tpu.memory_space<semaphore_mem>>)
      } else {
      }
      %mul3A_275 = arith.constant 6 : i32
      %mul3A_276 = arith.muli %mul3A_275, %scan3A_190 : i32
      %add3A_277 = arith.constant 3 : i32
      %add3A_278 = arith.addi %mul3A_276, %add3A_277 : i32
      %dma_wait3A_279 = arith.constant 0 : i32
      %dma_wait3A_280 = tpu.memref_slice %arg6[%add3A_278, %dma_wait3A_279] : memref<125x80xi32, #tpu.memory_space<vmem>> -> memref<1x80xi32, #tpu.memory_space<vmem>>
      %dma_wait3A_281 = tpu.memref_squeeze %dma_wait3A_280 : memref<1x80xi32, #tpu.memory_space<vmem>> -> memref<80xi32, #tpu.memory_space<vmem>>
      %dma_wait3A_282 = arith.constant 0 : i32
      %dma_wait3A_283 = arith.constant 0 : i32
      %dma_wait3A_284 = tpu.memref_slice %arg2[%dma_wait3A_282, %dma_wait3A_283] : memref<10000x72xi32, #tpu.memory_space<hbm>> -> memref<10000x72xi32, #tpu.memory_space<hbm>>
      tpu.wait_indirect_dma semaphore(%arg24 : memref<!tpu.dma_semaphore, #tpu.memory_space<semaphore_mem>>) src(%dma_wait3A_284 : memref<10000x72xi32, #tpu.memory_space<hbm>>) dst(%arg11 : memref<80x72xi32, #tpu.memory_space<vmem>>)
      %dma_wait3A_285 = arith.constant 0 : i32
      %dma_wait3A_286 = tpu.memref_slice %arg7[%add3A_278, %dma_wait3A_285] : memref<125x80xi32, #tpu.memory_space<vmem>> -> memref<1x80xi32, #tpu.memory_space<vmem>>
      %dma_wait3A_287 = tpu.memref_squeeze %dma_wait3A_286 : memref<1x80xi32, #tpu.memory_space<vmem>> -> memref<80xi32, #tpu.memory_space<vmem>>
      %dma_wait3A_288 = arith.constant 0 : i32
      %dma_wait3A_289 = arith.constant 0 : i32
      %dma_wait3A_290 = tpu.memref_slice %arg2[%dma_wait3A_288, %dma_wait3A_289] : memref<10000x72xi32, #tpu.memory_space<hbm>> -> memref<10000x72xi32, #tpu.memory_space<hbm>>
      tpu.wait_indirect_dma semaphore(%arg30 : memref<!tpu.dma_semaphore, #tpu.memory_space<semaphore_mem>>) src(%dma_wait3A_290 : memref<10000x72xi32, #tpu.memory_space<hbm>>) dst(%arg17 : memref<80x72xi32, #tpu.memory_space<vmem>>)
      %scan3A_291 = arith.constant 0 : i32
      %scan3A_292 = arith.constant 0 : i32
      %scan3A_293 = arith.constant 5 : i32
      %scan3A_294 = arith.addi %scan3A_292, %scan3A_293 : i32
      %scan3A_295 = arith.constant 1 : i32
      scf.for %scan3A_362 = %scan3A_292 to %scan3A_294 step %scan3A_295  : i32 {
        %mul3A_363 = arith.constant 16 : i32
        %mul3A_364 = arith.muli %scan3A_362, %mul3A_363 : i32
        %add3A_365 = vector.broadcast %mul3A_364 : i32 to vector<16xi32>
        %add3A_366 = arith.addi %add3A_365, %iota3A : vector<16xi32>
        %broadcast_in_dim3A = arith.constant 0.000000e+00 : f32
        %broadcast_in_dim3A_367 = vector.broadcast %broadcast_in_dim3A : f32 to vector<16xf32>
        %scan3A_368 = arith.constant 0 : i32
        %scan3A_369 = arith.constant 8 : i32
        %scan3A_370 = arith.addi %scan3A_368, %scan3A_369 : i32
        %scan3A_371 = arith.constant 1 : i32
        %scan3A_372:4 = scf.for %scan3A_384 = %scan3A_368 to %scan3A_370 step %scan3A_371 iter_args(%scan3A_385 = %broadcast_in_dim3A_367, %scan3A_386 = %broadcast_in_dim3A_367, %scan3A_387 = %broadcast_in_dim3A_367, %scan3A_388 = %broadcast_in_dim3A_367) -> (vector<16xf32>, vector<16xf32>, vector<16xf32>, vector<16xf32>)  : i32 {
          %mul3A_389 = arith.constant 8 : i32
          %mul3A_390 = arith.muli %scan3A_384, %mul3A_389 : i32
          %add3A_391 = arith.constant 0 : i32
          %add3A_392 = arith.addi %mul3A_390, %add3A_391 : i32
          %broadcast_in_dim3A_393 = vector.broadcast %add3A_392 : i32 to vector<16xi32>
          %gather3A = tpu.vector_load_idx %arg11[%add3A_366, %broadcast_in_dim3A_393] : memref<80x72xi32, #tpu.memory_space<vmem>>[vector<16xi32>, vector<16xi32>], vector<16xi32>,
          %gather3A_394 = tpu.vector_load_idx %arg17[%add3A_366, %broadcast_in_dim3A_393] : memref<80x72xi32, #tpu.memory_space<vmem>>[vector<16xi32>, vector<16xi32>], vector<16xi32>,
          %bitcast3A = vector.bitcast %gather3A : vector<16xi32> to vector<32xbf16>
          %unpack3A = tpu.unpack_subelements %bitcast3A, 0 {pack_format = #tpu.pack_format<interleaved>} : vector<32xbf16> -> vector<16xf32>
          %unpack3A_395 = tpu.unpack_subelements %bitcast3A, 1 {pack_format = #tpu.pack_format<interleaved>} : vector<32xbf16> -> vector<16xf32>
          %bitcast3A_396 = vector.bitcast %gather3A_394 : vector<16xi32> to vector<32xbf16>
          %unpack3A_397 = tpu.unpack_subelements %bitcast3A_396, 0 {pack_format = #tpu.pack_format<interleaved>} : vector<32xbf16> -> vector<16xf32>
          %unpack3A_398 = tpu.unpack_subelements %bitcast3A_396, 1 {pack_format = #tpu.pack_format<interleaved>} : vector<32xbf16> -> vector<16xf32>
          %mul3A_399 = arith.mulf %unpack3A, %unpack3A_397 : vector<16xf32>
          %add3A_400 = arith.addf %scan3A_385, %mul3A_399 : vector<16xf32>
          %mul3A_401 = arith.mulf %unpack3A_395, %unpack3A_398 : vector<16xf32>
          %add3A_402 = arith.addf %scan3A_386, %mul3A_401 : vector<16xf32>
          %mul3A_403 = arith.constant 8 : i32
          %mul3A_404 = arith.muli %scan3A_384, %mul3A_403 : i32
          %add3A_405 = arith.constant 1 : i32
          %add3A_406 = arith.addi %mul3A_404, %add3A_405 : i32
          %broadcast_in_dim3A_407 = vector.broadcast %add3A_406 : i32 to vector<16xi32>
          %gather3A_408 = tpu.vector_load_idx %arg11[%add3A_366, %broadcast_in_dim3A_407] : memref<80x72xi32, #tpu.memory_space<vmem>>[vector<16xi32>, vector<16xi32>], vector<16xi32>,
          %gather3A_409 = tpu.vector_load_idx %arg17[%add3A_366, %broadcast_in_dim3A_407] : memref<80x72xi32, #tpu.memory_space<vmem>>[vector<16xi32>, vector<16xi32>], vector<16xi32>,
          %bitcast3A_410 = vector.bitcast %gather3A_408 : vector<16xi32> to vector<32xbf16>
          %unpack3A_411 = tpu.unpack_subelements %bitcast3A_410, 0 {pack_format = #tpu.pack_format<interleaved>} : vector<32xbf16> -> vector<16xf32>
          %unpack3A_412 = tpu.unpack_subelements %bitcast3A_410, 1 {pack_format = #tpu.pack_format<interleaved>} : vector<32xbf16> -> vector<16xf32>
          %bitcast3A_413 = vector.bitcast %gather3A_409 : vector<16xi32> to vector<32xbf16>
          %unpack3A_414 = tpu.unpack_subelements %bitcast3A_413, 0 {pack_format = #tpu.pack_format<interleaved>} : vector<32xbf16> -> vector<16xf32>
          %unpack3A_415 = tpu.unpack_subelements %bitcast3A_413, 1 {pack_format = #tpu.pack_format<interleaved>} : vector<32xbf16> -> vector<16xf32>
          %mul3A_416 = arith.mulf %unpack3A_411, %unpack3A_414 : vector<16xf32>
          %add3A_417 = arith.addf %scan3A_387, %mul3A_416 : vector<16xf32>
          %mul3A_418 = arith.mulf %unpack3A_412, %unpack3A_415 : vector<16xf32>
          %add3A_419 = arith.addf %scan3A_388, %mul3A_418 : vector<16xf32>
          %mul3A_420 = arith.constant 8 : i32
          %mul3A_421 = arith.muli %scan3A_384, %mul3A_420 : i32
          %add3A_422 = arith.constant 2 : i32
          %add3A_423 = arith.addi %mul3A_421, %add3A_422 : i32
          %broadcast_in_dim3A_424 = vector.broadcast %add3A_423 : i32 to vector<16xi32>
          %gather3A_425 = tpu.vector_load_idx %arg11[%add3A_366, %broadcast_in_dim3A_424] : memref<80x72xi32, #tpu.memory_space<vmem>>[vector<16xi32>, vector<16xi32>], vector<16xi32>,
          %gather3A_426 = tpu.vector_load_idx %arg17[%add3A_366, %broadcast_in_dim3A_424] : memref<80x72xi32, #tpu.memory_space<vmem>>[vector<16xi32>, vector<16xi32>], vector<16xi32>,
          %bitcast3A_427 = vector.bitcast %gather3A_425 : vector<16xi32> to vector<32xbf16>
          %unpack3A_428 = tpu.unpack_subelements %bitcast3A_427, 0 {pack_format = #tpu.pack_format<interleaved>} : vector<32xbf16> -> vector<16xf32>
          %unpack3A_429 = tpu.unpack_subelements %bitcast3A_427, 1 {pack_format = #tpu.pack_format<interleaved>} : vector<32xbf16> -> vector<16xf32>
          %bitcast3A_430 = vector.bitcast %gather3A_426 : vector<16xi32> to vector<32xbf16>
          %unpack3A_431 = tpu.unpack_subelements %bitcast3A_430, 0 {pack_format = #tpu.pack_format<interleaved>} : vector<32xbf16> -> vector<16xf32>
          %unpack3A_432 = tpu.unpack_subelements %bitcast3A_430, 1 {pack_format = #tpu.pack_format<interleaved>} : vector<32xbf16> -> vector<16xf32>
          %mul3A_433 = arith.mulf %unpack3A_428, %unpack3A_431 : vector<16xf32>
          %add3A_434 = arith.addf %add3A_400, %mul3A_433 : vector<16xf32>
          %mul3A_435 = arith.mulf %unpack3A_429, %unpack3A_432 : vector<16xf32>
          %add3A_436 = arith.addf %add3A_402, %mul3A_435 : vector<16xf32>
          %mul3A_437 = arith.constant 8 : i32
          %mul3A_438 = arith.muli %scan3A_384, %mul3A_437 : i32
          %add3A_439 = arith.constant 3 : i32
          %add3A_440 = arith.addi %mul3A_438, %add3A_439 : i32
          %broadcast_in_dim3A_441 = vector.broadcast %add3A_440 : i32 to vector<16xi32>
          %gather3A_442 = tpu.vector_load_idx %arg11[%add3A_366, %broadcast_in_dim3A_441] : memref<80x72xi32, #tpu.memory_space<vmem>>[vector<16xi32>, vector<16xi32>], vector<16xi32>,
          %gather3A_443 = tpu.vector_load_idx %arg17[%add3A_366, %broadcast_in_dim3A_441] : memref<80x72xi32, #tpu.memory_space<vmem>>[vector<16xi32>, vector<16xi32>], vector<16xi32>,
          %bitcast3A_444 = vector.bitcast %gather3A_442 : vector<16xi32> to vector<32xbf16>
          %unpack3A_445 = tpu.unpack_subelements %bitcast3A_444, 0 {pack_format = #tpu.pack_format<interleaved>} : vector<32xbf16> -> vector<16xf32>
          %unpack3A_446 = tpu.unpack_subelements %bitcast3A_444, 1 {pack_format = #tpu.pack_format<interleaved>} : vector<32xbf16> -> vector<16xf32>
          %bitcast3A_447 = vector.bitcast %gather3A_443 : vector<16xi32> to vector<32xbf16>
          %unpack3A_448 = tpu.unpack_subelements %bitcast3A_447, 0 {pack_format = #tpu.pack_format<interleaved>} : vector<32xbf16> -> vector<16xf32>
          %unpack3A_449 = tpu.unpack_subelements %bitcast3A_447, 1 {pack_format = #tpu.pack_format<interleaved>} : vector<32xbf16> -> vector<16xf32>
          %mul3A_450 = arith.mulf %unpack3A_445, %unpack3A_448 : vector<16xf32>
          %add3A_451 = arith.addf %add3A_417, %mul3A_450 : vector<16xf32>
          %mul3A_452 = arith.mulf %unpack3A_446, %unpack3A_449 : vector<16xf32>
          %add3A_453 = arith.addf %add3A_419, %mul3A_452 : vector<16xf32>
          %mul3A_454 = arith.constant 8 : i32
          %mul3A_455 = arith.muli %scan3A_384, %mul3A_454 : i32
          %add3A_456 = arith.constant 4 : i32
          %add3A_457 = arith.addi %mul3A_455, %add3A_456 : i32
          %broadcast_in_dim3A_458 = vector.broadcast %add3A_457 : i32 to vector<16xi32>
          %gather3A_459 = tpu.vector_load_idx %arg11[%add3A_366, %broadcast_in_dim3A_458] : memref<80x72xi32, #tpu.memory_space<vmem>>[vector<16xi32>, vector<16xi32>], vector<16xi32>,
          %gather3A_460 = tpu.vector_load_idx %arg17[%add3A_366, %broadcast_in_dim3A_458] : memref<80x72xi32, #tpu.memory_space<vmem>>[vector<16xi32>, vector<16xi32>], vector<16xi32>,
          %bitcast3A_461 = vector.bitcast %gather3A_459 : vector<16xi32> to vector<32xbf16>
          %unpack3A_462 = tpu.unpack_subelements %bitcast3A_461, 0 {pack_format = #tpu.pack_format<interleaved>} : vector<32xbf16> -> vector<16xf32>
          %unpack3A_463 = tpu.unpack_subelements %bitcast3A_461, 1 {pack_format = #tpu.pack_format<interleaved>} : vector<32xbf16> -> vector<16xf32>
          %bitcast3A_464 = vector.bitcast %gather3A_460 : vector<16xi32> to vector<32xbf16>
          %unpack3A_465 = tpu.unpack_subelements %bitcast3A_464, 0 {pack_format = #tpu.pack_format<interleaved>} : vector<32xbf16> -> vector<16xf32>
          %unpack3A_466 = tpu.unpack_subelements %bitcast3A_464, 1 {pack_format = #tpu.pack_format<interleaved>} : vector<32xbf16> -> vector<16xf32>
          %mul3A_467 = arith.mulf %unpack3A_462, %unpack3A_465 : vector<16xf32>
          %add3A_468 = arith.addf %add3A_434, %mul3A_467 : vector<16xf32>
          %mul3A_469 = arith.mulf %unpack3A_463, %unpack3A_466 : vector<16xf32>
          %add3A_470 = arith.addf %add3A_436, %mul3A_469 : vector<16xf32>
          %mul3A_471 = arith.constant 8 : i32
          %mul3A_472 = arith.muli %scan3A_384, %mul3A_471 : i32
          %add3A_473 = arith.constant 5 : i32
          %add3A_474 = arith.addi %mul3A_472, %add3A_473 : i32
          %broadcast_in_dim3A_475 = vector.broadcast %add3A_474 : i32 to vector<16xi32>
          %gather3A_476 = tpu.vector_load_idx %arg11[%add3A_366, %broadcast_in_dim3A_475] : memref<80x72xi32, #tpu.memory_space<vmem>>[vector<16xi32>, vector<16xi32>], vector<16xi32>,
          %gather3A_477 = tpu.vector_load_idx %arg17[%add3A_366, %broadcast_in_dim3A_475] : memref<80x72xi32, #tpu.memory_space<vmem>>[vector<16xi32>, vector<16xi32>], vector<16xi32>,
          %bitcast3A_478 = vector.bitcast %gather3A_476 : vector<16xi32> to vector<32xbf16>
          %unpack3A_479 = tpu.unpack_subelements %bitcast3A_478, 0 {pack_format = #tpu.pack_format<interleaved>} : vector<32xbf16> -> vector<16xf32>
          %unpack3A_480 = tpu.unpack_subelements %bitcast3A_478, 1 {pack_format = #tpu.pack_format<interleaved>} : vector<32xbf16> -> vector<16xf32>
          %bitcast3A_481 = vector.bitcast %gather3A_477 : vector<16xi32> to vector<32xbf16>
          %unpack3A_482 = tpu.unpack_subelements %bitcast3A_481, 0 {pack_format = #tpu.pack_format<interleaved>} : vector<32xbf16> -> vector<16xf32>
          %unpack3A_483 = tpu.unpack_subelements %bitcast3A_481, 1 {pack_format = #tpu.pack_format<interleaved>} : vector<32xbf16> -> vector<16xf32>
          %mul3A_484 = arith.mulf %unpack3A_479, %unpack3A_482 : vector<16xf32>
          %add3A_485 = arith.addf %add3A_451, %mul3A_484 : vector<16xf32>
          %mul3A_486 = arith.mulf %unpack3A_480, %unpack3A_483 : vector<16xf32>
          %add3A_487 = arith.addf %add3A_453, %mul3A_486 : vector<16xf32>
          %mul3A_488 = arith.constant 8 : i32
          %mul3A_489 = arith.muli %scan3A_384, %mul3A_488 : i32
          %add3A_490 = arith.constant 6 : i32
          %add3A_491 = arith.addi %mul3A_489, %add3A_490 : i32
          %broadcast_in_dim3A_492 = vector.broadcast %add3A_491 : i32 to vector<16xi32>
          %gather3A_493 = tpu.vector_load_idx %arg11[%add3A_366, %broadcast_in_dim3A_492] : memref<80x72xi32, #tpu.memory_space<vmem>>[vector<16xi32>, vector<16xi32>], vector<16xi32>,
          %gather3A_494 = tpu.vector_load_idx %arg17[%add3A_366, %broadcast_in_dim3A_492] : memref<80x72xi32, #tpu.memory_space<vmem>>[vector<16xi32>, vector<16xi32>], vector<16xi32>,
          %bitcast3A_495 = vector.bitcast %gather3A_493 : vector<16xi32> to vector<32xbf16>
          %unpack3A_496 = tpu.unpack_subelements %bitcast3A_495, 0 {pack_format = #tpu.pack_format<interleaved>} : vector<32xbf16> -> vector<16xf32>
          %unpack3A_497 = tpu.unpack_subelements %bitcast3A_495, 1 {pack_format = #tpu.pack_format<interleaved>} : vector<32xbf16> -> vector<16xf32>
          %bitcast3A_498 = vector.bitcast %gather3A_494 : vector<16xi32> to vector<32xbf16>
          %unpack3A_499 = tpu.unpack_subelements %bitcast3A_498, 0 {pack_format = #tpu.pack_format<interleaved>} : vector<32xbf16> -> vector<16xf32>
          %unpack3A_500 = tpu.unpack_subelements %bitcast3A_498, 1 {pack_format = #tpu.pack_format<interleaved>} : vector<32xbf16> -> vector<16xf32>
          %mul3A_501 = arith.mulf %unpack3A_496, %unpack3A_499 : vector<16xf32>
          %add3A_502 = arith.addf %add3A_468, %mul3A_501 : vector<16xf32>
          %mul3A_503 = arith.mulf %unpack3A_497, %unpack3A_500 : vector<16xf32>
          %add3A_504 = arith.addf %add3A_470, %mul3A_503 : vector<16xf32>
          %mul3A_505 = arith.constant 8 : i32
          %mul3A_506 = arith.muli %scan3A_384, %mul3A_505 : i32
          %add3A_507 = arith.constant 7 : i32
          %add3A_508 = arith.addi %mul3A_506, %add3A_507 : i32
          %broadcast_in_dim3A_509 = vector.broadcast %add3A_508 : i32 to vector<16xi32>
          %gather3A_510 = tpu.vector_load_idx %arg11[%add3A_366, %broadcast_in_dim3A_509] : memref<80x72xi32, #tpu.memory_space<vmem>>[vector<16xi32>, vector<16xi32>], vector<16xi32>,
          %gather3A_511 = tpu.vector_load_idx %arg17[%add3A_366, %broadcast_in_dim3A_509] : memref<80x72xi32, #tpu.memory_space<vmem>>[vector<16xi32>, vector<16xi32>], vector<16xi32>,
          %bitcast3A_512 = vector.bitcast %gather3A_510 : vector<16xi32> to vector<32xbf16>
          %unpack3A_513 = tpu.unpack_subelements %bitcast3A_512, 0 {pack_format = #tpu.pack_format<interleaved>} : vector<32xbf16> -> vector<16xf32>
          %unpack3A_514 = tpu.unpack_subelements %bitcast3A_512, 1 {pack_format = #tpu.pack_format<interleaved>} : vector<32xbf16> -> vector<16xf32>
          %bitcast3A_515 = vector.bitcast %gather3A_511 : vector<16xi32> to vector<32xbf16>
          %unpack3A_516 = tpu.unpack_subelements %bitcast3A_515, 0 {pack_format = #tpu.pack_format<interleaved>} : vector<32xbf16> -> vector<16xf32>
          %unpack3A_517 = tpu.unpack_subelements %bitcast3A_515, 1 {pack_format = #tpu.pack_format<interleaved>} : vector<32xbf16> -> vector<16xf32>
          %mul3A_518 = arith.mulf %unpack3A_513, %unpack3A_516 : vector<16xf32>
          %add3A_519 = arith.addf %add3A_485, %mul3A_518 : vector<16xf32>
          %mul3A_520 = arith.mulf %unpack3A_514, %unpack3A_517 : vector<16xf32>
          %add3A_521 = arith.addf %add3A_487, %mul3A_520 : vector<16xf32>
          scf.yield %add3A_502, %add3A_504, %add3A_519, %add3A_521 : vector<16xf32>, vector<16xf32>, vector<16xf32>, vector<16xf32>
        }
        %scan3A_373 = arith.constant 8 : i32
        %add3A_374 = arith.addf %scan3A_372#0, %scan3A_372#1 : vector<16xf32>
        %add3A_375 = arith.addf %scan3A_372#2, %scan3A_372#3 : vector<16xf32>
        %add3A_376 = arith.addf %add3A_374, %add3A_375 : vector<16xf32>
        %mul3A_377 = arith.constant 80 : i32
        %mul3A_378 = arith.muli %add3A_278, %mul3A_377 : i32
        %mul3A_379 = arith.constant 16 : i32
        %mul3A_380 = arith.muli %scan3A_362, %mul3A_379 : i32
        %add3A_381 = arith.addi %mul3A_378, %mul3A_380 : i32
        %add3A_382 = vector.broadcast %add3A_381 : i32 to vector<16xi32>
        %add3A_383 = arith.addi %add3A_382, %iota3A : vector<16xi32>
        tpu.vector_store_idx %arg20[%add3A_383], %add3A_376 : memref<10000xf32, #tpu.memory_space<vmem>>[vector<16xi32>], vector<16xf32>,
      }
      %scan3A_296 = arith.constant 5 : i32
      %add3A_297 = arith.constant 6 : i32
      %add3A_298 = arith.addi %add3A_278, %add3A_297 : i32
      %lt3A_299 = arith.constant 125 : i32
      %lt3A_300 = arith.cmpi slt, %add3A_298, %lt3A_299 : i32
      %convert_element_type3A_301 = arith.extui %lt3A_300 : i1 to i32
      %cond3A_302 = arith.constant 0 : i32
      %cond3A_303 = arith.cmpi ne, %convert_element_type3A_301, %cond3A_302 : i32
      scf.if %cond3A_303 {
        %dma_start3A_362 = arith.constant 0 : i32
        %dma_start3A_363 = tpu.memref_slice %arg6[%add3A_298, %dma_start3A_362] : memref<125x80xi32, #tpu.memory_space<vmem>> -> memref<1x80xi32, #tpu.memory_space<vmem>>
        %dma_start3A_364 = tpu.memref_squeeze %dma_start3A_363 : memref<1x80xi32, #tpu.memory_space<vmem>> -> memref<80xi32, #tpu.memory_space<vmem>>
        %dma_start3A_365 = arith.constant 0 : i32
        %dma_start3A_366 = arith.constant 0 : i32
        %dma_start3A_367 = tpu.memref_slice %arg2[%dma_start3A_365, %dma_start3A_366] : memref<10000x72xi32, #tpu.memory_space<hbm>> -> memref<10000x72xi32, #tpu.memory_space<hbm>>
        tpu.enqueue_indirect_dma source(%dma_start3A_367 : memref<10000x72xi32, #tpu.memory_space<hbm>>) target(%arg11 : memref<80x72xi32, #tpu.memory_space<vmem>>) offsets(%dma_start3A_364 : memref<80xi32, #tpu.memory_space<vmem>>) semaphore(%arg24 : memref<!tpu.dma_semaphore, #tpu.memory_space<semaphore_mem>>)
        %dma_start3A_368 = arith.constant 0 : i32
        %dma_start3A_369 = tpu.memref_slice %arg7[%add3A_298, %dma_start3A_368] : memref<125x80xi32, #tpu.memory_space<vmem>> -> memref<1x80xi32, #tpu.memory_space<vmem>>
        %dma_start3A_370 = tpu.memref_squeeze %dma_start3A_369 : memref<1x80xi32, #tpu.memory_space<vmem>> -> memref<80xi32, #tpu.memory_space<vmem>>
        %dma_start3A_371 = arith.constant 0 : i32
        %dma_start3A_372 = arith.constant 0 : i32
        %dma_start3A_373 = tpu.memref_slice %arg2[%dma_start3A_371, %dma_start3A_372] : memref<10000x72xi32, #tpu.memory_space<hbm>> -> memref<10000x72xi32, #tpu.memory_space<hbm>>
        tpu.enqueue_indirect_dma source(%dma_start3A_373 : memref<10000x72xi32, #tpu.memory_space<hbm>>) target(%arg17 : memref<80x72xi32, #tpu.memory_space<vmem>>) offsets(%dma_start3A_370 : memref<80xi32, #tpu.memory_space<vmem>>) semaphore(%arg30 : memref<!tpu.dma_semaphore, #tpu.memory_space<semaphore_mem>>)
      } else {
      }
      %mul3A_304 = arith.constant 6 : i32
      %mul3A_305 = arith.muli %mul3A_304, %scan3A_190 : i32
      %add3A_306 = arith.constant 4 : i32
      %add3A_307 = arith.addi %mul3A_305, %add3A_306 : i32
      %dma_wait3A_308 = arith.constant 0 : i32
      %dma_wait3A_309 = tpu.memref_slice %arg6[%add3A_307, %dma_wait3A_308] : memref<125x80xi32, #tpu.memory_space<vmem>> -> memref<1x80xi32, #tpu.memory_space<vmem>>
      %dma_wait3A_310 = tpu.memref_squeeze %dma_wait3A_309 : memref<1x80xi32, #tpu.memory_space<vmem>> -> memref<80xi32, #tpu.memory_space<vmem>>
      %dma_wait3A_311 = arith.constant 0 : i32
      %dma_wait3A_312 = arith.constant 0 : i32
      %dma_wait3A_313 = tpu.memref_slice %arg2[%dma_wait3A_311, %dma_wait3A_312] : memref<10000x72xi32, #tpu.memory_space<hbm>> -> memref<10000x72xi32, #tpu.memory_space<hbm>>
      tpu.wait_indirect_dma semaphore(%arg25 : memref<!tpu.dma_semaphore, #tpu.memory_space<semaphore_mem>>) src(%dma_wait3A_313 : memref<10000x72xi32, #tpu.memory_space<hbm>>) dst(%arg12 : memref<80x72xi32, #tpu.memory_space<vmem>>)
      %dma_wait3A_314 = arith.constant 0 : i32
      %dma_wait3A_315 = tpu.memref_slice %arg7[%add3A_307, %dma_wait3A_314] : memref<125x80xi32, #tpu.memory_space<vmem>> -> memref<1x80xi32, #tpu.memory_space<vmem>>
      %dma_wait3A_316 = tpu.memref_squeeze %dma_wait3A_315 : memref<1x80xi32, #tpu.memory_space<vmem>> -> memref<80xi32, #tpu.memory_space<vmem>>
      %dma_wait3A_317 = arith.constant 0 : i32
      %dma_wait3A_318 = arith.constant 0 : i32
      %dma_wait3A_319 = tpu.memref_slice %arg2[%dma_wait3A_317, %dma_wait3A_318] : memref<10000x72xi32, #tpu.memory_space<hbm>> -> memref<10000x72xi32, #tpu.memory_space<hbm>>
      tpu.wait_indirect_dma semaphore(%arg31 : memref<!tpu.dma_semaphore, #tpu.memory_space<semaphore_mem>>) src(%dma_wait3A_319 : memref<10000x72xi32, #tpu.memory_space<hbm>>) dst(%arg18 : memref<80x72xi32, #tpu.memory_space<vmem>>)
      %scan3A_320 = arith.constant 0 : i32
      %scan3A_321 = arith.constant 0 : i32
      %scan3A_322 = arith.constant 5 : i32
      %scan3A_323 = arith.addi %scan3A_321, %scan3A_322 : i32
      %scan3A_324 = arith.constant 1 : i32
      scf.for %scan3A_362 = %scan3A_321 to %scan3A_323 step %scan3A_324  : i32 {
        %mul3A_363 = arith.constant 16 : i32
        %mul3A_364 = arith.muli %scan3A_362, %mul3A_363 : i32
        %add3A_365 = vector.broadcast %mul3A_364 : i32 to vector<16xi32>
        %add3A_366 = arith.addi %add3A_365, %iota3A : vector<16xi32>
        %broadcast_in_dim3A = arith.constant 0.000000e+00 : f32
        %broadcast_in_dim3A_367 = vector.broadcast %broadcast_in_dim3A : f32 to vector<16xf32>
        %scan3A_368 = arith.constant 0 : i32
        %scan3A_369 = arith.constant 8 : i32
        %scan3A_370 = arith.addi %scan3A_368, %scan3A_369 : i32
        %scan3A_371 = arith.constant 1 : i32
        %scan3A_372:4 = scf.for %scan3A_384 = %scan3A_368 to %scan3A_370 step %scan3A_371 iter_args(%scan3A_385 = %broadcast_in_dim3A_367, %scan3A_386 = %broadcast_in_dim3A_367, %scan3A_387 = %broadcast_in_dim3A_367, %scan3A_388 = %broadcast_in_dim3A_367) -> (vector<16xf32>, vector<16xf32>, vector<16xf32>, vector<16xf32>)  : i32 {
          %mul3A_389 = arith.constant 8 : i32
          %mul3A_390 = arith.muli %scan3A_384, %mul3A_389 : i32
          %add3A_391 = arith.constant 0 : i32
          %add3A_392 = arith.addi %mul3A_390, %add3A_391 : i32
          %broadcast_in_dim3A_393 = vector.broadcast %add3A_392 : i32 to vector<16xi32>
          %gather3A = tpu.vector_load_idx %arg12[%add3A_366, %broadcast_in_dim3A_393] : memref<80x72xi32, #tpu.memory_space<vmem>>[vector<16xi32>, vector<16xi32>], vector<16xi32>,
          %gather3A_394 = tpu.vector_load_idx %arg18[%add3A_366, %broadcast_in_dim3A_393] : memref<80x72xi32, #tpu.memory_space<vmem>>[vector<16xi32>, vector<16xi32>], vector<16xi32>,
          %bitcast3A = vector.bitcast %gather3A : vector<16xi32> to vector<32xbf16>
          %unpack3A = tpu.unpack_subelements %bitcast3A, 0 {pack_format = #tpu.pack_format<interleaved>} : vector<32xbf16> -> vector<16xf32>
          %unpack3A_395 = tpu.unpack_subelements %bitcast3A, 1 {pack_format = #tpu.pack_format<interleaved>} : vector<32xbf16> -> vector<16xf32>
          %bitcast3A_396 = vector.bitcast %gather3A_394 : vector<16xi32> to vector<32xbf16>
          %unpack3A_397 = tpu.unpack_subelements %bitcast3A_396, 0 {pack_format = #tpu.pack_format<interleaved>} : vector<32xbf16> -> vector<16xf32>
          %unpack3A_398 = tpu.unpack_subelements %bitcast3A_396, 1 {pack_format = #tpu.pack_format<interleaved>} : vector<32xbf16> -> vector<16xf32>
          %mul3A_399 = arith.mulf %unpack3A, %unpack3A_397 : vector<16xf32>
          %add3A_400 = arith.addf %scan3A_385, %mul3A_399 : vector<16xf32>
          %mul3A_401 = arith.mulf %unpack3A_395, %unpack3A_398 : vector<16xf32>
          %add3A_402 = arith.addf %scan3A_386, %mul3A_401 : vector<16xf32>
          %mul3A_403 = arith.constant 8 : i32
          %mul3A_404 = arith.muli %scan3A_384, %mul3A_403 : i32
          %add3A_405 = arith.constant 1 : i32
          %add3A_406 = arith.addi %mul3A_404, %add3A_405 : i32
          %broadcast_in_dim3A_407 = vector.broadcast %add3A_406 : i32 to vector<16xi32>
          %gather3A_408 = tpu.vector_load_idx %arg12[%add3A_366, %broadcast_in_dim3A_407] : memref<80x72xi32, #tpu.memory_space<vmem>>[vector<16xi32>, vector<16xi32>], vector<16xi32>,
          %gather3A_409 = tpu.vector_load_idx %arg18[%add3A_366, %broadcast_in_dim3A_407] : memref<80x72xi32, #tpu.memory_space<vmem>>[vector<16xi32>, vector<16xi32>], vector<16xi32>,
          %bitcast3A_410 = vector.bitcast %gather3A_408 : vector<16xi32> to vector<32xbf16>
          %unpack3A_411 = tpu.unpack_subelements %bitcast3A_410, 0 {pack_format = #tpu.pack_format<interleaved>} : vector<32xbf16> -> vector<16xf32>
          %unpack3A_412 = tpu.unpack_subelements %bitcast3A_410, 1 {pack_format = #tpu.pack_format<interleaved>} : vector<32xbf16> -> vector<16xf32>
          %bitcast3A_413 = vector.bitcast %gather3A_409 : vector<16xi32> to vector<32xbf16>
          %unpack3A_414 = tpu.unpack_subelements %bitcast3A_413, 0 {pack_format = #tpu.pack_format<interleaved>} : vector<32xbf16> -> vector<16xf32>
          %unpack3A_415 = tpu.unpack_subelements %bitcast3A_413, 1 {pack_format = #tpu.pack_format<interleaved>} : vector<32xbf16> -> vector<16xf32>
          %mul3A_416 = arith.mulf %unpack3A_411, %unpack3A_414 : vector<16xf32>
          %add3A_417 = arith.addf %scan3A_387, %mul3A_416 : vector<16xf32>
          %mul3A_418 = arith.mulf %unpack3A_412, %unpack3A_415 : vector<16xf32>
          %add3A_419 = arith.addf %scan3A_388, %mul3A_418 : vector<16xf32>
          %mul3A_420 = arith.constant 8 : i32
          %mul3A_421 = arith.muli %scan3A_384, %mul3A_420 : i32
          %add3A_422 = arith.constant 2 : i32
          %add3A_423 = arith.addi %mul3A_421, %add3A_422 : i32
          %broadcast_in_dim3A_424 = vector.broadcast %add3A_423 : i32 to vector<16xi32>
          %gather3A_425 = tpu.vector_load_idx %arg12[%add3A_366, %broadcast_in_dim3A_424] : memref<80x72xi32, #tpu.memory_space<vmem>>[vector<16xi32>, vector<16xi32>], vector<16xi32>,
          %gather3A_426 = tpu.vector_load_idx %arg18[%add3A_366, %broadcast_in_dim3A_424] : memref<80x72xi32, #tpu.memory_space<vmem>>[vector<16xi32>, vector<16xi32>], vector<16xi32>,
          %bitcast3A_427 = vector.bitcast %gather3A_425 : vector<16xi32> to vector<32xbf16>
          %unpack3A_428 = tpu.unpack_subelements %bitcast3A_427, 0 {pack_format = #tpu.pack_format<interleaved>} : vector<32xbf16> -> vector<16xf32>
          %unpack3A_429 = tpu.unpack_subelements %bitcast3A_427, 1 {pack_format = #tpu.pack_format<interleaved>} : vector<32xbf16> -> vector<16xf32>
          %bitcast3A_430 = vector.bitcast %gather3A_426 : vector<16xi32> to vector<32xbf16>
          %unpack3A_431 = tpu.unpack_subelements %bitcast3A_430, 0 {pack_format = #tpu.pack_format<interleaved>} : vector<32xbf16> -> vector<16xf32>
          %unpack3A_432 = tpu.unpack_subelements %bitcast3A_430, 1 {pack_format = #tpu.pack_format<interleaved>} : vector<32xbf16> -> vector<16xf32>
          %mul3A_433 = arith.mulf %unpack3A_428, %unpack3A_431 : vector<16xf32>
          %add3A_434 = arith.addf %add3A_400, %mul3A_433 : vector<16xf32>
          %mul3A_435 = arith.mulf %unpack3A_429, %unpack3A_432 : vector<16xf32>
          %add3A_436 = arith.addf %add3A_402, %mul3A_435 : vector<16xf32>
          %mul3A_437 = arith.constant 8 : i32
          %mul3A_438 = arith.muli %scan3A_384, %mul3A_437 : i32
          %add3A_439 = arith.constant 3 : i32
          %add3A_440 = arith.addi %mul3A_438, %add3A_439 : i32
          %broadcast_in_dim3A_441 = vector.broadcast %add3A_440 : i32 to vector<16xi32>
          %gather3A_442 = tpu.vector_load_idx %arg12[%add3A_366, %broadcast_in_dim3A_441] : memref<80x72xi32, #tpu.memory_space<vmem>>[vector<16xi32>, vector<16xi32>], vector<16xi32>,
          %gather3A_443 = tpu.vector_load_idx %arg18[%add3A_366, %broadcast_in_dim3A_441] : memref<80x72xi32, #tpu.memory_space<vmem>>[vector<16xi32>, vector<16xi32>], vector<16xi32>,
          %bitcast3A_444 = vector.bitcast %gather3A_442 : vector<16xi32> to vector<32xbf16>
          %unpack3A_445 = tpu.unpack_subelements %bitcast3A_444, 0 {pack_format = #tpu.pack_format<interleaved>} : vector<32xbf16> -> vector<16xf32>
          %unpack3A_446 = tpu.unpack_subelements %bitcast3A_444, 1 {pack_format = #tpu.pack_format<interleaved>} : vector<32xbf16> -> vector<16xf32>
          %bitcast3A_447 = vector.bitcast %gather3A_443 : vector<16xi32> to vector<32xbf16>
          %unpack3A_448 = tpu.unpack_subelements %bitcast3A_447, 0 {pack_format = #tpu.pack_format<interleaved>} : vector<32xbf16> -> vector<16xf32>
          %unpack3A_449 = tpu.unpack_subelements %bitcast3A_447, 1 {pack_format = #tpu.pack_format<interleaved>} : vector<32xbf16> -> vector<16xf32>
          %mul3A_450 = arith.mulf %unpack3A_445, %unpack3A_448 : vector<16xf32>
          %add3A_451 = arith.addf %add3A_417, %mul3A_450 : vector<16xf32>
          %mul3A_452 = arith.mulf %unpack3A_446, %unpack3A_449 : vector<16xf32>
          %add3A_453 = arith.addf %add3A_419, %mul3A_452 : vector<16xf32>
          %mul3A_454 = arith.constant 8 : i32
          %mul3A_455 = arith.muli %scan3A_384, %mul3A_454 : i32
          %add3A_456 = arith.constant 4 : i32
          %add3A_457 = arith.addi %mul3A_455, %add3A_456 : i32
          %broadcast_in_dim3A_458 = vector.broadcast %add3A_457 : i32 to vector<16xi32>
          %gather3A_459 = tpu.vector_load_idx %arg12[%add3A_366, %broadcast_in_dim3A_458] : memref<80x72xi32, #tpu.memory_space<vmem>>[vector<16xi32>, vector<16xi32>], vector<16xi32>,
          %gather3A_460 = tpu.vector_load_idx %arg18[%add3A_366, %broadcast_in_dim3A_458] : memref<80x72xi32, #tpu.memory_space<vmem>>[vector<16xi32>, vector<16xi32>], vector<16xi32>,
          %bitcast3A_461 = vector.bitcast %gather3A_459 : vector<16xi32> to vector<32xbf16>
          %unpack3A_462 = tpu.unpack_subelements %bitcast3A_461, 0 {pack_format = #tpu.pack_format<interleaved>} : vector<32xbf16> -> vector<16xf32>
          %unpack3A_463 = tpu.unpack_subelements %bitcast3A_461, 1 {pack_format = #tpu.pack_format<interleaved>} : vector<32xbf16> -> vector<16xf32>
          %bitcast3A_464 = vector.bitcast %gather3A_460 : vector<16xi32> to vector<32xbf16>
          %unpack3A_465 = tpu.unpack_subelements %bitcast3A_464, 0 {pack_format = #tpu.pack_format<interleaved>} : vector<32xbf16> -> vector<16xf32>
          %unpack3A_466 = tpu.unpack_subelements %bitcast3A_464, 1 {pack_format = #tpu.pack_format<interleaved>} : vector<32xbf16> -> vector<16xf32>
          %mul3A_467 = arith.mulf %unpack3A_462, %unpack3A_465 : vector<16xf32>
          %add3A_468 = arith.addf %add3A_434, %mul3A_467 : vector<16xf32>
          %mul3A_469 = arith.mulf %unpack3A_463, %unpack3A_466 : vector<16xf32>
          %add3A_470 = arith.addf %add3A_436, %mul3A_469 : vector<16xf32>
          %mul3A_471 = arith.constant 8 : i32
          %mul3A_472 = arith.muli %scan3A_384, %mul3A_471 : i32
          %add3A_473 = arith.constant 5 : i32
          %add3A_474 = arith.addi %mul3A_472, %add3A_473 : i32
          %broadcast_in_dim3A_475 = vector.broadcast %add3A_474 : i32 to vector<16xi32>
          %gather3A_476 = tpu.vector_load_idx %arg12[%add3A_366, %broadcast_in_dim3A_475] : memref<80x72xi32, #tpu.memory_space<vmem>>[vector<16xi32>, vector<16xi32>], vector<16xi32>,
          %gather3A_477 = tpu.vector_load_idx %arg18[%add3A_366, %broadcast_in_dim3A_475] : memref<80x72xi32, #tpu.memory_space<vmem>>[vector<16xi32>, vector<16xi32>], vector<16xi32>,
          %bitcast3A_478 = vector.bitcast %gather3A_476 : vector<16xi32> to vector<32xbf16>
          %unpack3A_479 = tpu.unpack_subelements %bitcast3A_478, 0 {pack_format = #tpu.pack_format<interleaved>} : vector<32xbf16> -> vector<16xf32>
          %unpack3A_480 = tpu.unpack_subelements %bitcast3A_478, 1 {pack_format = #tpu.pack_format<interleaved>} : vector<32xbf16> -> vector<16xf32>
          %bitcast3A_481 = vector.bitcast %gather3A_477 : vector<16xi32> to vector<32xbf16>
          %unpack3A_482 = tpu.unpack_subelements %bitcast3A_481, 0 {pack_format = #tpu.pack_format<interleaved>} : vector<32xbf16> -> vector<16xf32>
          %unpack3A_483 = tpu.unpack_subelements %bitcast3A_481, 1 {pack_format = #tpu.pack_format<interleaved>} : vector<32xbf16> -> vector<16xf32>
          %mul3A_484 = arith.mulf %unpack3A_479, %unpack3A_482 : vector<16xf32>
          %add3A_485 = arith.addf %add3A_451, %mul3A_484 : vector<16xf32>
          %mul3A_486 = arith.mulf %unpack3A_480, %unpack3A_483 : vector<16xf32>
          %add3A_487 = arith.addf %add3A_453, %mul3A_486 : vector<16xf32>
          %mul3A_488 = arith.constant 8 : i32
          %mul3A_489 = arith.muli %scan3A_384, %mul3A_488 : i32
          %add3A_490 = arith.constant 6 : i32
          %add3A_491 = arith.addi %mul3A_489, %add3A_490 : i32
          %broadcast_in_dim3A_492 = vector.broadcast %add3A_491 : i32 to vector<16xi32>
          %gather3A_493 = tpu.vector_load_idx %arg12[%add3A_366, %broadcast_in_dim3A_492] : memref<80x72xi32, #tpu.memory_space<vmem>>[vector<16xi32>, vector<16xi32>], vector<16xi32>,
          %gather3A_494 = tpu.vector_load_idx %arg18[%add3A_366, %broadcast_in_dim3A_492] : memref<80x72xi32, #tpu.memory_space<vmem>>[vector<16xi32>, vector<16xi32>], vector<16xi32>,
          %bitcast3A_495 = vector.bitcast %gather3A_493 : vector<16xi32> to vector<32xbf16>
          %unpack3A_496 = tpu.unpack_subelements %bitcast3A_495, 0 {pack_format = #tpu.pack_format<interleaved>} : vector<32xbf16> -> vector<16xf32>
          %unpack3A_497 = tpu.unpack_subelements %bitcast3A_495, 1 {pack_format = #tpu.pack_format<interleaved>} : vector<32xbf16> -> vector<16xf32>
          %bitcast3A_498 = vector.bitcast %gather3A_494 : vector<16xi32> to vector<32xbf16>
          %unpack3A_499 = tpu.unpack_subelements %bitcast3A_498, 0 {pack_format = #tpu.pack_format<interleaved>} : vector<32xbf16> -> vector<16xf32>
          %unpack3A_500 = tpu.unpack_subelements %bitcast3A_498, 1 {pack_format = #tpu.pack_format<interleaved>} : vector<32xbf16> -> vector<16xf32>
          %mul3A_501 = arith.mulf %unpack3A_496, %unpack3A_499 : vector<16xf32>
          %add3A_502 = arith.addf %add3A_468, %mul3A_501 : vector<16xf32>
          %mul3A_503 = arith.mulf %unpack3A_497, %unpack3A_500 : vector<16xf32>
          %add3A_504 = arith.addf %add3A_470, %mul3A_503 : vector<16xf32>
          %mul3A_505 = arith.constant 8 : i32
          %mul3A_506 = arith.muli %scan3A_384, %mul3A_505 : i32
          %add3A_507 = arith.constant 7 : i32
          %add3A_508 = arith.addi %mul3A_506, %add3A_507 : i32
          %broadcast_in_dim3A_509 = vector.broadcast %add3A_508 : i32 to vector<16xi32>
          %gather3A_510 = tpu.vector_load_idx %arg12[%add3A_366, %broadcast_in_dim3A_509] : memref<80x72xi32, #tpu.memory_space<vmem>>[vector<16xi32>, vector<16xi32>], vector<16xi32>,
          %gather3A_511 = tpu.vector_load_idx %arg18[%add3A_366, %broadcast_in_dim3A_509] : memref<80x72xi32, #tpu.memory_space<vmem>>[vector<16xi32>, vector<16xi32>], vector<16xi32>,
          %bitcast3A_512 = vector.bitcast %gather3A_510 : vector<16xi32> to vector<32xbf16>
          %unpack3A_513 = tpu.unpack_subelements %bitcast3A_512, 0 {pack_format = #tpu.pack_format<interleaved>} : vector<32xbf16> -> vector<16xf32>
          %unpack3A_514 = tpu.unpack_subelements %bitcast3A_512, 1 {pack_format = #tpu.pack_format<interleaved>} : vector<32xbf16> -> vector<16xf32>
          %bitcast3A_515 = vector.bitcast %gather3A_511 : vector<16xi32> to vector<32xbf16>
          %unpack3A_516 = tpu.unpack_subelements %bitcast3A_515, 0 {pack_format = #tpu.pack_format<interleaved>} : vector<32xbf16> -> vector<16xf32>
          %unpack3A_517 = tpu.unpack_subelements %bitcast3A_515, 1 {pack_format = #tpu.pack_format<interleaved>} : vector<32xbf16> -> vector<16xf32>
          %mul3A_518 = arith.mulf %unpack3A_513, %unpack3A_516 : vector<16xf32>
          %add3A_519 = arith.addf %add3A_485, %mul3A_518 : vector<16xf32>
          %mul3A_520 = arith.mulf %unpack3A_514, %unpack3A_517 : vector<16xf32>
          %add3A_521 = arith.addf %add3A_487, %mul3A_520 : vector<16xf32>
          scf.yield %add3A_502, %add3A_504, %add3A_519, %add3A_521 : vector<16xf32>, vector<16xf32>, vector<16xf32>, vector<16xf32>
        }
        %scan3A_373 = arith.constant 8 : i32
        %add3A_374 = arith.addf %scan3A_372#0, %scan3A_372#1 : vector<16xf32>
        %add3A_375 = arith.addf %scan3A_372#2, %scan3A_372#3 : vector<16xf32>
        %add3A_376 = arith.addf %add3A_374, %add3A_375 : vector<16xf32>
        %mul3A_377 = arith.constant 80 : i32
        %mul3A_378 = arith.muli %add3A_307, %mul3A_377 : i32
        %mul3A_379 = arith.constant 16 : i32
        %mul3A_380 = arith.muli %scan3A_362, %mul3A_379 : i32
        %add3A_381 = arith.addi %mul3A_378, %mul3A_380 : i32
        %add3A_382 = vector.broadcast %add3A_381 : i32 to vector<16xi32>
        %add3A_383 = arith.addi %add3A_382, %iota3A : vector<16xi32>
        tpu.vector_store_idx %arg20[%add3A_383], %add3A_376 : memref<10000xf32, #tpu.memory_space<vmem>>[vector<16xi32>], vector<16xf32>,
      }
      %scan3A_325 = arith.constant 5 : i32
      %add3A_326 = arith.constant 6 : i32
      %add3A_327 = arith.addi %add3A_307, %add3A_326 : i32
      %lt3A_328 = arith.constant 125 : i32
      %lt3A_329 = arith.cmpi slt, %add3A_327, %lt3A_328 : i32
      %convert_element_type3A_330 = arith.extui %lt3A_329 : i1 to i32
      %cond3A_331 = arith.constant 0 : i32
      %cond3A_332 = arith.cmpi ne, %convert_element_type3A_330, %cond3A_331 : i32
      scf.if %cond3A_332 {
        %dma_start3A_362 = arith.constant 0 : i32
        %dma_start3A_363 = tpu.memref_slice %arg6[%add3A_327, %dma_start3A_362] : memref<125x80xi32, #tpu.memory_space<vmem>> -> memref<1x80xi32, #tpu.memory_space<vmem>>
        %dma_start3A_364 = tpu.memref_squeeze %dma_start3A_363 : memref<1x80xi32, #tpu.memory_space<vmem>> -> memref<80xi32, #tpu.memory_space<vmem>>
        %dma_start3A_365 = arith.constant 0 : i32
        %dma_start3A_366 = arith.constant 0 : i32
        %dma_start3A_367 = tpu.memref_slice %arg2[%dma_start3A_365, %dma_start3A_366] : memref<10000x72xi32, #tpu.memory_space<hbm>> -> memref<10000x72xi32, #tpu.memory_space<hbm>>
        tpu.enqueue_indirect_dma source(%dma_start3A_367 : memref<10000x72xi32, #tpu.memory_space<hbm>>) target(%arg12 : memref<80x72xi32, #tpu.memory_space<vmem>>) offsets(%dma_start3A_364 : memref<80xi32, #tpu.memory_space<vmem>>) semaphore(%arg25 : memref<!tpu.dma_semaphore, #tpu.memory_space<semaphore_mem>>)
        %dma_start3A_368 = arith.constant 0 : i32
        %dma_start3A_369 = tpu.memref_slice %arg7[%add3A_327, %dma_start3A_368] : memref<125x80xi32, #tpu.memory_space<vmem>> -> memref<1x80xi32, #tpu.memory_space<vmem>>
        %dma_start3A_370 = tpu.memref_squeeze %dma_start3A_369 : memref<1x80xi32, #tpu.memory_space<vmem>> -> memref<80xi32, #tpu.memory_space<vmem>>
        %dma_start3A_371 = arith.constant 0 : i32
        %dma_start3A_372 = arith.constant 0 : i32
        %dma_start3A_373 = tpu.memref_slice %arg2[%dma_start3A_371, %dma_start3A_372] : memref<10000x72xi32, #tpu.memory_space<hbm>> -> memref<10000x72xi32, #tpu.memory_space<hbm>>
        tpu.enqueue_indirect_dma source(%dma_start3A_373 : memref<10000x72xi32, #tpu.memory_space<hbm>>) target(%arg18 : memref<80x72xi32, #tpu.memory_space<vmem>>) offsets(%dma_start3A_370 : memref<80xi32, #tpu.memory_space<vmem>>) semaphore(%arg31 : memref<!tpu.dma_semaphore, #tpu.memory_space<semaphore_mem>>)
      } else {
      }
      %mul3A_333 = arith.constant 6 : i32
      %mul3A_334 = arith.muli %mul3A_333, %scan3A_190 : i32
      %add3A_335 = arith.constant 5 : i32
      %add3A_336 = arith.addi %mul3A_334, %add3A_335 : i32
      %dma_wait3A_337 = arith.constant 0 : i32
      %dma_wait3A_338 = tpu.memref_slice %arg6[%add3A_336, %dma_wait3A_337] : memref<125x80xi32, #tpu.memory_space<vmem>> -> memref<1x80xi32, #tpu.memory_space<vmem>>
      %dma_wait3A_339 = tpu.memref_squeeze %dma_wait3A_338 : memref<1x80xi32, #tpu.memory_space<vmem>> -> memref<80xi32, #tpu.memory_space<vmem>>
      %dma_wait3A_340 = arith.constant 0 : i32
      %dma_wait3A_341 = arith.constant 0 : i32
      %dma_wait3A_342 = tpu.memref_slice %arg2[%dma_wait3A_340, %dma_wait3A_341] : memref<10000x72xi32, #tpu.memory_space<hbm>> -> memref<10000x72xi32, #tpu.memory_space<hbm>>
      tpu.wait_indirect_dma semaphore(%arg26 : memref<!tpu.dma_semaphore, #tpu.memory_space<semaphore_mem>>) src(%dma_wait3A_342 : memref<10000x72xi32, #tpu.memory_space<hbm>>) dst(%arg13 : memref<80x72xi32, #tpu.memory_space<vmem>>)
      %dma_wait3A_343 = arith.constant 0 : i32
      %dma_wait3A_344 = tpu.memref_slice %arg7[%add3A_336, %dma_wait3A_343] : memref<125x80xi32, #tpu.memory_space<vmem>> -> memref<1x80xi32, #tpu.memory_space<vmem>>
      %dma_wait3A_345 = tpu.memref_squeeze %dma_wait3A_344 : memref<1x80xi32, #tpu.memory_space<vmem>> -> memref<80xi32, #tpu.memory_space<vmem>>
      %dma_wait3A_346 = arith.constant 0 : i32
      %dma_wait3A_347 = arith.constant 0 : i32
      %dma_wait3A_348 = tpu.memref_slice %arg2[%dma_wait3A_346, %dma_wait3A_347] : memref<10000x72xi32, #tpu.memory_space<hbm>> -> memref<10000x72xi32, #tpu.memory_space<hbm>>
      tpu.wait_indirect_dma semaphore(%arg32 : memref<!tpu.dma_semaphore, #tpu.memory_space<semaphore_mem>>) src(%dma_wait3A_348 : memref<10000x72xi32, #tpu.memory_space<hbm>>) dst(%arg19 : memref<80x72xi32, #tpu.memory_space<vmem>>)
      %scan3A_349 = arith.constant 0 : i32
      %scan3A_350 = arith.constant 0 : i32
      %scan3A_351 = arith.constant 5 : i32
      %scan3A_352 = arith.addi %scan3A_350, %scan3A_351 : i32
      %scan3A_353 = arith.constant 1 : i32
      scf.for %scan3A_362 = %scan3A_350 to %scan3A_352 step %scan3A_353  : i32 {
        %mul3A_363 = arith.constant 16 : i32
        %mul3A_364 = arith.muli %scan3A_362, %mul3A_363 : i32
        %add3A_365 = vector.broadcast %mul3A_364 : i32 to vector<16xi32>
        %add3A_366 = arith.addi %add3A_365, %iota3A : vector<16xi32>
        %broadcast_in_dim3A = arith.constant 0.000000e+00 : f32
        %broadcast_in_dim3A_367 = vector.broadcast %broadcast_in_dim3A : f32 to vector<16xf32>
        %scan3A_368 = arith.constant 0 : i32
        %scan3A_369 = arith.constant 8 : i32
        %scan3A_370 = arith.addi %scan3A_368, %scan3A_369 : i32
        %scan3A_371 = arith.constant 1 : i32
        %scan3A_372:4 = scf.for %scan3A_384 = %scan3A_368 to %scan3A_370 step %scan3A_371 iter_args(%scan3A_385 = %broadcast_in_dim3A_367, %scan3A_386 = %broadcast_in_dim3A_367, %scan3A_387 = %broadcast_in_dim3A_367, %scan3A_388 = %broadcast_in_dim3A_367) -> (vector<16xf32>, vector<16xf32>, vector<16xf32>, vector<16xf32>)  : i32 {
          %mul3A_389 = arith.constant 8 : i32
          %mul3A_390 = arith.muli %scan3A_384, %mul3A_389 : i32
          %add3A_391 = arith.constant 0 : i32
          %add3A_392 = arith.addi %mul3A_390, %add3A_391 : i32
          %broadcast_in_dim3A_393 = vector.broadcast %add3A_392 : i32 to vector<16xi32>
          %gather3A = tpu.vector_load_idx %arg13[%add3A_366, %broadcast_in_dim3A_393] : memref<80x72xi32, #tpu.memory_space<vmem>>[vector<16xi32>, vector<16xi32>], vector<16xi32>,
          %gather3A_394 = tpu.vector_load_idx %arg19[%add3A_366, %broadcast_in_dim3A_393] : memref<80x72xi32, #tpu.memory_space<vmem>>[vector<16xi32>, vector<16xi32>], vector<16xi32>,
          %bitcast3A = vector.bitcast %gather3A : vector<16xi32> to vector<32xbf16>
          %unpack3A = tpu.unpack_subelements %bitcast3A, 0 {pack_format = #tpu.pack_format<interleaved>} : vector<32xbf16> -> vector<16xf32>
          %unpack3A_395 = tpu.unpack_subelements %bitcast3A, 1 {pack_format = #tpu.pack_format<interleaved>} : vector<32xbf16> -> vector<16xf32>
          %bitcast3A_396 = vector.bitcast %gather3A_394 : vector<16xi32> to vector<32xbf16>
          %unpack3A_397 = tpu.unpack_subelements %bitcast3A_396, 0 {pack_format = #tpu.pack_format<interleaved>} : vector<32xbf16> -> vector<16xf32>
          %unpack3A_398 = tpu.unpack_subelements %bitcast3A_396, 1 {pack_format = #tpu.pack_format<interleaved>} : vector<32xbf16> -> vector<16xf32>
          %mul3A_399 = arith.mulf %unpack3A, %unpack3A_397 : vector<16xf32>
          %add3A_400 = arith.addf %scan3A_385, %mul3A_399 : vector<16xf32>
          %mul3A_401 = arith.mulf %unpack3A_395, %unpack3A_398 : vector<16xf32>
          %add3A_402 = arith.addf %scan3A_386, %mul3A_401 : vector<16xf32>
          %mul3A_403 = arith.constant 8 : i32
          %mul3A_404 = arith.muli %scan3A_384, %mul3A_403 : i32
          %add3A_405 = arith.constant 1 : i32
          %add3A_406 = arith.addi %mul3A_404, %add3A_405 : i32
          %broadcast_in_dim3A_407 = vector.broadcast %add3A_406 : i32 to vector<16xi32>
          %gather3A_408 = tpu.vector_load_idx %arg13[%add3A_366, %broadcast_in_dim3A_407] : memref<80x72xi32, #tpu.memory_space<vmem>>[vector<16xi32>, vector<16xi32>], vector<16xi32>,
          %gather3A_409 = tpu.vector_load_idx %arg19[%add3A_366, %broadcast_in_dim3A_407] : memref<80x72xi32, #tpu.memory_space<vmem>>[vector<16xi32>, vector<16xi32>], vector<16xi32>,
          %bitcast3A_410 = vector.bitcast %gather3A_408 : vector<16xi32> to vector<32xbf16>
          %unpack3A_411 = tpu.unpack_subelements %bitcast3A_410, 0 {pack_format = #tpu.pack_format<interleaved>} : vector<32xbf16> -> vector<16xf32>
          %unpack3A_412 = tpu.unpack_subelements %bitcast3A_410, 1 {pack_format = #tpu.pack_format<interleaved>} : vector<32xbf16> -> vector<16xf32>
          %bitcast3A_413 = vector.bitcast %gather3A_409 : vector<16xi32> to vector<32xbf16>
          %unpack3A_414 = tpu.unpack_subelements %bitcast3A_413, 0 {pack_format = #tpu.pack_format<interleaved>} : vector<32xbf16> -> vector<16xf32>
          %unpack3A_415 = tpu.unpack_subelements %bitcast3A_413, 1 {pack_format = #tpu.pack_format<interleaved>} : vector<32xbf16> -> vector<16xf32>
          %mul3A_416 = arith.mulf %unpack3A_411, %unpack3A_414 : vector<16xf32>
          %add3A_417 = arith.addf %scan3A_387, %mul3A_416 : vector<16xf32>
          %mul3A_418 = arith.mulf %unpack3A_412, %unpack3A_415 : vector<16xf32>
          %add3A_419 = arith.addf %scan3A_388, %mul3A_418 : vector<16xf32>
          %mul3A_420 = arith.constant 8 : i32
          %mul3A_421 = arith.muli %scan3A_384, %mul3A_420 : i32
          %add3A_422 = arith.constant 2 : i32
          %add3A_423 = arith.addi %mul3A_421, %add3A_422 : i32
          %broadcast_in_dim3A_424 = vector.broadcast %add3A_423 : i32 to vector<16xi32>
          %gather3A_425 = tpu.vector_load_idx %arg13[%add3A_366, %broadcast_in_dim3A_424] : memref<80x72xi32, #tpu.memory_space<vmem>>[vector<16xi32>, vector<16xi32>], vector<16xi32>,
          %gather3A_426 = tpu.vector_load_idx %arg19[%add3A_366, %broadcast_in_dim3A_424] : memref<80x72xi32, #tpu.memory_space<vmem>>[vector<16xi32>, vector<16xi32>], vector<16xi32>,
          %bitcast3A_427 = vector.bitcast %gather3A_425 : vector<16xi32> to vector<32xbf16>
          %unpack3A_428 = tpu.unpack_subelements %bitcast3A_427, 0 {pack_format = #tpu.pack_format<interleaved>} : vector<32xbf16> -> vector<16xf32>
          %unpack3A_429 = tpu.unpack_subelements %bitcast3A_427, 1 {pack_format = #tpu.pack_format<interleaved>} : vector<32xbf16> -> vector<16xf32>
          %bitcast3A_430 = vector.bitcast %gather3A_426 : vector<16xi32> to vector<32xbf16>
          %unpack3A_431 = tpu.unpack_subelements %bitcast3A_430, 0 {pack_format = #tpu.pack_format<interleaved>} : vector<32xbf16> -> vector<16xf32>
          %unpack3A_432 = tpu.unpack_subelements %bitcast3A_430, 1 {pack_format = #tpu.pack_format<interleaved>} : vector<32xbf16> -> vector<16xf32>
          %mul3A_433 = arith.mulf %unpack3A_428, %unpack3A_431 : vector<16xf32>
          %add3A_434 = arith.addf %add3A_400, %mul3A_433 : vector<16xf32>
          %mul3A_435 = arith.mulf %unpack3A_429, %unpack3A_432 : vector<16xf32>
          %add3A_436 = arith.addf %add3A_402, %mul3A_435 : vector<16xf32>
          %mul3A_437 = arith.constant 8 : i32
          %mul3A_438 = arith.muli %scan3A_384, %mul3A_437 : i32
          %add3A_439 = arith.constant 3 : i32
          %add3A_440 = arith.addi %mul3A_438, %add3A_439 : i32
          %broadcast_in_dim3A_441 = vector.broadcast %add3A_440 : i32 to vector<16xi32>
          %gather3A_442 = tpu.vector_load_idx %arg13[%add3A_366, %broadcast_in_dim3A_441] : memref<80x72xi32, #tpu.memory_space<vmem>>[vector<16xi32>, vector<16xi32>], vector<16xi32>,
          %gather3A_443 = tpu.vector_load_idx %arg19[%add3A_366, %broadcast_in_dim3A_441] : memref<80x72xi32, #tpu.memory_space<vmem>>[vector<16xi32>, vector<16xi32>], vector<16xi32>,
          %bitcast3A_444 = vector.bitcast %gather3A_442 : vector<16xi32> to vector<32xbf16>
          %unpack3A_445 = tpu.unpack_subelements %bitcast3A_444, 0 {pack_format = #tpu.pack_format<interleaved>} : vector<32xbf16> -> vector<16xf32>
          %unpack3A_446 = tpu.unpack_subelements %bitcast3A_444, 1 {pack_format = #tpu.pack_format<interleaved>} : vector<32xbf16> -> vector<16xf32>
          %bitcast3A_447 = vector.bitcast %gather3A_443 : vector<16xi32> to vector<32xbf16>
          %unpack3A_448 = tpu.unpack_subelements %bitcast3A_447, 0 {pack_format = #tpu.pack_format<interleaved>} : vector<32xbf16> -> vector<16xf32>
          %unpack3A_449 = tpu.unpack_subelements %bitcast3A_447, 1 {pack_format = #tpu.pack_format<interleaved>} : vector<32xbf16> -> vector<16xf32>
          %mul3A_450 = arith.mulf %unpack3A_445, %unpack3A_448 : vector<16xf32>
          %add3A_451 = arith.addf %add3A_417, %mul3A_450 : vector<16xf32>
          %mul3A_452 = arith.mulf %unpack3A_446, %unpack3A_449 : vector<16xf32>
          %add3A_453 = arith.addf %add3A_419, %mul3A_452 : vector<16xf32>
          %mul3A_454 = arith.constant 8 : i32
          %mul3A_455 = arith.muli %scan3A_384, %mul3A_454 : i32
          %add3A_456 = arith.constant 4 : i32
          %add3A_457 = arith.addi %mul3A_455, %add3A_456 : i32
          %broadcast_in_dim3A_458 = vector.broadcast %add3A_457 : i32 to vector<16xi32>
          %gather3A_459 = tpu.vector_load_idx %arg13[%add3A_366, %broadcast_in_dim3A_458] : memref<80x72xi32, #tpu.memory_space<vmem>>[vector<16xi32>, vector<16xi32>], vector<16xi32>,
          %gather3A_460 = tpu.vector_load_idx %arg19[%add3A_366, %broadcast_in_dim3A_458] : memref<80x72xi32, #tpu.memory_space<vmem>>[vector<16xi32>, vector<16xi32>], vector<16xi32>,
          %bitcast3A_461 = vector.bitcast %gather3A_459 : vector<16xi32> to vector<32xbf16>
          %unpack3A_462 = tpu.unpack_subelements %bitcast3A_461, 0 {pack_format = #tpu.pack_format<interleaved>} : vector<32xbf16> -> vector<16xf32>
          %unpack3A_463 = tpu.unpack_subelements %bitcast3A_461, 1 {pack_format = #tpu.pack_format<interleaved>} : vector<32xbf16> -> vector<16xf32>
          %bitcast3A_464 = vector.bitcast %gather3A_460 : vector<16xi32> to vector<32xbf16>
          %unpack3A_465 = tpu.unpack_subelements %bitcast3A_464, 0 {pack_format = #tpu.pack_format<interleaved>} : vector<32xbf16> -> vector<16xf32>
          %unpack3A_466 = tpu.unpack_subelements %bitcast3A_464, 1 {pack_format = #tpu.pack_format<interleaved>} : vector<32xbf16> -> vector<16xf32>
          %mul3A_467 = arith.mulf %unpack3A_462, %unpack3A_465 : vector<16xf32>
          %add3A_468 = arith.addf %add3A_434, %mul3A_467 : vector<16xf32>
          %mul3A_469 = arith.mulf %unpack3A_463, %unpack3A_466 : vector<16xf32>
          %add3A_470 = arith.addf %add3A_436, %mul3A_469 : vector<16xf32>
          %mul3A_471 = arith.constant 8 : i32
          %mul3A_472 = arith.muli %scan3A_384, %mul3A_471 : i32
          %add3A_473 = arith.constant 5 : i32
          %add3A_474 = arith.addi %mul3A_472, %add3A_473 : i32
          %broadcast_in_dim3A_475 = vector.broadcast %add3A_474 : i32 to vector<16xi32>
          %gather3A_476 = tpu.vector_load_idx %arg13[%add3A_366, %broadcast_in_dim3A_475] : memref<80x72xi32, #tpu.memory_space<vmem>>[vector<16xi32>, vector<16xi32>], vector<16xi32>,
          %gather3A_477 = tpu.vector_load_idx %arg19[%add3A_366, %broadcast_in_dim3A_475] : memref<80x72xi32, #tpu.memory_space<vmem>>[vector<16xi32>, vector<16xi32>], vector<16xi32>,
          %bitcast3A_478 = vector.bitcast %gather3A_476 : vector<16xi32> to vector<32xbf16>
          %unpack3A_479 = tpu.unpack_subelements %bitcast3A_478, 0 {pack_format = #tpu.pack_format<interleaved>} : vector<32xbf16> -> vector<16xf32>
          %unpack3A_480 = tpu.unpack_subelements %bitcast3A_478, 1 {pack_format = #tpu.pack_format<interleaved>} : vector<32xbf16> -> vector<16xf32>
          %bitcast3A_481 = vector.bitcast %gather3A_477 : vector<16xi32> to vector<32xbf16>
          %unpack3A_482 = tpu.unpack_subelements %bitcast3A_481, 0 {pack_format = #tpu.pack_format<interleaved>} : vector<32xbf16> -> vector<16xf32>
          %unpack3A_483 = tpu.unpack_subelements %bitcast3A_481, 1 {pack_format = #tpu.pack_format<interleaved>} : vector<32xbf16> -> vector<16xf32>
          %mul3A_484 = arith.mulf %unpack3A_479, %unpack3A_482 : vector<16xf32>
          %add3A_485 = arith.addf %add3A_451, %mul3A_484 : vector<16xf32>
          %mul3A_486 = arith.mulf %unpack3A_480, %unpack3A_483 : vector<16xf32>
          %add3A_487 = arith.addf %add3A_453, %mul3A_486 : vector<16xf32>
          %mul3A_488 = arith.constant 8 : i32
          %mul3A_489 = arith.muli %scan3A_384, %mul3A_488 : i32
          %add3A_490 = arith.constant 6 : i32
          %add3A_491 = arith.addi %mul3A_489, %add3A_490 : i32
          %broadcast_in_dim3A_492 = vector.broadcast %add3A_491 : i32 to vector<16xi32>
          %gather3A_493 = tpu.vector_load_idx %arg13[%add3A_366, %broadcast_in_dim3A_492] : memref<80x72xi32, #tpu.memory_space<vmem>>[vector<16xi32>, vector<16xi32>], vector<16xi32>,
          %gather3A_494 = tpu.vector_load_idx %arg19[%add3A_366, %broadcast_in_dim3A_492] : memref<80x72xi32, #tpu.memory_space<vmem>>[vector<16xi32>, vector<16xi32>], vector<16xi32>,
          %bitcast3A_495 = vector.bitcast %gather3A_493 : vector<16xi32> to vector<32xbf16>
          %unpack3A_496 = tpu.unpack_subelements %bitcast3A_495, 0 {pack_format = #tpu.pack_format<interleaved>} : vector<32xbf16> -> vector<16xf32>
          %unpack3A_497 = tpu.unpack_subelements %bitcast3A_495, 1 {pack_format = #tpu.pack_format<interleaved>} : vector<32xbf16> -> vector<16xf32>
          %bitcast3A_498 = vector.bitcast %gather3A_494 : vector<16xi32> to vector<32xbf16>
          %unpack3A_499 = tpu.unpack_subelements %bitcast3A_498, 0 {pack_format = #tpu.pack_format<interleaved>} : vector<32xbf16> -> vector<16xf32>
          %unpack3A_500 = tpu.unpack_subelements %bitcast3A_498, 1 {pack_format = #tpu.pack_format<interleaved>} : vector<32xbf16> -> vector<16xf32>
          %mul3A_501 = arith.mulf %unpack3A_496, %unpack3A_499 : vector<16xf32>
          %add3A_502 = arith.addf %add3A_468, %mul3A_501 : vector<16xf32>
          %mul3A_503 = arith.mulf %unpack3A_497, %unpack3A_500 : vector<16xf32>
          %add3A_504 = arith.addf %add3A_470, %mul3A_503 : vector<16xf32>
          %mul3A_505 = arith.constant 8 : i32
          %mul3A_506 = arith.muli %scan3A_384, %mul3A_505 : i32
          %add3A_507 = arith.constant 7 : i32
          %add3A_508 = arith.addi %mul3A_506, %add3A_507 : i32
          %broadcast_in_dim3A_509 = vector.broadcast %add3A_508 : i32 to vector<16xi32>
          %gather3A_510 = tpu.vector_load_idx %arg13[%add3A_366, %broadcast_in_dim3A_509] : memref<80x72xi32, #tpu.memory_space<vmem>>[vector<16xi32>, vector<16xi32>], vector<16xi32>,
          %gather3A_511 = tpu.vector_load_idx %arg19[%add3A_366, %broadcast_in_dim3A_509] : memref<80x72xi32, #tpu.memory_space<vmem>>[vector<16xi32>, vector<16xi32>], vector<16xi32>,
          %bitcast3A_512 = vector.bitcast %gather3A_510 : vector<16xi32> to vector<32xbf16>
          %unpack3A_513 = tpu.unpack_subelements %bitcast3A_512, 0 {pack_format = #tpu.pack_format<interleaved>} : vector<32xbf16> -> vector<16xf32>
          %unpack3A_514 = tpu.unpack_subelements %bitcast3A_512, 1 {pack_format = #tpu.pack_format<interleaved>} : vector<32xbf16> -> vector<16xf32>
          %bitcast3A_515 = vector.bitcast %gather3A_511 : vector<16xi32> to vector<32xbf16>
          %unpack3A_516 = tpu.unpack_subelements %bitcast3A_515, 0 {pack_format = #tpu.pack_format<interleaved>} : vector<32xbf16> -> vector<16xf32>
          %unpack3A_517 = tpu.unpack_subelements %bitcast3A_515, 1 {pack_format = #tpu.pack_format<interleaved>} : vector<32xbf16> -> vector<16xf32>
          %mul3A_518 = arith.mulf %unpack3A_513, %unpack3A_516 : vector<16xf32>
          %add3A_519 = arith.addf %add3A_485, %mul3A_518 : vector<16xf32>
          %mul3A_520 = arith.mulf %unpack3A_514, %unpack3A_517 : vector<16xf32>
          %add3A_521 = arith.addf %add3A_487, %mul3A_520 : vector<16xf32>
          scf.yield %add3A_502, %add3A_504, %add3A_519, %add3A_521 : vector<16xf32>, vector<16xf32>, vector<16xf32>, vector<16xf32>
        }
        %scan3A_373 = arith.constant 8 : i32
        %add3A_374 = arith.addf %scan3A_372#0, %scan3A_372#1 : vector<16xf32>
        %add3A_375 = arith.addf %scan3A_372#2, %scan3A_372#3 : vector<16xf32>
        %add3A_376 = arith.addf %add3A_374, %add3A_375 : vector<16xf32>
        %mul3A_377 = arith.constant 80 : i32
        %mul3A_378 = arith.muli %add3A_336, %mul3A_377 : i32
        %mul3A_379 = arith.constant 16 : i32
        %mul3A_380 = arith.muli %scan3A_362, %mul3A_379 : i32
        %add3A_381 = arith.addi %mul3A_378, %mul3A_380 : i32
        %add3A_382 = vector.broadcast %add3A_381 : i32 to vector<16xi32>
        %add3A_383 = arith.addi %add3A_382, %iota3A : vector<16xi32>
        tpu.vector_store_idx %arg20[%add3A_383], %add3A_376 : memref<10000xf32, #tpu.memory_space<vmem>>[vector<16xi32>], vector<16xf32>,
      }
      %scan3A_354 = arith.constant 5 : i32
      %add3A_355 = arith.constant 6 : i32
      %add3A_356 = arith.addi %add3A_336, %add3A_355 : i32
      %lt3A_357 = arith.constant 125 : i32
      %lt3A_358 = arith.cmpi slt, %add3A_356, %lt3A_357 : i32
      %convert_element_type3A_359 = arith.extui %lt3A_358 : i1 to i32
      %cond3A_360 = arith.constant 0 : i32
      %cond3A_361 = arith.cmpi ne, %convert_element_type3A_359, %cond3A_360 : i32
      scf.if %cond3A_361 {
        %dma_start3A_362 = arith.constant 0 : i32
        %dma_start3A_363 = tpu.memref_slice %arg6[%add3A_356, %dma_start3A_362] : memref<125x80xi32, #tpu.memory_space<vmem>> -> memref<1x80xi32, #tpu.memory_space<vmem>>
        %dma_start3A_364 = tpu.memref_squeeze %dma_start3A_363 : memref<1x80xi32, #tpu.memory_space<vmem>> -> memref<80xi32, #tpu.memory_space<vmem>>
        %dma_start3A_365 = arith.constant 0 : i32
        %dma_start3A_366 = arith.constant 0 : i32
        %dma_start3A_367 = tpu.memref_slice %arg2[%dma_start3A_365, %dma_start3A_366] : memref<10000x72xi32, #tpu.memory_space<hbm>> -> memref<10000x72xi32, #tpu.memory_space<hbm>>
        tpu.enqueue_indirect_dma source(%dma_start3A_367 : memref<10000x72xi32, #tpu.memory_space<hbm>>) target(%arg13 : memref<80x72xi32, #tpu.memory_space<vmem>>) offsets(%dma_start3A_364 : memref<80xi32, #tpu.memory_space<vmem>>) semaphore(%arg26 : memref<!tpu.dma_semaphore, #tpu.memory_space<semaphore_mem>>)
        %dma_start3A_368 = arith.constant 0 : i32
        %dma_start3A_369 = tpu.memref_slice %arg7[%add3A_356, %dma_start3A_368] : memref<125x80xi32, #tpu.memory_space<vmem>> -> memref<1x80xi32, #tpu.memory_space<vmem>>
        %dma_start3A_370 = tpu.memref_squeeze %dma_start3A_369 : memref<1x80xi32, #tpu.memory_space<vmem>> -> memref<80xi32, #tpu.memory_space<vmem>>
        %dma_start3A_371 = arith.constant 0 : i32
        %dma_start3A_372 = arith.constant 0 : i32
        %dma_start3A_373 = tpu.memref_slice %arg2[%dma_start3A_371, %dma_start3A_372] : memref<10000x72xi32, #tpu.memory_space<hbm>> -> memref<10000x72xi32, #tpu.memory_space<hbm>>
        tpu.enqueue_indirect_dma source(%dma_start3A_373 : memref<10000x72xi32, #tpu.memory_space<hbm>>) target(%arg19 : memref<80x72xi32, #tpu.memory_space<vmem>>) offsets(%dma_start3A_370 : memref<80xi32, #tpu.memory_space<vmem>>) semaphore(%arg32 : memref<!tpu.dma_semaphore, #tpu.memory_space<semaphore_mem>>)
      } else {
      }
    }
    %scan3A_88 = arith.constant 20 : i32
    %dma_wait3A = arith.constant 120 : i32
    %dma_wait3A_89 = arith.constant 0 : i32
    %dma_wait3A_90 = tpu.memref_slice %arg6[%dma_wait3A, %dma_wait3A_89] : memref<125x80xi32, #tpu.memory_space<vmem>> -> memref<1x80xi32, #tpu.memory_space<vmem>>
    %dma_wait3A_91 = tpu.memref_squeeze %dma_wait3A_90 : memref<1x80xi32, #tpu.memory_space<vmem>> -> memref<80xi32, #tpu.memory_space<vmem>>
    %dma_wait3A_92 = arith.constant 0 : i32
    %dma_wait3A_93 = arith.constant 0 : i32
    %dma_wait3A_94 = tpu.memref_slice %arg2[%dma_wait3A_92, %dma_wait3A_93] : memref<10000x72xi32, #tpu.memory_space<hbm>> -> memref<10000x72xi32, #tpu.memory_space<hbm>>
    tpu.wait_indirect_dma semaphore(%arg21 : memref<!tpu.dma_semaphore, #tpu.memory_space<semaphore_mem>>) src(%dma_wait3A_94 : memref<10000x72xi32, #tpu.memory_space<hbm>>) dst(%arg8 : memref<80x72xi32, #tpu.memory_space<vmem>>)
    %dma_wait3A_95 = arith.constant 120 : i32
    %dma_wait3A_96 = arith.constant 0 : i32
    %dma_wait3A_97 = tpu.memref_slice %arg7[%dma_wait3A_95, %dma_wait3A_96] : memref<125x80xi32, #tpu.memory_space<vmem>> -> memref<1x80xi32, #tpu.memory_space<vmem>>
    %dma_wait3A_98 = tpu.memref_squeeze %dma_wait3A_97 : memref<1x80xi32, #tpu.memory_space<vmem>> -> memref<80xi32, #tpu.memory_space<vmem>>
    %dma_wait3A_99 = arith.constant 0 : i32
    %dma_wait3A_100 = arith.constant 0 : i32
    %dma_wait3A_101 = tpu.memref_slice %arg2[%dma_wait3A_99, %dma_wait3A_100] : memref<10000x72xi32, #tpu.memory_space<hbm>> -> memref<10000x72xi32, #tpu.memory_space<hbm>>
    tpu.wait_indirect_dma semaphore(%arg27 : memref<!tpu.dma_semaphore, #tpu.memory_space<semaphore_mem>>) src(%dma_wait3A_101 : memref<10000x72xi32, #tpu.memory_space<hbm>>) dst(%arg14 : memref<80x72xi32, #tpu.memory_space<vmem>>)
    %scan3A_102 = arith.constant 0 : i32
    %scan3A_103 = arith.constant 0 : i32
    %scan3A_104 = arith.constant 5 : i32
    %scan3A_105 = arith.addi %scan3A_103, %scan3A_104 : i32
    %scan3A_106 = arith.constant 1 : i32
    scf.for %scan3A_190 = %scan3A_103 to %scan3A_105 step %scan3A_106  : i32 {
      %mul3A_191 = arith.constant 16 : i32
      %mul3A_192 = arith.muli %scan3A_190, %mul3A_191 : i32
      %add3A_193 = vector.broadcast %mul3A_192 : i32 to vector<16xi32>
      %add3A_194 = arith.addi %add3A_193, %iota3A : vector<16xi32>
      %broadcast_in_dim3A = arith.constant 0.000000e+00 : f32
      %broadcast_in_dim3A_195 = vector.broadcast %broadcast_in_dim3A : f32 to vector<16xf32>
      %scan3A_196 = arith.constant 0 : i32
      %scan3A_197 = arith.constant 8 : i32
      %scan3A_198 = arith.addi %scan3A_196, %scan3A_197 : i32
      %scan3A_199 = arith.constant 1 : i32
      %scan3A_200:4 = scf.for %scan3A_211 = %scan3A_196 to %scan3A_198 step %scan3A_199 iter_args(%scan3A_212 = %broadcast_in_dim3A_195, %scan3A_213 = %broadcast_in_dim3A_195, %scan3A_214 = %broadcast_in_dim3A_195, %scan3A_215 = %broadcast_in_dim3A_195) -> (vector<16xf32>, vector<16xf32>, vector<16xf32>, vector<16xf32>)  : i32 {
        %mul3A_216 = arith.constant 8 : i32
        %mul3A_217 = arith.muli %scan3A_211, %mul3A_216 : i32
        %add3A_218 = arith.constant 0 : i32
        %add3A_219 = arith.addi %mul3A_217, %add3A_218 : i32
        %broadcast_in_dim3A_220 = vector.broadcast %add3A_219 : i32 to vector<16xi32>
        %gather3A = tpu.vector_load_idx %arg8[%add3A_194, %broadcast_in_dim3A_220] : memref<80x72xi32, #tpu.memory_space<vmem>>[vector<16xi32>, vector<16xi32>], vector<16xi32>,
        %gather3A_221 = tpu.vector_load_idx %arg14[%add3A_194, %broadcast_in_dim3A_220] : memref<80x72xi32, #tpu.memory_space<vmem>>[vector<16xi32>, vector<16xi32>], vector<16xi32>,
        %bitcast3A = vector.bitcast %gather3A : vector<16xi32> to vector<32xbf16>
        %unpack3A = tpu.unpack_subelements %bitcast3A, 0 {pack_format = #tpu.pack_format<interleaved>} : vector<32xbf16> -> vector<16xf32>
        %unpack3A_222 = tpu.unpack_subelements %bitcast3A, 1 {pack_format = #tpu.pack_format<interleaved>} : vector<32xbf16> -> vector<16xf32>
        %bitcast3A_223 = vector.bitcast %gather3A_221 : vector<16xi32> to vector<32xbf16>
        %unpack3A_224 = tpu.unpack_subelements %bitcast3A_223, 0 {pack_format = #tpu.pack_format<interleaved>} : vector<32xbf16> -> vector<16xf32>
        %unpack3A_225 = tpu.unpack_subelements %bitcast3A_223, 1 {pack_format = #tpu.pack_format<interleaved>} : vector<32xbf16> -> vector<16xf32>
        %mul3A_226 = arith.mulf %unpack3A, %unpack3A_224 : vector<16xf32>
        %add3A_227 = arith.addf %scan3A_212, %mul3A_226 : vector<16xf32>
        %mul3A_228 = arith.mulf %unpack3A_222, %unpack3A_225 : vector<16xf32>
        %add3A_229 = arith.addf %scan3A_213, %mul3A_228 : vector<16xf32>
        %mul3A_230 = arith.constant 8 : i32
        %mul3A_231 = arith.muli %scan3A_211, %mul3A_230 : i32
        %add3A_232 = arith.constant 1 : i32
        %add3A_233 = arith.addi %mul3A_231, %add3A_232 : i32
        %broadcast_in_dim3A_234 = vector.broadcast %add3A_233 : i32 to vector<16xi32>
        %gather3A_235 = tpu.vector_load_idx %arg8[%add3A_194, %broadcast_in_dim3A_234] : memref<80x72xi32, #tpu.memory_space<vmem>>[vector<16xi32>, vector<16xi32>], vector<16xi32>,
        %gather3A_236 = tpu.vector_load_idx %arg14[%add3A_194, %broadcast_in_dim3A_234] : memref<80x72xi32, #tpu.memory_space<vmem>>[vector<16xi32>, vector<16xi32>], vector<16xi32>,
        %bitcast3A_237 = vector.bitcast %gather3A_235 : vector<16xi32> to vector<32xbf16>
        %unpack3A_238 = tpu.unpack_subelements %bitcast3A_237, 0 {pack_format = #tpu.pack_format<interleaved>} : vector<32xbf16> -> vector<16xf32>
        %unpack3A_239 = tpu.unpack_subelements %bitcast3A_237, 1 {pack_format = #tpu.pack_format<interleaved>} : vector<32xbf16> -> vector<16xf32>
        %bitcast3A_240 = vector.bitcast %gather3A_236 : vector<16xi32> to vector<32xbf16>
        %unpack3A_241 = tpu.unpack_subelements %bitcast3A_240, 0 {pack_format = #tpu.pack_format<interleaved>} : vector<32xbf16> -> vector<16xf32>
        %unpack3A_242 = tpu.unpack_subelements %bitcast3A_240, 1 {pack_format = #tpu.pack_format<interleaved>} : vector<32xbf16> -> vector<16xf32>
        %mul3A_243 = arith.mulf %unpack3A_238, %unpack3A_241 : vector<16xf32>
        %add3A_244 = arith.addf %scan3A_214, %mul3A_243 : vector<16xf32>
        %mul3A_245 = arith.mulf %unpack3A_239, %unpack3A_242 : vector<16xf32>
        %add3A_246 = arith.addf %scan3A_215, %mul3A_245 : vector<16xf32>
        %mul3A_247 = arith.constant 8 : i32
        %mul3A_248 = arith.muli %scan3A_211, %mul3A_247 : i32
        %add3A_249 = arith.constant 2 : i32
        %add3A_250 = arith.addi %mul3A_248, %add3A_249 : i32
        %broadcast_in_dim3A_251 = vector.broadcast %add3A_250 : i32 to vector<16xi32>
        %gather3A_252 = tpu.vector_load_idx %arg8[%add3A_194, %broadcast_in_dim3A_251] : memref<80x72xi32, #tpu.memory_space<vmem>>[vector<16xi32>, vector<16xi32>], vector<16xi32>,
        %gather3A_253 = tpu.vector_load_idx %arg14[%add3A_194, %broadcast_in_dim3A_251] : memref<80x72xi32, #tpu.memory_space<vmem>>[vector<16xi32>, vector<16xi32>], vector<16xi32>,
        %bitcast3A_254 = vector.bitcast %gather3A_252 : vector<16xi32> to vector<32xbf16>
        %unpack3A_255 = tpu.unpack_subelements %bitcast3A_254, 0 {pack_format = #tpu.pack_format<interleaved>} : vector<32xbf16> -> vector<16xf32>
        %unpack3A_256 = tpu.unpack_subelements %bitcast3A_254, 1 {pack_format = #tpu.pack_format<interleaved>} : vector<32xbf16> -> vector<16xf32>
        %bitcast3A_257 = vector.bitcast %gather3A_253 : vector<16xi32> to vector<32xbf16>
        %unpack3A_258 = tpu.unpack_subelements %bitcast3A_257, 0 {pack_format = #tpu.pack_format<interleaved>} : vector<32xbf16> -> vector<16xf32>
        %unpack3A_259 = tpu.unpack_subelements %bitcast3A_257, 1 {pack_format = #tpu.pack_format<interleaved>} : vector<32xbf16> -> vector<16xf32>
        %mul3A_260 = arith.mulf %unpack3A_255, %unpack3A_258 : vector<16xf32>
        %add3A_261 = arith.addf %add3A_227, %mul3A_260 : vector<16xf32>
        %mul3A_262 = arith.mulf %unpack3A_256, %unpack3A_259 : vector<16xf32>
        %add3A_263 = arith.addf %add3A_229, %mul3A_262 : vector<16xf32>
        %mul3A_264 = arith.constant 8 : i32
        %mul3A_265 = arith.muli %scan3A_211, %mul3A_264 : i32
        %add3A_266 = arith.constant 3 : i32
        %add3A_267 = arith.addi %mul3A_265, %add3A_266 : i32
        %broadcast_in_dim3A_268 = vector.broadcast %add3A_267 : i32 to vector<16xi32>
        %gather3A_269 = tpu.vector_load_idx %arg8[%add3A_194, %broadcast_in_dim3A_268] : memref<80x72xi32, #tpu.memory_space<vmem>>[vector<16xi32>, vector<16xi32>], vector<16xi32>,
        %gather3A_270 = tpu.vector_load_idx %arg14[%add3A_194, %broadcast_in_dim3A_268] : memref<80x72xi32, #tpu.memory_space<vmem>>[vector<16xi32>, vector<16xi32>], vector<16xi32>,
        %bitcast3A_271 = vector.bitcast %gather3A_269 : vector<16xi32> to vector<32xbf16>
        %unpack3A_272 = tpu.unpack_subelements %bitcast3A_271, 0 {pack_format = #tpu.pack_format<interleaved>} : vector<32xbf16> -> vector<16xf32>
        %unpack3A_273 = tpu.unpack_subelements %bitcast3A_271, 1 {pack_format = #tpu.pack_format<interleaved>} : vector<32xbf16> -> vector<16xf32>
        %bitcast3A_274 = vector.bitcast %gather3A_270 : vector<16xi32> to vector<32xbf16>
        %unpack3A_275 = tpu.unpack_subelements %bitcast3A_274, 0 {pack_format = #tpu.pack_format<interleaved>} : vector<32xbf16> -> vector<16xf32>
        %unpack3A_276 = tpu.unpack_subelements %bitcast3A_274, 1 {pack_format = #tpu.pack_format<interleaved>} : vector<32xbf16> -> vector<16xf32>
        %mul3A_277 = arith.mulf %unpack3A_272, %unpack3A_275 : vector<16xf32>
        %add3A_278 = arith.addf %add3A_244, %mul3A_277 : vector<16xf32>
        %mul3A_279 = arith.mulf %unpack3A_273, %unpack3A_276 : vector<16xf32>
        %add3A_280 = arith.addf %add3A_246, %mul3A_279 : vector<16xf32>
        %mul3A_281 = arith.constant 8 : i32
        %mul3A_282 = arith.muli %scan3A_211, %mul3A_281 : i32
        %add3A_283 = arith.constant 4 : i32
        %add3A_284 = arith.addi %mul3A_282, %add3A_283 : i32
        %broadcast_in_dim3A_285 = vector.broadcast %add3A_284 : i32 to vector<16xi32>
        %gather3A_286 = tpu.vector_load_idx %arg8[%add3A_194, %broadcast_in_dim3A_285] : memref<80x72xi32, #tpu.memory_space<vmem>>[vector<16xi32>, vector<16xi32>], vector<16xi32>,
        %gather3A_287 = tpu.vector_load_idx %arg14[%add3A_194, %broadcast_in_dim3A_285] : memref<80x72xi32, #tpu.memory_space<vmem>>[vector<16xi32>, vector<16xi32>], vector<16xi32>,
        %bitcast3A_288 = vector.bitcast %gather3A_286 : vector<16xi32> to vector<32xbf16>
        %unpack3A_289 = tpu.unpack_subelements %bitcast3A_288, 0 {pack_format = #tpu.pack_format<interleaved>} : vector<32xbf16> -> vector<16xf32>
        %unpack3A_290 = tpu.unpack_subelements %bitcast3A_288, 1 {pack_format = #tpu.pack_format<interleaved>} : vector<32xbf16> -> vector<16xf32>
        %bitcast3A_291 = vector.bitcast %gather3A_287 : vector<16xi32> to vector<32xbf16>
        %unpack3A_292 = tpu.unpack_subelements %bitcast3A_291, 0 {pack_format = #tpu.pack_format<interleaved>} : vector<32xbf16> -> vector<16xf32>
        %unpack3A_293 = tpu.unpack_subelements %bitcast3A_291, 1 {pack_format = #tpu.pack_format<interleaved>} : vector<32xbf16> -> vector<16xf32>
        %mul3A_294 = arith.mulf %unpack3A_289, %unpack3A_292 : vector<16xf32>
        %add3A_295 = arith.addf %add3A_261, %mul3A_294 : vector<16xf32>
        %mul3A_296 = arith.mulf %unpack3A_290, %unpack3A_293 : vector<16xf32>
        %add3A_297 = arith.addf %add3A_263, %mul3A_296 : vector<16xf32>
        %mul3A_298 = arith.constant 8 : i32
        %mul3A_299 = arith.muli %scan3A_211, %mul3A_298 : i32
        %add3A_300 = arith.constant 5 : i32
        %add3A_301 = arith.addi %mul3A_299, %add3A_300 : i32
        %broadcast_in_dim3A_302 = vector.broadcast %add3A_301 : i32 to vector<16xi32>
        %gather3A_303 = tpu.vector_load_idx %arg8[%add3A_194, %broadcast_in_dim3A_302] : memref<80x72xi32, #tpu.memory_space<vmem>>[vector<16xi32>, vector<16xi32>], vector<16xi32>,
        %gather3A_304 = tpu.vector_load_idx %arg14[%add3A_194, %broadcast_in_dim3A_302] : memref<80x72xi32, #tpu.memory_space<vmem>>[vector<16xi32>, vector<16xi32>], vector<16xi32>,
        %bitcast3A_305 = vector.bitcast %gather3A_303 : vector<16xi32> to vector<32xbf16>
        %unpack3A_306 = tpu.unpack_subelements %bitcast3A_305, 0 {pack_format = #tpu.pack_format<interleaved>} : vector<32xbf16> -> vector<16xf32>
        %unpack3A_307 = tpu.unpack_subelements %bitcast3A_305, 1 {pack_format = #tpu.pack_format<interleaved>} : vector<32xbf16> -> vector<16xf32>
        %bitcast3A_308 = vector.bitcast %gather3A_304 : vector<16xi32> to vector<32xbf16>
        %unpack3A_309 = tpu.unpack_subelements %bitcast3A_308, 0 {pack_format = #tpu.pack_format<interleaved>} : vector<32xbf16> -> vector<16xf32>
        %unpack3A_310 = tpu.unpack_subelements %bitcast3A_308, 1 {pack_format = #tpu.pack_format<interleaved>} : vector<32xbf16> -> vector<16xf32>
        %mul3A_311 = arith.mulf %unpack3A_306, %unpack3A_309 : vector<16xf32>
        %add3A_312 = arith.addf %add3A_278, %mul3A_311 : vector<16xf32>
        %mul3A_313 = arith.mulf %unpack3A_307, %unpack3A_310 : vector<16xf32>
        %add3A_314 = arith.addf %add3A_280, %mul3A_313 : vector<16xf32>
        %mul3A_315 = arith.constant 8 : i32
        %mul3A_316 = arith.muli %scan3A_211, %mul3A_315 : i32
        %add3A_317 = arith.constant 6 : i32
        %add3A_318 = arith.addi %mul3A_316, %add3A_317 : i32
        %broadcast_in_dim3A_319 = vector.broadcast %add3A_318 : i32 to vector<16xi32>
        %gather3A_320 = tpu.vector_load_idx %arg8[%add3A_194, %broadcast_in_dim3A_319] : memref<80x72xi32, #tpu.memory_space<vmem>>[vector<16xi32>, vector<16xi32>], vector<16xi32>,
        %gather3A_321 = tpu.vector_load_idx %arg14[%add3A_194, %broadcast_in_dim3A_319] : memref<80x72xi32, #tpu.memory_space<vmem>>[vector<16xi32>, vector<16xi32>], vector<16xi32>,
        %bitcast3A_322 = vector.bitcast %gather3A_320 : vector<16xi32> to vector<32xbf16>
        %unpack3A_323 = tpu.unpack_subelements %bitcast3A_322, 0 {pack_format = #tpu.pack_format<interleaved>} : vector<32xbf16> -> vector<16xf32>
        %unpack3A_324 = tpu.unpack_subelements %bitcast3A_322, 1 {pack_format = #tpu.pack_format<interleaved>} : vector<32xbf16> -> vector<16xf32>
        %bitcast3A_325 = vector.bitcast %gather3A_321 : vector<16xi32> to vector<32xbf16>
        %unpack3A_326 = tpu.unpack_subelements %bitcast3A_325, 0 {pack_format = #tpu.pack_format<interleaved>} : vector<32xbf16> -> vector<16xf32>
        %unpack3A_327 = tpu.unpack_subelements %bitcast3A_325, 1 {pack_format = #tpu.pack_format<interleaved>} : vector<32xbf16> -> vector<16xf32>
        %mul3A_328 = arith.mulf %unpack3A_323, %unpack3A_326 : vector<16xf32>
        %add3A_329 = arith.addf %add3A_295, %mul3A_328 : vector<16xf32>
        %mul3A_330 = arith.mulf %unpack3A_324, %unpack3A_327 : vector<16xf32>
        %add3A_331 = arith.addf %add3A_297, %mul3A_330 : vector<16xf32>
        %mul3A_332 = arith.constant 8 : i32
        %mul3A_333 = arith.muli %scan3A_211, %mul3A_332 : i32
        %add3A_334 = arith.constant 7 : i32
        %add3A_335 = arith.addi %mul3A_333, %add3A_334 : i32
        %broadcast_in_dim3A_336 = vector.broadcast %add3A_335 : i32 to vector<16xi32>
        %gather3A_337 = tpu.vector_load_idx %arg8[%add3A_194, %broadcast_in_dim3A_336] : memref<80x72xi32, #tpu.memory_space<vmem>>[vector<16xi32>, vector<16xi32>], vector<16xi32>,
        %gather3A_338 = tpu.vector_load_idx %arg14[%add3A_194, %broadcast_in_dim3A_336] : memref<80x72xi32, #tpu.memory_space<vmem>>[vector<16xi32>, vector<16xi32>], vector<16xi32>,
        %bitcast3A_339 = vector.bitcast %gather3A_337 : vector<16xi32> to vector<32xbf16>
        %unpack3A_340 = tpu.unpack_subelements %bitcast3A_339, 0 {pack_format = #tpu.pack_format<interleaved>} : vector<32xbf16> -> vector<16xf32>
        %unpack3A_341 = tpu.unpack_subelements %bitcast3A_339, 1 {pack_format = #tpu.pack_format<interleaved>} : vector<32xbf16> -> vector<16xf32>
        %bitcast3A_342 = vector.bitcast %gather3A_338 : vector<16xi32> to vector<32xbf16>
        %unpack3A_343 = tpu.unpack_subelements %bitcast3A_342, 0 {pack_format = #tpu.pack_format<interleaved>} : vector<32xbf16> -> vector<16xf32>
        %unpack3A_344 = tpu.unpack_subelements %bitcast3A_342, 1 {pack_format = #tpu.pack_format<interleaved>} : vector<32xbf16> -> vector<16xf32>
        %mul3A_345 = arith.mulf %unpack3A_340, %unpack3A_343 : vector<16xf32>
        %add3A_346 = arith.addf %add3A_312, %mul3A_345 : vector<16xf32>
        %mul3A_347 = arith.mulf %unpack3A_341, %unpack3A_344 : vector<16xf32>
        %add3A_348 = arith.addf %add3A_314, %mul3A_347 : vector<16xf32>
        scf.yield %add3A_329, %add3A_331, %add3A_346, %add3A_348 : vector<16xf32>, vector<16xf32>, vector<16xf32>, vector<16xf32>
      }
      %scan3A_201 = arith.constant 8 : i32
      %add3A_202 = arith.addf %scan3A_200#0, %scan3A_200#1 : vector<16xf32>
      %add3A_203 = arith.addf %scan3A_200#2, %scan3A_200#3 : vector<16xf32>
      %add3A_204 = arith.addf %add3A_202, %add3A_203 : vector<16xf32>
      %mul3A_205 = arith.constant 16 : i32
      %mul3A_206 = arith.muli %scan3A_190, %mul3A_205 : i32
      %add3A_207 = arith.constant 9600 : i32
      %add3A_208 = arith.addi %add3A_207, %mul3A_206 : i32
      %add3A_209 = vector.broadcast %add3A_208 : i32 to vector<16xi32>
      %add3A_210 = arith.addi %add3A_209, %iota3A : vector<16xi32>
      tpu.vector_store_idx %arg20[%add3A_210], %add3A_204 : memref<10000xf32, #tpu.memory_space<vmem>>[vector<16xi32>], vector<16xf32>,
    }
    %scan3A_107 = arith.constant 5 : i32
    %dma_wait3A_108 = arith.constant 121 : i32
    %dma_wait3A_109 = arith.constant 0 : i32
    %dma_wait3A_110 = tpu.memref_slice %arg6[%dma_wait3A_108, %dma_wait3A_109] : memref<125x80xi32, #tpu.memory_space<vmem>> -> memref<1x80xi32, #tpu.memory_space<vmem>>
    %dma_wait3A_111 = tpu.memref_squeeze %dma_wait3A_110 : memref<1x80xi32, #tpu.memory_space<vmem>> -> memref<80xi32, #tpu.memory_space<vmem>>
    %dma_wait3A_112 = arith.constant 0 : i32
    %dma_wait3A_113 = arith.constant 0 : i32
    %dma_wait3A_114 = tpu.memref_slice %arg2[%dma_wait3A_112, %dma_wait3A_113] : memref<10000x72xi32, #tpu.memory_space<hbm>> -> memref<10000x72xi32, #tpu.memory_space<hbm>>
    tpu.wait_indirect_dma semaphore(%arg22 : memref<!tpu.dma_semaphore, #tpu.memory_space<semaphore_mem>>) src(%dma_wait3A_114 : memref<10000x72xi32, #tpu.memory_space<hbm>>) dst(%arg9 : memref<80x72xi32, #tpu.memory_space<vmem>>)
    %dma_wait3A_115 = arith.constant 121 : i32
    %dma_wait3A_116 = arith.constant 0 : i32
    %dma_wait3A_117 = tpu.memref_slice %arg7[%dma_wait3A_115, %dma_wait3A_116] : memref<125x80xi32, #tpu.memory_space<vmem>> -> memref<1x80xi32, #tpu.memory_space<vmem>>
    %dma_wait3A_118 = tpu.memref_squeeze %dma_wait3A_117 : memref<1x80xi32, #tpu.memory_space<vmem>> -> memref<80xi32, #tpu.memory_space<vmem>>
    %dma_wait3A_119 = arith.constant 0 : i32
    %dma_wait3A_120 = arith.constant 0 : i32
    %dma_wait3A_121 = tpu.memref_slice %arg2[%dma_wait3A_119, %dma_wait3A_120] : memref<10000x72xi32, #tpu.memory_space<hbm>> -> memref<10000x72xi32, #tpu.memory_space<hbm>>
    tpu.wait_indirect_dma semaphore(%arg28 : memref<!tpu.dma_semaphore, #tpu.memory_space<semaphore_mem>>) src(%dma_wait3A_121 : memref<10000x72xi32, #tpu.memory_space<hbm>>) dst(%arg15 : memref<80x72xi32, #tpu.memory_space<vmem>>)
    %scan3A_122 = arith.constant 0 : i32
    %scan3A_123 = arith.constant 0 : i32
    %scan3A_124 = arith.constant 5 : i32
    %scan3A_125 = arith.addi %scan3A_123, %scan3A_124 : i32
    %scan3A_126 = arith.constant 1 : i32
    scf.for %scan3A_190 = %scan3A_123 to %scan3A_125 step %scan3A_126  : i32 {
      %mul3A_191 = arith.constant 16 : i32
      %mul3A_192 = arith.muli %scan3A_190, %mul3A_191 : i32
      %add3A_193 = vector.broadcast %mul3A_192 : i32 to vector<16xi32>
      %add3A_194 = arith.addi %add3A_193, %iota3A : vector<16xi32>
      %broadcast_in_dim3A = arith.constant 0.000000e+00 : f32
      %broadcast_in_dim3A_195 = vector.broadcast %broadcast_in_dim3A : f32 to vector<16xf32>
      %scan3A_196 = arith.constant 0 : i32
      %scan3A_197 = arith.constant 8 : i32
      %scan3A_198 = arith.addi %scan3A_196, %scan3A_197 : i32
      %scan3A_199 = arith.constant 1 : i32
      %scan3A_200:4 = scf.for %scan3A_211 = %scan3A_196 to %scan3A_198 step %scan3A_199 iter_args(%scan3A_212 = %broadcast_in_dim3A_195, %scan3A_213 = %broadcast_in_dim3A_195, %scan3A_214 = %broadcast_in_dim3A_195, %scan3A_215 = %broadcast_in_dim3A_195) -> (vector<16xf32>, vector<16xf32>, vector<16xf32>, vector<16xf32>)  : i32 {
        %mul3A_216 = arith.constant 8 : i32
        %mul3A_217 = arith.muli %scan3A_211, %mul3A_216 : i32
        %add3A_218 = arith.constant 0 : i32
        %add3A_219 = arith.addi %mul3A_217, %add3A_218 : i32
        %broadcast_in_dim3A_220 = vector.broadcast %add3A_219 : i32 to vector<16xi32>
        %gather3A = tpu.vector_load_idx %arg9[%add3A_194, %broadcast_in_dim3A_220] : memref<80x72xi32, #tpu.memory_space<vmem>>[vector<16xi32>, vector<16xi32>], vector<16xi32>,
        %gather3A_221 = tpu.vector_load_idx %arg15[%add3A_194, %broadcast_in_dim3A_220] : memref<80x72xi32, #tpu.memory_space<vmem>>[vector<16xi32>, vector<16xi32>], vector<16xi32>,
        %bitcast3A = vector.bitcast %gather3A : vector<16xi32> to vector<32xbf16>
        %unpack3A = tpu.unpack_subelements %bitcast3A, 0 {pack_format = #tpu.pack_format<interleaved>} : vector<32xbf16> -> vector<16xf32>
        %unpack3A_222 = tpu.unpack_subelements %bitcast3A, 1 {pack_format = #tpu.pack_format<interleaved>} : vector<32xbf16> -> vector<16xf32>
        %bitcast3A_223 = vector.bitcast %gather3A_221 : vector<16xi32> to vector<32xbf16>
        %unpack3A_224 = tpu.unpack_subelements %bitcast3A_223, 0 {pack_format = #tpu.pack_format<interleaved>} : vector<32xbf16> -> vector<16xf32>
        %unpack3A_225 = tpu.unpack_subelements %bitcast3A_223, 1 {pack_format = #tpu.pack_format<interleaved>} : vector<32xbf16> -> vector<16xf32>
        %mul3A_226 = arith.mulf %unpack3A, %unpack3A_224 : vector<16xf32>
        %add3A_227 = arith.addf %scan3A_212, %mul3A_226 : vector<16xf32>
        %mul3A_228 = arith.mulf %unpack3A_222, %unpack3A_225 : vector<16xf32>
        %add3A_229 = arith.addf %scan3A_213, %mul3A_228 : vector<16xf32>
        %mul3A_230 = arith.constant 8 : i32
        %mul3A_231 = arith.muli %scan3A_211, %mul3A_230 : i32
        %add3A_232 = arith.constant 1 : i32
        %add3A_233 = arith.addi %mul3A_231, %add3A_232 : i32
        %broadcast_in_dim3A_234 = vector.broadcast %add3A_233 : i32 to vector<16xi32>
        %gather3A_235 = tpu.vector_load_idx %arg9[%add3A_194, %broadcast_in_dim3A_234] : memref<80x72xi32, #tpu.memory_space<vmem>>[vector<16xi32>, vector<16xi32>], vector<16xi32>,
        %gather3A_236 = tpu.vector_load_idx %arg15[%add3A_194, %broadcast_in_dim3A_234] : memref<80x72xi32, #tpu.memory_space<vmem>>[vector<16xi32>, vector<16xi32>], vector<16xi32>,
        %bitcast3A_237 = vector.bitcast %gather3A_235 : vector<16xi32> to vector<32xbf16>
        %unpack3A_238 = tpu.unpack_subelements %bitcast3A_237, 0 {pack_format = #tpu.pack_format<interleaved>} : vector<32xbf16> -> vector<16xf32>
        %unpack3A_239 = tpu.unpack_subelements %bitcast3A_237, 1 {pack_format = #tpu.pack_format<interleaved>} : vector<32xbf16> -> vector<16xf32>
        %bitcast3A_240 = vector.bitcast %gather3A_236 : vector<16xi32> to vector<32xbf16>
        %unpack3A_241 = tpu.unpack_subelements %bitcast3A_240, 0 {pack_format = #tpu.pack_format<interleaved>} : vector<32xbf16> -> vector<16xf32>
        %unpack3A_242 = tpu.unpack_subelements %bitcast3A_240, 1 {pack_format = #tpu.pack_format<interleaved>} : vector<32xbf16> -> vector<16xf32>
        %mul3A_243 = arith.mulf %unpack3A_238, %unpack3A_241 : vector<16xf32>
        %add3A_244 = arith.addf %scan3A_214, %mul3A_243 : vector<16xf32>
        %mul3A_245 = arith.mulf %unpack3A_239, %unpack3A_242 : vector<16xf32>
        %add3A_246 = arith.addf %scan3A_215, %mul3A_245 : vector<16xf32>
        %mul3A_247 = arith.constant 8 : i32
        %mul3A_248 = arith.muli %scan3A_211, %mul3A_247 : i32
        %add3A_249 = arith.constant 2 : i32
        %add3A_250 = arith.addi %mul3A_248, %add3A_249 : i32
        %broadcast_in_dim3A_251 = vector.broadcast %add3A_250 : i32 to vector<16xi32>
        %gather3A_252 = tpu.vector_load_idx %arg9[%add3A_194, %broadcast_in_dim3A_251] : memref<80x72xi32, #tpu.memory_space<vmem>>[vector<16xi32>, vector<16xi32>], vector<16xi32>,
        %gather3A_253 = tpu.vector_load_idx %arg15[%add3A_194, %broadcast_in_dim3A_251] : memref<80x72xi32, #tpu.memory_space<vmem>>[vector<16xi32>, vector<16xi32>], vector<16xi32>,
        %bitcast3A_254 = vector.bitcast %gather3A_252 : vector<16xi32> to vector<32xbf16>
        %unpack3A_255 = tpu.unpack_subelements %bitcast3A_254, 0 {pack_format = #tpu.pack_format<interleaved>} : vector<32xbf16> -> vector<16xf32>
        %unpack3A_256 = tpu.unpack_subelements %bitcast3A_254, 1 {pack_format = #tpu.pack_format<interleaved>} : vector<32xbf16> -> vector<16xf32>
        %bitcast3A_257 = vector.bitcast %gather3A_253 : vector<16xi32> to vector<32xbf16>
        %unpack3A_258 = tpu.unpack_subelements %bitcast3A_257, 0 {pack_format = #tpu.pack_format<interleaved>} : vector<32xbf16> -> vector<16xf32>
        %unpack3A_259 = tpu.unpack_subelements %bitcast3A_257, 1 {pack_format = #tpu.pack_format<interleaved>} : vector<32xbf16> -> vector<16xf32>
        %mul3A_260 = arith.mulf %unpack3A_255, %unpack3A_258 : vector<16xf32>
        %add3A_261 = arith.addf %add3A_227, %mul3A_260 : vector<16xf32>
        %mul3A_262 = arith.mulf %unpack3A_256, %unpack3A_259 : vector<16xf32>
        %add3A_263 = arith.addf %add3A_229, %mul3A_262 : vector<16xf32>
        %mul3A_264 = arith.constant 8 : i32
        %mul3A_265 = arith.muli %scan3A_211, %mul3A_264 : i32
        %add3A_266 = arith.constant 3 : i32
        %add3A_267 = arith.addi %mul3A_265, %add3A_266 : i32
        %broadcast_in_dim3A_268 = vector.broadcast %add3A_267 : i32 to vector<16xi32>
        %gather3A_269 = tpu.vector_load_idx %arg9[%add3A_194, %broadcast_in_dim3A_268] : memref<80x72xi32, #tpu.memory_space<vmem>>[vector<16xi32>, vector<16xi32>], vector<16xi32>,
        %gather3A_270 = tpu.vector_load_idx %arg15[%add3A_194, %broadcast_in_dim3A_268] : memref<80x72xi32, #tpu.memory_space<vmem>>[vector<16xi32>, vector<16xi32>], vector<16xi32>,
        %bitcast3A_271 = vector.bitcast %gather3A_269 : vector<16xi32> to vector<32xbf16>
        %unpack3A_272 = tpu.unpack_subelements %bitcast3A_271, 0 {pack_format = #tpu.pack_format<interleaved>} : vector<32xbf16> -> vector<16xf32>
        %unpack3A_273 = tpu.unpack_subelements %bitcast3A_271, 1 {pack_format = #tpu.pack_format<interleaved>} : vector<32xbf16> -> vector<16xf32>
        %bitcast3A_274 = vector.bitcast %gather3A_270 : vector<16xi32> to vector<32xbf16>
        %unpack3A_275 = tpu.unpack_subelements %bitcast3A_274, 0 {pack_format = #tpu.pack_format<interleaved>} : vector<32xbf16> -> vector<16xf32>
        %unpack3A_276 = tpu.unpack_subelements %bitcast3A_274, 1 {pack_format = #tpu.pack_format<interleaved>} : vector<32xbf16> -> vector<16xf32>
        %mul3A_277 = arith.mulf %unpack3A_272, %unpack3A_275 : vector<16xf32>
        %add3A_278 = arith.addf %add3A_244, %mul3A_277 : vector<16xf32>
        %mul3A_279 = arith.mulf %unpack3A_273, %unpack3A_276 : vector<16xf32>
        %add3A_280 = arith.addf %add3A_246, %mul3A_279 : vector<16xf32>
        %mul3A_281 = arith.constant 8 : i32
        %mul3A_282 = arith.muli %scan3A_211, %mul3A_281 : i32
        %add3A_283 = arith.constant 4 : i32
        %add3A_284 = arith.addi %mul3A_282, %add3A_283 : i32
        %broadcast_in_dim3A_285 = vector.broadcast %add3A_284 : i32 to vector<16xi32>
        %gather3A_286 = tpu.vector_load_idx %arg9[%add3A_194, %broadcast_in_dim3A_285] : memref<80x72xi32, #tpu.memory_space<vmem>>[vector<16xi32>, vector<16xi32>], vector<16xi32>,
        %gather3A_287 = tpu.vector_load_idx %arg15[%add3A_194, %broadcast_in_dim3A_285] : memref<80x72xi32, #tpu.memory_space<vmem>>[vector<16xi32>, vector<16xi32>], vector<16xi32>,
        %bitcast3A_288 = vector.bitcast %gather3A_286 : vector<16xi32> to vector<32xbf16>
        %unpack3A_289 = tpu.unpack_subelements %bitcast3A_288, 0 {pack_format = #tpu.pack_format<interleaved>} : vector<32xbf16> -> vector<16xf32>
        %unpack3A_290 = tpu.unpack_subelements %bitcast3A_288, 1 {pack_format = #tpu.pack_format<interleaved>} : vector<32xbf16> -> vector<16xf32>
        %bitcast3A_291 = vector.bitcast %gather3A_287 : vector<16xi32> to vector<32xbf16>
        %unpack3A_292 = tpu.unpack_subelements %bitcast3A_291, 0 {pack_format = #tpu.pack_format<interleaved>} : vector<32xbf16> -> vector<16xf32>
        %unpack3A_293 = tpu.unpack_subelements %bitcast3A_291, 1 {pack_format = #tpu.pack_format<interleaved>} : vector<32xbf16> -> vector<16xf32>
        %mul3A_294 = arith.mulf %unpack3A_289, %unpack3A_292 : vector<16xf32>
        %add3A_295 = arith.addf %add3A_261, %mul3A_294 : vector<16xf32>
        %mul3A_296 = arith.mulf %unpack3A_290, %unpack3A_293 : vector<16xf32>
        %add3A_297 = arith.addf %add3A_263, %mul3A_296 : vector<16xf32>
        %mul3A_298 = arith.constant 8 : i32
        %mul3A_299 = arith.muli %scan3A_211, %mul3A_298 : i32
        %add3A_300 = arith.constant 5 : i32
        %add3A_301 = arith.addi %mul3A_299, %add3A_300 : i32
        %broadcast_in_dim3A_302 = vector.broadcast %add3A_301 : i32 to vector<16xi32>
        %gather3A_303 = tpu.vector_load_idx %arg9[%add3A_194, %broadcast_in_dim3A_302] : memref<80x72xi32, #tpu.memory_space<vmem>>[vector<16xi32>, vector<16xi32>], vector<16xi32>,
        %gather3A_304 = tpu.vector_load_idx %arg15[%add3A_194, %broadcast_in_dim3A_302] : memref<80x72xi32, #tpu.memory_space<vmem>>[vector<16xi32>, vector<16xi32>], vector<16xi32>,
        %bitcast3A_305 = vector.bitcast %gather3A_303 : vector<16xi32> to vector<32xbf16>
        %unpack3A_306 = tpu.unpack_subelements %bitcast3A_305, 0 {pack_format = #tpu.pack_format<interleaved>} : vector<32xbf16> -> vector<16xf32>
        %unpack3A_307 = tpu.unpack_subelements %bitcast3A_305, 1 {pack_format = #tpu.pack_format<interleaved>} : vector<32xbf16> -> vector<16xf32>
        %bitcast3A_308 = vector.bitcast %gather3A_304 : vector<16xi32> to vector<32xbf16>
        %unpack3A_309 = tpu.unpack_subelements %bitcast3A_308, 0 {pack_format = #tpu.pack_format<interleaved>} : vector<32xbf16> -> vector<16xf32>
        %unpack3A_310 = tpu.unpack_subelements %bitcast3A_308, 1 {pack_format = #tpu.pack_format<interleaved>} : vector<32xbf16> -> vector<16xf32>
        %mul3A_311 = arith.mulf %unpack3A_306, %unpack3A_309 : vector<16xf32>
        %add3A_312 = arith.addf %add3A_278, %mul3A_311 : vector<16xf32>
        %mul3A_313 = arith.mulf %unpack3A_307, %unpack3A_310 : vector<16xf32>
        %add3A_314 = arith.addf %add3A_280, %mul3A_313 : vector<16xf32>
        %mul3A_315 = arith.constant 8 : i32
        %mul3A_316 = arith.muli %scan3A_211, %mul3A_315 : i32
        %add3A_317 = arith.constant 6 : i32
        %add3A_318 = arith.addi %mul3A_316, %add3A_317 : i32
        %broadcast_in_dim3A_319 = vector.broadcast %add3A_318 : i32 to vector<16xi32>
        %gather3A_320 = tpu.vector_load_idx %arg9[%add3A_194, %broadcast_in_dim3A_319] : memref<80x72xi32, #tpu.memory_space<vmem>>[vector<16xi32>, vector<16xi32>], vector<16xi32>,
        %gather3A_321 = tpu.vector_load_idx %arg15[%add3A_194, %broadcast_in_dim3A_319] : memref<80x72xi32, #tpu.memory_space<vmem>>[vector<16xi32>, vector<16xi32>], vector<16xi32>,
        %bitcast3A_322 = vector.bitcast %gather3A_320 : vector<16xi32> to vector<32xbf16>
        %unpack3A_323 = tpu.unpack_subelements %bitcast3A_322, 0 {pack_format = #tpu.pack_format<interleaved>} : vector<32xbf16> -> vector<16xf32>
        %unpack3A_324 = tpu.unpack_subelements %bitcast3A_322, 1 {pack_format = #tpu.pack_format<interleaved>} : vector<32xbf16> -> vector<16xf32>
        %bitcast3A_325 = vector.bitcast %gather3A_321 : vector<16xi32> to vector<32xbf16>
        %unpack3A_326 = tpu.unpack_subelements %bitcast3A_325, 0 {pack_format = #tpu.pack_format<interleaved>} : vector<32xbf16> -> vector<16xf32>
        %unpack3A_327 = tpu.unpack_subelements %bitcast3A_325, 1 {pack_format = #tpu.pack_format<interleaved>} : vector<32xbf16> -> vector<16xf32>
        %mul3A_328 = arith.mulf %unpack3A_323, %unpack3A_326 : vector<16xf32>
        %add3A_329 = arith.addf %add3A_295, %mul3A_328 : vector<16xf32>
        %mul3A_330 = arith.mulf %unpack3A_324, %unpack3A_327 : vector<16xf32>
        %add3A_331 = arith.addf %add3A_297, %mul3A_330 : vector<16xf32>
        %mul3A_332 = arith.constant 8 : i32
        %mul3A_333 = arith.muli %scan3A_211, %mul3A_332 : i32
        %add3A_334 = arith.constant 7 : i32
        %add3A_335 = arith.addi %mul3A_333, %add3A_334 : i32
        %broadcast_in_dim3A_336 = vector.broadcast %add3A_335 : i32 to vector<16xi32>
        %gather3A_337 = tpu.vector_load_idx %arg9[%add3A_194, %broadcast_in_dim3A_336] : memref<80x72xi32, #tpu.memory_space<vmem>>[vector<16xi32>, vector<16xi32>], vector<16xi32>,
        %gather3A_338 = tpu.vector_load_idx %arg15[%add3A_194, %broadcast_in_dim3A_336] : memref<80x72xi32, #tpu.memory_space<vmem>>[vector<16xi32>, vector<16xi32>], vector<16xi32>,
        %bitcast3A_339 = vector.bitcast %gather3A_337 : vector<16xi32> to vector<32xbf16>
        %unpack3A_340 = tpu.unpack_subelements %bitcast3A_339, 0 {pack_format = #tpu.pack_format<interleaved>} : vector<32xbf16> -> vector<16xf32>
        %unpack3A_341 = tpu.unpack_subelements %bitcast3A_339, 1 {pack_format = #tpu.pack_format<interleaved>} : vector<32xbf16> -> vector<16xf32>
        %bitcast3A_342 = vector.bitcast %gather3A_338 : vector<16xi32> to vector<32xbf16>
        %unpack3A_343 = tpu.unpack_subelements %bitcast3A_342, 0 {pack_format = #tpu.pack_format<interleaved>} : vector<32xbf16> -> vector<16xf32>
        %unpack3A_344 = tpu.unpack_subelements %bitcast3A_342, 1 {pack_format = #tpu.pack_format<interleaved>} : vector<32xbf16> -> vector<16xf32>
        %mul3A_345 = arith.mulf %unpack3A_340, %unpack3A_343 : vector<16xf32>
        %add3A_346 = arith.addf %add3A_312, %mul3A_345 : vector<16xf32>
        %mul3A_347 = arith.mulf %unpack3A_341, %unpack3A_344 : vector<16xf32>
        %add3A_348 = arith.addf %add3A_314, %mul3A_347 : vector<16xf32>
        scf.yield %add3A_329, %add3A_331, %add3A_346, %add3A_348 : vector<16xf32>, vector<16xf32>, vector<16xf32>, vector<16xf32>
      }
      %scan3A_201 = arith.constant 8 : i32
      %add3A_202 = arith.addf %scan3A_200#0, %scan3A_200#1 : vector<16xf32>
      %add3A_203 = arith.addf %scan3A_200#2, %scan3A_200#3 : vector<16xf32>
      %add3A_204 = arith.addf %add3A_202, %add3A_203 : vector<16xf32>
      %mul3A_205 = arith.constant 16 : i32
      %mul3A_206 = arith.muli %scan3A_190, %mul3A_205 : i32
      %add3A_207 = arith.constant 9680 : i32
      %add3A_208 = arith.addi %add3A_207, %mul3A_206 : i32
      %add3A_209 = vector.broadcast %add3A_208 : i32 to vector<16xi32>
      %add3A_210 = arith.addi %add3A_209, %iota3A : vector<16xi32>
      tpu.vector_store_idx %arg20[%add3A_210], %add3A_204 : memref<10000xf32, #tpu.memory_space<vmem>>[vector<16xi32>], vector<16xf32>,
    }
    %scan3A_127 = arith.constant 5 : i32
    %dma_wait3A_128 = arith.constant 122 : i32
    %dma_wait3A_129 = arith.constant 0 : i32
    %dma_wait3A_130 = tpu.memref_slice %arg6[%dma_wait3A_128, %dma_wait3A_129] : memref<125x80xi32, #tpu.memory_space<vmem>> -> memref<1x80xi32, #tpu.memory_space<vmem>>
    %dma_wait3A_131 = tpu.memref_squeeze %dma_wait3A_130 : memref<1x80xi32, #tpu.memory_space<vmem>> -> memref<80xi32, #tpu.memory_space<vmem>>
    %dma_wait3A_132 = arith.constant 0 : i32
    %dma_wait3A_133 = arith.constant 0 : i32
    %dma_wait3A_134 = tpu.memref_slice %arg2[%dma_wait3A_132, %dma_wait3A_133] : memref<10000x72xi32, #tpu.memory_space<hbm>> -> memref<10000x72xi32, #tpu.memory_space<hbm>>
    tpu.wait_indirect_dma semaphore(%arg23 : memref<!tpu.dma_semaphore, #tpu.memory_space<semaphore_mem>>) src(%dma_wait3A_134 : memref<10000x72xi32, #tpu.memory_space<hbm>>) dst(%arg10 : memref<80x72xi32, #tpu.memory_space<vmem>>)
    %dma_wait3A_135 = arith.constant 122 : i32
    %dma_wait3A_136 = arith.constant 0 : i32
    %dma_wait3A_137 = tpu.memref_slice %arg7[%dma_wait3A_135, %dma_wait3A_136] : memref<125x80xi32, #tpu.memory_space<vmem>> -> memref<1x80xi32, #tpu.memory_space<vmem>>
    %dma_wait3A_138 = tpu.memref_squeeze %dma_wait3A_137 : memref<1x80xi32, #tpu.memory_space<vmem>> -> memref<80xi32, #tpu.memory_space<vmem>>
    %dma_wait3A_139 = arith.constant 0 : i32
    %dma_wait3A_140 = arith.constant 0 : i32
    %dma_wait3A_141 = tpu.memref_slice %arg2[%dma_wait3A_139, %dma_wait3A_140] : memref<10000x72xi32, #tpu.memory_space<hbm>> -> memref<10000x72xi32, #tpu.memory_space<hbm>>
    tpu.wait_indirect_dma semaphore(%arg29 : memref<!tpu.dma_semaphore, #tpu.memory_space<semaphore_mem>>) src(%dma_wait3A_141 : memref<10000x72xi32, #tpu.memory_space<hbm>>) dst(%arg16 : memref<80x72xi32, #tpu.memory_space<vmem>>)
    %scan3A_142 = arith.constant 0 : i32
    %scan3A_143 = arith.constant 0 : i32
    %scan3A_144 = arith.constant 5 : i32
    %scan3A_145 = arith.addi %scan3A_143, %scan3A_144 : i32
    %scan3A_146 = arith.constant 1 : i32
    scf.for %scan3A_190 = %scan3A_143 to %scan3A_145 step %scan3A_146  : i32 {
      %mul3A_191 = arith.constant 16 : i32
      %mul3A_192 = arith.muli %scan3A_190, %mul3A_191 : i32
      %add3A_193 = vector.broadcast %mul3A_192 : i32 to vector<16xi32>
      %add3A_194 = arith.addi %add3A_193, %iota3A : vector<16xi32>
      %broadcast_in_dim3A = arith.constant 0.000000e+00 : f32
      %broadcast_in_dim3A_195 = vector.broadcast %broadcast_in_dim3A : f32 to vector<16xf32>
      %scan3A_196 = arith.constant 0 : i32
      %scan3A_197 = arith.constant 8 : i32
      %scan3A_198 = arith.addi %scan3A_196, %scan3A_197 : i32
      %scan3A_199 = arith.constant 1 : i32
      %scan3A_200:4 = scf.for %scan3A_211 = %scan3A_196 to %scan3A_198 step %scan3A_199 iter_args(%scan3A_212 = %broadcast_in_dim3A_195, %scan3A_213 = %broadcast_in_dim3A_195, %scan3A_214 = %broadcast_in_dim3A_195, %scan3A_215 = %broadcast_in_dim3A_195) -> (vector<16xf32>, vector<16xf32>, vector<16xf32>, vector<16xf32>)  : i32 {
        %mul3A_216 = arith.constant 8 : i32
        %mul3A_217 = arith.muli %scan3A_211, %mul3A_216 : i32
        %add3A_218 = arith.constant 0 : i32
        %add3A_219 = arith.addi %mul3A_217, %add3A_218 : i32
        %broadcast_in_dim3A_220 = vector.broadcast %add3A_219 : i32 to vector<16xi32>
        %gather3A = tpu.vector_load_idx %arg10[%add3A_194, %broadcast_in_dim3A_220] : memref<80x72xi32, #tpu.memory_space<vmem>>[vector<16xi32>, vector<16xi32>], vector<16xi32>,
        %gather3A_221 = tpu.vector_load_idx %arg16[%add3A_194, %broadcast_in_dim3A_220] : memref<80x72xi32, #tpu.memory_space<vmem>>[vector<16xi32>, vector<16xi32>], vector<16xi32>,
        %bitcast3A = vector.bitcast %gather3A : vector<16xi32> to vector<32xbf16>
        %unpack3A = tpu.unpack_subelements %bitcast3A, 0 {pack_format = #tpu.pack_format<interleaved>} : vector<32xbf16> -> vector<16xf32>
        %unpack3A_222 = tpu.unpack_subelements %bitcast3A, 1 {pack_format = #tpu.pack_format<interleaved>} : vector<32xbf16> -> vector<16xf32>
        %bitcast3A_223 = vector.bitcast %gather3A_221 : vector<16xi32> to vector<32xbf16>
        %unpack3A_224 = tpu.unpack_subelements %bitcast3A_223, 0 {pack_format = #tpu.pack_format<interleaved>} : vector<32xbf16> -> vector<16xf32>
        %unpack3A_225 = tpu.unpack_subelements %bitcast3A_223, 1 {pack_format = #tpu.pack_format<interleaved>} : vector<32xbf16> -> vector<16xf32>
        %mul3A_226 = arith.mulf %unpack3A, %unpack3A_224 : vector<16xf32>
        %add3A_227 = arith.addf %scan3A_212, %mul3A_226 : vector<16xf32>
        %mul3A_228 = arith.mulf %unpack3A_222, %unpack3A_225 : vector<16xf32>
        %add3A_229 = arith.addf %scan3A_213, %mul3A_228 : vector<16xf32>
        %mul3A_230 = arith.constant 8 : i32
        %mul3A_231 = arith.muli %scan3A_211, %mul3A_230 : i32
        %add3A_232 = arith.constant 1 : i32
        %add3A_233 = arith.addi %mul3A_231, %add3A_232 : i32
        %broadcast_in_dim3A_234 = vector.broadcast %add3A_233 : i32 to vector<16xi32>
        %gather3A_235 = tpu.vector_load_idx %arg10[%add3A_194, %broadcast_in_dim3A_234] : memref<80x72xi32, #tpu.memory_space<vmem>>[vector<16xi32>, vector<16xi32>], vector<16xi32>,
        %gather3A_236 = tpu.vector_load_idx %arg16[%add3A_194, %broadcast_in_dim3A_234] : memref<80x72xi32, #tpu.memory_space<vmem>>[vector<16xi32>, vector<16xi32>], vector<16xi32>,
        %bitcast3A_237 = vector.bitcast %gather3A_235 : vector<16xi32> to vector<32xbf16>
        %unpack3A_238 = tpu.unpack_subelements %bitcast3A_237, 0 {pack_format = #tpu.pack_format<interleaved>} : vector<32xbf16> -> vector<16xf32>
        %unpack3A_239 = tpu.unpack_subelements %bitcast3A_237, 1 {pack_format = #tpu.pack_format<interleaved>} : vector<32xbf16> -> vector<16xf32>
        %bitcast3A_240 = vector.bitcast %gather3A_236 : vector<16xi32> to vector<32xbf16>
        %unpack3A_241 = tpu.unpack_subelements %bitcast3A_240, 0 {pack_format = #tpu.pack_format<interleaved>} : vector<32xbf16> -> vector<16xf32>
        %unpack3A_242 = tpu.unpack_subelements %bitcast3A_240, 1 {pack_format = #tpu.pack_format<interleaved>} : vector<32xbf16> -> vector<16xf32>
        %mul3A_243 = arith.mulf %unpack3A_238, %unpack3A_241 : vector<16xf32>
        %add3A_244 = arith.addf %scan3A_214, %mul3A_243 : vector<16xf32>
        %mul3A_245 = arith.mulf %unpack3A_239, %unpack3A_242 : vector<16xf32>
        %add3A_246 = arith.addf %scan3A_215, %mul3A_245 : vector<16xf32>
        %mul3A_247 = arith.constant 8 : i32
        %mul3A_248 = arith.muli %scan3A_211, %mul3A_247 : i32
        %add3A_249 = arith.constant 2 : i32
        %add3A_250 = arith.addi %mul3A_248, %add3A_249 : i32
        %broadcast_in_dim3A_251 = vector.broadcast %add3A_250 : i32 to vector<16xi32>
        %gather3A_252 = tpu.vector_load_idx %arg10[%add3A_194, %broadcast_in_dim3A_251] : memref<80x72xi32, #tpu.memory_space<vmem>>[vector<16xi32>, vector<16xi32>], vector<16xi32>,
        %gather3A_253 = tpu.vector_load_idx %arg16[%add3A_194, %broadcast_in_dim3A_251] : memref<80x72xi32, #tpu.memory_space<vmem>>[vector<16xi32>, vector<16xi32>], vector<16xi32>,
        %bitcast3A_254 = vector.bitcast %gather3A_252 : vector<16xi32> to vector<32xbf16>
        %unpack3A_255 = tpu.unpack_subelements %bitcast3A_254, 0 {pack_format = #tpu.pack_format<interleaved>} : vector<32xbf16> -> vector<16xf32>
        %unpack3A_256 = tpu.unpack_subelements %bitcast3A_254, 1 {pack_format = #tpu.pack_format<interleaved>} : vector<32xbf16> -> vector<16xf32>
        %bitcast3A_257 = vector.bitcast %gather3A_253 : vector<16xi32> to vector<32xbf16>
        %unpack3A_258 = tpu.unpack_subelements %bitcast3A_257, 0 {pack_format = #tpu.pack_format<interleaved>} : vector<32xbf16> -> vector<16xf32>
        %unpack3A_259 = tpu.unpack_subelements %bitcast3A_257, 1 {pack_format = #tpu.pack_format<interleaved>} : vector<32xbf16> -> vector<16xf32>
        %mul3A_260 = arith.mulf %unpack3A_255, %unpack3A_258 : vector<16xf32>
        %add3A_261 = arith.addf %add3A_227, %mul3A_260 : vector<16xf32>
        %mul3A_262 = arith.mulf %unpack3A_256, %unpack3A_259 : vector<16xf32>
        %add3A_263 = arith.addf %add3A_229, %mul3A_262 : vector<16xf32>
        %mul3A_264 = arith.constant 8 : i32
        %mul3A_265 = arith.muli %scan3A_211, %mul3A_264 : i32
        %add3A_266 = arith.constant 3 : i32
        %add3A_267 = arith.addi %mul3A_265, %add3A_266 : i32
        %broadcast_in_dim3A_268 = vector.broadcast %add3A_267 : i32 to vector<16xi32>
        %gather3A_269 = tpu.vector_load_idx %arg10[%add3A_194, %broadcast_in_dim3A_268] : memref<80x72xi32, #tpu.memory_space<vmem>>[vector<16xi32>, vector<16xi32>], vector<16xi32>,
        %gather3A_270 = tpu.vector_load_idx %arg16[%add3A_194, %broadcast_in_dim3A_268] : memref<80x72xi32, #tpu.memory_space<vmem>>[vector<16xi32>, vector<16xi32>], vector<16xi32>,
        %bitcast3A_271 = vector.bitcast %gather3A_269 : vector<16xi32> to vector<32xbf16>
        %unpack3A_272 = tpu.unpack_subelements %bitcast3A_271, 0 {pack_format = #tpu.pack_format<interleaved>} : vector<32xbf16> -> vector<16xf32>
        %unpack3A_273 = tpu.unpack_subelements %bitcast3A_271, 1 {pack_format = #tpu.pack_format<interleaved>} : vector<32xbf16> -> vector<16xf32>
        %bitcast3A_274 = vector.bitcast %gather3A_270 : vector<16xi32> to vector<32xbf16>
        %unpack3A_275 = tpu.unpack_subelements %bitcast3A_274, 0 {pack_format = #tpu.pack_format<interleaved>} : vector<32xbf16> -> vector<16xf32>
        %unpack3A_276 = tpu.unpack_subelements %bitcast3A_274, 1 {pack_format = #tpu.pack_format<interleaved>} : vector<32xbf16> -> vector<16xf32>
        %mul3A_277 = arith.mulf %unpack3A_272, %unpack3A_275 : vector<16xf32>
        %add3A_278 = arith.addf %add3A_244, %mul3A_277 : vector<16xf32>
        %mul3A_279 = arith.mulf %unpack3A_273, %unpack3A_276 : vector<16xf32>
        %add3A_280 = arith.addf %add3A_246, %mul3A_279 : vector<16xf32>
        %mul3A_281 = arith.constant 8 : i32
        %mul3A_282 = arith.muli %scan3A_211, %mul3A_281 : i32
        %add3A_283 = arith.constant 4 : i32
        %add3A_284 = arith.addi %mul3A_282, %add3A_283 : i32
        %broadcast_in_dim3A_285 = vector.broadcast %add3A_284 : i32 to vector<16xi32>
        %gather3A_286 = tpu.vector_load_idx %arg10[%add3A_194, %broadcast_in_dim3A_285] : memref<80x72xi32, #tpu.memory_space<vmem>>[vector<16xi32>, vector<16xi32>], vector<16xi32>,
        %gather3A_287 = tpu.vector_load_idx %arg16[%add3A_194, %broadcast_in_dim3A_285] : memref<80x72xi32, #tpu.memory_space<vmem>>[vector<16xi32>, vector<16xi32>], vector<16xi32>,
        %bitcast3A_288 = vector.bitcast %gather3A_286 : vector<16xi32> to vector<32xbf16>
        %unpack3A_289 = tpu.unpack_subelements %bitcast3A_288, 0 {pack_format = #tpu.pack_format<interleaved>} : vector<32xbf16> -> vector<16xf32>
        %unpack3A_290 = tpu.unpack_subelements %bitcast3A_288, 1 {pack_format = #tpu.pack_format<interleaved>} : vector<32xbf16> -> vector<16xf32>
        %bitcast3A_291 = vector.bitcast %gather3A_287 : vector<16xi32> to vector<32xbf16>
        %unpack3A_292 = tpu.unpack_subelements %bitcast3A_291, 0 {pack_format = #tpu.pack_format<interleaved>} : vector<32xbf16> -> vector<16xf32>
        %unpack3A_293 = tpu.unpack_subelements %bitcast3A_291, 1 {pack_format = #tpu.pack_format<interleaved>} : vector<32xbf16> -> vector<16xf32>
        %mul3A_294 = arith.mulf %unpack3A_289, %unpack3A_292 : vector<16xf32>
        %add3A_295 = arith.addf %add3A_261, %mul3A_294 : vector<16xf32>
        %mul3A_296 = arith.mulf %unpack3A_290, %unpack3A_293 : vector<16xf32>
        %add3A_297 = arith.addf %add3A_263, %mul3A_296 : vector<16xf32>
        %mul3A_298 = arith.constant 8 : i32
        %mul3A_299 = arith.muli %scan3A_211, %mul3A_298 : i32
        %add3A_300 = arith.constant 5 : i32
        %add3A_301 = arith.addi %mul3A_299, %add3A_300 : i32
        %broadcast_in_dim3A_302 = vector.broadcast %add3A_301 : i32 to vector<16xi32>
        %gather3A_303 = tpu.vector_load_idx %arg10[%add3A_194, %broadcast_in_dim3A_302] : memref<80x72xi32, #tpu.memory_space<vmem>>[vector<16xi32>, vector<16xi32>], vector<16xi32>,
        %gather3A_304 = tpu.vector_load_idx %arg16[%add3A_194, %broadcast_in_dim3A_302] : memref<80x72xi32, #tpu.memory_space<vmem>>[vector<16xi32>, vector<16xi32>], vector<16xi32>,
        %bitcast3A_305 = vector.bitcast %gather3A_303 : vector<16xi32> to vector<32xbf16>
        %unpack3A_306 = tpu.unpack_subelements %bitcast3A_305, 0 {pack_format = #tpu.pack_format<interleaved>} : vector<32xbf16> -> vector<16xf32>
        %unpack3A_307 = tpu.unpack_subelements %bitcast3A_305, 1 {pack_format = #tpu.pack_format<interleaved>} : vector<32xbf16> -> vector<16xf32>
        %bitcast3A_308 = vector.bitcast %gather3A_304 : vector<16xi32> to vector<32xbf16>
        %unpack3A_309 = tpu.unpack_subelements %bitcast3A_308, 0 {pack_format = #tpu.pack_format<interleaved>} : vector<32xbf16> -> vector<16xf32>
        %unpack3A_310 = tpu.unpack_subelements %bitcast3A_308, 1 {pack_format = #tpu.pack_format<interleaved>} : vector<32xbf16> -> vector<16xf32>
        %mul3A_311 = arith.mulf %unpack3A_306, %unpack3A_309 : vector<16xf32>
        %add3A_312 = arith.addf %add3A_278, %mul3A_311 : vector<16xf32>
        %mul3A_313 = arith.mulf %unpack3A_307, %unpack3A_310 : vector<16xf32>
        %add3A_314 = arith.addf %add3A_280, %mul3A_313 : vector<16xf32>
        %mul3A_315 = arith.constant 8 : i32
        %mul3A_316 = arith.muli %scan3A_211, %mul3A_315 : i32
        %add3A_317 = arith.constant 6 : i32
        %add3A_318 = arith.addi %mul3A_316, %add3A_317 : i32
        %broadcast_in_dim3A_319 = vector.broadcast %add3A_318 : i32 to vector<16xi32>
        %gather3A_320 = tpu.vector_load_idx %arg10[%add3A_194, %broadcast_in_dim3A_319] : memref<80x72xi32, #tpu.memory_space<vmem>>[vector<16xi32>, vector<16xi32>], vector<16xi32>,
        %gather3A_321 = tpu.vector_load_idx %arg16[%add3A_194, %broadcast_in_dim3A_319] : memref<80x72xi32, #tpu.memory_space<vmem>>[vector<16xi32>, vector<16xi32>], vector<16xi32>,
        %bitcast3A_322 = vector.bitcast %gather3A_320 : vector<16xi32> to vector<32xbf16>
        %unpack3A_323 = tpu.unpack_subelements %bitcast3A_322, 0 {pack_format = #tpu.pack_format<interleaved>} : vector<32xbf16> -> vector<16xf32>
        %unpack3A_324 = tpu.unpack_subelements %bitcast3A_322, 1 {pack_format = #tpu.pack_format<interleaved>} : vector<32xbf16> -> vector<16xf32>
        %bitcast3A_325 = vector.bitcast %gather3A_321 : vector<16xi32> to vector<32xbf16>
        %unpack3A_326 = tpu.unpack_subelements %bitcast3A_325, 0 {pack_format = #tpu.pack_format<interleaved>} : vector<32xbf16> -> vector<16xf32>
        %unpack3A_327 = tpu.unpack_subelements %bitcast3A_325, 1 {pack_format = #tpu.pack_format<interleaved>} : vector<32xbf16> -> vector<16xf32>
        %mul3A_328 = arith.mulf %unpack3A_323, %unpack3A_326 : vector<16xf32>
        %add3A_329 = arith.addf %add3A_295, %mul3A_328 : vector<16xf32>
        %mul3A_330 = arith.mulf %unpack3A_324, %unpack3A_327 : vector<16xf32>
        %add3A_331 = arith.addf %add3A_297, %mul3A_330 : vector<16xf32>
        %mul3A_332 = arith.constant 8 : i32
        %mul3A_333 = arith.muli %scan3A_211, %mul3A_332 : i32
        %add3A_334 = arith.constant 7 : i32
        %add3A_335 = arith.addi %mul3A_333, %add3A_334 : i32
        %broadcast_in_dim3A_336 = vector.broadcast %add3A_335 : i32 to vector<16xi32>
        %gather3A_337 = tpu.vector_load_idx %arg10[%add3A_194, %broadcast_in_dim3A_336] : memref<80x72xi32, #tpu.memory_space<vmem>>[vector<16xi32>, vector<16xi32>], vector<16xi32>,
        %gather3A_338 = tpu.vector_load_idx %arg16[%add3A_194, %broadcast_in_dim3A_336] : memref<80x72xi32, #tpu.memory_space<vmem>>[vector<16xi32>, vector<16xi32>], vector<16xi32>,
        %bitcast3A_339 = vector.bitcast %gather3A_337 : vector<16xi32> to vector<32xbf16>
        %unpack3A_340 = tpu.unpack_subelements %bitcast3A_339, 0 {pack_format = #tpu.pack_format<interleaved>} : vector<32xbf16> -> vector<16xf32>
        %unpack3A_341 = tpu.unpack_subelements %bitcast3A_339, 1 {pack_format = #tpu.pack_format<interleaved>} : vector<32xbf16> -> vector<16xf32>
        %bitcast3A_342 = vector.bitcast %gather3A_338 : vector<16xi32> to vector<32xbf16>
        %unpack3A_343 = tpu.unpack_subelements %bitcast3A_342, 0 {pack_format = #tpu.pack_format<interleaved>} : vector<32xbf16> -> vector<16xf32>
        %unpack3A_344 = tpu.unpack_subelements %bitcast3A_342, 1 {pack_format = #tpu.pack_format<interleaved>} : vector<32xbf16> -> vector<16xf32>
        %mul3A_345 = arith.mulf %unpack3A_340, %unpack3A_343 : vector<16xf32>
        %add3A_346 = arith.addf %add3A_312, %mul3A_345 : vector<16xf32>
        %mul3A_347 = arith.mulf %unpack3A_341, %unpack3A_344 : vector<16xf32>
        %add3A_348 = arith.addf %add3A_314, %mul3A_347 : vector<16xf32>
        scf.yield %add3A_329, %add3A_331, %add3A_346, %add3A_348 : vector<16xf32>, vector<16xf32>, vector<16xf32>, vector<16xf32>
      }
      %scan3A_201 = arith.constant 8 : i32
      %add3A_202 = arith.addf %scan3A_200#0, %scan3A_200#1 : vector<16xf32>
      %add3A_203 = arith.addf %scan3A_200#2, %scan3A_200#3 : vector<16xf32>
      %add3A_204 = arith.addf %add3A_202, %add3A_203 : vector<16xf32>
      %mul3A_205 = arith.constant 16 : i32
      %mul3A_206 = arith.muli %scan3A_190, %mul3A_205 : i32
      %add3A_207 = arith.constant 9760 : i32
      %add3A_208 = arith.addi %add3A_207, %mul3A_206 : i32
      %add3A_209 = vector.broadcast %add3A_208 : i32 to vector<16xi32>
      %add3A_210 = arith.addi %add3A_209, %iota3A : vector<16xi32>
      tpu.vector_store_idx %arg20[%add3A_210], %add3A_204 : memref<10000xf32, #tpu.memory_space<vmem>>[vector<16xi32>], vector<16xf32>,
    }
    %scan3A_147 = arith.constant 5 : i32
    %dma_wait3A_148 = arith.constant 123 : i32
    %dma_wait3A_149 = arith.constant 0 : i32
    %dma_wait3A_150 = tpu.memref_slice %arg6[%dma_wait3A_148, %dma_wait3A_149] : memref<125x80xi32, #tpu.memory_space<vmem>> -> memref<1x80xi32, #tpu.memory_space<vmem>>
    %dma_wait3A_151 = tpu.memref_squeeze %dma_wait3A_150 : memref<1x80xi32, #tpu.memory_space<vmem>> -> memref<80xi32, #tpu.memory_space<vmem>>
    %dma_wait3A_152 = arith.constant 0 : i32
    %dma_wait3A_153 = arith.constant 0 : i32
    %dma_wait3A_154 = tpu.memref_slice %arg2[%dma_wait3A_152, %dma_wait3A_153] : memref<10000x72xi32, #tpu.memory_space<hbm>> -> memref<10000x72xi32, #tpu.memory_space<hbm>>
    tpu.wait_indirect_dma semaphore(%arg24 : memref<!tpu.dma_semaphore, #tpu.memory_space<semaphore_mem>>) src(%dma_wait3A_154 : memref<10000x72xi32, #tpu.memory_space<hbm>>) dst(%arg11 : memref<80x72xi32, #tpu.memory_space<vmem>>)
    %dma_wait3A_155 = arith.constant 123 : i32
    %dma_wait3A_156 = arith.constant 0 : i32
    %dma_wait3A_157 = tpu.memref_slice %arg7[%dma_wait3A_155, %dma_wait3A_156] : memref<125x80xi32, #tpu.memory_space<vmem>> -> memref<1x80xi32, #tpu.memory_space<vmem>>
    %dma_wait3A_158 = tpu.memref_squeeze %dma_wait3A_157 : memref<1x80xi32, #tpu.memory_space<vmem>> -> memref<80xi32, #tpu.memory_space<vmem>>
    %dma_wait3A_159 = arith.constant 0 : i32
    %dma_wait3A_160 = arith.constant 0 : i32
    %dma_wait3A_161 = tpu.memref_slice %arg2[%dma_wait3A_159, %dma_wait3A_160] : memref<10000x72xi32, #tpu.memory_space<hbm>> -> memref<10000x72xi32, #tpu.memory_space<hbm>>
    tpu.wait_indirect_dma semaphore(%arg30 : memref<!tpu.dma_semaphore, #tpu.memory_space<semaphore_mem>>) src(%dma_wait3A_161 : memref<10000x72xi32, #tpu.memory_space<hbm>>) dst(%arg17 : memref<80x72xi32, #tpu.memory_space<vmem>>)
    %scan3A_162 = arith.constant 0 : i32
    %scan3A_163 = arith.constant 0 : i32
    %scan3A_164 = arith.constant 5 : i32
    %scan3A_165 = arith.addi %scan3A_163, %scan3A_164 : i32
    %scan3A_166 = arith.constant 1 : i32
    scf.for %scan3A_190 = %scan3A_163 to %scan3A_165 step %scan3A_166  : i32 {
      %mul3A_191 = arith.constant 16 : i32
      %mul3A_192 = arith.muli %scan3A_190, %mul3A_191 : i32
      %add3A_193 = vector.broadcast %mul3A_192 : i32 to vector<16xi32>
      %add3A_194 = arith.addi %add3A_193, %iota3A : vector<16xi32>
      %broadcast_in_dim3A = arith.constant 0.000000e+00 : f32
      %broadcast_in_dim3A_195 = vector.broadcast %broadcast_in_dim3A : f32 to vector<16xf32>
      %scan3A_196 = arith.constant 0 : i32
      %scan3A_197 = arith.constant 8 : i32
      %scan3A_198 = arith.addi %scan3A_196, %scan3A_197 : i32
      %scan3A_199 = arith.constant 1 : i32
      %scan3A_200:4 = scf.for %scan3A_211 = %scan3A_196 to %scan3A_198 step %scan3A_199 iter_args(%scan3A_212 = %broadcast_in_dim3A_195, %scan3A_213 = %broadcast_in_dim3A_195, %scan3A_214 = %broadcast_in_dim3A_195, %scan3A_215 = %broadcast_in_dim3A_195) -> (vector<16xf32>, vector<16xf32>, vector<16xf32>, vector<16xf32>)  : i32 {
        %mul3A_216 = arith.constant 8 : i32
        %mul3A_217 = arith.muli %scan3A_211, %mul3A_216 : i32
        %add3A_218 = arith.constant 0 : i32
        %add3A_219 = arith.addi %mul3A_217, %add3A_218 : i32
        %broadcast_in_dim3A_220 = vector.broadcast %add3A_219 : i32 to vector<16xi32>
        %gather3A = tpu.vector_load_idx %arg11[%add3A_194, %broadcast_in_dim3A_220] : memref<80x72xi32, #tpu.memory_space<vmem>>[vector<16xi32>, vector<16xi32>], vector<16xi32>,
        %gather3A_221 = tpu.vector_load_idx %arg17[%add3A_194, %broadcast_in_dim3A_220] : memref<80x72xi32, #tpu.memory_space<vmem>>[vector<16xi32>, vector<16xi32>], vector<16xi32>,
        %bitcast3A = vector.bitcast %gather3A : vector<16xi32> to vector<32xbf16>
        %unpack3A = tpu.unpack_subelements %bitcast3A, 0 {pack_format = #tpu.pack_format<interleaved>} : vector<32xbf16> -> vector<16xf32>
        %unpack3A_222 = tpu.unpack_subelements %bitcast3A, 1 {pack_format = #tpu.pack_format<interleaved>} : vector<32xbf16> -> vector<16xf32>
        %bitcast3A_223 = vector.bitcast %gather3A_221 : vector<16xi32> to vector<32xbf16>
        %unpack3A_224 = tpu.unpack_subelements %bitcast3A_223, 0 {pack_format = #tpu.pack_format<interleaved>} : vector<32xbf16> -> vector<16xf32>
        %unpack3A_225 = tpu.unpack_subelements %bitcast3A_223, 1 {pack_format = #tpu.pack_format<interleaved>} : vector<32xbf16> -> vector<16xf32>
        %mul3A_226 = arith.mulf %unpack3A, %unpack3A_224 : vector<16xf32>
        %add3A_227 = arith.addf %scan3A_212, %mul3A_226 : vector<16xf32>
        %mul3A_228 = arith.mulf %unpack3A_222, %unpack3A_225 : vector<16xf32>
        %add3A_229 = arith.addf %scan3A_213, %mul3A_228 : vector<16xf32>
        %mul3A_230 = arith.constant 8 : i32
        %mul3A_231 = arith.muli %scan3A_211, %mul3A_230 : i32
        %add3A_232 = arith.constant 1 : i32
        %add3A_233 = arith.addi %mul3A_231, %add3A_232 : i32
        %broadcast_in_dim3A_234 = vector.broadcast %add3A_233 : i32 to vector<16xi32>
        %gather3A_235 = tpu.vector_load_idx %arg11[%add3A_194, %broadcast_in_dim3A_234] : memref<80x72xi32, #tpu.memory_space<vmem>>[vector<16xi32>, vector<16xi32>], vector<16xi32>,
        %gather3A_236 = tpu.vector_load_idx %arg17[%add3A_194, %broadcast_in_dim3A_234] : memref<80x72xi32, #tpu.memory_space<vmem>>[vector<16xi32>, vector<16xi32>], vector<16xi32>,
        %bitcast3A_237 = vector.bitcast %gather3A_235 : vector<16xi32> to vector<32xbf16>
        %unpack3A_238 = tpu.unpack_subelements %bitcast3A_237, 0 {pack_format = #tpu.pack_format<interleaved>} : vector<32xbf16> -> vector<16xf32>
        %unpack3A_239 = tpu.unpack_subelements %bitcast3A_237, 1 {pack_format = #tpu.pack_format<interleaved>} : vector<32xbf16> -> vector<16xf32>
        %bitcast3A_240 = vector.bitcast %gather3A_236 : vector<16xi32> to vector<32xbf16>
        %unpack3A_241 = tpu.unpack_subelements %bitcast3A_240, 0 {pack_format = #tpu.pack_format<interleaved>} : vector<32xbf16> -> vector<16xf32>
        %unpack3A_242 = tpu.unpack_subelements %bitcast3A_240, 1 {pack_format = #tpu.pack_format<interleaved>} : vector<32xbf16> -> vector<16xf32>
        %mul3A_243 = arith.mulf %unpack3A_238, %unpack3A_241 : vector<16xf32>
        %add3A_244 = arith.addf %scan3A_214, %mul3A_243 : vector<16xf32>
        %mul3A_245 = arith.mulf %unpack3A_239, %unpack3A_242 : vector<16xf32>
        %add3A_246 = arith.addf %scan3A_215, %mul3A_245 : vector<16xf32>
        %mul3A_247 = arith.constant 8 : i32
        %mul3A_248 = arith.muli %scan3A_211, %mul3A_247 : i32
        %add3A_249 = arith.constant 2 : i32
        %add3A_250 = arith.addi %mul3A_248, %add3A_249 : i32
        %broadcast_in_dim3A_251 = vector.broadcast %add3A_250 : i32 to vector<16xi32>
        %gather3A_252 = tpu.vector_load_idx %arg11[%add3A_194, %broadcast_in_dim3A_251] : memref<80x72xi32, #tpu.memory_space<vmem>>[vector<16xi32>, vector<16xi32>], vector<16xi32>,
        %gather3A_253 = tpu.vector_load_idx %arg17[%add3A_194, %broadcast_in_dim3A_251] : memref<80x72xi32, #tpu.memory_space<vmem>>[vector<16xi32>, vector<16xi32>], vector<16xi32>,
        %bitcast3A_254 = vector.bitcast %gather3A_252 : vector<16xi32> to vector<32xbf16>
        %unpack3A_255 = tpu.unpack_subelements %bitcast3A_254, 0 {pack_format = #tpu.pack_format<interleaved>} : vector<32xbf16> -> vector<16xf32>
        %unpack3A_256 = tpu.unpack_subelements %bitcast3A_254, 1 {pack_format = #tpu.pack_format<interleaved>} : vector<32xbf16> -> vector<16xf32>
        %bitcast3A_257 = vector.bitcast %gather3A_253 : vector<16xi32> to vector<32xbf16>
        %unpack3A_258 = tpu.unpack_subelements %bitcast3A_257, 0 {pack_format = #tpu.pack_format<interleaved>} : vector<32xbf16> -> vector<16xf32>
        %unpack3A_259 = tpu.unpack_subelements %bitcast3A_257, 1 {pack_format = #tpu.pack_format<interleaved>} : vector<32xbf16> -> vector<16xf32>
        %mul3A_260 = arith.mulf %unpack3A_255, %unpack3A_258 : vector<16xf32>
        %add3A_261 = arith.addf %add3A_227, %mul3A_260 : vector<16xf32>
        %mul3A_262 = arith.mulf %unpack3A_256, %unpack3A_259 : vector<16xf32>
        %add3A_263 = arith.addf %add3A_229, %mul3A_262 : vector<16xf32>
        %mul3A_264 = arith.constant 8 : i32
        %mul3A_265 = arith.muli %scan3A_211, %mul3A_264 : i32
        %add3A_266 = arith.constant 3 : i32
        %add3A_267 = arith.addi %mul3A_265, %add3A_266 : i32
        %broadcast_in_dim3A_268 = vector.broadcast %add3A_267 : i32 to vector<16xi32>
        %gather3A_269 = tpu.vector_load_idx %arg11[%add3A_194, %broadcast_in_dim3A_268] : memref<80x72xi32, #tpu.memory_space<vmem>>[vector<16xi32>, vector<16xi32>], vector<16xi32>,
        %gather3A_270 = tpu.vector_load_idx %arg17[%add3A_194, %broadcast_in_dim3A_268] : memref<80x72xi32, #tpu.memory_space<vmem>>[vector<16xi32>, vector<16xi32>], vector<16xi32>,
        %bitcast3A_271 = vector.bitcast %gather3A_269 : vector<16xi32> to vector<32xbf16>
        %unpack3A_272 = tpu.unpack_subelements %bitcast3A_271, 0 {pack_format = #tpu.pack_format<interleaved>} : vector<32xbf16> -> vector<16xf32>
        %unpack3A_273 = tpu.unpack_subelements %bitcast3A_271, 1 {pack_format = #tpu.pack_format<interleaved>} : vector<32xbf16> -> vector<16xf32>
        %bitcast3A_274 = vector.bitcast %gather3A_270 : vector<16xi32> to vector<32xbf16>
        %unpack3A_275 = tpu.unpack_subelements %bitcast3A_274, 0 {pack_format = #tpu.pack_format<interleaved>} : vector<32xbf16> -> vector<16xf32>
        %unpack3A_276 = tpu.unpack_subelements %bitcast3A_274, 1 {pack_format = #tpu.pack_format<interleaved>} : vector<32xbf16> -> vector<16xf32>
        %mul3A_277 = arith.mulf %unpack3A_272, %unpack3A_275 : vector<16xf32>
        %add3A_278 = arith.addf %add3A_244, %mul3A_277 : vector<16xf32>
        %mul3A_279 = arith.mulf %unpack3A_273, %unpack3A_276 : vector<16xf32>
        %add3A_280 = arith.addf %add3A_246, %mul3A_279 : vector<16xf32>
        %mul3A_281 = arith.constant 8 : i32
        %mul3A_282 = arith.muli %scan3A_211, %mul3A_281 : i32
        %add3A_283 = arith.constant 4 : i32
        %add3A_284 = arith.addi %mul3A_282, %add3A_283 : i32
        %broadcast_in_dim3A_285 = vector.broadcast %add3A_284 : i32 to vector<16xi32>
        %gather3A_286 = tpu.vector_load_idx %arg11[%add3A_194, %broadcast_in_dim3A_285] : memref<80x72xi32, #tpu.memory_space<vmem>>[vector<16xi32>, vector<16xi32>], vector<16xi32>,
        %gather3A_287 = tpu.vector_load_idx %arg17[%add3A_194, %broadcast_in_dim3A_285] : memref<80x72xi32, #tpu.memory_space<vmem>>[vector<16xi32>, vector<16xi32>], vector<16xi32>,
        %bitcast3A_288 = vector.bitcast %gather3A_286 : vector<16xi32> to vector<32xbf16>
        %unpack3A_289 = tpu.unpack_subelements %bitcast3A_288, 0 {pack_format = #tpu.pack_format<interleaved>} : vector<32xbf16> -> vector<16xf32>
        %unpack3A_290 = tpu.unpack_subelements %bitcast3A_288, 1 {pack_format = #tpu.pack_format<interleaved>} : vector<32xbf16> -> vector<16xf32>
        %bitcast3A_291 = vector.bitcast %gather3A_287 : vector<16xi32> to vector<32xbf16>
        %unpack3A_292 = tpu.unpack_subelements %bitcast3A_291, 0 {pack_format = #tpu.pack_format<interleaved>} : vector<32xbf16> -> vector<16xf32>
        %unpack3A_293 = tpu.unpack_subelements %bitcast3A_291, 1 {pack_format = #tpu.pack_format<interleaved>} : vector<32xbf16> -> vector<16xf32>
        %mul3A_294 = arith.mulf %unpack3A_289, %unpack3A_292 : vector<16xf32>
        %add3A_295 = arith.addf %add3A_261, %mul3A_294 : vector<16xf32>
        %mul3A_296 = arith.mulf %unpack3A_290, %unpack3A_293 : vector<16xf32>
        %add3A_297 = arith.addf %add3A_263, %mul3A_296 : vector<16xf32>
        %mul3A_298 = arith.constant 8 : i32
        %mul3A_299 = arith.muli %scan3A_211, %mul3A_298 : i32
        %add3A_300 = arith.constant 5 : i32
        %add3A_301 = arith.addi %mul3A_299, %add3A_300 : i32
        %broadcast_in_dim3A_302 = vector.broadcast %add3A_301 : i32 to vector<16xi32>
        %gather3A_303 = tpu.vector_load_idx %arg11[%add3A_194, %broadcast_in_dim3A_302] : memref<80x72xi32, #tpu.memory_space<vmem>>[vector<16xi32>, vector<16xi32>], vector<16xi32>,
        %gather3A_304 = tpu.vector_load_idx %arg17[%add3A_194, %broadcast_in_dim3A_302] : memref<80x72xi32, #tpu.memory_space<vmem>>[vector<16xi32>, vector<16xi32>], vector<16xi32>,
        %bitcast3A_305 = vector.bitcast %gather3A_303 : vector<16xi32> to vector<32xbf16>
        %unpack3A_306 = tpu.unpack_subelements %bitcast3A_305, 0 {pack_format = #tpu.pack_format<interleaved>} : vector<32xbf16> -> vector<16xf32>
        %unpack3A_307 = tpu.unpack_subelements %bitcast3A_305, 1 {pack_format = #tpu.pack_format<interleaved>} : vector<32xbf16> -> vector<16xf32>
        %bitcast3A_308 = vector.bitcast %gather3A_304 : vector<16xi32> to vector<32xbf16>
        %unpack3A_309 = tpu.unpack_subelements %bitcast3A_308, 0 {pack_format = #tpu.pack_format<interleaved>} : vector<32xbf16> -> vector<16xf32>
        %unpack3A_310 = tpu.unpack_subelements %bitcast3A_308, 1 {pack_format = #tpu.pack_format<interleaved>} : vector<32xbf16> -> vector<16xf32>
        %mul3A_311 = arith.mulf %unpack3A_306, %unpack3A_309 : vector<16xf32>
        %add3A_312 = arith.addf %add3A_278, %mul3A_311 : vector<16xf32>
        %mul3A_313 = arith.mulf %unpack3A_307, %unpack3A_310 : vector<16xf32>
        %add3A_314 = arith.addf %add3A_280, %mul3A_313 : vector<16xf32>
        %mul3A_315 = arith.constant 8 : i32
        %mul3A_316 = arith.muli %scan3A_211, %mul3A_315 : i32
        %add3A_317 = arith.constant 6 : i32
        %add3A_318 = arith.addi %mul3A_316, %add3A_317 : i32
        %broadcast_in_dim3A_319 = vector.broadcast %add3A_318 : i32 to vector<16xi32>
        %gather3A_320 = tpu.vector_load_idx %arg11[%add3A_194, %broadcast_in_dim3A_319] : memref<80x72xi32, #tpu.memory_space<vmem>>[vector<16xi32>, vector<16xi32>], vector<16xi32>,
        %gather3A_321 = tpu.vector_load_idx %arg17[%add3A_194, %broadcast_in_dim3A_319] : memref<80x72xi32, #tpu.memory_space<vmem>>[vector<16xi32>, vector<16xi32>], vector<16xi32>,
        %bitcast3A_322 = vector.bitcast %gather3A_320 : vector<16xi32> to vector<32xbf16>
        %unpack3A_323 = tpu.unpack_subelements %bitcast3A_322, 0 {pack_format = #tpu.pack_format<interleaved>} : vector<32xbf16> -> vector<16xf32>
        %unpack3A_324 = tpu.unpack_subelements %bitcast3A_322, 1 {pack_format = #tpu.pack_format<interleaved>} : vector<32xbf16> -> vector<16xf32>
        %bitcast3A_325 = vector.bitcast %gather3A_321 : vector<16xi32> to vector<32xbf16>
        %unpack3A_326 = tpu.unpack_subelements %bitcast3A_325, 0 {pack_format = #tpu.pack_format<interleaved>} : vector<32xbf16> -> vector<16xf32>
        %unpack3A_327 = tpu.unpack_subelements %bitcast3A_325, 1 {pack_format = #tpu.pack_format<interleaved>} : vector<32xbf16> -> vector<16xf32>
        %mul3A_328 = arith.mulf %unpack3A_323, %unpack3A_326 : vector<16xf32>
        %add3A_329 = arith.addf %add3A_295, %mul3A_328 : vector<16xf32>
        %mul3A_330 = arith.mulf %unpack3A_324, %unpack3A_327 : vector<16xf32>
        %add3A_331 = arith.addf %add3A_297, %mul3A_330 : vector<16xf32>
        %mul3A_332 = arith.constant 8 : i32
        %mul3A_333 = arith.muli %scan3A_211, %mul3A_332 : i32
        %add3A_334 = arith.constant 7 : i32
        %add3A_335 = arith.addi %mul3A_333, %add3A_334 : i32
        %broadcast_in_dim3A_336 = vector.broadcast %add3A_335 : i32 to vector<16xi32>
        %gather3A_337 = tpu.vector_load_idx %arg11[%add3A_194, %broadcast_in_dim3A_336] : memref<80x72xi32, #tpu.memory_space<vmem>>[vector<16xi32>, vector<16xi32>], vector<16xi32>,
        %gather3A_338 = tpu.vector_load_idx %arg17[%add3A_194, %broadcast_in_dim3A_336] : memref<80x72xi32, #tpu.memory_space<vmem>>[vector<16xi32>, vector<16xi32>], vector<16xi32>,
        %bitcast3A_339 = vector.bitcast %gather3A_337 : vector<16xi32> to vector<32xbf16>
        %unpack3A_340 = tpu.unpack_subelements %bitcast3A_339, 0 {pack_format = #tpu.pack_format<interleaved>} : vector<32xbf16> -> vector<16xf32>
        %unpack3A_341 = tpu.unpack_subelements %bitcast3A_339, 1 {pack_format = #tpu.pack_format<interleaved>} : vector<32xbf16> -> vector<16xf32>
        %bitcast3A_342 = vector.bitcast %gather3A_338 : vector<16xi32> to vector<32xbf16>
        %unpack3A_343 = tpu.unpack_subelements %bitcast3A_342, 0 {pack_format = #tpu.pack_format<interleaved>} : vector<32xbf16> -> vector<16xf32>
        %unpack3A_344 = tpu.unpack_subelements %bitcast3A_342, 1 {pack_format = #tpu.pack_format<interleaved>} : vector<32xbf16> -> vector<16xf32>
        %mul3A_345 = arith.mulf %unpack3A_340, %unpack3A_343 : vector<16xf32>
        %add3A_346 = arith.addf %add3A_312, %mul3A_345 : vector<16xf32>
        %mul3A_347 = arith.mulf %unpack3A_341, %unpack3A_344 : vector<16xf32>
        %add3A_348 = arith.addf %add3A_314, %mul3A_347 : vector<16xf32>
        scf.yield %add3A_329, %add3A_331, %add3A_346, %add3A_348 : vector<16xf32>, vector<16xf32>, vector<16xf32>, vector<16xf32>
      }
      %scan3A_201 = arith.constant 8 : i32
      %add3A_202 = arith.addf %scan3A_200#0, %scan3A_200#1 : vector<16xf32>
      %add3A_203 = arith.addf %scan3A_200#2, %scan3A_200#3 : vector<16xf32>
      %add3A_204 = arith.addf %add3A_202, %add3A_203 : vector<16xf32>
      %mul3A_205 = arith.constant 16 : i32
      %mul3A_206 = arith.muli %scan3A_190, %mul3A_205 : i32
      %add3A_207 = arith.constant 9840 : i32
      %add3A_208 = arith.addi %add3A_207, %mul3A_206 : i32
      %add3A_209 = vector.broadcast %add3A_208 : i32 to vector<16xi32>
      %add3A_210 = arith.addi %add3A_209, %iota3A : vector<16xi32>
      tpu.vector_store_idx %arg20[%add3A_210], %add3A_204 : memref<10000xf32, #tpu.memory_space<vmem>>[vector<16xi32>], vector<16xf32>,
    }
    %scan3A_167 = arith.constant 5 : i32
    %dma_wait3A_168 = arith.constant 124 : i32
    %dma_wait3A_169 = arith.constant 0 : i32
    %dma_wait3A_170 = tpu.memref_slice %arg6[%dma_wait3A_168, %dma_wait3A_169] : memref<125x80xi32, #tpu.memory_space<vmem>> -> memref<1x80xi32, #tpu.memory_space<vmem>>
    %dma_wait3A_171 = tpu.memref_squeeze %dma_wait3A_170 : memref<1x80xi32, #tpu.memory_space<vmem>> -> memref<80xi32, #tpu.memory_space<vmem>>
    %dma_wait3A_172 = arith.constant 0 : i32
    %dma_wait3A_173 = arith.constant 0 : i32
    %dma_wait3A_174 = tpu.memref_slice %arg2[%dma_wait3A_172, %dma_wait3A_173] : memref<10000x72xi32, #tpu.memory_space<hbm>> -> memref<10000x72xi32, #tpu.memory_space<hbm>>
    tpu.wait_indirect_dma semaphore(%arg25 : memref<!tpu.dma_semaphore, #tpu.memory_space<semaphore_mem>>) src(%dma_wait3A_174 : memref<10000x72xi32, #tpu.memory_space<hbm>>) dst(%arg12 : memref<80x72xi32, #tpu.memory_space<vmem>>)
    %dma_wait3A_175 = arith.constant 124 : i32
    %dma_wait3A_176 = arith.constant 0 : i32
    %dma_wait3A_177 = tpu.memref_slice %arg7[%dma_wait3A_175, %dma_wait3A_176] : memref<125x80xi32, #tpu.memory_space<vmem>> -> memref<1x80xi32, #tpu.memory_space<vmem>>
    %dma_wait3A_178 = tpu.memref_squeeze %dma_wait3A_177 : memref<1x80xi32, #tpu.memory_space<vmem>> -> memref<80xi32, #tpu.memory_space<vmem>>
    %dma_wait3A_179 = arith.constant 0 : i32
    %dma_wait3A_180 = arith.constant 0 : i32
    %dma_wait3A_181 = tpu.memref_slice %arg2[%dma_wait3A_179, %dma_wait3A_180] : memref<10000x72xi32, #tpu.memory_space<hbm>> -> memref<10000x72xi32, #tpu.memory_space<hbm>>
    tpu.wait_indirect_dma semaphore(%arg31 : memref<!tpu.dma_semaphore, #tpu.memory_space<semaphore_mem>>) src(%dma_wait3A_181 : memref<10000x72xi32, #tpu.memory_space<hbm>>) dst(%arg18 : memref<80x72xi32, #tpu.memory_space<vmem>>)
    %scan3A_182 = arith.constant 0 : i32
    %scan3A_183 = arith.constant 0 : i32
    %scan3A_184 = arith.constant 5 : i32
    %scan3A_185 = arith.addi %scan3A_183, %scan3A_184 : i32
    %scan3A_186 = arith.constant 1 : i32
    scf.for %scan3A_190 = %scan3A_183 to %scan3A_185 step %scan3A_186  : i32 {
      %mul3A_191 = arith.constant 16 : i32
      %mul3A_192 = arith.muli %scan3A_190, %mul3A_191 : i32
      %add3A_193 = vector.broadcast %mul3A_192 : i32 to vector<16xi32>
      %add3A_194 = arith.addi %add3A_193, %iota3A : vector<16xi32>
      %broadcast_in_dim3A = arith.constant 0.000000e+00 : f32
      %broadcast_in_dim3A_195 = vector.broadcast %broadcast_in_dim3A : f32 to vector<16xf32>
      %scan3A_196 = arith.constant 0 : i32
      %scan3A_197 = arith.constant 8 : i32
      %scan3A_198 = arith.addi %scan3A_196, %scan3A_197 : i32
      %scan3A_199 = arith.constant 1 : i32
      %scan3A_200:4 = scf.for %scan3A_211 = %scan3A_196 to %scan3A_198 step %scan3A_199 iter_args(%scan3A_212 = %broadcast_in_dim3A_195, %scan3A_213 = %broadcast_in_dim3A_195, %scan3A_214 = %broadcast_in_dim3A_195, %scan3A_215 = %broadcast_in_dim3A_195) -> (vector<16xf32>, vector<16xf32>, vector<16xf32>, vector<16xf32>)  : i32 {
        %mul3A_216 = arith.constant 8 : i32
        %mul3A_217 = arith.muli %scan3A_211, %mul3A_216 : i32
        %add3A_218 = arith.constant 0 : i32
        %add3A_219 = arith.addi %mul3A_217, %add3A_218 : i32
        %broadcast_in_dim3A_220 = vector.broadcast %add3A_219 : i32 to vector<16xi32>
        %gather3A = tpu.vector_load_idx %arg12[%add3A_194, %broadcast_in_dim3A_220] : memref<80x72xi32, #tpu.memory_space<vmem>>[vector<16xi32>, vector<16xi32>], vector<16xi32>,
        %gather3A_221 = tpu.vector_load_idx %arg18[%add3A_194, %broadcast_in_dim3A_220] : memref<80x72xi32, #tpu.memory_space<vmem>>[vector<16xi32>, vector<16xi32>], vector<16xi32>,
        %bitcast3A = vector.bitcast %gather3A : vector<16xi32> to vector<32xbf16>
        %unpack3A = tpu.unpack_subelements %bitcast3A, 0 {pack_format = #tpu.pack_format<interleaved>} : vector<32xbf16> -> vector<16xf32>
        %unpack3A_222 = tpu.unpack_subelements %bitcast3A, 1 {pack_format = #tpu.pack_format<interleaved>} : vector<32xbf16> -> vector<16xf32>
        %bitcast3A_223 = vector.bitcast %gather3A_221 : vector<16xi32> to vector<32xbf16>
        %unpack3A_224 = tpu.unpack_subelements %bitcast3A_223, 0 {pack_format = #tpu.pack_format<interleaved>} : vector<32xbf16> -> vector<16xf32>
        %unpack3A_225 = tpu.unpack_subelements %bitcast3A_223, 1 {pack_format = #tpu.pack_format<interleaved>} : vector<32xbf16> -> vector<16xf32>
        %mul3A_226 = arith.mulf %unpack3A, %unpack3A_224 : vector<16xf32>
        %add3A_227 = arith.addf %scan3A_212, %mul3A_226 : vector<16xf32>
        %mul3A_228 = arith.mulf %unpack3A_222, %unpack3A_225 : vector<16xf32>
        %add3A_229 = arith.addf %scan3A_213, %mul3A_228 : vector<16xf32>
        %mul3A_230 = arith.constant 8 : i32
        %mul3A_231 = arith.muli %scan3A_211, %mul3A_230 : i32
        %add3A_232 = arith.constant 1 : i32
        %add3A_233 = arith.addi %mul3A_231, %add3A_232 : i32
        %broadcast_in_dim3A_234 = vector.broadcast %add3A_233 : i32 to vector<16xi32>
        %gather3A_235 = tpu.vector_load_idx %arg12[%add3A_194, %broadcast_in_dim3A_234] : memref<80x72xi32, #tpu.memory_space<vmem>>[vector<16xi32>, vector<16xi32>], vector<16xi32>,
        %gather3A_236 = tpu.vector_load_idx %arg18[%add3A_194, %broadcast_in_dim3A_234] : memref<80x72xi32, #tpu.memory_space<vmem>>[vector<16xi32>, vector<16xi32>], vector<16xi32>,
        %bitcast3A_237 = vector.bitcast %gather3A_235 : vector<16xi32> to vector<32xbf16>
        %unpack3A_238 = tpu.unpack_subelements %bitcast3A_237, 0 {pack_format = #tpu.pack_format<interleaved>} : vector<32xbf16> -> vector<16xf32>
        %unpack3A_239 = tpu.unpack_subelements %bitcast3A_237, 1 {pack_format = #tpu.pack_format<interleaved>} : vector<32xbf16> -> vector<16xf32>
        %bitcast3A_240 = vector.bitcast %gather3A_236 : vector<16xi32> to vector<32xbf16>
        %unpack3A_241 = tpu.unpack_subelements %bitcast3A_240, 0 {pack_format = #tpu.pack_format<interleaved>} : vector<32xbf16> -> vector<16xf32>
        %unpack3A_242 = tpu.unpack_subelements %bitcast3A_240, 1 {pack_format = #tpu.pack_format<interleaved>} : vector<32xbf16> -> vector<16xf32>
        %mul3A_243 = arith.mulf %unpack3A_238, %unpack3A_241 : vector<16xf32>
        %add3A_244 = arith.addf %scan3A_214, %mul3A_243 : vector<16xf32>
        %mul3A_245 = arith.mulf %unpack3A_239, %unpack3A_242 : vector<16xf32>
        %add3A_246 = arith.addf %scan3A_215, %mul3A_245 : vector<16xf32>
        %mul3A_247 = arith.constant 8 : i32
        %mul3A_248 = arith.muli %scan3A_211, %mul3A_247 : i32
        %add3A_249 = arith.constant 2 : i32
        %add3A_250 = arith.addi %mul3A_248, %add3A_249 : i32
        %broadcast_in_dim3A_251 = vector.broadcast %add3A_250 : i32 to vector<16xi32>
        %gather3A_252 = tpu.vector_load_idx %arg12[%add3A_194, %broadcast_in_dim3A_251] : memref<80x72xi32, #tpu.memory_space<vmem>>[vector<16xi32>, vector<16xi32>], vector<16xi32>,
        %gather3A_253 = tpu.vector_load_idx %arg18[%add3A_194, %broadcast_in_dim3A_251] : memref<80x72xi32, #tpu.memory_space<vmem>>[vector<16xi32>, vector<16xi32>], vector<16xi32>,
        %bitcast3A_254 = vector.bitcast %gather3A_252 : vector<16xi32> to vector<32xbf16>
        %unpack3A_255 = tpu.unpack_subelements %bitcast3A_254, 0 {pack_format = #tpu.pack_format<interleaved>} : vector<32xbf16> -> vector<16xf32>
        %unpack3A_256 = tpu.unpack_subelements %bitcast3A_254, 1 {pack_format = #tpu.pack_format<interleaved>} : vector<32xbf16> -> vector<16xf32>
        %bitcast3A_257 = vector.bitcast %gather3A_253 : vector<16xi32> to vector<32xbf16>
        %unpack3A_258 = tpu.unpack_subelements %bitcast3A_257, 0 {pack_format = #tpu.pack_format<interleaved>} : vector<32xbf16> -> vector<16xf32>
        %unpack3A_259 = tpu.unpack_subelements %bitcast3A_257, 1 {pack_format = #tpu.pack_format<interleaved>} : vector<32xbf16> -> vector<16xf32>
        %mul3A_260 = arith.mulf %unpack3A_255, %unpack3A_258 : vector<16xf32>
        %add3A_261 = arith.addf %add3A_227, %mul3A_260 : vector<16xf32>
        %mul3A_262 = arith.mulf %unpack3A_256, %unpack3A_259 : vector<16xf32>
        %add3A_263 = arith.addf %add3A_229, %mul3A_262 : vector<16xf32>
        %mul3A_264 = arith.constant 8 : i32
        %mul3A_265 = arith.muli %scan3A_211, %mul3A_264 : i32
        %add3A_266 = arith.constant 3 : i32
        %add3A_267 = arith.addi %mul3A_265, %add3A_266 : i32
        %broadcast_in_dim3A_268 = vector.broadcast %add3A_267 : i32 to vector<16xi32>
        %gather3A_269 = tpu.vector_load_idx %arg12[%add3A_194, %broadcast_in_dim3A_268] : memref<80x72xi32, #tpu.memory_space<vmem>>[vector<16xi32>, vector<16xi32>], vector<16xi32>,
        %gather3A_270 = tpu.vector_load_idx %arg18[%add3A_194, %broadcast_in_dim3A_268] : memref<80x72xi32, #tpu.memory_space<vmem>>[vector<16xi32>, vector<16xi32>], vector<16xi32>,
        %bitcast3A_271 = vector.bitcast %gather3A_269 : vector<16xi32> to vector<32xbf16>
        %unpack3A_272 = tpu.unpack_subelements %bitcast3A_271, 0 {pack_format = #tpu.pack_format<interleaved>} : vector<32xbf16> -> vector<16xf32>
        %unpack3A_273 = tpu.unpack_subelements %bitcast3A_271, 1 {pack_format = #tpu.pack_format<interleaved>} : vector<32xbf16> -> vector<16xf32>
        %bitcast3A_274 = vector.bitcast %gather3A_270 : vector<16xi32> to vector<32xbf16>
        %unpack3A_275 = tpu.unpack_subelements %bitcast3A_274, 0 {pack_format = #tpu.pack_format<interleaved>} : vector<32xbf16> -> vector<16xf32>
        %unpack3A_276 = tpu.unpack_subelements %bitcast3A_274, 1 {pack_format = #tpu.pack_format<interleaved>} : vector<32xbf16> -> vector<16xf32>
        %mul3A_277 = arith.mulf %unpack3A_272, %unpack3A_275 : vector<16xf32>
        %add3A_278 = arith.addf %add3A_244, %mul3A_277 : vector<16xf32>
        %mul3A_279 = arith.mulf %unpack3A_273, %unpack3A_276 : vector<16xf32>
        %add3A_280 = arith.addf %add3A_246, %mul3A_279 : vector<16xf32>
        %mul3A_281 = arith.constant 8 : i32
        %mul3A_282 = arith.muli %scan3A_211, %mul3A_281 : i32
        %add3A_283 = arith.constant 4 : i32
        %add3A_284 = arith.addi %mul3A_282, %add3A_283 : i32
        %broadcast_in_dim3A_285 = vector.broadcast %add3A_284 : i32 to vector<16xi32>
        %gather3A_286 = tpu.vector_load_idx %arg12[%add3A_194, %broadcast_in_dim3A_285] : memref<80x72xi32, #tpu.memory_space<vmem>>[vector<16xi32>, vector<16xi32>], vector<16xi32>,
        %gather3A_287 = tpu.vector_load_idx %arg18[%add3A_194, %broadcast_in_dim3A_285] : memref<80x72xi32, #tpu.memory_space<vmem>>[vector<16xi32>, vector<16xi32>], vector<16xi32>,
        %bitcast3A_288 = vector.bitcast %gather3A_286 : vector<16xi32> to vector<32xbf16>
        %unpack3A_289 = tpu.unpack_subelements %bitcast3A_288, 0 {pack_format = #tpu.pack_format<interleaved>} : vector<32xbf16> -> vector<16xf32>
        %unpack3A_290 = tpu.unpack_subelements %bitcast3A_288, 1 {pack_format = #tpu.pack_format<interleaved>} : vector<32xbf16> -> vector<16xf32>
        %bitcast3A_291 = vector.bitcast %gather3A_287 : vector<16xi32> to vector<32xbf16>
        %unpack3A_292 = tpu.unpack_subelements %bitcast3A_291, 0 {pack_format = #tpu.pack_format<interleaved>} : vector<32xbf16> -> vector<16xf32>
        %unpack3A_293 = tpu.unpack_subelements %bitcast3A_291, 1 {pack_format = #tpu.pack_format<interleaved>} : vector<32xbf16> -> vector<16xf32>
        %mul3A_294 = arith.mulf %unpack3A_289, %unpack3A_292 : vector<16xf32>
        %add3A_295 = arith.addf %add3A_261, %mul3A_294 : vector<16xf32>
        %mul3A_296 = arith.mulf %unpack3A_290, %unpack3A_293 : vector<16xf32>
        %add3A_297 = arith.addf %add3A_263, %mul3A_296 : vector<16xf32>
        %mul3A_298 = arith.constant 8 : i32
        %mul3A_299 = arith.muli %scan3A_211, %mul3A_298 : i32
        %add3A_300 = arith.constant 5 : i32
        %add3A_301 = arith.addi %mul3A_299, %add3A_300 : i32
        %broadcast_in_dim3A_302 = vector.broadcast %add3A_301 : i32 to vector<16xi32>
        %gather3A_303 = tpu.vector_load_idx %arg12[%add3A_194, %broadcast_in_dim3A_302] : memref<80x72xi32, #tpu.memory_space<vmem>>[vector<16xi32>, vector<16xi32>], vector<16xi32>,
        %gather3A_304 = tpu.vector_load_idx %arg18[%add3A_194, %broadcast_in_dim3A_302] : memref<80x72xi32, #tpu.memory_space<vmem>>[vector<16xi32>, vector<16xi32>], vector<16xi32>,
        %bitcast3A_305 = vector.bitcast %gather3A_303 : vector<16xi32> to vector<32xbf16>
        %unpack3A_306 = tpu.unpack_subelements %bitcast3A_305, 0 {pack_format = #tpu.pack_format<interleaved>} : vector<32xbf16> -> vector<16xf32>
        %unpack3A_307 = tpu.unpack_subelements %bitcast3A_305, 1 {pack_format = #tpu.pack_format<interleaved>} : vector<32xbf16> -> vector<16xf32>
        %bitcast3A_308 = vector.bitcast %gather3A_304 : vector<16xi32> to vector<32xbf16>
        %unpack3A_309 = tpu.unpack_subelements %bitcast3A_308, 0 {pack_format = #tpu.pack_format<interleaved>} : vector<32xbf16> -> vector<16xf32>
        %unpack3A_310 = tpu.unpack_subelements %bitcast3A_308, 1 {pack_format = #tpu.pack_format<interleaved>} : vector<32xbf16> -> vector<16xf32>
        %mul3A_311 = arith.mulf %unpack3A_306, %unpack3A_309 : vector<16xf32>
        %add3A_312 = arith.addf %add3A_278, %mul3A_311 : vector<16xf32>
        %mul3A_313 = arith.mulf %unpack3A_307, %unpack3A_310 : vector<16xf32>
        %add3A_314 = arith.addf %add3A_280, %mul3A_313 : vector<16xf32>
        %mul3A_315 = arith.constant 8 : i32
        %mul3A_316 = arith.muli %scan3A_211, %mul3A_315 : i32
        %add3A_317 = arith.constant 6 : i32
        %add3A_318 = arith.addi %mul3A_316, %add3A_317 : i32
        %broadcast_in_dim3A_319 = vector.broadcast %add3A_318 : i32 to vector<16xi32>
        %gather3A_320 = tpu.vector_load_idx %arg12[%add3A_194, %broadcast_in_dim3A_319] : memref<80x72xi32, #tpu.memory_space<vmem>>[vector<16xi32>, vector<16xi32>], vector<16xi32>,
        %gather3A_321 = tpu.vector_load_idx %arg18[%add3A_194, %broadcast_in_dim3A_319] : memref<80x72xi32, #tpu.memory_space<vmem>>[vector<16xi32>, vector<16xi32>], vector<16xi32>,
        %bitcast3A_322 = vector.bitcast %gather3A_320 : vector<16xi32> to vector<32xbf16>
        %unpack3A_323 = tpu.unpack_subelements %bitcast3A_322, 0 {pack_format = #tpu.pack_format<interleaved>} : vector<32xbf16> -> vector<16xf32>
        %unpack3A_324 = tpu.unpack_subelements %bitcast3A_322, 1 {pack_format = #tpu.pack_format<interleaved>} : vector<32xbf16> -> vector<16xf32>
        %bitcast3A_325 = vector.bitcast %gather3A_321 : vector<16xi32> to vector<32xbf16>
        %unpack3A_326 = tpu.unpack_subelements %bitcast3A_325, 0 {pack_format = #tpu.pack_format<interleaved>} : vector<32xbf16> -> vector<16xf32>
        %unpack3A_327 = tpu.unpack_subelements %bitcast3A_325, 1 {pack_format = #tpu.pack_format<interleaved>} : vector<32xbf16> -> vector<16xf32>
        %mul3A_328 = arith.mulf %unpack3A_323, %unpack3A_326 : vector<16xf32>
        %add3A_329 = arith.addf %add3A_295, %mul3A_328 : vector<16xf32>
        %mul3A_330 = arith.mulf %unpack3A_324, %unpack3A_327 : vector<16xf32>
        %add3A_331 = arith.addf %add3A_297, %mul3A_330 : vector<16xf32>
        %mul3A_332 = arith.constant 8 : i32
        %mul3A_333 = arith.muli %scan3A_211, %mul3A_332 : i32
        %add3A_334 = arith.constant 7 : i32
        %add3A_335 = arith.addi %mul3A_333, %add3A_334 : i32
        %broadcast_in_dim3A_336 = vector.broadcast %add3A_335 : i32 to vector<16xi32>
        %gather3A_337 = tpu.vector_load_idx %arg12[%add3A_194, %broadcast_in_dim3A_336] : memref<80x72xi32, #tpu.memory_space<vmem>>[vector<16xi32>, vector<16xi32>], vector<16xi32>,
        %gather3A_338 = tpu.vector_load_idx %arg18[%add3A_194, %broadcast_in_dim3A_336] : memref<80x72xi32, #tpu.memory_space<vmem>>[vector<16xi32>, vector<16xi32>], vector<16xi32>,
        %bitcast3A_339 = vector.bitcast %gather3A_337 : vector<16xi32> to vector<32xbf16>
        %unpack3A_340 = tpu.unpack_subelements %bitcast3A_339, 0 {pack_format = #tpu.pack_format<interleaved>} : vector<32xbf16> -> vector<16xf32>
        %unpack3A_341 = tpu.unpack_subelements %bitcast3A_339, 1 {pack_format = #tpu.pack_format<interleaved>} : vector<32xbf16> -> vector<16xf32>
        %bitcast3A_342 = vector.bitcast %gather3A_338 : vector<16xi32> to vector<32xbf16>
        %unpack3A_343 = tpu.unpack_subelements %bitcast3A_342, 0 {pack_format = #tpu.pack_format<interleaved>} : vector<32xbf16> -> vector<16xf32>
        %unpack3A_344 = tpu.unpack_subelements %bitcast3A_342, 1 {pack_format = #tpu.pack_format<interleaved>} : vector<32xbf16> -> vector<16xf32>
        %mul3A_345 = arith.mulf %unpack3A_340, %unpack3A_343 : vector<16xf32>
        %add3A_346 = arith.addf %add3A_312, %mul3A_345 : vector<16xf32>
        %mul3A_347 = arith.mulf %unpack3A_341, %unpack3A_344 : vector<16xf32>
        %add3A_348 = arith.addf %add3A_314, %mul3A_347 : vector<16xf32>
        scf.yield %add3A_329, %add3A_331, %add3A_346, %add3A_348 : vector<16xf32>, vector<16xf32>, vector<16xf32>, vector<16xf32>
      }
      %scan3A_201 = arith.constant 8 : i32
      %add3A_202 = arith.addf %scan3A_200#0, %scan3A_200#1 : vector<16xf32>
      %add3A_203 = arith.addf %scan3A_200#2, %scan3A_200#3 : vector<16xf32>
      %add3A_204 = arith.addf %add3A_202, %add3A_203 : vector<16xf32>
      %mul3A_205 = arith.constant 16 : i32
      %mul3A_206 = arith.muli %scan3A_190, %mul3A_205 : i32
      %add3A_207 = arith.constant 9920 : i32
      %add3A_208 = arith.addi %add3A_207, %mul3A_206 : i32
      %add3A_209 = vector.broadcast %add3A_208 : i32 to vector<16xi32>
      %add3A_210 = arith.addi %add3A_209, %iota3A : vector<16xi32>
      tpu.vector_store_idx %arg20[%add3A_210], %add3A_204 : memref<10000xf32, #tpu.memory_space<vmem>>[vector<16xi32>], vector<16xf32>,
    }
    %scan3A_187 = arith.constant 5 : i32
    %mul3A_188 = arith.constant 10000 : i32
    %mul3A_189 = arith.muli %add3A, %mul3A_188 : i32
    "tpu.region"() ({
      %run_scoped3A = tpu.sem_alloc : memref<!tpu.dma_semaphore, #tpu.memory_space<semaphore_mem>>
      %dma_start3A_190 = tpu.memref_slice %arg5[%mul3A_189] : memref<320000xf32, #tpu.memory_space<hbm>> -> memref<10000xf32, #tpu.memory_space<hbm>>
      %dma_start3A_191 = tpu.memref_slice %arg5[%mul3A_189] : memref<320000xf32, #tpu.memory_space<hbm>> -> memref<10000xf32, #tpu.memory_space<hbm>>
      tpu.enqueue_dma source(%arg20 : memref<10000xf32, #tpu.memory_space<vmem>>) target(%dma_start3A_191 : memref<10000xf32, #tpu.memory_space<hbm>>) target_semaphore(%run_scoped3A : memref<!tpu.dma_semaphore, #tpu.memory_space<semaphore_mem>>)
      %dma_wait3A_192 = tpu.memref_slice %arg5[%mul3A_189] : memref<320000xf32, #tpu.memory_space<hbm>> -> memref<10000xf32, #tpu.memory_space<hbm>>
      %dma_wait3A_193 = tpu.memref_slice %arg5[%mul3A_189] : memref<320000xf32, #tpu.memory_space<hbm>> -> memref<10000xf32, #tpu.memory_space<hbm>>
      tpu.wait_dma2 semaphore(%run_scoped3A : memref<!tpu.dma_semaphore, #tpu.memory_space<semaphore_mem>>) src(%arg20 : memref<10000xf32, #tpu.memory_space<vmem>>) dst(%dma_wait3A_193 : memref<10000xf32, #tpu.memory_space<hbm>>)
      tpu.yield
    }) : () -> ()
    return
  }
}

</mosaic_0001>

<sc_bundles>
// kernel: _decode.3.cloned.1.call-start
scs
__scs_entry_jumppad:
0x0: {  	(pc) =	sbr.rel $0x88, $3  }
0x1: {  	(tag) =	ssettag $0x0;
	lr =	simm.s32 $0x1  }
0x2: {  	[smem:$0x3F9E] =	sst lr;
	_ =	strace $0xD0000000  }
0x3: {  	_ = 	snop  }
0x4: {  	_ = 	snop  }
0x5: {  	_ = 	snop  }
0x6: {  	_ = 	snop  }
0x7: {  	_ = 	snop  }
__scs_overlays_trampoline_lowered:
0x8: {  	[smem:$0x3FAD] =	sst s0  }
0x9: {  	[smem:$0x3FAE] =	sst s1  }
0xa: {  	[smem:$0x3FAF] =	sst s2  }
0xb: {  	[smem:$0x3FB0] =	sst s3  }
0xc: {  	[smem:$0x3FB1] =	sst s4  }
0xd: {  	[smem:$0x3FB2] =	sst s5  }
0xe: {  	[smem:$0x3FB3] =	sst s6  }
0xf: {  	[smem:$0x3FB4] =	sst s7  }
0x10: {  	[smem:$0x3FB5] =	sst s8  }
0x11: {  	[smem:$0x3FB6] =	sst s9;
	s0 =	simm.s32 @!p0 $0x0  }
0x12: {  	s1 =	sld [smem:$0x3F9C];
	s0 =	simm.s32 @p0 $0x1  }
0x13: {  	[smem:$0x3FB7] =	sst s0;
	s0 =	simm.s32 @!p1 $0x0  }
0x14: {  	s2 =	sld [smem:$0x3F9B];
	s0 =	simm.s32 @p1 $0x1  }
0x15: {  	[smem:$0x3FB8] =	sst s0;
	s0 =	simm.s32 @!p2 $0x0  }
0x16: {  	s3 =	sld [smem:$0x3FDB];
	s0 =	simm.s32 @p2 $0x1  }
0x17: {  	s4 =	simm.s32 $0x1BF5;
	[smem:$0x3FBA] =	sst s0  }
0x18: {  	s0 =	sld [smem:$0x3F9D];
	_ =	swait.ge [sflag:s4], $0x0  }
0x19: {  	s7 =	sld [smem:$0x3F9E]  }
0x1a: {  	s8 =	sadd.s32 $0xFFFFE003, lr  }
0x1b: {  	s9 =	sadd.s32 $0xFFFFFEF7, lr;
	s5 =	simm.s32 $0xFFFFFFFF;
	p2 =	slt.u32 s8, $0xFFFFF086  }
0x1c: {  	p1 =	slt.u32 s9, $0xF7A;
	s5 =	simm.s32 @!p2 $0x0  }
0x1d: {  	s5 =	simm.s32 @p1 $0x1;
	p0 =	seq.s32 s7, s2  }
0x1e: {  	s7 =	smul.u32 @!p0 $0xF7A, s2;
	p2 =	seq.s32 @!p0 s5, $0x0  }
0x1f: {  	s9 =	smul.u32 $0xF7A, s1;
	s8 =	simm.s32 @!p0 $0x1BF5;
	p2 =	por !p2, p0  }
0x20: {  	[sflag:s8] =	ssyncset.s32 @!p0 $0xFFFFF086;
	s6 =	sadd.s32 @!p0 s3, s7;
	s7 =	simm.s32 @!p0 $0x108  }
0x21: {  	s3 =	sadd.s32 s3, s9;
	s6 =	sadd.s32 @!p0 $0x88, s6;
	s7 =	simm.s32 @p2 $0x1082  }
0x22: {  	[simem:s7], [sflag:s8] =	dma.local @!p0 [hbm:s6], $0xF7A  }
0x23: {  	s9 =	sor.u32 $0xD0000000, s2;
	s6 =	simm.s32 $0x108;
	_ =	swait.ge @!p0 [sflag:s8], $0x0  }
0x24: {  	s3 =	sadd.s32 $0x88, s3;
	s6 =	simm.s32 @!p1 $0x1082;
	[sflag:s4] =	ssyncset.s32 $0xFFFFF086  }
0x25: {  	[simem:s6], [sflag:s4] =	dma.local [hbm:s3], $0xF7A  }
0x26: {  	[smem:$0x3F9E] =	sst s1;
	(tag) =	ssettag s2;
	_ =	strace s9  }
0x27: {  	s1 =	sld [smem:$0x3FAE]  }
0x28: {  	s2 =	sld [smem:$0x3FAF]  }
0x29: {  	s4 =	sld [smem:$0x3FB1]  }
0x2a: {  	p0 =	seq.s32 s5, $0x0;
	s5 =	sld [smem:$0x3FB2]  }
0x2b: {  	s6 =	sld [smem:$0x3FB3]  }
0x2c: {  	s7 =	sld [smem:$0x3FB4]  }
0x2d: {  	s3 =	simm.s32 $0x108;
	s8 =	sld [smem:$0x3FB5]  }
0x2e: {  	s3 =	simm.s32 @!p0 $0x1082;
	s9 =	sld [smem:$0x3FB6]  }
0x2f: {  	lr =	sadd.s32 s0, s3;
	s0 =	sld [smem:$0x3FAD]  }
0x30: {  	s3 =	sld [smem:$0x3FB0]  }
0x31: {  	[smem:$0x3FB9] =	sst s10  }
0x32: {  	s10 =	sld [smem:$0x3FB7];
	_ =	sdelay $0x3  }
0x33: {  	p0 =	seq.s32 s10, $0x1;
	s10 =	sld [smem:$0x3FB9];
	_ =	sdelay $0x3  }
0x34: {  	[smem:$0x3FB9] =	sst s10  }
0x35: {  	s10 =	sld [smem:$0x3FB8];
	_ =	sdelay $0x3  }
0x36: {  	p1 =	seq.s32 s10, $0x1;
	s10 =	sld [smem:$0x3FB9];
	_ =	sdelay $0x3  }
0x37: {  	[smem:$0x3FB9] =	sst s10  }
0x38: {  	s10 =	sld [smem:$0x3FBA]  }
0x39: {  	_ = 	snop;
	(pc) =	sbr.ind lr, $3  }
0x3a: {  	_ = 	snop  }
0x3b: {  	_ = 	snop  }
0x3c: {  	p2 =	seq.s32 s10, $0x1;
	s10 =	sld [smem:$0x3FB9]  }
0x3d: {  	_ =	shalt  }
0x3e: {  	_ =	shalt  }
0x3f: {  	_ =	shalt  }
0x40: {  	_ =	shalt  }
0x41: {  	_ =	shalt  }
0x42: {  	_ =	shalt  }
0x43: {  	_ =	shalt  }
0x44: {  	_ =	shalt  }
0x45: {  	_ =	shalt  }
0x46: {  	_ =	shalt  }
0x47: {  	_ =	shalt  }
0x48: {  	_ =	shalt  }
0x49: {  	_ =	shalt  }
0x4a: {  	_ =	shalt  }
0x4b: {  	_ =	shalt  }
0x4c: {  	_ =	shalt  }
0x4d: {  	_ =	shalt  }
0x4e: {  	_ =	shalt  }
0x4f: {  	_ =	shalt  }
0x50: {  	_ =	shalt  }
0x51: {  	_ =	shalt  }
0x52: {  	_ =	shalt  }
0x53: {  	_ =	shalt  }
0x54: {  	_ =	shalt  }
0x55: {  	_ =	shalt  }
0x56: {  	_ =	shalt  }
0x57: {  	_ =	shalt  }
0x58: {  	_ =	shalt  }
0x59: {  	_ =	shalt  }
0x5a: {  	_ =	shalt  }
0x5b: {  	_ =	shalt  }
0x5c: {  	_ =	shalt  }
0x5d: {  	_ =	shalt  }
0x5e: {  	_ =	shalt  }
0x5f: {  	_ =	shalt  }
0x60: {  	_ =	shalt  }
0x61: {  	_ =	shalt  }
0x62: {  	_ =	shalt  }
0x63: {  	_ =	shalt  }
0x64: {  	_ =	shalt  }
0x65: {  	_ =	shalt  }
0x66: {  	_ =	shalt  }
0x67: {  	_ =	shalt  }
0x68: {  	_ =	shalt  }
0x69: {  	_ =	shalt  }
0x6a: {  	_ =	shalt  }
0x6b: {  	_ =	shalt  }
0x6c: {  	_ =	shalt  }
0x6d: {  	_ =	shalt  }
0x6e: {  	_ =	shalt  }
0x6f: {  	_ =	shalt  }
0x70: {  	_ =	shalt  }
0x71: {  	_ =	shalt  }
0x72: {  	_ =	shalt  }
0x73: {  	_ =	shalt  }
0x74: {  	_ =	shalt  }
0x75: {  	_ =	shalt  }
0x76: {  	_ =	shalt  }
0x77: {  	_ =	shalt  }
0x78: {  	_ =	shalt  }
0x79: {  	_ =	shalt  }
0x7a: {  	_ =	shalt  }
0x7b: {  	_ =	shalt  }
0x7c: {  	_ =	shalt  }
0x7d: {  	_ =	shalt  }
0x7e: {  	_ =	shalt  }
0x7f: {  	_ =	shalt  }
0x80: {  	_ =	shalt  }
0x81: {  	_ =	shalt  }
0x82: {  	_ =	shalt  }
0x83: {  	_ =	shalt  }
0x84: {  	_ =	shalt  }
0x85: {  	_ =	shalt  }
0x86: {  	_ =	shalt  }
0x87: {  	_ =	shalt  }
.Lfunc_end0:
.L_simem_size_0:
called_computation_lowered:
.L_overlay_start_0:
0x88: {  	s2 =	sld [smem:$0x3FD9]  }
0x89: {  	s3 =	sld [smem:$0x3FFE];
	_ =	sdelay $0x1  }
0x8a: {  	s1 =	srdreg.scid  }
0x8b: {  	s0 =	sand.u32 $0x1, s1  }
0x8c: {  	s17 =	sshll.u32 s0, $0xA;
	s2 =	sadd.s32 s3, s2  }
0x8d: {  	s2 =	sadd.s32 s2, s17  }
0x8e: {  	[smem:$0x3FC5] =	sst s2  }
0x8f: {  	_ = 	snop  }
0x90: {  	s2 =	sld [smem:$0x3FD0];
	(tm) =	ssettm $0x1  }
0x91: {  	s18 =	sld [smem:$0x3FFB];
	_ =	sdelay $0x3  }
0x92: {  	_ =	strace s18  }
0x93: {  	s3 =	sld [smem:$0x3FFC];
	_ =	sdelay $0x3  }
0x94: {  	_ =	strace s3  }
0x95: {  	s3 =	sld [smem:$0x3FFD];
	_ =	sdelay $0x3  }
0x96: {  	_ =	strace s3  }
0x97: {  	_ =	strace $0x8FFFFFFF  }
0x98: {  	s19 =	sld [smem:$0x3FDB];
	_ =	sdelay $0x1  }
0x99: {  	s4 =	simm.s32 $_scs_section_size  }
0x9a: {  	s5 =	simm.s32 $_size__tile_overlayer_lowered;
	s6 =	simm.s32 $_tile_overlayer_lowered  }
0x9b: {  	s22 =	simm.s32 $0x1BFF;
	s21 =	sshll.u32 s6, $0x1;
	s3 =	sadd.s32 s4, s19  }
0x9c: {  	s7 =	simm.s32 $0x0;
	s20 =	sshll.u32 s5, $0x1;
	s5 =	sadd.s32 s21, s3  }
0x9d: {  	[timem:s7], [sflag:s22] =	dma.local [hbm:s5], s20  }
0x9e: {  	_ =	swait.ge [sflag:s22], s20  }
0x9f: {  	s4 =	ssub.s32 $0x0, s20;
	[sflag:s22] =	ssyncset.done $0x0  }
0xa0: {  	[sflag:s22] =	ssyncadd.s32 s4;
	_ =	sdelay $0x1  }
0xa1: {  	s23 =	simm.s32 $0x1B8B  }
0xa2: {  	_ =	swait.ge [sflag:s23], $0x1  }
0xa3: {  	[sflag:s23] =	ssyncset.done $0x0  }
0xa4: {  	s25 =	simm.s32 $0x1B8E;
	s24 =	sld [smem:$0x3FFE];
	[sflag:s23] =	ssyncadd.s32 $0xFFFFFFFF  }
0xa5: {  	s26 =	simm.s32 $execute0_lowered;
	[smem:$0x3FD2] =	sst s25  }
0xa6: {  	s5 =	sshll.u32 s26, $0x1;
	_ =	strace $0x80000046;
	[dreg:$0x1] =	wrdreg $0xFFFFFFFF  }
0xa7: {  	s28 =	simm.s32 $_size_execute0_lowered;
	s3 =	sadd.s32 s3, s5;
	[dreg:$0x0] =	wrdreg $0x0  }
0xa8: {  	s5 =	sshll.u32 s28, $0x1;
	[dreg:$0x2] =	wrdreg s3  }
0xa9: {  	[dreg:$0x3] =	wrdreg s5  }
0xaa: {  	[dreg:$0x4] =	wrdreg $0xC0  }
0xab: {  	_ =	task [dreg:s7], $0x5FFFF  }
0xac: {  	[dreg:$0x1] =	wrdreg $0xFFFFFFFF  }
0xad: {  	[dreg:$0x0] =	wrdreg $0x60  }
0xae: {  	[dreg:$0x2] =	wrdreg s24  }
0xaf: {  	[dreg:$0x3] =	wrdreg s2  }
0xb0: {  	[dreg:$0x4] =	wrdreg $0x9  }
0xb1: {  	_ =	task.clear_ibuf [dreg:s7], $0x5FFFF;
	_ =	strace $0x90000046  }
0xb2: {  	s29 =	simm.s32 $0x9;
	_ =	strace $0x80000048  }
0xb3: {  	_ =	swait.ge [sflag:s29], $0x1  }
0xb4: {  	[sflag:s29] =	ssyncadd.s32 $0xFFFFFFFF  }
0xb5: {  	_ =	strace $0x90000048  }
0xb6: {  	_ =	sfence  }
0xb7: {  	s30 =	sld [smem:$0x0];
	_ =	sdelay $0x2  }
0xb8: {  	s31 =	sshll.u32 s1, $0xD;
	s1 =	sshrl.u32 s1, $0x2  }
0xb9: {  	s3 =	sand.u32 $0x4000, s31;
	s1 =	sadd.s32 s1, s30  }
0xba: {  	s0 =	sor.u32 s3, s0;
	s1 =	sshll.u32 s1, $0x11  }
0xbb: {  	s0 =	sor.u32 s1, s0  }
0xbc: {  	s0 =	sadd.s32 $0x8F2B, s0  }
0xbd: {  	[sflag:s0] =	ssyncadd.remote.s32 $0x1  }
0xbe: {  	_ =	sfence.sel $0xFFFF  }
0xbf: {  	[dreg:$0x0] =	wrdreg $0xFFFFFFFF;
	(pc) =	sbr.abs _section_cstart, $3  }
0xc0: {  	[dreg:$0x1] =	wrdreg $0xFFFFFFFF  }
0xc1: {  	_ =	task.clear_ibuf [dreg:s7], $0x2FFFF;
	_ =	strace $0x9FFFFFFF  }
0xc2: {  	(tm) =	ssettm $0x7FFFFFFF  }
0xc3: {  	_ =	shalt  }
tec
execute0_lowered:
.L_overlay_start_1:
0x0: {  	(tag) =	ssettag $0x1  }
0x1: {  	s0 =	rddreg [dreg:$0x0]  }
0x2: {  	s1 =	srdreg.scid;
	s3 =	stileid.u32  }
0x3: {  	s2 =	rddreg [dreg:$0x1];
	s6 =	simm.s32 $0x0;
	s10 =	simm.s32 $0x50  }
0x4: {  	s11 =	simm.s32 $0x4E20;
	s12 =	simm.s32 $0xD520;
	s13 =	simm.s32 $0x64A0  }
0x5: {  	s15 =	simm.s32 $0xEBA0;
	s17 =	simm.s32 $0x7B20;
	s19 =	simm.s32 $0x10220  }
0x6: {  	s21 =	simm.s32 $0x91A0;
	s23 =	simm.s32 $0x118A0;
	s28 =	simm.s32 $0x12F20  }
0x7: {  	s30 =	simm.s32 $0xBEA0;
	s16 =	simm.s32 $0x15C20;
	s18 =	simm.s32 $0x2  }
0x8: {  	s20 =	simm.s32 $0x8;
	s22 =	simm.s32 $0x3;
	s29 =	simm.s32 $0xA  }
0x9: {  	s31 =	simm.s32 $0x5;
	s1 =	sand.u32 $0x1, s1;
	s3 =	sshll.u32 s3, $0x1  }
0xa: {  	s9 =	simm.s32 $0xB;
	s3 =	sor.u32 s1, s3;
	s1 =	ssub.s32 $0x2, s1  }
0xb: {  	[smem:$0x7FF] =	sst s6;
	s4 =	smul.u32 $0x4E2, s3;
	s5 =	sshrl.u32 s1, $0x1  }
0xc: {  	v0 =	vlaneseq.u32;
	_ =	strace $0x80000047;
	s3 =	sadd.s32 $0x800, s0;
	s1 =	ssub.s32 s1, s5  }
0xd: {  	v1 =	vmul.u32 $0x48, v0;
	s0 =	sadd.s32 s4, s0;
	s25 =	sadd.s32 s2, s4;
	s26 =	smax.u32 s1, $0x1  }
0xe: {  	s2 =	simm.s32 $0xD;
	s1 =	simm.s32 $0x145A0;
	[dreg:$0x5] =	wrdreg s25  }
0xf: {  	v2 =	vor.u32 $0x1, v1;
	s4 =	simm.s32 $0x0;
	s24 =	sadd.s32 $0x20600, s0;
	[dreg:$0x6] =	wrdreg s26  }
0x10: {  	v3 =	vor.u32 $0x2, v1;
	v4 =	vor.u32 $0x3, v1;
	v5 =	vor.u32 $0x4, v1;
	s0 =	sadd.s32 $0x16800, s0;
	s25 =	simm.s32 $0xA820;
	[dreg:$0x3] =	wrdreg s24  }
0x11: {  	v6 =	vor.u32 $0x5, v1;
	v7 =	vor.u32 $0x6, v1;
	v8 =	vor.u32 $0x7, v1;
	s26 =	simm.s32 $0x4;
	[dreg:$0x4] =	wrdreg s0;
	s24 =	simm.s32 $0x9  }
.LBB2_1:
0x12: {  	[dreg:$0x7] =	wrdreg s4  }
0x13: {  	s0 =	rddreg [dreg:$0x3]  }
0x14: {  	[tilespmem:s6], [sflag:$0xD] =	stream.linear.gather [hbm4b:s0+s6], $0x2710, $0x38;
	[tilespmem:$0x18330] =	vst v63  }
0x15: {  	_ =	swait.ge [sflag:s2], $0x2710  }
0x16: {  	[sflag:s2] =	ssyncset.done $0x0  }
0x17: {  	s7 =	simm.s32 $0x2710;
	s5 =	rddreg [dreg:$0x4];
	[sflag:s2] =	ssyncadd.s32 $0xFFFFD8F0  }
0x18: {  	[tilespmem:s7], [sflag:$0xD] =	stream.linear.gather [hbm4b:s5+s6], $0x2710, $0x38;
	[tilespmem:$0x18330] =	vst v63  }
0x19: {  	_ =	swait.ge [sflag:s2], $0x2710  }
0x1a: {  	[sflag:s2] =	ssyncset.done $0x0  }
0x1b: {  	[sflag:s2] =	ssyncadd.s32 $0xFFFFD8F0  }
0x1c: {  	[tilespmem:s11], [sflag:$0x1] =	stream.indirect.gather [hbm4b:s3+s10], $0x48, s6, s10, $0xb8;
	[tilespmem:$0x18330] =	vst v63  }
0x1d: {  	_ = 	snop  }
0x1e: {  	[tilespmem:s12], [sflag:$0x7] =	stream.indirect.gather [hbm4b:s3+s10], $0x48, s7, s10, $0xb8;
	[tilespmem:$0x18330] =	vst v63  }
0x1f: {  	_ = 	snop  }
0x20: {  	[tilespmem:s13], [sflag:$0x2] =	stream.indirect.gather [hbm4b:s3+s10], $0x48, s10, s10, $0xb8;
	[tilespmem:$0x18330] =	vst v63  }
0x21: {  	s8 =	simm.s32 $0x2760  }
0x22: {  	[tilespmem:s15], [sflag:$0x8] =	stream.indirect.gather [hbm4b:s3+s10], $0x48, s8, s10, $0xb8;
	[tilespmem:$0x18330] =	vst v63  }
0x23: {  	s14 =	simm.s32 $0xA0  }
0x24: {  	[tilespmem:s17], [sflag:$0x3] =	stream.indirect.gather [hbm4b:s3+s10], $0x48, s14, s10, $0xb8;
	[tilespmem:$0x18330] =	vst v63  }
0x25: {  	s2 =	simm.s32 $0x27B0  }
0x26: {  	[tilespmem:s19], [sflag:$0x9] =	stream.indirect.gather [hbm4b:s3+s10], $0x48, s2, s10, $0xb8;
	[tilespmem:$0x18330] =	vst v63  }
0x27: {  	s4 =	simm.s32 $0xF0  }
0x28: {  	[tilespmem:s21], [sflag:$0x4] =	stream.indirect.gather [hbm4b:s3+s10], $0x48, s4, s10, $0xb8;
	[tilespmem:$0x18330] =	vst v63  }
0x29: {  	s5 =	simm.s32 $0x2800  }
0x2a: {  	[tilespmem:s23], [sflag:$0xA] =	stream.indirect.gather [hbm4b:s3+s10], $0x48, s5, s10, $0xb8;
	[tilespmem:$0x18330] =	vst v63  }
0x2b: {  	s6 =	simm.s32 $0x140  }
0x2c: {  	[tilespmem:s25], [sflag:$0x5] =	stream.indirect.gather [hbm4b:s3+s10], $0x48, s6, s10, $0xb8;
	[tilespmem:$0x18330] =	vst v63  }
0x2d: {  	s7 =	simm.s32 $0x2850  }
0x2e: {  	[tilespmem:s28], [sflag:$0xB] =	stream.indirect.gather [hbm4b:s3+s10], $0x48, s7, s10, $0xb8;
	[tilespmem:$0x18330] =	vst v63  }
0x2f: {  	s8 =	simm.s32 $0x190  }
0x30: {  	[tilespmem:s30], [sflag:$0x6] =	stream.indirect.gather [hbm4b:s3+s10], $0x48, s8, s10, $0xb8;
	[tilespmem:$0x18330] =	vst v63  }
0x31: {  	s14 =	simm.s32 $0x28A0;
	s7 =	simm.s32 $0x0  }
0x32: {  	[tilespmem:s1], [sflag:$0xC] =	stream.indirect.gather [hbm4b:s3+s10], $0x48, s14, s10, $0xb8;
	[tilespmem:$0x18330] =	vst v63  }
.LBB2_2:
0x33: {  	s0 =	simm.s32 $0x1  }
0x34: {  	_ =	swait.ge [sflag:s0], $0x1680  }
0x35: {  	[sflag:s0] =	ssyncset.done $0x0  }
0x36: {  	s14 =	simm.s32 $0x7;
	[sflag:s0] =	ssyncadd.s32 $0xFFFFE980  }
0x37: {  	_ =	swait.ge [sflag:s14], $0x1680  }
0x38: {  	s2 =	smul.u32 $0x1E0, s7;
	[sflag:s14] =	ssyncset.done $0x0  }
0x39: {  	s8 =	simm.s32 $0x0;
	s6 =	simm.s32 $0x0;
	[sflag:s14] =	ssyncadd.s32 $0xFFFFE980  }
.LBB2_3:
0x3a: {  	s4 =	sshll.u32 s6, $0x4  }
0x3b: {  	v10 =	vmov s8;
	v9 =	vmov s4  }
0x3c: {  	v10 =	vshrl.u32 v10, $0x3;
	v9 =	vmul.u32 $0x48, v9  }
0x3d: {  	v10 =	vshll.u32 v10, $0x3  }
0x3e: {  	v10 =	vadd.s32 v9, v10  }
0x3f: {  	v10 =	vbroadcast v10, $0x0;
	_ =	sdelay $0x1  }
0x40: {  	v11 =	vadd.s32 v2, v10  }
0x41: {  	v12 =	vadd.s32 v6, v10  }
0x42: {  	v13 =	vadd.s32 v3, v10  }
0x43: {  	v14 =	vadd.s32 v8, v10  }
0x44: {  	v15 =	vadd.s32 v5, v10  }
0x45: {  	v16 =	vld.idx.msk [tilespmem:v11+s12+$0x0], $0xffff  }
0x46: {  	v17 =	vld.idx.msk [tilespmem:v12+s12+$0x0], $0xffff  }
0x47: {  	v18 =	vadd.s32 v7, v10;
	v19 =	vld.idx.msk [tilespmem:v13+s11+$0x0], $0xffff  }
0x48: {  	v20 =	vld.idx.msk [tilespmem:v14+s11+$0x0], $0xffff  }
0x49: {  	v21 =	vadd.s32 v4, v10;
	v22 =	vld.idx.msk [tilespmem:v15+s11+$0x0], $0xffff  }
0x4a: {  	v23 =	vld.idx.msk [tilespmem:v15+s12+$0x0], $0xffff  }
0x4b: {  	v10 =	vadd.s32 v1, v10;
	v14 =	vld.idx.msk [tilespmem:v14+s12+$0x0], $0xffff  }
0x4c: {  	v15 =	vld.idx.msk [tilespmem:v18+s11+$0x0], $0xffff  }
0x4d: {  	v12 =	vld.idx.msk [tilespmem:v12+s11+$0x0], $0xffff  }
0x4e: {  	s0 =	simm.s32 $0x8;
	v27 =	vld.idx.msk [tilespmem:v21+s11+$0x0], $0xffff  }
0x4f: {  	v33 =	vmov s0;
	v21 =	vld.idx.msk [tilespmem:v21+s12+$0x0], $0xffff  }
0x50: {  	v24 =	vimm.f32 $0.0e+00;
	v33 =	vshrl.u32 v33, $0x3;
	v32 =	vld.idx.msk [tilespmem:v10+s11+$0x0], $0xffff  }
0x51: {  	v33 =	vshll.u32 v33, $0x3;
	v11 =	vld.idx.msk [tilespmem:v11+s11+$0x0], $0xffff;
	v25 =	vunpack.i.u.bf16.f32 v16;
	v16 =	vunpack.i.l.bf16.f32 v16  }
0x52: {  	v26 =	vunpack.i.u.bf16.f32 v17;
	v28 =	vunpack.i.l.bf16.f32 v19;
	v17 =	vunpack.i.l.bf16.f32 v17  }
0x53: {  	v29 =	vunpack.i.l.bf16.f32 v20;
	v30 =	vunpack.i.u.bf16.f32 v22;
	v31 =	vunpack.i.u.bf16.f32 v23  }
0x54: {  	v22 =	vunpack.i.l.bf16.f32 v22;
	v34 =	vunpack.i.u.bf16.f32 v14;
	v19 =	vunpack.i.u.bf16.f32 v19  }
0x55: {  	v35 =	vunpack.i.l.bf16.f32 v12;
	v12 =	vunpack.i.u.bf16.f32 v12;
	v36 =	vunpack.i.l.bf16.f32 v15  }
0x56: {  	v10 =	vld.idx.msk [tilespmem:v10+s12+$0x0], $0xffff;
	v57 =	vunpack.i.u.bf16.f32 v21;
	v37 =	vunpack.i.l.bf16.f32 v32;
	v38 =	vunpack.i.l.bf16.f32 v11  }
0x57: {  	v32 =	vunpack.i.u.bf16.f32 v32;
	v35 =	vmul.f32 v17, v35;
	v17 =	vadd.s32 v9, v33  }
0x58: {  	v21 =	vunpack.i.l.bf16.f32 v21;
	v11 =	vunpack.i.u.bf16.f32 v11;
	v17 =	vbroadcast v17, $0x0  }
0x59: {  	v13 =	vld.idx.msk [tilespmem:v13+s12+$0x0], $0xffff;
	v14 =	vunpack.i.l.bf16.f32 v14;
	v30 =	vmul.f32 v31, v30;
	v31 =	vunpack.i.u.bf16.f32 v15  }
0x5a: {  	v15 =	vunpack.i.u.bf16.f32 v27;
	v27 =	vunpack.i.l.bf16.f32 v27;
	v41 =	vadd.s32 v2, v17  }
0x5b: {  	v39 =	vmul.f32 v26, v12;
	v12 =	vunpack.i.l.bf16.f32 v10;
	v43 =	vadd.s32 v6, v17  }
0x5c: {  	v16 =	vmul.f32 v16, v38;
	v10 =	vunpack.i.u.bf16.f32 v10;
	v45 =	vadd.s32 v3, v17  }
0x5d: {  	v59 =	vmul.f32 v14, v29;
	v44 =	vmul.f32 v12, v37;
	v12 =	vld.idx.msk [tilespmem:v18+s12+$0x0], $0xffff;
	v18 =	vadd.s32 v8, v17  }
0x5e: {  	v10 =	vmul.f32 v10, v32;
	v21 =	vmul.f32 v21, v27;
	v27 =	vunpack.i.u.bf16.f32 v13  }
0x5f: {  	v13 =	vunpack.i.l.bf16.f32 v13;
	v16 =	vadd.f32 v16, v24;
	v26 =	vadd.s32 v5, v17;
	v58 =	vld.idx.msk [tilespmem:v41+s12+$0x0], $0xffff  }
0x60: {  	v47 =	vmul.f32 v57, v15;
	v19 =	vmul.f32 v27, v19;
	v40 =	vadd.s32 v1, v17;
	v60 =	vld.idx.msk [tilespmem:v43+s12+$0x0], $0xffff  }
0x61: {  	v42 =	vadd.s32 v4, v17;
	v17 =	vadd.s32 v7, v17;
	v16 =	vadd.f32 v21, v16;
	v46 =	vld.idx.msk [tilespmem:v45+s11+$0x0], $0xffff  }
0x62: {  	v28 =	vmul.f32 v13, v28;
	v10 =	vadd.f32 v10, v24;
	v61 =	vadd.f32 v44, v24;
	v14 =	vld.idx.msk [tilespmem:v18+s12+$0x0], $0xffff  }
0x63: {  	v29 =	vunpack.i.u.bf16.f32 v12;
	v12 =	vunpack.i.l.bf16.f32 v12;
	v16 =	vadd.f32 v35, v16;
	v15 =	vld.idx.msk [tilespmem:v18+s11+$0x0], $0xffff  }
0x64: {  	v18 =	vmul.f32 v25, v11;
	v11 =	vunpack.i.l.bf16.f32 v23;
	v25 =	vmul.f32 v29, v31;
	v31 =	vld.idx.msk [tilespmem:v26+s11+$0x0], $0xffff  }
0x65: {  	v27 =	vmul.f32 v12, v36;
	v12 =	vld.idx.msk [tilespmem:v26+s12+$0x0], $0xffff;
	v29 =	vmul.f32 v11, v22;
	v22 =	vadd.f32 v19, v10  }
0x66: {  	v20 =	vunpack.i.u.bf16.f32 v20;
	v38 =	vadd.f32 v28, v61;
	v33 =	vld.idx.msk [tilespmem:v17+s11+$0x0], $0xffff;
	v18 =	vadd.f32 v18, v24  }
0x67: {  	v20 =	vmul.f32 v34, v20;
	v37 =	vld.idx.msk [tilespmem:v43+s11+$0x0], $0xffff;
	v19 =	vadd.f32 v59, v16;
	v22 =	vadd.f32 v30, v22  }
0x68: {  	v34 =	vld.idx.msk [tilespmem:v42+s11+$0x0], $0xffff;
	v13 =	vadd.f32 v47, v18;
	v11 =	vunpack.i.u.bf16.f32 v58;
	v21 =	vunpack.i.l.bf16.f32 v58  }
0x69: {  	v32 =	vld.idx.msk [tilespmem:v42+s12+$0x0], $0xffff;
	v26 =	vunpack.i.u.bf16.f32 v60;
	v10 =	vunpack.i.l.bf16.f32 v46;
	v36 =	vunpack.i.l.bf16.f32 v60  }
0x6a: {  	v35 =	vld.idx.msk [tilespmem:v40+s11+$0x0], $0xffff;
	v23 =	vunpack.i.l.bf16.f32 v15;
	v62 =	vunpack.i.u.bf16.f32 v31;
	v18 =	vunpack.i.l.bf16.f32 v31  }
0x6b: {  	v28 =	vld.idx.msk [tilespmem:v45+s12+$0x0], $0xffff;
	v16 =	vunpack.i.u.bf16.f32 v14;
	v24 =	vadd.f32 v25, v22;
	v63 =	vadd.f32 v39, v13  }
0x6c: {  	v30 =	vld.idx.msk [tilespmem:v41+s11+$0x0], $0xffff;
	v22 =	vunpack.i.u.bf16.f32 v33;
	v25 =	vunpack.i.u.bf16.f32 v46;
	v13 =	vunpack.i.u.bf16.f32 v12  }
0x6d: {  	s5 =	simm.s32 $0x18;
	s0 =	simm.s32 $0x10;
	v31 =	vld.idx.msk [tilespmem:v40+s12+$0x0], $0xffff;
	v39 =	vunpack.i.l.bf16.f32 v37;
	v13 =	vmul.f32 v13, v62;
	v20 =	vadd.f32 v20, v63  }
.LBB2_4:
0x6e: {  	p0 =	sne.s32 s5, $0x38;
	v40 =	vmov s0;
	v37 =	vunpack.i.u.bf16.f32 v37;
	v33 =	vunpack.i.l.bf16.f32 v33;
	s0 =	smov.u32 s5;
	s5 =	sadd.s32 $0x8, s5  }
0x6f: {  	v41 =	vunpack.i.u.bf16.f32 v34;
	v29 =	vadd.f32 v29, v38;
	v40 =	vshrl.u32 v40, $0x3  }
0x70: {  	v34 =	vunpack.i.l.bf16.f32 v34;
	v36 =	vmul.f32 v36, v39;
	v38 =	vshll.u32 v40, $0x3  }
0x71: {  	v39 =	vunpack.i.u.bf16.f32 v32;
	v40 =	vadd.f32 v27, v29;
	v38 =	vadd.s32 v9, v38  }
0x72: {  	v29 =	vunpack.i.l.bf16.f32 v35;
	v27 =	vbroadcast v38, $0x0;
	v38 =	vunpack.i.l.bf16.f32 v30  }
0x73: {  	v32 =	vunpack.i.l.bf16.f32 v32;
	v42 =	vmul.f32 v26, v37;
	v35 =	vunpack.i.u.bf16.f32 v35  }
0x74: {  	v26 =	vunpack.i.l.bf16.f32 v31;
	v43 =	vadd.s32 v1, v27;
	v44 =	vadd.s32 v2, v27  }
0x75: {  	v46 =	vmul.f32 v26, v29;
	v45 =	vadd.s32 v4, v27;
	v37 =	vadd.s32 v6, v27;
	v26 =	vld.idx.msk [tilespmem:v17+s12+$0x0], $0xffff  }
0x76: {  	v29 =	vunpack.i.u.bf16.f32 v30;
	v21 =	vmul.f32 v21, v38;
	v47 =	vadd.s32 v3, v27  }
0x77: {  	v30 =	vadd.s32 v5, v27;
	v38 =	vadd.s32 v8, v27;
	v17 =	vunpack.i.u.bf16.f32 v31  }
0x78: {  	v14 =	vunpack.i.l.bf16.f32 v14;
	v32 =	vmul.f32 v32, v34;
	v31 =	vmul.f32 v17, v35  }
0x79: {  	v48 =	vunpack.i.u.bf16.f32 v15;
	v23 =	vmul.f32 v14, v23;
	v35 =	vunpack.i.u.bf16.f32 v28;
	v34 =	vld.idx.msk [tilespmem:v44+s12+$0x0], $0xffff  }
0x7a: {  	v15 =	vadd.f32 v21, v19;
	v17 =	vadd.s32 v7, v27;
	v24 =	vadd.f32 v31, v24;
	v49 =	vld.idx.msk [tilespmem:v37+s12+$0x0], $0xffff  }
0x7b: {  	v28 =	vunpack.i.l.bf16.f32 v28;
	v31 =	vmul.f32 v39, v41;
	v19 =	vunpack.i.u.bf16.f32 v26;
	v50 =	vld.idx.msk [tilespmem:v47+s11+$0x0], $0xffff  }
0x7c: {  	v25 =	vmul.f32 v35, v25;
	v21 =	vadd.f32 v32, v15;
	v26 =	vunpack.i.l.bf16.f32 v26;
	v14 =	vld.idx.msk [tilespmem:v38+s12+$0x0], $0xffff  }
0x7d: {  	v32 =	vmul.f32 v11, v29;
	v11 =	vunpack.i.l.bf16.f32 v12;
	v22 =	vmul.f32 v19, v22;
	v15 =	vld.idx.msk [tilespmem:v38+s11+$0x0], $0xffff  }
0x7e: {  	v29 =	vmul.f32 v11, v18;
	v18 =	vadd.f32 v36, v21;
	v27 =	vmul.f32 v26, v33;
	v35 =	vld.idx.msk [tilespmem:v30+s11+$0x0], $0xffff  }
0x7f: {  	v20 =	vadd.f32 v32, v20;
	v11 =	vunpack.i.u.bf16.f32 v34;
	v21 =	vunpack.i.l.bf16.f32 v34;
	v12 =	vld.idx.msk [tilespmem:v30+s12+$0x0], $0xffff  }
0x80: {  	v24 =	vadd.f32 v25, v24;
	v19 =	vadd.f32 v23, v18;
	v26 =	vunpack.i.u.bf16.f32 v49;
	v33 =	vld.idx.msk [tilespmem:v17+s11+$0x0], $0xffff  }
0x81: {  	v41 =	vmul.f32 v16, v48;
	v25 =	vmul.f32 v28, v10;
	v10 =	vunpack.i.l.bf16.f32 v50;
	v37 =	vld.idx.msk [tilespmem:v37+s11+$0x0], $0xffff  }
0x82: {  	v28 =	vadd.f32 v46, v40;
	v16 =	vadd.f32 v31, v20;
	v34 =	vld.idx.msk [tilespmem:v45+s11+$0x0], $0xffff  }
.Ltmp0:
0x83: {  	v13 =	vadd.f32 v13, v24;
	v36 =	vunpack.i.l.bf16.f32 v49;
	v23 =	vunpack.i.l.bf16.f32 v15;
	v32 =	vld.idx.msk [tilespmem:v45+s12+$0x0], $0xffff;
	(pc) =	sbr.rel @p0 .LBB2_4-.Ltmp0, $4  }
0x84: {  	v40 =	vadd.f32 v42, v16;
	v20 =	vunpack.i.u.bf16.f32 v35;
	v18 =	vunpack.i.l.bf16.f32 v35;
	v30 =	vld.idx.msk [tilespmem:v44+s11+$0x0], $0xffff  }
0x85: {  	v24 =	vadd.f32 v22, v13;
	v16 =	vunpack.i.u.bf16.f32 v14;
	v38 =	vunpack.i.u.bf16.f32 v12;
	v35 =	vld.idx.msk [tilespmem:v43+s11+$0x0], $0xffff  }
0x86: {  	v13 =	vmul.f32 v38, v20;
	v22 =	vunpack.i.u.bf16.f32 v33;
	v38 =	vadd.f32 v25, v28;
	v31 =	vld.idx.msk [tilespmem:v43+s12+$0x0], $0xffff  }
0x87: {  	v25 =	vunpack.i.u.bf16.f32 v50;
	v20 =	vadd.f32 v41, v40;
	v39 =	vunpack.i.l.bf16.f32 v37;
	v28 =	vld.idx.msk [tilespmem:v47+s12+$0x0], $0xffff  }
0x88: {  	v40 =	vmov s0  }
0x89: {  	v37 =	vunpack.i.u.bf16.f32 v37;
	v41 =	vunpack.i.u.bf16.f32 v34;
	v29 =	vadd.f32 v29, v38  }
0x8a: {  	v51 =	vunpack.i.l.bf16.f32 v34;
	v36 =	vmul.f32 v36, v39;
	v52 =	vunpack.i.u.bf16.f32 v32  }
0x8b: {  	v56 =	vunpack.i.l.bf16.f32 v32;
	v14 =	vunpack.i.l.bf16.f32 v14;
	v40 =	vshrl.u32 v40, $0x3  }
0x8c: {  	v15 =	vunpack.i.u.bf16.f32 v15;
	v12 =	vunpack.i.l.bf16.f32 v12;
	v50 =	vshll.u32 v40, $0x3  }
0x8d: {  	v26 =	vmul.f32 v26, v37;
	v32 =	vmul.f32 v56, v51;
	v9 =	vadd.s32 v9, v50  }
0x8e: {  	v54 =	vunpack.i.l.bf16.f32 v30;
	v14 =	vmul.f32 v14, v23;
	v9 =	vbroadcast v9, $0x0  }
0x8f: {  	v57 =	vunpack.i.u.bf16.f32 v30;
	v48 =	vmul.f32 v52, v41;
	v12 =	vmul.f32 v12, v18  }
0x90: {  	v15 =	vmul.f32 v16, v15;
	v27 =	vadd.f32 v27, v29;
	v40 =	vadd.s32 v2, v9  }
0x91: {  	v53 =	vunpack.i.l.bf16.f32 v35;
	v42 =	vunpack.i.l.bf16.f32 v31;
	v44 =	vadd.s32 v6, v9  }
0x92: {  	v55 =	vunpack.i.u.bf16.f32 v35;
	v29 =	vmul.f32 v42, v53;
	v42 =	vadd.s32 v3, v9  }
0x93: {  	v21 =	vmul.f32 v21, v54;
	v59 =	vunpack.i.u.bf16.f32 v31;
	v58 =	vadd.s32 v8, v9  }
0x94: {  	v33 =	vunpack.i.l.bf16.f32 v33;
	v17 =	vld.idx.msk [tilespmem:v17+s12+$0x0], $0xffff;
	v11 =	vmul.f32 v11, v57;
	v31 =	vmul.f32 v59, v55  }
0x95: {  	v61 =	vunpack.i.u.bf16.f32 v28;
	v19 =	vadd.f32 v21, v19;
	v45 =	vadd.s32 v5, v9;
	v60 =	vld.idx.msk [tilespmem:v40+s12+$0x0], $0xffff  }
0x96: {  	v47 =	vunpack.i.l.bf16.f32 v28;
	v11 =	vadd.f32 v11, v20;
	v25 =	vmul.f32 v61, v25;
	v62 =	vld.idx.msk [tilespmem:v44+s12+$0x0], $0xffff  }
0x97: {  	v37 =	vadd.s32 v1, v9;
	v43 =	vadd.s32 v4, v9;
	v9 =	vadd.s32 v7, v9;
	v46 =	vld.idx.msk [tilespmem:v42+s11+$0x0], $0xffff  }
0x98: {  	v10 =	vmul.f32 v47, v10;
	v63 =	vadd.f32 v31, v24;
	v27 =	vadd.f32 v29, v27;
	v41 =	vld.idx.msk [tilespmem:v58+s12+$0x0], $0xffff  }
0x99: {  	v49 =	vunpack.i.u.bf16.f32 v17;
	v19 =	vadd.f32 v32, v19;
	v11 =	vadd.f32 v48, v11;
	v32 =	vld.idx.msk [tilespmem:v58+s11+$0x0], $0xffff  }
0x9a: {  	v17 =	vunpack.i.l.bf16.f32 v17;
	v21 =	vadd.f32 v25, v63;
	v10 =	vadd.f32 v10, v27;
	v50 =	vld.idx.msk [tilespmem:v45+s11+$0x0], $0xffff  }
0x9b: {  	v22 =	vmul.f32 v49, v22;
	v51 =	vadd.f32 v36, v19;
	v11 =	vadd.f32 v26, v11;
	v34 =	vld.idx.msk [tilespmem:v45+s12+$0x0], $0xffff  }
0x9c: {  	v17 =	vmul.f32 v17, v33;
	v13 =	vadd.f32 v13, v21;
	v10 =	vadd.f32 v12, v10;
	v53 =	vld.idx.msk [tilespmem:v9+s11+$0x0], $0xffff  }
0x9d: {  	v14 =	vadd.f32 v14, v51;
	v11 =	vadd.f32 v15, v11;
	v54 =	vld.idx.msk [tilespmem:v44+s11+$0x0], $0xffff  }
0x9e: {  	v55 =	vld.idx.msk [tilespmem:v43+s11+$0x0], $0xffff;
	v13 =	vadd.f32 v22, v13;
	v10 =	vadd.f32 v17, v10  }
0x9f: {  	v56 =	vld.idx.msk [tilespmem:v43+s12+$0x0], $0xffff;
	v19 =	vunpack.i.u.bf16.f32 v60;
	v33 =	vunpack.i.l.bf16.f32 v60;
	v52 =	vunpack.i.u.bf16.f32 v62  }
0xa0: {  	v58 =	vld.idx.msk [tilespmem:v40+s11+$0x0], $0xffff;
	v18 =	vunpack.i.l.bf16.f32 v46;
	v23 =	vunpack.i.l.bf16.f32 v62;
	v57 =	vunpack.i.l.bf16.f32 v32  }
0xa1: {  	v47 =	vld.idx.msk [tilespmem:v42+s12+$0x0], $0xffff;
	v59 =	vunpack.i.u.bf16.f32 v50;
	v30 =	vunpack.i.l.bf16.f32 v50;
	v61 =	vunpack.i.u.bf16.f32 v34  }
0xa2: {  	v38 =	vunpack.i.u.bf16.f32 v41;
	v63 =	vunpack.i.u.bf16.f32 v53;
	v24 =	vunpack.i.u.bf16.f32 v46  }
0xa3: {  	v43 =	vunpack.i.l.bf16.f32 v54;
	v44 =	vunpack.i.u.bf16.f32 v54;
	v45 =	vunpack.i.l.bf16.f32 v53  }
0xa4: {  	v46 =	vunpack.i.u.bf16.f32 v55;
	v16 =	vunpack.i.l.bf16.f32 v55;
	v48 =	vunpack.i.u.bf16.f32 v56  }
0xa5: {  	v60 =	vld.idx.msk [tilespmem:v37+s11+$0x0], $0xffff;
	v50 =	vunpack.i.l.bf16.f32 v58;
	v28 =	vunpack.i.l.bf16.f32 v56;
	v54 =	vunpack.i.l.bf16.f32 v41  }
0xa6: {  	v62 =	vld.idx.msk [tilespmem:v37+s12+$0x0], $0xffff;
	v55 =	vunpack.i.u.bf16.f32 v47;
	v31 =	vmul.f32 v61, v59;
	v23 =	vmul.f32 v23, v43  }
0xa7: {  	v32 =	vunpack.i.u.bf16.f32 v32;
	v15 =	vmul.f32 v52, v44;
	v53 =	vmul.f32 v33, v50  }
0xa8: {  	v56 =	vunpack.i.l.bf16.f32 v47;
	v16 =	vmul.f32 v28, v16;
	v12 =	vmul.f32 v48, v46  }
0xa9: {  	v9 =	vld.idx.msk [tilespmem:v9+s12+$0x0], $0xffff;
	v52 =	vunpack.i.u.bf16.f32 v58;
	v58 =	vmul.f32 v55, v24;
	v59 =	vmul.f32 v56, v18  }
0xaa: {  	v19 =	vmul.f32 v19, v52;
	v14 =	vadd.f32 v53, v14;
	v49 =	vunpack.i.l.bf16.f32 v60  }
0xab: {  	v26 =	vunpack.i.u.bf16.f32 v60;
	v51 =	vunpack.i.l.bf16.f32 v62;
	v22 =	vunpack.i.u.bf16.f32 v62  }
0xac: {  	v11 =	vadd.f32 v19, v11;
	v17 =	vmul.f32 v51, v49;
	v22 =	vmul.f32 v22, v26  }
0xad: {  	v14 =	vadd.f32 v16, v14;
	v60 =	vunpack.i.l.bf16.f32 v34;
	v26 =	vmul.f32 v54, v57  }
0xae: {  	v57 =	vunpack.i.u.bf16.f32 v9;
	v13 =	vadd.f32 v22, v13;
	v10 =	vadd.f32 v17, v10  }
0xaf: {  	v9 =	vunpack.i.l.bf16.f32 v9;
	v11 =	vadd.f32 v12, v11;
	v61 =	vmul.f32 v57, v63  }
0xb0: {  	v17 =	vmul.f32 v60, v30;
	v13 =	vadd.f32 v58, v13;
	v10 =	vadd.f32 v59, v10  }
0xb1: {  	v62 =	vadd.f32 v23, v14;
	v63 =	vmul.f32 v38, v32;
	v11 =	vadd.f32 v15, v11  }
0xb2: {  	v9 =	vmul.f32 v9, v45;
	v13 =	vadd.f32 v31, v13;
	v10 =	vadd.f32 v17, v10  }
0xb3: {  	v12 =	vadd.f32 v26, v62;
	v11 =	vadd.f32 v63, v11  }
0xb4: {  	s14 =	sadd.s32 s2, s4;
	s6 =	sadd.s32 $0x1, s6;
	v13 =	vadd.f32 v61, v13;
	v9 =	vadd.f32 v9, v10  }
0xb5: {  	p0 =	sne.s32 s6, $0x5;
	v10 =	vor.u32 s14, v0  }
.Ltmp1:
0xb6: {  	v11 =	vadd.f32 v11, v12;
	v9 =	vadd.f32 v13, v9;
	(pc) =	sbr.rel @p0 .LBB2_3-.Ltmp1, $3  }
0xb7: {  	_ = 	snop  }
0xb8: {  	v9 =	vadd.f32 v11, v9;
	_ =	sdelay $0x1  }
0xb9: {  	[tilespmem:v10+s16+$0x0] =	vst.idx.msk $0xffff, v9  }
0xba: {  	s0 =	sadd.s32 $0x1E0, s2  }
0xbb: {  	[tilespmem:s11], [sflag:$0x1] =	stream.indirect.gather [hbm4b:s3+s10], $0x48, s0, s10, $0xb8;
	[tilespmem:$0x18330] =	vst v63  }
0xbc: {  	s14 =	sadd.s32 $0x28F0, s2  }
0xbd: {  	[tilespmem:s12], [sflag:$0x7] =	stream.indirect.gather [hbm4b:s3+s10], $0x48, s14, s10, $0xb8;
	[tilespmem:$0x18330] =	vst v63  }
0xbe: {  	_ =	swait.ge [sflag:s18], $0x1680  }
0xbf: {  	[sflag:s18] =	ssyncset.done $0x0  }
0xc0: {  	[sflag:s18] =	ssyncadd.s32 $0xFFFFE980  }
0xc1: {  	_ =	swait.ge [sflag:s20], $0x1680  }
0xc2: {  	s8 =	sadd.s32 $0x50, s2;
	[sflag:s20] =	ssyncset.done $0x0  }
0xc3: {  	s6 =	simm.s32 $0x0;
	s4 =	simm.s32 $0x0;
	[sflag:s20] =	ssyncadd.s32 $0xFFFFE980  }
.LBB2_7:
0xc4: {  	s5 =	sshll.u32 s4, $0x4  }
0xc5: {  	v10 =	vmov s6;
	v9 =	vmov s5  }
0xc6: {  	v10 =	vshrl.u32 v10, $0x3;
	v9 =	vmul.u32 $0x48, v9  }
0xc7: {  	v10 =	vshll.u32 v10, $0x3  }
0xc8: {  	v10 =	vadd.s32 v9, v10  }
0xc9: {  	v10 =	vbroadcast v10, $0x0;
	_ =	sdelay $0x1  }
0xca: {  	v11 =	vadd.s32 v2, v10  }
0xcb: {  	v12 =	vadd.s32 v6, v10  }
0xcc: {  	v13 =	vadd.s32 v3, v10  }
0xcd: {  	v14 =	vadd.s32 v8, v10  }
0xce: {  	v15 =	vadd.s32 v5, v10  }
0xcf: {  	v16 =	vld.idx.msk [tilespmem:v11+s15+$0x0], $0xffff  }
0xd0: {  	v17 =	vld.idx.msk [tilespmem:v12+s15+$0x0], $0xffff  }
0xd1: {  	v18 =	vadd.s32 v7, v10;
	v19 =	vld.idx.msk [tilespmem:v13+s13+$0x0], $0xffff  }
0xd2: {  	v20 =	vld.idx.msk [tilespmem:v14+s13+$0x0], $0xffff  }
0xd3: {  	v21 =	vadd.s32 v4, v10;
	v22 =	vld.idx.msk [tilespmem:v15+s13+$0x0], $0xffff  }
0xd4: {  	v23 =	vld.idx.msk [tilespmem:v15+s15+$0x0], $0xffff  }
0xd5: {  	v10 =	vadd.s32 v1, v10;
	v14 =	vld.idx.msk [tilespmem:v14+s15+$0x0], $0xffff  }
0xd6: {  	v15 =	vld.idx.msk [tilespmem:v18+s13+$0x0], $0xffff  }
0xd7: {  	v12 =	vld.idx.msk [tilespmem:v12+s13+$0x0], $0xffff  }
0xd8: {  	s0 =	simm.s32 $0x8;
	v27 =	vld.idx.msk [tilespmem:v21+s13+$0x0], $0xffff  }
0xd9: {  	v33 =	vmov s0;
	v21 =	vld.idx.msk [tilespmem:v21+s15+$0x0], $0xffff  }
0xda: {  	v24 =	vimm.f32 $0.0e+00;
	v33 =	vshrl.u32 v33, $0x3;
	v32 =	vld.idx.msk [tilespmem:v10+s13+$0x0], $0xffff  }
0xdb: {  	v33 =	vshll.u32 v33, $0x3;
	v11 =	vld.idx.msk [tilespmem:v11+s13+$0x0], $0xffff;
	v25 =	vunpack.i.u.bf16.f32 v16;
	v16 =	vunpack.i.l.bf16.f32 v16  }
0xdc: {  	v26 =	vunpack.i.u.bf16.f32 v17;
	v28 =	vunpack.i.l.bf16.f32 v19;
	v17 =	vunpack.i.l.bf16.f32 v17  }
0xdd: {  	v29 =	vunpack.i.l.bf16.f32 v20;
	v30 =	vunpack.i.u.bf16.f32 v22;
	v31 =	vunpack.i.u.bf16.f32 v23  }
0xde: {  	v22 =	vunpack.i.l.bf16.f32 v22;
	v34 =	vunpack.i.u.bf16.f32 v14;
	v19 =	vunpack.i.u.bf16.f32 v19  }
0xdf: {  	v35 =	vunpack.i.l.bf16.f32 v12;
	v12 =	vunpack.i.u.bf16.f32 v12;
	v36 =	vunpack.i.l.bf16.f32 v15  }
0xe0: {  	v10 =	vld.idx.msk [tilespmem:v10+s15+$0x0], $0xffff;
	v57 =	vunpack.i.u.bf16.f32 v21;
	v37 =	vunpack.i.l.bf16.f32 v32;
	v38 =	vunpack.i.l.bf16.f32 v11  }
0xe1: {  	v32 =	vunpack.i.u.bf16.f32 v32;
	v35 =	vmul.f32 v17, v35;
	v17 =	vadd.s32 v9, v33  }
0xe2: {  	v21 =	vunpack.i.l.bf16.f32 v21;
	v11 =	vunpack.i.u.bf16.f32 v11;
	v17 =	vbroadcast v17, $0x0  }
0xe3: {  	v13 =	vld.idx.msk [tilespmem:v13+s15+$0x0], $0xffff;
	v14 =	vunpack.i.l.bf16.f32 v14;
	v30 =	vmul.f32 v31, v30;
	v31 =	vunpack.i.u.bf16.f32 v15  }
0xe4: {  	v15 =	vunpack.i.u.bf16.f32 v27;
	v27 =	vunpack.i.l.bf16.f32 v27;
	v41 =	vadd.s32 v2, v17  }
0xe5: {  	v39 =	vmul.f32 v26, v12;
	v12 =	vunpack.i.l.bf16.f32 v10;
	v43 =	vadd.s32 v6, v17  }
0xe6: {  	v16 =	vmul.f32 v16, v38;
	v10 =	vunpack.i.u.bf16.f32 v10;
	v45 =	vadd.s32 v3, v17  }
0xe7: {  	v59 =	vmul.f32 v14, v29;
	v44 =	vmul.f32 v12, v37;
	v12 =	vld.idx.msk [tilespmem:v18+s15+$0x0], $0xffff;
	v18 =	vadd.s32 v8, v17  }
0xe8: {  	v10 =	vmul.f32 v10, v32;
	v21 =	vmul.f32 v21, v27;
	v27 =	vunpack.i.u.bf16.f32 v13  }
0xe9: {  	v13 =	vunpack.i.l.bf16.f32 v13;
	v16 =	vadd.f32 v16, v24;
	v26 =	vadd.s32 v5, v17;
	v58 =	vld.idx.msk [tilespmem:v41+s15+$0x0], $0xffff  }
0xea: {  	v47 =	vmul.f32 v57, v15;
	v19 =	vmul.f32 v27, v19;
	v40 =	vadd.s32 v1, v17;
	v60 =	vld.idx.msk [tilespmem:v43+s15+$0x0], $0xffff  }
0xeb: {  	v42 =	vadd.s32 v4, v17;
	v17 =	vadd.s32 v7, v17;
	v16 =	vadd.f32 v21, v16;
	v46 =	vld.idx.msk [tilespmem:v45+s13+$0x0], $0xffff  }
0xec: {  	v28 =	vmul.f32 v13, v28;
	v10 =	vadd.f32 v10, v24;
	v61 =	vadd.f32 v44, v24;
	v14 =	vld.idx.msk [tilespmem:v18+s15+$0x0], $0xffff  }
0xed: {  	v29 =	vunpack.i.u.bf16.f32 v12;
	v12 =	vunpack.i.l.bf16.f32 v12;
	v16 =	vadd.f32 v35, v16;
	v15 =	vld.idx.msk [tilespmem:v18+s13+$0x0], $0xffff  }
0xee: {  	v18 =	vmul.f32 v25, v11;
	v11 =	vunpack.i.l.bf16.f32 v23;
	v25 =	vmul.f32 v29, v31;
	v31 =	vld.idx.msk [tilespmem:v26+s13+$0x0], $0xffff  }
0xef: {  	v27 =	vmul.f32 v12, v36;
	v12 =	vld.idx.msk [tilespmem:v26+s15+$0x0], $0xffff;
	v29 =	vmul.f32 v11, v22;
	v22 =	vadd.f32 v19, v10  }
0xf0: {  	v20 =	vunpack.i.u.bf16.f32 v20;
	v38 =	vadd.f32 v28, v61;
	v33 =	vld.idx.msk [tilespmem:v17+s13+$0x0], $0xffff;
	v18 =	vadd.f32 v18, v24  }
0xf1: {  	v20 =	vmul.f32 v34, v20;
	v37 =	vld.idx.msk [tilespmem:v43+s13+$0x0], $0xffff;
	v19 =	vadd.f32 v59, v16;
	v22 =	vadd.f32 v30, v22  }
0xf2: {  	v34 =	vld.idx.msk [tilespmem:v42+s13+$0x0], $0xffff;
	v13 =	vadd.f32 v47, v18;
	v11 =	vunpack.i.u.bf16.f32 v58;
	v21 =	vunpack.i.l.bf16.f32 v58  }
0xf3: {  	v32 =	vld.idx.msk [tilespmem:v42+s15+$0x0], $0xffff;
	v26 =	vunpack.i.u.bf16.f32 v60;
	v10 =	vunpack.i.l.bf16.f32 v46;
	v36 =	vunpack.i.l.bf16.f32 v60  }
0xf4: {  	v35 =	vld.idx.msk [tilespmem:v40+s13+$0x0], $0xffff;
	v23 =	vunpack.i.l.bf16.f32 v15;
	v62 =	vunpack.i.u.bf16.f32 v31;
	v18 =	vunpack.i.l.bf16.f32 v31  }
0xf5: {  	v28 =	vld.idx.msk [tilespmem:v45+s15+$0x0], $0xffff;
	v16 =	vunpack.i.u.bf16.f32 v14;
	v24 =	vadd.f32 v25, v22;
	v63 =	vadd.f32 v39, v13  }
0xf6: {  	v30 =	vld.idx.msk [tilespmem:v41+s13+$0x0], $0xffff;
	v22 =	vunpack.i.u.bf16.f32 v33;
	v25 =	vunpack.i.u.bf16.f32 v46;
	v13 =	vunpack.i.u.bf16.f32 v12  }
0xf7: {  	s14 =	simm.s32 $0x10;
	s0 =	simm.s32 $0x18;
	v31 =	vld.idx.msk [tilespmem:v40+s15+$0x0], $0xffff;
	v39 =	vunpack.i.l.bf16.f32 v37;
	v13 =	vmul.f32 v13, v62;
	v20 =	vadd.f32 v20, v63  }
.LBB2_8:
0xf8: {  	p0 =	sne.s32 s0, $0x38;
	v40 =	vmov s14;
	v37 =	vunpack.i.u.bf16.f32 v37;
	v33 =	vunpack.i.l.bf16.f32 v33;
	s14 =	smov.u32 s0;
	s0 =	sadd.s32 $0x8, s0  }
0xf9: {  	v41 =	vunpack.i.u.bf16.f32 v34;
	v29 =	vadd.f32 v29, v38;
	v40 =	vshrl.u32 v40, $0x3  }
0xfa: {  	v34 =	vunpack.i.l.bf16.f32 v34;
	v36 =	vmul.f32 v36, v39;
	v38 =	vshll.u32 v40, $0x3  }
0xfb: {  	v39 =	vunpack.i.u.bf16.f32 v32;
	v40 =	vadd.f32 v27, v29;
	v38 =	vadd.s32 v9, v38  }
0xfc: {  	v29 =	vunpack.i.l.bf16.f32 v35;
	v27 =	vbroadcast v38, $0x0;
	v38 =	vunpack.i.l.bf16.f32 v30  }
0xfd: {  	v32 =	vunpack.i.l.bf16.f32 v32;
	v42 =	vmul.f32 v26, v37;
	v35 =	vunpack.i.u.bf16.f32 v35  }
0xfe: {  	v26 =	vunpack.i.l.bf16.f32 v31;
	v43 =	vadd.s32 v1, v27;
	v44 =	vadd.s32 v2, v27  }
0xff: {  	v46 =	vmul.f32 v26, v29;
	v45 =	vadd.s32 v4, v27;
	v37 =	vadd.s32 v6, v27;
	v26 =	vld.idx.msk [tilespmem:v17+s15+$0x0], $0xffff  }
0x100: {  	v29 =	vunpack.i.u.bf16.f32 v30;
	v21 =	vmul.f32 v21, v38;
	v47 =	vadd.s32 v3, v27  }
0x101: {  	v30 =	vadd.s32 v5, v27;
	v38 =	vadd.s32 v8, v27;
	v17 =	vunpack.i.u.bf16.f32 v31  }
0x102: {  	v14 =	vunpack.i.l.bf16.f32 v14;
	v32 =	vmul.f32 v32, v34;
	v31 =	vmul.f32 v17, v35  }
0x103: {  	v48 =	vunpack.i.u.bf16.f32 v15;
	v23 =	vmul.f32 v14, v23;
	v35 =	vunpack.i.u.bf16.f32 v28;
	v34 =	vld.idx.msk [tilespmem:v44+s15+$0x0], $0xffff  }
0x104: {  	v15 =	vadd.f32 v21, v19;
	v17 =	vadd.s32 v7, v27;
	v24 =	vadd.f32 v31, v24;
	v49 =	vld.idx.msk [tilespmem:v37+s15+$0x0], $0xffff  }
0x105: {  	v28 =	vunpack.i.l.bf16.f32 v28;
	v31 =	vmul.f32 v39, v41;
	v19 =	vunpack.i.u.bf16.f32 v26;
	v50 =	vld.idx.msk [tilespmem:v47+s13+$0x0], $0xffff  }
0x106: {  	v25 =	vmul.f32 v35, v25;
	v21 =	vadd.f32 v32, v15;
	v26 =	vunpack.i.l.bf16.f32 v26;
	v14 =	vld.idx.msk [tilespmem:v38+s15+$0x0], $0xffff  }
0x107: {  	v32 =	vmul.f32 v11, v29;
	v11 =	vunpack.i.l.bf16.f32 v12;
	v22 =	vmul.f32 v19, v22;
	v15 =	vld.idx.msk [tilespmem:v38+s13+$0x0], $0xffff  }
0x108: {  	v29 =	vmul.f32 v11, v18;
	v18 =	vadd.f32 v36, v21;
	v27 =	vmul.f32 v26, v33;
	v35 =	vld.idx.msk [tilespmem:v30+s13+$0x0], $0xffff  }
0x109: {  	v20 =	vadd.f32 v32, v20;
	v11 =	vunpack.i.u.bf16.f32 v34;
	v21 =	vunpack.i.l.bf16.f32 v34;
	v12 =	vld.idx.msk [tilespmem:v30+s15+$0x0], $0xffff  }
0x10a: {  	v24 =	vadd.f32 v25, v24;
	v19 =	vadd.f32 v23, v18;
	v26 =	vunpack.i.u.bf16.f32 v49;
	v33 =	vld.idx.msk [tilespmem:v17+s13+$0x0], $0xffff  }
0x10b: {  	v41 =	vmul.f32 v16, v48;
	v25 =	vmul.f32 v28, v10;
	v10 =	vunpack.i.l.bf16.f32 v50;
	v37 =	vld.idx.msk [tilespmem:v37+s13+$0x0], $0xffff  }
0x10c: {  	v28 =	vadd.f32 v46, v40;
	v16 =	vadd.f32 v31, v20;
	v34 =	vld.idx.msk [tilespmem:v45+s13+$0x0], $0xffff  }
.Ltmp2:
0x10d: {  	v13 =	vadd.f32 v13, v24;
	v36 =	vunpack.i.l.bf16.f32 v49;
	v23 =	vunpack.i.l.bf16.f32 v15;
	v32 =	vld.idx.msk [tilespmem:v45+s15+$0x0], $0xffff;
	(pc) =	sbr.rel @p0 .LBB2_8-.Ltmp2, $4  }
0x10e: {  	v40 =	vadd.f32 v42, v16;
	v20 =	vunpack.i.u.bf16.f32 v35;
	v18 =	vunpack.i.l.bf16.f32 v35;
	v30 =	vld.idx.msk [tilespmem:v44+s13+$0x0], $0xffff  }
0x10f: {  	v24 =	vadd.f32 v22, v13;
	v16 =	vunpack.i.u.bf16.f32 v14;
	v38 =	vunpack.i.u.bf16.f32 v12;
	v35 =	vld.idx.msk [tilespmem:v43+s13+$0x0], $0xffff  }
0x110: {  	v13 =	vmul.f32 v38, v20;
	v22 =	vunpack.i.u.bf16.f32 v33;
	v38 =	vadd.f32 v25, v28;
	v31 =	vld.idx.msk [tilespmem:v43+s15+$0x0], $0xffff  }
0x111: {  	v25 =	vunpack.i.u.bf16.f32 v50;
	v20 =	vadd.f32 v41, v40;
	v39 =	vunpack.i.l.bf16.f32 v37;
	v28 =	vld.idx.msk [tilespmem:v47+s15+$0x0], $0xffff  }
0x112: {  	v40 =	vmov s14  }
0x113: {  	v37 =	vunpack.i.u.bf16.f32 v37;
	v41 =	vunpack.i.u.bf16.f32 v34;
	v29 =	vadd.f32 v29, v38  }
0x114: {  	v51 =	vunpack.i.l.bf16.f32 v34;
	v36 =	vmul.f32 v36, v39;
	v52 =	vunpack.i.u.bf16.f32 v32  }
0x115: {  	v56 =	vunpack.i.l.bf16.f32 v32;
	v14 =	vunpack.i.l.bf16.f32 v14;
	v40 =	vshrl.u32 v40, $0x3  }
0x116: {  	v15 =	vunpack.i.u.bf16.f32 v15;
	v12 =	vunpack.i.l.bf16.f32 v12;
	v50 =	vshll.u32 v40, $0x3  }
0x117: {  	v26 =	vmul.f32 v26, v37;
	v32 =	vmul.f32 v56, v51;
	v9 =	vadd.s32 v9, v50  }
0x118: {  	v54 =	vunpack.i.l.bf16.f32 v30;
	v14 =	vmul.f32 v14, v23;
	v9 =	vbroadcast v9, $0x0  }
0x119: {  	v57 =	vunpack.i.u.bf16.f32 v30;
	v48 =	vmul.f32 v52, v41;
	v12 =	vmul.f32 v12, v18  }
0x11a: {  	v15 =	vmul.f32 v16, v15;
	v27 =	vadd.f32 v27, v29;
	v40 =	vadd.s32 v2, v9  }
0x11b: {  	v53 =	vunpack.i.l.bf16.f32 v35;
	v42 =	vunpack.i.l.bf16.f32 v31;
	v44 =	vadd.s32 v6, v9  }
0x11c: {  	v55 =	vunpack.i.u.bf16.f32 v35;
	v29 =	vmul.f32 v42, v53;
	v42 =	vadd.s32 v3, v9  }
0x11d: {  	v21 =	vmul.f32 v21, v54;
	v59 =	vunpack.i.u.bf16.f32 v31;
	v58 =	vadd.s32 v8, v9  }
0x11e: {  	v33 =	vunpack.i.l.bf16.f32 v33;
	v17 =	vld.idx.msk [tilespmem:v17+s15+$0x0], $0xffff;
	v11 =	vmul.f32 v11, v57;
	v31 =	vmul.f32 v59, v55  }
0x11f: {  	v61 =	vunpack.i.u.bf16.f32 v28;
	v19 =	vadd.f32 v21, v19;
	v45 =	vadd.s32 v5, v9;
	v60 =	vld.idx.msk [tilespmem:v40+s15+$0x0], $0xffff  }
0x120: {  	v47 =	vunpack.i.l.bf16.f32 v28;
	v11 =	vadd.f32 v11, v20;
	v25 =	vmul.f32 v61, v25;
	v62 =	vld.idx.msk [tilespmem:v44+s15+$0x0], $0xffff  }
0x121: {  	v37 =	vadd.s32 v1, v9;
	v43 =	vadd.s32 v4, v9;
	v9 =	vadd.s32 v7, v9;
	v46 =	vld.idx.msk [tilespmem:v42+s13+$0x0], $0xffff  }
0x122: {  	v10 =	vmul.f32 v47, v10;
	v63 =	vadd.f32 v31, v24;
	v27 =	vadd.f32 v29, v27;
	v41 =	vld.idx.msk [tilespmem:v58+s15+$0x0], $0xffff  }
0x123: {  	v49 =	vunpack.i.u.bf16.f32 v17;
	v19 =	vadd.f32 v32, v19;
	v11 =	vadd.f32 v48, v11;
	v32 =	vld.idx.msk [tilespmem:v58+s13+$0x0], $0xffff  }
0x124: {  	v17 =	vunpack.i.l.bf16.f32 v17;
	v21 =	vadd.f32 v25, v63;
	v10 =	vadd.f32 v10, v27;
	v50 =	vld.idx.msk [tilespmem:v45+s13+$0x0], $0xffff  }
0x125: {  	v22 =	vmul.f32 v49, v22;
	v51 =	vadd.f32 v36, v19;
	v11 =	vadd.f32 v26, v11;
	v34 =	vld.idx.msk [tilespmem:v45+s15+$0x0], $0xffff  }
0x126: {  	v17 =	vmul.f32 v17, v33;
	v13 =	vadd.f32 v13, v21;
	v10 =	vadd.f32 v12, v10;
	v53 =	vld.idx.msk [tilespmem:v9+s13+$0x0], $0xffff  }
0x127: {  	v14 =	vadd.f32 v14, v51;
	v11 =	vadd.f32 v15, v11;
	v54 =	vld.idx.msk [tilespmem:v44+s13+$0x0], $0xffff  }
0x128: {  	v55 =	vld.idx.msk [tilespmem:v43+s13+$0x0], $0xffff;
	v13 =	vadd.f32 v22, v13;
	v10 =	vadd.f32 v17, v10  }
0x129: {  	v56 =	vld.idx.msk [tilespmem:v43+s15+$0x0], $0xffff;
	v19 =	vunpack.i.u.bf16.f32 v60;
	v33 =	vunpack.i.l.bf16.f32 v60;
	v52 =	vunpack.i.u.bf16.f32 v62  }
0x12a: {  	v58 =	vld.idx.msk [tilespmem:v40+s13+$0x0], $0xffff;
	v18 =	vunpack.i.l.bf16.f32 v46;
	v23 =	vunpack.i.l.bf16.f32 v62;
	v57 =	vunpack.i.l.bf16.f32 v32  }
0x12b: {  	v47 =	vld.idx.msk [tilespmem:v42+s15+$0x0], $0xffff;
	v59 =	vunpack.i.u.bf16.f32 v50;
	v30 =	vunpack.i.l.bf16.f32 v50;
	v61 =	vunpack.i.u.bf16.f32 v34  }
0x12c: {  	v38 =	vunpack.i.u.bf16.f32 v41;
	v63 =	vunpack.i.u.bf16.f32 v53;
	v24 =	vunpack.i.u.bf16.f32 v46  }
0x12d: {  	v43 =	vunpack.i.l.bf16.f32 v54;
	v44 =	vunpack.i.u.bf16.f32 v54;
	v45 =	vunpack.i.l.bf16.f32 v53  }
0x12e: {  	v46 =	vunpack.i.u.bf16.f32 v55;
	v16 =	vunpack.i.l.bf16.f32 v55;
	v48 =	vunpack.i.u.bf16.f32 v56  }
0x12f: {  	v60 =	vld.idx.msk [tilespmem:v37+s13+$0x0], $0xffff;
	v50 =	vunpack.i.l.bf16.f32 v58;
	v28 =	vunpack.i.l.bf16.f32 v56;
	v54 =	vunpack.i.l.bf16.f32 v41  }
0x130: {  	v62 =	vld.idx.msk [tilespmem:v37+s15+$0x0], $0xffff;
	v55 =	vunpack.i.u.bf16.f32 v47;
	v31 =	vmul.f32 v61, v59;
	v23 =	vmul.f32 v23, v43  }
0x131: {  	v32 =	vunpack.i.u.bf16.f32 v32;
	v15 =	vmul.f32 v52, v44;
	v53 =	vmul.f32 v33, v50  }
0x132: {  	v56 =	vunpack.i.l.bf16.f32 v47;
	v16 =	vmul.f32 v28, v16;
	v12 =	vmul.f32 v48, v46  }
0x133: {  	v9 =	vld.idx.msk [tilespmem:v9+s15+$0x0], $0xffff;
	v52 =	vunpack.i.u.bf16.f32 v58;
	v58 =	vmul.f32 v55, v24;
	v59 =	vmul.f32 v56, v18  }
0x134: {  	v19 =	vmul.f32 v19, v52;
	v14 =	vadd.f32 v53, v14;
	v49 =	vunpack.i.l.bf16.f32 v60  }
0x135: {  	v26 =	vunpack.i.u.bf16.f32 v60;
	v51 =	vunpack.i.l.bf16.f32 v62;
	v22 =	vunpack.i.u.bf16.f32 v62  }
0x136: {  	v11 =	vadd.f32 v19, v11;
	v17 =	vmul.f32 v51, v49;
	v22 =	vmul.f32 v22, v26  }
0x137: {  	v14 =	vadd.f32 v16, v14;
	v60 =	vunpack.i.l.bf16.f32 v34;
	v26 =	vmul.f32 v54, v57  }
0x138: {  	v57 =	vunpack.i.u.bf16.f32 v9;
	v13 =	vadd.f32 v22, v13;
	v10 =	vadd.f32 v17, v10  }
0x139: {  	v9 =	vunpack.i.l.bf16.f32 v9;
	v11 =	vadd.f32 v12, v11;
	v61 =	vmul.f32 v57, v63  }
0x13a: {  	v17 =	vmul.f32 v60, v30;
	v13 =	vadd.f32 v58, v13;
	v10 =	vadd.f32 v59, v10  }
0x13b: {  	v62 =	vadd.f32 v23, v14;
	v63 =	vmul.f32 v38, v32;
	v11 =	vadd.f32 v15, v11  }
0x13c: {  	v9 =	vmul.f32 v9, v45;
	v13 =	vadd.f32 v31, v13;
	v10 =	vadd.f32 v17, v10  }
0x13d: {  	v12 =	vadd.f32 v26, v62;
	v11 =	vadd.f32 v63, v11  }
0x13e: {  	s0 =	sadd.s32 s5, s8;
	s4 =	sadd.s32 $0x1, s4;
	v13 =	vadd.f32 v61, v13;
	v9 =	vadd.f32 v9, v10  }
0x13f: {  	p0 =	sne.s32 s4, $0x5;
	v10 =	vor.u32 s0, v0  }
.Ltmp3:
0x140: {  	v11 =	vadd.f32 v11, v12;
	v9 =	vadd.f32 v13, v9;
	(pc) =	sbr.rel @p0 .LBB2_7-.Ltmp3, $3  }
0x141: {  	_ = 	snop  }
0x142: {  	v9 =	vadd.f32 v11, v9;
	_ =	sdelay $0x1  }
0x143: {  	[tilespmem:v10+s16+$0x0] =	vst.idx.msk $0xffff, v9  }
0x144: {  	s0 =	sadd.s32 $0x230, s2  }
0x145: {  	[tilespmem:s13], [sflag:$0x2] =	stream.indirect.gather [hbm4b:s3+s10], $0x48, s0, s10, $0xb8;
	[tilespmem:$0x18330] =	vst v63  }
0x146: {  	s14 =	sadd.s32 $0x2940, s2  }
0x147: {  	[tilespmem:s15], [sflag:$0x8] =	stream.indirect.gather [hbm4b:s3+s10], $0x48, s14, s10, $0xb8;
	[tilespmem:$0x18330] =	vst v63  }
0x148: {  	_ =	swait.ge [sflag:s22], $0x1680  }
0x149: {  	[sflag:s22] =	ssyncset.done $0x0  }
0x14a: {  	[sflag:s22] =	ssyncadd.s32 $0xFFFFE980  }
0x14b: {  	_ =	swait.ge [sflag:s24], $0x1680  }
0x14c: {  	s8 =	sadd.s32 $0xA0, s2;
	[sflag:s24] =	ssyncset.done $0x0  }
0x14d: {  	s6 =	simm.s32 $0x0;
	s4 =	simm.s32 $0x0;
	[sflag:s24] =	ssyncadd.s32 $0xFFFFE980  }
.LBB2_11:
0x14e: {  	s5 =	sshll.u32 s4, $0x4  }
0x14f: {  	v10 =	vmov s6;
	v9 =	vmov s5  }
0x150: {  	v10 =	vshrl.u32 v10, $0x3;
	v9 =	vmul.u32 $0x48, v9  }
0x151: {  	v10 =	vshll.u32 v10, $0x3  }
0x152: {  	v10 =	vadd.s32 v9, v10  }
0x153: {  	v10 =	vbroadcast v10, $0x0;
	_ =	sdelay $0x1  }
0x154: {  	v11 =	vadd.s32 v2, v10  }
0x155: {  	v12 =	vadd.s32 v6, v10  }
0x156: {  	v13 =	vadd.s32 v3, v10  }
0x157: {  	v14 =	vadd.s32 v8, v10  }
0x158: {  	v15 =	vadd.s32 v5, v10  }
0x159: {  	v16 =	vld.idx.msk [tilespmem:v11+s19+$0x0], $0xffff  }
0x15a: {  	v17 =	vld.idx.msk [tilespmem:v12+s19+$0x0], $0xffff  }
0x15b: {  	v18 =	vadd.s32 v7, v10;
	v19 =	vld.idx.msk [tilespmem:v13+s17+$0x0], $0xffff  }
0x15c: {  	v20 =	vld.idx.msk [tilespmem:v14+s17+$0x0], $0xffff  }
0x15d: {  	v21 =	vadd.s32 v4, v10;
	v22 =	vld.idx.msk [tilespmem:v15+s17+$0x0], $0xffff  }
0x15e: {  	v23 =	vld.idx.msk [tilespmem:v15+s19+$0x0], $0xffff  }
0x15f: {  	v10 =	vadd.s32 v1, v10;
	v14 =	vld.idx.msk [tilespmem:v14+s19+$0x0], $0xffff  }
0x160: {  	v15 =	vld.idx.msk [tilespmem:v18+s17+$0x0], $0xffff  }
0x161: {  	v12 =	vld.idx.msk [tilespmem:v12+s17+$0x0], $0xffff  }
0x162: {  	s0 =	simm.s32 $0x8;
	v27 =	vld.idx.msk [tilespmem:v21+s17+$0x0], $0xffff  }
0x163: {  	v33 =	vmov s0;
	v21 =	vld.idx.msk [tilespmem:v21+s19+$0x0], $0xffff  }
0x164: {  	v24 =	vimm.f32 $0.0e+00;
	v33 =	vshrl.u32 v33, $0x3;
	v32 =	vld.idx.msk [tilespmem:v10+s17+$0x0], $0xffff  }
0x165: {  	v33 =	vshll.u32 v33, $0x3;
	v11 =	vld.idx.msk [tilespmem:v11+s17+$0x0], $0xffff;
	v25 =	vunpack.i.u.bf16.f32 v16;
	v16 =	vunpack.i.l.bf16.f32 v16  }
0x166: {  	v26 =	vunpack.i.u.bf16.f32 v17;
	v28 =	vunpack.i.l.bf16.f32 v19;
	v17 =	vunpack.i.l.bf16.f32 v17  }
0x167: {  	v29 =	vunpack.i.l.bf16.f32 v20;
	v30 =	vunpack.i.u.bf16.f32 v22;
	v31 =	vunpack.i.u.bf16.f32 v23  }
0x168: {  	v22 =	vunpack.i.l.bf16.f32 v22;
	v34 =	vunpack.i.u.bf16.f32 v14;
	v19 =	vunpack.i.u.bf16.f32 v19  }
0x169: {  	v35 =	vunpack.i.l.bf16.f32 v12;
	v12 =	vunpack.i.u.bf16.f32 v12;
	v36 =	vunpack.i.l.bf16.f32 v15  }
0x16a: {  	v10 =	vld.idx.msk [tilespmem:v10+s19+$0x0], $0xffff;
	v57 =	vunpack.i.u.bf16.f32 v21;
	v37 =	vunpack.i.l.bf16.f32 v32;
	v38 =	vunpack.i.l.bf16.f32 v11  }
0x16b: {  	v32 =	vunpack.i.u.bf16.f32 v32;
	v35 =	vmul.f32 v17, v35;
	v17 =	vadd.s32 v9, v33  }
0x16c: {  	v21 =	vunpack.i.l.bf16.f32 v21;
	v11 =	vunpack.i.u.bf16.f32 v11;
	v17 =	vbroadcast v17, $0x0  }
0x16d: {  	v13 =	vld.idx.msk [tilespmem:v13+s19+$0x0], $0xffff;
	v14 =	vunpack.i.l.bf16.f32 v14;
	v30 =	vmul.f32 v31, v30;
	v31 =	vunpack.i.u.bf16.f32 v15  }
0x16e: {  	v15 =	vunpack.i.u.bf16.f32 v27;
	v27 =	vunpack.i.l.bf16.f32 v27;
	v41 =	vadd.s32 v2, v17  }
0x16f: {  	v39 =	vmul.f32 v26, v12;
	v12 =	vunpack.i.l.bf16.f32 v10;
	v43 =	vadd.s32 v6, v17  }
0x170: {  	v16 =	vmul.f32 v16, v38;
	v10 =	vunpack.i.u.bf16.f32 v10;
	v45 =	vadd.s32 v3, v17  }
0x171: {  	v59 =	vmul.f32 v14, v29;
	v44 =	vmul.f32 v12, v37;
	v12 =	vld.idx.msk [tilespmem:v18+s19+$0x0], $0xffff;
	v18 =	vadd.s32 v8, v17  }
0x172: {  	v10 =	vmul.f32 v10, v32;
	v21 =	vmul.f32 v21, v27;
	v27 =	vunpack.i.u.bf16.f32 v13  }
0x173: {  	v13 =	vunpack.i.l.bf16.f32 v13;
	v16 =	vadd.f32 v16, v24;
	v26 =	vadd.s32 v5, v17;
	v58 =	vld.idx.msk [tilespmem:v41+s19+$0x0], $0xffff  }
0x174: {  	v47 =	vmul.f32 v57, v15;
	v19 =	vmul.f32 v27, v19;
	v40 =	vadd.s32 v1, v17;
	v60 =	vld.idx.msk [tilespmem:v43+s19+$0x0], $0xffff  }
0x175: {  	v42 =	vadd.s32 v4, v17;
	v17 =	vadd.s32 v7, v17;
	v16 =	vadd.f32 v21, v16;
	v46 =	vld.idx.msk [tilespmem:v45+s17+$0x0], $0xffff  }
0x176: {  	v28 =	vmul.f32 v13, v28;
	v10 =	vadd.f32 v10, v24;
	v61 =	vadd.f32 v44, v24;
	v14 =	vld.idx.msk [tilespmem:v18+s19+$0x0], $0xffff  }
0x177: {  	v29 =	vunpack.i.u.bf16.f32 v12;
	v12 =	vunpack.i.l.bf16.f32 v12;
	v16 =	vadd.f32 v35, v16;
	v15 =	vld.idx.msk [tilespmem:v18+s17+$0x0], $0xffff  }
0x178: {  	v18 =	vmul.f32 v25, v11;
	v11 =	vunpack.i.l.bf16.f32 v23;
	v25 =	vmul.f32 v29, v31;
	v31 =	vld.idx.msk [tilespmem:v26+s17+$0x0], $0xffff  }
0x179: {  	v27 =	vmul.f32 v12, v36;
	v12 =	vld.idx.msk [tilespmem:v26+s19+$0x0], $0xffff;
	v29 =	vmul.f32 v11, v22;
	v22 =	vadd.f32 v19, v10  }
0x17a: {  	v20 =	vunpack.i.u.bf16.f32 v20;
	v38 =	vadd.f32 v28, v61;
	v33 =	vld.idx.msk [tilespmem:v17+s17+$0x0], $0xffff;
	v18 =	vadd.f32 v18, v24  }
0x17b: {  	v20 =	vmul.f32 v34, v20;
	v37 =	vld.idx.msk [tilespmem:v43+s17+$0x0], $0xffff;
	v19 =	vadd.f32 v59, v16;
	v22 =	vadd.f32 v30, v22  }
0x17c: {  	v34 =	vld.idx.msk [tilespmem:v42+s17+$0x0], $0xffff;
	v13 =	vadd.f32 v47, v18;
	v11 =	vunpack.i.u.bf16.f32 v58;
	v21 =	vunpack.i.l.bf16.f32 v58  }
0x17d: {  	v32 =	vld.idx.msk [tilespmem:v42+s19+$0x0], $0xffff;
	v26 =	vunpack.i.u.bf16.f32 v60;
	v10 =	vunpack.i.l.bf16.f32 v46;
	v36 =	vunpack.i.l.bf16.f32 v60  }
0x17e: {  	v35 =	vld.idx.msk [tilespmem:v40+s17+$0x0], $0xffff;
	v23 =	vunpack.i.l.bf16.f32 v15;
	v62 =	vunpack.i.u.bf16.f32 v31;
	v18 =	vunpack.i.l.bf16.f32 v31  }
0x17f: {  	v28 =	vld.idx.msk [tilespmem:v45+s19+$0x0], $0xffff;
	v16 =	vunpack.i.u.bf16.f32 v14;
	v24 =	vadd.f32 v25, v22;
	v63 =	vadd.f32 v39, v13  }
0x180: {  	v30 =	vld.idx.msk [tilespmem:v41+s17+$0x0], $0xffff;
	v22 =	vunpack.i.u.bf16.f32 v33;
	v25 =	vunpack.i.u.bf16.f32 v46;
	v13 =	vunpack.i.u.bf16.f32 v12  }
0x181: {  	s14 =	simm.s32 $0x10;
	s0 =	simm.s32 $0x18;
	v31 =	vld.idx.msk [tilespmem:v40+s19+$0x0], $0xffff;
	v39 =	vunpack.i.l.bf16.f32 v37;
	v13 =	vmul.f32 v13, v62;
	v20 =	vadd.f32 v20, v63  }
.LBB2_12:
0x182: {  	p0 =	sne.s32 s0, $0x38;
	v40 =	vmov s14;
	v37 =	vunpack.i.u.bf16.f32 v37;
	v33 =	vunpack.i.l.bf16.f32 v33;
	s14 =	smov.u32 s0;
	s0 =	sadd.s32 $0x8, s0  }
0x183: {  	v41 =	vunpack.i.u.bf16.f32 v34;
	v29 =	vadd.f32 v29, v38;
	v40 =	vshrl.u32 v40, $0x3  }
0x184: {  	v34 =	vunpack.i.l.bf16.f32 v34;
	v36 =	vmul.f32 v36, v39;
	v38 =	vshll.u32 v40, $0x3  }
0x185: {  	v39 =	vunpack.i.u.bf16.f32 v32;
	v40 =	vadd.f32 v27, v29;
	v38 =	vadd.s32 v9, v38  }
0x186: {  	v29 =	vunpack.i.l.bf16.f32 v35;
	v27 =	vbroadcast v38, $0x0;
	v38 =	vunpack.i.l.bf16.f32 v30  }
0x187: {  	v32 =	vunpack.i.l.bf16.f32 v32;
	v42 =	vmul.f32 v26, v37;
	v35 =	vunpack.i.u.bf16.f32 v35  }
0x188: {  	v26 =	vunpack.i.l.bf16.f32 v31;
	v43 =	vadd.s32 v1, v27;
	v44 =	vadd.s32 v2, v27  }
0x189: {  	v46 =	vmul.f32 v26, v29;
	v45 =	vadd.s32 v4, v27;
	v37 =	vadd.s32 v6, v27;
	v26 =	vld.idx.msk [tilespmem:v17+s19+$0x0], $0xffff  }
0x18a: {  	v29 =	vunpack.i.u.bf16.f32 v30;
	v21 =	vmul.f32 v21, v38;
	v47 =	vadd.s32 v3, v27  }
0x18b: {  	v30 =	vadd.s32 v5, v27;
	v38 =	vadd.s32 v8, v27;
	v17 =	vunpack.i.u.bf16.f32 v31  }
0x18c: {  	v14 =	vunpack.i.l.bf16.f32 v14;
	v32 =	vmul.f32 v32, v34;
	v31 =	vmul.f32 v17, v35  }
0x18d: {  	v48 =	vunpack.i.u.bf16.f32 v15;
	v23 =	vmul.f32 v14, v23;
	v35 =	vunpack.i.u.bf16.f32 v28;
	v34 =	vld.idx.msk [tilespmem:v44+s19+$0x0], $0xffff  }
0x18e: {  	v15 =	vadd.f32 v21, v19;
	v17 =	vadd.s32 v7, v27;
	v24 =	vadd.f32 v31, v24;
	v49 =	vld.idx.msk [tilespmem:v37+s19+$0x0], $0xffff  }
0x18f: {  	v28 =	vunpack.i.l.bf16.f32 v28;
	v31 =	vmul.f32 v39, v41;
	v19 =	vunpack.i.u.bf16.f32 v26;
	v50 =	vld.idx.msk [tilespmem:v47+s17+$0x0], $0xffff  }
0x190: {  	v25 =	vmul.f32 v35, v25;
	v21 =	vadd.f32 v32, v15;
	v26 =	vunpack.i.l.bf16.f32 v26;
	v14 =	vld.idx.msk [tilespmem:v38+s19+$0x0], $0xffff  }
0x191: {  	v32 =	vmul.f32 v11, v29;
	v11 =	vunpack.i.l.bf16.f32 v12;
	v22 =	vmul.f32 v19, v22;
	v15 =	vld.idx.msk [tilespmem:v38+s17+$0x0], $0xffff  }
0x192: {  	v29 =	vmul.f32 v11, v18;
	v18 =	vadd.f32 v36, v21;
	v27 =	vmul.f32 v26, v33;
	v35 =	vld.idx.msk [tilespmem:v30+s17+$0x0], $0xffff  }
0x193: {  	v20 =	vadd.f32 v32, v20;
	v11 =	vunpack.i.u.bf16.f32 v34;
	v21 =	vunpack.i.l.bf16.f32 v34;
	v12 =	vld.idx.msk [tilespmem:v30+s19+$0x0], $0xffff  }
0x194: {  	v24 =	vadd.f32 v25, v24;
	v19 =	vadd.f32 v23, v18;
	v26 =	vunpack.i.u.bf16.f32 v49;
	v33 =	vld.idx.msk [tilespmem:v17+s17+$0x0], $0xffff  }
0x195: {  	v41 =	vmul.f32 v16, v48;
	v25 =	vmul.f32 v28, v10;
	v10 =	vunpack.i.l.bf16.f32 v50;
	v37 =	vld.idx.msk [tilespmem:v37+s17+$0x0], $0xffff  }
0x196: {  	v28 =	vadd.f32 v46, v40;
	v16 =	vadd.f32 v31, v20;
	v34 =	vld.idx.msk [tilespmem:v45+s17+$0x0], $0xffff  }
.Ltmp4:
0x197: {  	v13 =	vadd.f32 v13, v24;
	v36 =	vunpack.i.l.bf16.f32 v49;
	v23 =	vunpack.i.l.bf16.f32 v15;
	v32 =	vld.idx.msk [tilespmem:v45+s19+$0x0], $0xffff;
	(pc) =	sbr.rel @p0 .LBB2_12-.Ltmp4, $4  }
0x198: {  	v40 =	vadd.f32 v42, v16;
	v20 =	vunpack.i.u.bf16.f32 v35;
	v18 =	vunpack.i.l.bf16.f32 v35;
	v30 =	vld.idx.msk [tilespmem:v44+s17+$0x0], $0xffff  }
0x199: {  	v24 =	vadd.f32 v22, v13;
	v16 =	vunpack.i.u.bf16.f32 v14;
	v38 =	vunpack.i.u.bf16.f32 v12;
	v35 =	vld.idx.msk [tilespmem:v43+s17+$0x0], $0xffff  }
0x19a: {  	v13 =	vmul.f32 v38, v20;
	v22 =	vunpack.i.u.bf16.f32 v33;
	v38 =	vadd.f32 v25, v28;
	v31 =	vld.idx.msk [tilespmem:v43+s19+$0x0], $0xffff  }
0x19b: {  	v25 =	vunpack.i.u.bf16.f32 v50;
	v20 =	vadd.f32 v41, v40;
	v39 =	vunpack.i.l.bf16.f32 v37;
	v28 =	vld.idx.msk [tilespmem:v47+s19+$0x0], $0xffff  }
0x19c: {  	v40 =	vmov s14  }
0x19d: {  	v37 =	vunpack.i.u.bf16.f32 v37;
	v41 =	vunpack.i.u.bf16.f32 v34;
	v29 =	vadd.f32 v29, v38  }
0x19e: {  	v51 =	vunpack.i.l.bf16.f32 v34;
	v36 =	vmul.f32 v36, v39;
	v52 =	vunpack.i.u.bf16.f32 v32  }
0x19f: {  	v56 =	vunpack.i.l.bf16.f32 v32;
	v14 =	vunpack.i.l.bf16.f32 v14;
	v40 =	vshrl.u32 v40, $0x3  }
0x1a0: {  	v15 =	vunpack.i.u.bf16.f32 v15;
	v12 =	vunpack.i.l.bf16.f32 v12;
	v50 =	vshll.u32 v40, $0x3  }
0x1a1: {  	v26 =	vmul.f32 v26, v37;
	v32 =	vmul.f32 v56, v51;
	v9 =	vadd.s32 v9, v50  }
0x1a2: {  	v54 =	vunpack.i.l.bf16.f32 v30;
	v14 =	vmul.f32 v14, v23;
	v9 =	vbroadcast v9, $0x0  }
0x1a3: {  	v57 =	vunpack.i.u.bf16.f32 v30;
	v48 =	vmul.f32 v52, v41;
	v12 =	vmul.f32 v12, v18  }
0x1a4: {  	v15 =	vmul.f32 v16, v15;
	v27 =	vadd.f32 v27, v29;
	v40 =	vadd.s32 v2, v9  }
0x1a5: {  	v53 =	vunpack.i.l.bf16.f32 v35;
	v42 =	vunpack.i.l.bf16.f32 v31;
	v44 =	vadd.s32 v6, v9  }
0x1a6: {  	v55 =	vunpack.i.u.bf16.f32 v35;
	v29 =	vmul.f32 v42, v53;
	v42 =	vadd.s32 v3, v9  }
0x1a7: {  	v21 =	vmul.f32 v21, v54;
	v59 =	vunpack.i.u.bf16.f32 v31;
	v58 =	vadd.s32 v8, v9  }
0x1a8: {  	v33 =	vunpack.i.l.bf16.f32 v33;
	v17 =	vld.idx.msk [tilespmem:v17+s19+$0x0], $0xffff;
	v11 =	vmul.f32 v11, v57;
	v31 =	vmul.f32 v59, v55  }
0x1a9: {  	v61 =	vunpack.i.u.bf16.f32 v28;
	v19 =	vadd.f32 v21, v19;
	v45 =	vadd.s32 v5, v9;
	v60 =	vld.idx.msk [tilespmem:v40+s19+$0x0], $0xffff  }
0x1aa: {  	v47 =	vunpack.i.l.bf16.f32 v28;
	v11 =	vadd.f32 v11, v20;
	v25 =	vmul.f32 v61, v25;
	v62 =	vld.idx.msk [tilespmem:v44+s19+$0x0], $0xffff  }
0x1ab: {  	v37 =	vadd.s32 v1, v9;
	v43 =	vadd.s32 v4, v9;
	v9 =	vadd.s32 v7, v9;
	v46 =	vld.idx.msk [tilespmem:v42+s17+$0x0], $0xffff  }
0x1ac: {  	v10 =	vmul.f32 v47, v10;
	v63 =	vadd.f32 v31, v24;
	v27 =	vadd.f32 v29, v27;
	v41 =	vld.idx.msk [tilespmem:v58+s19+$0x0], $0xffff  }
0x1ad: {  	v49 =	vunpack.i.u.bf16.f32 v17;
	v19 =	vadd.f32 v32, v19;
	v11 =	vadd.f32 v48, v11;
	v32 =	vld.idx.msk [tilespmem:v58+s17+$0x0], $0xffff  }
0x1ae: {  	v17 =	vunpack.i.l.bf16.f32 v17;
	v21 =	vadd.f32 v25, v63;
	v10 =	vadd.f32 v10, v27;
	v50 =	vld.idx.msk [tilespmem:v45+s17+$0x0], $0xffff  }
0x1af: {  	v22 =	vmul.f32 v49, v22;
	v51 =	vadd.f32 v36, v19;
	v11 =	vadd.f32 v26, v11;
	v34 =	vld.idx.msk [tilespmem:v45+s19+$0x0], $0xffff  }
0x1b0: {  	v17 =	vmul.f32 v17, v33;
	v13 =	vadd.f32 v13, v21;
	v10 =	vadd.f32 v12, v10;
	v53 =	vld.idx.msk [tilespmem:v9+s17+$0x0], $0xffff  }
0x1b1: {  	v14 =	vadd.f32 v14, v51;
	v11 =	vadd.f32 v15, v11;
	v54 =	vld.idx.msk [tilespmem:v44+s17+$0x0], $0xffff  }
0x1b2: {  	v55 =	vld.idx.msk [tilespmem:v43+s17+$0x0], $0xffff;
	v13 =	vadd.f32 v22, v13;
	v10 =	vadd.f32 v17, v10  }
0x1b3: {  	v56 =	vld.idx.msk [tilespmem:v43+s19+$0x0], $0xffff;
	v19 =	vunpack.i.u.bf16.f32 v60;
	v33 =	vunpack.i.l.bf16.f32 v60;
	v52 =	vunpack.i.u.bf16.f32 v62  }
0x1b4: {  	v58 =	vld.idx.msk [tilespmem:v40+s17+$0x0], $0xffff;
	v18 =	vunpack.i.l.bf16.f32 v46;
	v23 =	vunpack.i.l.bf16.f32 v62;
	v57 =	vunpack.i.l.bf16.f32 v32  }
0x1b5: {  	v47 =	vld.idx.msk [tilespmem:v42+s19+$0x0], $0xffff;
	v59 =	vunpack.i.u.bf16.f32 v50;
	v30 =	vunpack.i.l.bf16.f32 v50;
	v61 =	vunpack.i.u.bf16.f32 v34  }
0x1b6: {  	v38 =	vunpack.i.u.bf16.f32 v41;
	v63 =	vunpack.i.u.bf16.f32 v53;
	v24 =	vunpack.i.u.bf16.f32 v46  }
0x1b7: {  	v43 =	vunpack.i.l.bf16.f32 v54;
	v44 =	vunpack.i.u.bf16.f32 v54;
	v45 =	vunpack.i.l.bf16.f32 v53  }
0x1b8: {  	v46 =	vunpack.i.u.bf16.f32 v55;
	v16 =	vunpack.i.l.bf16.f32 v55;
	v48 =	vunpack.i.u.bf16.f32 v56  }
0x1b9: {  	v60 =	vld.idx.msk [tilespmem:v37+s17+$0x0], $0xffff;
	v50 =	vunpack.i.l.bf16.f32 v58;
	v28 =	vunpack.i.l.bf16.f32 v56;
	v54 =	vunpack.i.l.bf16.f32 v41  }
0x1ba: {  	v62 =	vld.idx.msk [tilespmem:v37+s19+$0x0], $0xffff;
	v55 =	vunpack.i.u.bf16.f32 v47;
	v31 =	vmul.f32 v61, v59;
	v23 =	vmul.f32 v23, v43  }
0x1bb: {  	v32 =	vunpack.i.u.bf16.f32 v32;
	v15 =	vmul.f32 v52, v44;
	v53 =	vmul.f32 v33, v50  }
0x1bc: {  	v56 =	vunpack.i.l.bf16.f32 v47;
	v16 =	vmul.f32 v28, v16;
	v12 =	vmul.f32 v48, v46  }
0x1bd: {  	v9 =	vld.idx.msk [tilespmem:v9+s19+$0x0], $0xffff;
	v52 =	vunpack.i.u.bf16.f32 v58;
	v58 =	vmul.f32 v55, v24;
	v59 =	vmul.f32 v56, v18  }
0x1be: {  	v19 =	vmul.f32 v19, v52;
	v14 =	vadd.f32 v53, v14;
	v49 =	vunpack.i.l.bf16.f32 v60  }
0x1bf: {  	v26 =	vunpack.i.u.bf16.f32 v60;
	v51 =	vunpack.i.l.bf16.f32 v62;
	v22 =	vunpack.i.u.bf16.f32 v62  }
0x1c0: {  	v11 =	vadd.f32 v19, v11;
	v17 =	vmul.f32 v51, v49;
	v22 =	vmul.f32 v22, v26  }
0x1c1: {  	v14 =	vadd.f32 v16, v14;
	v60 =	vunpack.i.l.bf16.f32 v34;
	v26 =	vmul.f32 v54, v57  }
0x1c2: {  	v57 =	vunpack.i.u.bf16.f32 v9;
	v13 =	vadd.f32 v22, v13;
	v10 =	vadd.f32 v17, v10  }
0x1c3: {  	v9 =	vunpack.i.l.bf16.f32 v9;
	v11 =	vadd.f32 v12, v11;
	v61 =	vmul.f32 v57, v63  }
0x1c4: {  	v17 =	vmul.f32 v60, v30;
	v13 =	vadd.f32 v58, v13;
	v10 =	vadd.f32 v59, v10  }
0x1c5: {  	v62 =	vadd.f32 v23, v14;
	v63 =	vmul.f32 v38, v32;
	v11 =	vadd.f32 v15, v11  }
0x1c6: {  	v9 =	vmul.f32 v9, v45;
	v13 =	vadd.f32 v31, v13;
	v10 =	vadd.f32 v17, v10  }
0x1c7: {  	v12 =	vadd.f32 v26, v62;
	v11 =	vadd.f32 v63, v11  }
0x1c8: {  	s0 =	sadd.s32 s5, s8;
	s4 =	sadd.s32 $0x1, s4;
	v13 =	vadd.f32 v61, v13;
	v9 =	vadd.f32 v9, v10  }
0x1c9: {  	p0 =	sne.s32 s4, $0x5;
	v10 =	vor.u32 s0, v0  }
.Ltmp5:
0x1ca: {  	v11 =	vadd.f32 v11, v12;
	v9 =	vadd.f32 v13, v9;
	(pc) =	sbr.rel @p0 .LBB2_11-.Ltmp5, $3  }
0x1cb: {  	_ = 	snop  }
0x1cc: {  	v9 =	vadd.f32 v11, v9;
	_ =	sdelay $0x1  }
0x1cd: {  	[tilespmem:v10+s16+$0x0] =	vst.idx.msk $0xffff, v9  }
0x1ce: {  	s0 =	sadd.s32 $0x280, s2  }
0x1cf: {  	[tilespmem:s17], [sflag:$0x3] =	stream.indirect.gather [hbm4b:s3+s10], $0x48, s0, s10, $0xb8;
	[tilespmem:$0x18330] =	vst v63  }
0x1d0: {  	s14 =	sadd.s32 $0x2990, s2  }
0x1d1: {  	[tilespmem:s19], [sflag:$0x9] =	stream.indirect.gather [hbm4b:s3+s10], $0x48, s14, s10, $0xb8;
	[tilespmem:$0x18330] =	vst v63  }
0x1d2: {  	_ =	swait.ge [sflag:s26], $0x1680  }
0x1d3: {  	[sflag:s26] =	ssyncset.done $0x0  }
0x1d4: {  	[sflag:s26] =	ssyncadd.s32 $0xFFFFE980  }
0x1d5: {  	_ =	swait.ge [sflag:s29], $0x1680  }
0x1d6: {  	s8 =	sadd.s32 $0xF0, s2;
	[sflag:s29] =	ssyncset.done $0x0  }
0x1d7: {  	s6 =	simm.s32 $0x0;
	s4 =	simm.s32 $0x0;
	[sflag:s29] =	ssyncadd.s32 $0xFFFFE980  }
.LBB2_15:
0x1d8: {  	s5 =	sshll.u32 s4, $0x4  }
0x1d9: {  	v10 =	vmov s6;
	v9 =	vmov s5  }
0x1da: {  	v10 =	vshrl.u32 v10, $0x3;
	v9 =	vmul.u32 $0x48, v9  }
0x1db: {  	v10 =	vshll.u32 v10, $0x3  }
0x1dc: {  	v10 =	vadd.s32 v9, v10  }
0x1dd: {  	v10 =	vbroadcast v10, $0x0;
	_ =	sdelay $0x1  }
0x1de: {  	v11 =	vadd.s32 v2, v10  }
0x1df: {  	v12 =	vadd.s32 v6, v10  }
0x1e0: {  	v13 =	vadd.s32 v3, v10  }
0x1e1: {  	v14 =	vadd.s32 v8, v10  }
0x1e2: {  	v15 =	vadd.s32 v5, v10  }
0x1e3: {  	v16 =	vld.idx.msk [tilespmem:v11+s23+$0x0], $0xffff  }
0x1e4: {  	v17 =	vld.idx.msk [tilespmem:v12+s23+$0x0], $0xffff  }
0x1e5: {  	v18 =	vadd.s32 v7, v10;
	v19 =	vld.idx.msk [tilespmem:v13+s21+$0x0], $0xffff  }
0x1e6: {  	v20 =	vld.idx.msk [tilespmem:v14+s21+$0x0], $0xffff  }
0x1e7: {  	v21 =	vadd.s32 v4, v10;
	v22 =	vld.idx.msk [tilespmem:v15+s21+$0x0], $0xffff  }
0x1e8: {  	v23 =	vld.idx.msk [tilespmem:v15+s23+$0x0], $0xffff  }
0x1e9: {  	v10 =	vadd.s32 v1, v10;
	v14 =	vld.idx.msk [tilespmem:v14+s23+$0x0], $0xffff  }
0x1ea: {  	v15 =	vld.idx.msk [tilespmem:v18+s21+$0x0], $0xffff  }
0x1eb: {  	v12 =	vld.idx.msk [tilespmem:v12+s21+$0x0], $0xffff  }
0x1ec: {  	s0 =	simm.s32 $0x8;
	v27 =	vld.idx.msk [tilespmem:v21+s21+$0x0], $0xffff  }
0x1ed: {  	v33 =	vmov s0;
	v21 =	vld.idx.msk [tilespmem:v21+s23+$0x0], $0xffff  }
0x1ee: {  	v24 =	vimm.f32 $0.0e+00;
	v33 =	vshrl.u32 v33, $0x3;
	v32 =	vld.idx.msk [tilespmem:v10+s21+$0x0], $0xffff  }
0x1ef: {  	v33 =	vshll.u32 v33, $0x3;
	v11 =	vld.idx.msk [tilespmem:v11+s21+$0x0], $0xffff;
	v25 =	vunpack.i.u.bf16.f32 v16;
	v16 =	vunpack.i.l.bf16.f32 v16  }
0x1f0: {  	v26 =	vunpack.i.u.bf16.f32 v17;
	v28 =	vunpack.i.l.bf16.f32 v19;
	v17 =	vunpack.i.l.bf16.f32 v17  }
0x1f1: {  	v29 =	vunpack.i.l.bf16.f32 v20;
	v30 =	vunpack.i.u.bf16.f32 v22;
	v31 =	vunpack.i.u.bf16.f32 v23  }
0x1f2: {  	v22 =	vunpack.i.l.bf16.f32 v22;
	v34 =	vunpack.i.u.bf16.f32 v14;
	v19 =	vunpack.i.u.bf16.f32 v19  }
0x1f3: {  	v35 =	vunpack.i.l.bf16.f32 v12;
	v12 =	vunpack.i.u.bf16.f32 v12;
	v36 =	vunpack.i.l.bf16.f32 v15  }
0x1f4: {  	v10 =	vld.idx.msk [tilespmem:v10+s23+$0x0], $0xffff;
	v57 =	vunpack.i.u.bf16.f32 v21;
	v37 =	vunpack.i.l.bf16.f32 v32;
	v38 =	vunpack.i.l.bf16.f32 v11  }
0x1f5: {  	v32 =	vunpack.i.u.bf16.f32 v32;
	v35 =	vmul.f32 v17, v35;
	v17 =	vadd.s32 v9, v33  }
0x1f6: {  	v21 =	vunpack.i.l.bf16.f32 v21;
	v11 =	vunpack.i.u.bf16.f32 v11;
	v17 =	vbroadcast v17, $0x0  }
0x1f7: {  	v13 =	vld.idx.msk [tilespmem:v13+s23+$0x0], $0xffff;
	v14 =	vunpack.i.l.bf16.f32 v14;
	v30 =	vmul.f32 v31, v30;
	v31 =	vunpack.i.u.bf16.f32 v15  }
0x1f8: {  	v15 =	vunpack.i.u.bf16.f32 v27;
	v27 =	vunpack.i.l.bf16.f32 v27;
	v41 =	vadd.s32 v2, v17  }
0x1f9: {  	v39 =	vmul.f32 v26, v12;
	v12 =	vunpack.i.l.bf16.f32 v10;
	v43 =	vadd.s32 v6, v17  }
0x1fa: {  	v16 =	vmul.f32 v16, v38;
	v10 =	vunpack.i.u.bf16.f32 v10;
	v45 =	vadd.s32 v3, v17  }
0x1fb: {  	v59 =	vmul.f32 v14, v29;
	v44 =	vmul.f32 v12, v37;
	v12 =	vld.idx.msk [tilespmem:v18+s23+$0x0], $0xffff;
	v18 =	vadd.s32 v8, v17  }
0x1fc: {  	v10 =	vmul.f32 v10, v32;
	v21 =	vmul.f32 v21, v27;
	v27 =	vunpack.i.u.bf16.f32 v13  }
0x1fd: {  	v13 =	vunpack.i.l.bf16.f32 v13;
	v16 =	vadd.f32 v16, v24;
	v26 =	vadd.s32 v5, v17;
	v58 =	vld.idx.msk [tilespmem:v41+s23+$0x0], $0xffff  }
0x1fe: {  	v47 =	vmul.f32 v57, v15;
	v19 =	vmul.f32 v27, v19;
	v40 =	vadd.s32 v1, v17;
	v60 =	vld.idx.msk [tilespmem:v43+s23+$0x0], $0xffff  }
0x1ff: {  	v42 =	vadd.s32 v4, v17;
	v17 =	vadd.s32 v7, v17;
	v16 =	vadd.f32 v21, v16;
	v46 =	vld.idx.msk [tilespmem:v45+s21+$0x0], $0xffff  }
0x200: {  	v28 =	vmul.f32 v13, v28;
	v10 =	vadd.f32 v10, v24;
	v61 =	vadd.f32 v44, v24;
	v14 =	vld.idx.msk [tilespmem:v18+s23+$0x0], $0xffff  }
0x201: {  	v29 =	vunpack.i.u.bf16.f32 v12;
	v12 =	vunpack.i.l.bf16.f32 v12;
	v16 =	vadd.f32 v35, v16;
	v15 =	vld.idx.msk [tilespmem:v18+s21+$0x0], $0xffff  }
0x202: {  	v18 =	vmul.f32 v25, v11;
	v11 =	vunpack.i.l.bf16.f32 v23;
	v25 =	vmul.f32 v29, v31;
	v31 =	vld.idx.msk [tilespmem:v26+s21+$0x0], $0xffff  }
0x203: {  	v27 =	vmul.f32 v12, v36;
	v12 =	vld.idx.msk [tilespmem:v26+s23+$0x0], $0xffff;
	v29 =	vmul.f32 v11, v22;
	v22 =	vadd.f32 v19, v10  }
0x204: {  	v20 =	vunpack.i.u.bf16.f32 v20;
	v38 =	vadd.f32 v28, v61;
	v33 =	vld.idx.msk [tilespmem:v17+s21+$0x0], $0xffff;
	v18 =	vadd.f32 v18, v24  }
0x205: {  	v20 =	vmul.f32 v34, v20;
	v37 =	vld.idx.msk [tilespmem:v43+s21+$0x0], $0xffff;
	v19 =	vadd.f32 v59, v16;
	v22 =	vadd.f32 v30, v22  }
0x206: {  	v34 =	vld.idx.msk [tilespmem:v42+s21+$0x0], $0xffff;
	v13 =	vadd.f32 v47, v18;
	v11 =	vunpack.i.u.bf16.f32 v58;
	v21 =	vunpack.i.l.bf16.f32 v58  }
0x207: {  	v32 =	vld.idx.msk [tilespmem:v42+s23+$0x0], $0xffff;
	v26 =	vunpack.i.u.bf16.f32 v60;
	v10 =	vunpack.i.l.bf16.f32 v46;
	v36 =	vunpack.i.l.bf16.f32 v60  }
0x208: {  	v35 =	vld.idx.msk [tilespmem:v40+s21+$0x0], $0xffff;
	v23 =	vunpack.i.l.bf16.f32 v15;
	v62 =	vunpack.i.u.bf16.f32 v31;
	v18 =	vunpack.i.l.bf16.f32 v31  }
0x209: {  	v28 =	vld.idx.msk [tilespmem:v45+s23+$0x0], $0xffff;
	v16 =	vunpack.i.u.bf16.f32 v14;
	v24 =	vadd.f32 v25, v22;
	v63 =	vadd.f32 v39, v13  }
0x20a: {  	v30 =	vld.idx.msk [tilespmem:v41+s21+$0x0], $0xffff;
	v22 =	vunpack.i.u.bf16.f32 v33;
	v25 =	vunpack.i.u.bf16.f32 v46;
	v13 =	vunpack.i.u.bf16.f32 v12  }
0x20b: {  	s14 =	simm.s32 $0x10;
	s0 =	simm.s32 $0x18;
	v31 =	vld.idx.msk [tilespmem:v40+s23+$0x0], $0xffff;
	v39 =	vunpack.i.l.bf16.f32 v37;
	v13 =	vmul.f32 v13, v62;
	v20 =	vadd.f32 v20, v63  }
.LBB2_16:
0x20c: {  	p0 =	sne.s32 s0, $0x38;
	v40 =	vmov s14;
	v37 =	vunpack.i.u.bf16.f32 v37;
	v33 =	vunpack.i.l.bf16.f32 v33;
	s14 =	smov.u32 s0;
	s0 =	sadd.s32 $0x8, s0  }
0x20d: {  	v41 =	vunpack.i.u.bf16.f32 v34;
	v29 =	vadd.f32 v29, v38;
	v40 =	vshrl.u32 v40, $0x3  }
0x20e: {  	v34 =	vunpack.i.l.bf16.f32 v34;
	v36 =	vmul.f32 v36, v39;
	v38 =	vshll.u32 v40, $0x3  }
0x20f: {  	v39 =	vunpack.i.u.bf16.f32 v32;
	v40 =	vadd.f32 v27, v29;
	v38 =	vadd.s32 v9, v38  }
0x210: {  	v29 =	vunpack.i.l.bf16.f32 v35;
	v27 =	vbroadcast v38, $0x0;
	v38 =	vunpack.i.l.bf16.f32 v30  }
0x211: {  	v32 =	vunpack.i.l.bf16.f32 v32;
	v42 =	vmul.f32 v26, v37;
	v35 =	vunpack.i.u.bf16.f32 v35  }
0x212: {  	v26 =	vunpack.i.l.bf16.f32 v31;
	v43 =	vadd.s32 v1, v27;
	v44 =	vadd.s32 v2, v27  }
0x213: {  	v46 =	vmul.f32 v26, v29;
	v45 =	vadd.s32 v4, v27;
	v37 =	vadd.s32 v6, v27;
	v26 =	vld.idx.msk [tilespmem:v17+s23+$0x0], $0xffff  }
0x214: {  	v29 =	vunpack.i.u.bf16.f32 v30;
	v21 =	vmul.f32 v21, v38;
	v47 =	vadd.s32 v3, v27  }
0x215: {  	v30 =	vadd.s32 v5, v27;
	v38 =	vadd.s32 v8, v27;
	v17 =	vunpack.i.u.bf16.f32 v31  }
0x216: {  	v14 =	vunpack.i.l.bf16.f32 v14;
	v32 =	vmul.f32 v32, v34;
	v31 =	vmul.f32 v17, v35  }
0x217: {  	v48 =	vunpack.i.u.bf16.f32 v15;
	v23 =	vmul.f32 v14, v23;
	v35 =	vunpack.i.u.bf16.f32 v28;
	v34 =	vld.idx.msk [tilespmem:v44+s23+$0x0], $0xffff  }
0x218: {  	v15 =	vadd.f32 v21, v19;
	v17 =	vadd.s32 v7, v27;
	v24 =	vadd.f32 v31, v24;
	v49 =	vld.idx.msk [tilespmem:v37+s23+$0x0], $0xffff  }
0x219: {  	v28 =	vunpack.i.l.bf16.f32 v28;
	v31 =	vmul.f32 v39, v41;
	v19 =	vunpack.i.u.bf16.f32 v26;
	v50 =	vld.idx.msk [tilespmem:v47+s21+$0x0], $0xffff  }
0x21a: {  	v25 =	vmul.f32 v35, v25;
	v21 =	vadd.f32 v32, v15;
	v26 =	vunpack.i.l.bf16.f32 v26;
	v14 =	vld.idx.msk [tilespmem:v38+s23+$0x0], $0xffff  }
0x21b: {  	v32 =	vmul.f32 v11, v29;
	v11 =	vunpack.i.l.bf16.f32 v12;
	v22 =	vmul.f32 v19, v22;
	v15 =	vld.idx.msk [tilespmem:v38+s21+$0x0], $0xffff  }
0x21c: {  	v29 =	vmul.f32 v11, v18;
	v18 =	vadd.f32 v36, v21;
	v27 =	vmul.f32 v26, v33;
	v35 =	vld.idx.msk [tilespmem:v30+s21+$0x0], $0xffff  }
0x21d: {  	v20 =	vadd.f32 v32, v20;
	v11 =	vunpack.i.u.bf16.f32 v34;
	v21 =	vunpack.i.l.bf16.f32 v34;
	v12 =	vld.idx.msk [tilespmem:v30+s23+$0x0], $0xffff  }
0x21e: {  	v24 =	vadd.f32 v25, v24;
	v19 =	vadd.f32 v23, v18;
	v26 =	vunpack.i.u.bf16.f32 v49;
	v33 =	vld.idx.msk [tilespmem:v17+s21+$0x0], $0xffff  }
0x21f: {  	v41 =	vmul.f32 v16, v48;
	v25 =	vmul.f32 v28, v10;
	v10 =	vunpack.i.l.bf16.f32 v50;
	v37 =	vld.idx.msk [tilespmem:v37+s21+$0x0], $0xffff  }
0x220: {  	v28 =	vadd.f32 v46, v40;
	v16 =	vadd.f32 v31, v20;
	v34 =	vld.idx.msk [tilespmem:v45+s21+$0x0], $0xffff  }
.Ltmp6:
0x221: {  	v13 =	vadd.f32 v13, v24;
	v36 =	vunpack.i.l.bf16.f32 v49;
	v23 =	vunpack.i.l.bf16.f32 v15;
	v32 =	vld.idx.msk [tilespmem:v45+s23+$0x0], $0xffff;
	(pc) =	sbr.rel @p0 .LBB2_16-.Ltmp6, $4  }
0x222: {  	v40 =	vadd.f32 v42, v16;
	v20 =	vunpack.i.u.bf16.f32 v35;
	v18 =	vunpack.i.l.bf16.f32 v35;
	v30 =	vld.idx.msk [tilespmem:v44+s21+$0x0], $0xffff  }
0x223: {  	v24 =	vadd.f32 v22, v13;
	v16 =	vunpack.i.u.bf16.f32 v14;
	v38 =	vunpack.i.u.bf16.f32 v12;
	v35 =	vld.idx.msk [tilespmem:v43+s21+$0x0], $0xffff  }
0x224: {  	v13 =	vmul.f32 v38, v20;
	v22 =	vunpack.i.u.bf16.f32 v33;
	v38 =	vadd.f32 v25, v28;
	v31 =	vld.idx.msk [tilespmem:v43+s23+$0x0], $0xffff  }
0x225: {  	v25 =	vunpack.i.u.bf16.f32 v50;
	v20 =	vadd.f32 v41, v40;
	v39 =	vunpack.i.l.bf16.f32 v37;
	v28 =	vld.idx.msk [tilespmem:v47+s23+$0x0], $0xffff  }
0x226: {  	v40 =	vmov s14  }
0x227: {  	v37 =	vunpack.i.u.bf16.f32 v37;
	v41 =	vunpack.i.u.bf16.f32 v34;
	v29 =	vadd.f32 v29, v38  }
0x228: {  	v51 =	vunpack.i.l.bf16.f32 v34;
	v36 =	vmul.f32 v36, v39;
	v52 =	vunpack.i.u.bf16.f32 v32  }
0x229: {  	v56 =	vunpack.i.l.bf16.f32 v32;
	v14 =	vunpack.i.l.bf16.f32 v14;
	v40 =	vshrl.u32 v40, $0x3  }
0x22a: {  	v15 =	vunpack.i.u.bf16.f32 v15;
	v12 =	vunpack.i.l.bf16.f32 v12;
	v50 =	vshll.u32 v40, $0x3  }
0x22b: {  	v26 =	vmul.f32 v26, v37;
	v32 =	vmul.f32 v56, v51;
	v9 =	vadd.s32 v9, v50  }
0x22c: {  	v54 =	vunpack.i.l.bf16.f32 v30;
	v14 =	vmul.f32 v14, v23;
	v9 =	vbroadcast v9, $0x0  }
0x22d: {  	v57 =	vunpack.i.u.bf16.f32 v30;
	v48 =	vmul.f32 v52, v41;
	v12 =	vmul.f32 v12, v18  }
0x22e: {  	v15 =	vmul.f32 v16, v15;
	v27 =	vadd.f32 v27, v29;
	v40 =	vadd.s32 v2, v9  }
0x22f: {  	v53 =	vunpack.i.l.bf16.f32 v35;
	v42 =	vunpack.i.l.bf16.f32 v31;
	v44 =	vadd.s32 v6, v9  }
0x230: {  	v55 =	vunpack.i.u.bf16.f32 v35;
	v29 =	vmul.f32 v42, v53;
	v42 =	vadd.s32 v3, v9  }
0x231: {  	v21 =	vmul.f32 v21, v54;
	v59 =	vunpack.i.u.bf16.f32 v31;
	v58 =	vadd.s32 v8, v9  }
0x232: {  	v33 =	vunpack.i.l.bf16.f32 v33;
	v17 =	vld.idx.msk [tilespmem:v17+s23+$0x0], $0xffff;
	v11 =	vmul.f32 v11, v57;
	v31 =	vmul.f32 v59, v55  }
0x233: {  	v61 =	vunpack.i.u.bf16.f32 v28;
	v19 =	vadd.f32 v21, v19;
	v45 =	vadd.s32 v5, v9;
	v60 =	vld.idx.msk [tilespmem:v40+s23+$0x0], $0xffff  }
0x234: {  	v47 =	vunpack.i.l.bf16.f32 v28;
	v11 =	vadd.f32 v11, v20;
	v25 =	vmul.f32 v61, v25;
	v62 =	vld.idx.msk [tilespmem:v44+s23+$0x0], $0xffff  }
0x235: {  	v37 =	vadd.s32 v1, v9;
	v43 =	vadd.s32 v4, v9;
	v9 =	vadd.s32 v7, v9;
	v46 =	vld.idx.msk [tilespmem:v42+s21+$0x0], $0xffff  }
0x236: {  	v10 =	vmul.f32 v47, v10;
	v63 =	vadd.f32 v31, v24;
	v27 =	vadd.f32 v29, v27;
	v41 =	vld.idx.msk [tilespmem:v58+s23+$0x0], $0xffff  }
0x237: {  	v49 =	vunpack.i.u.bf16.f32 v17;
	v19 =	vadd.f32 v32, v19;
	v11 =	vadd.f32 v48, v11;
	v32 =	vld.idx.msk [tilespmem:v58+s21+$0x0], $0xffff  }
0x238: {  	v17 =	vunpack.i.l.bf16.f32 v17;
	v21 =	vadd.f32 v25, v63;
	v10 =	vadd.f32 v10, v27;
	v50 =	vld.idx.msk [tilespmem:v45+s21+$0x0], $0xffff  }
0x239: {  	v22 =	vmul.f32 v49, v22;
	v51 =	vadd.f32 v36, v19;
	v11 =	vadd.f32 v26, v11;
	v34 =	vld.idx.msk [tilespmem:v45+s23+$0x0], $0xffff  }
0x23a: {  	v17 =	vmul.f32 v17, v33;
	v13 =	vadd.f32 v13, v21;
	v10 =	vadd.f32 v12, v10;
	v53 =	vld.idx.msk [tilespmem:v9+s21+$0x0], $0xffff  }
0x23b: {  	v14 =	vadd.f32 v14, v51;
	v11 =	vadd.f32 v15, v11;
	v54 =	vld.idx.msk [tilespmem:v44+s21+$0x0], $0xffff  }
0x23c: {  	v55 =	vld.idx.msk [tilespmem:v43+s21+$0x0], $0xffff;
	v13 =	vadd.f32 v22, v13;
	v10 =	vadd.f32 v17, v10  }
0x23d: {  	v56 =	vld.idx.msk [tilespmem:v43+s23+$0x0], $0xffff;
	v19 =	vunpack.i.u.bf16.f32 v60;
	v33 =	vunpack.i.l.bf16.f32 v60;
	v52 =	vunpack.i.u.bf16.f32 v62  }
0x23e: {  	v58 =	vld.idx.msk [tilespmem:v40+s21+$0x0], $0xffff;
	v18 =	vunpack.i.l.bf16.f32 v46;
	v23 =	vunpack.i.l.bf16.f32 v62;
	v57 =	vunpack.i.l.bf16.f32 v32  }
0x23f: {  	v47 =	vld.idx.msk [tilespmem:v42+s23+$0x0], $0xffff;
	v59 =	vunpack.i.u.bf16.f32 v50;
	v30 =	vunpack.i.l.bf16.f32 v50;
	v61 =	vunpack.i.u.bf16.f32 v34  }
0x240: {  	v38 =	vunpack.i.u.bf16.f32 v41;
	v63 =	vunpack.i.u.bf16.f32 v53;
	v24 =	vunpack.i.u.bf16.f32 v46  }
0x241: {  	v43 =	vunpack.i.l.bf16.f32 v54;
	v44 =	vunpack.i.u.bf16.f32 v54;
	v45 =	vunpack.i.l.bf16.f32 v53  }
0x242: {  	v46 =	vunpack.i.u.bf16.f32 v55;
	v16 =	vunpack.i.l.bf16.f32 v55;
	v48 =	vunpack.i.u.bf16.f32 v56  }
0x243: {  	v60 =	vld.idx.msk [tilespmem:v37+s21+$0x0], $0xffff;
	v50 =	vunpack.i.l.bf16.f32 v58;
	v28 =	vunpack.i.l.bf16.f32 v56;
	v54 =	vunpack.i.l.bf16.f32 v41  }
0x244: {  	v62 =	vld.idx.msk [tilespmem:v37+s23+$0x0], $0xffff;
	v55 =	vunpack.i.u.bf16.f32 v47;
	v31 =	vmul.f32 v61, v59;
	v23 =	vmul.f32 v23, v43  }
0x245: {  	v32 =	vunpack.i.u.bf16.f32 v32;
	v15 =	vmul.f32 v52, v44;
	v53 =	vmul.f32 v33, v50  }
0x246: {  	v56 =	vunpack.i.l.bf16.f32 v47;
	v16 =	vmul.f32 v28, v16;
	v12 =	vmul.f32 v48, v46  }
0x247: {  	v9 =	vld.idx.msk [tilespmem:v9+s23+$0x0], $0xffff;
	v52 =	vunpack.i.u.bf16.f32 v58;
	v58 =	vmul.f32 v55, v24;
	v59 =	vmul.f32 v56, v18  }
0x248: {  	v19 =	vmul.f32 v19, v52;
	v14 =	vadd.f32 v53, v14;
	v49 =	vunpack.i.l.bf16.f32 v60  }
0x249: {  	v26 =	vunpack.i.u.bf16.f32 v60;
	v51 =	vunpack.i.l.bf16.f32 v62;
	v22 =	vunpack.i.u.bf16.f32 v62  }
0x24a: {  	v11 =	vadd.f32 v19, v11;
	v17 =	vmul.f32 v51, v49;
	v22 =	vmul.f32 v22, v26  }
0x24b: {  	v14 =	vadd.f32 v16, v14;
	v60 =	vunpack.i.l.bf16.f32 v34;
	v26 =	vmul.f32 v54, v57  }
0x24c: {  	v57 =	vunpack.i.u.bf16.f32 v9;
	v13 =	vadd.f32 v22, v13;
	v10 =	vadd.f32 v17, v10  }
0x24d: {  	v9 =	vunpack.i.l.bf16.f32 v9;
	v11 =	vadd.f32 v12, v11;
	v61 =	vmul.f32 v57, v63  }
0x24e: {  	v17 =	vmul.f32 v60, v30;
	v13 =	vadd.f32 v58, v13;
	v10 =	vadd.f32 v59, v10  }
0x24f: {  	v62 =	vadd.f32 v23, v14;
	v63 =	vmul.f32 v38, v32;
	v11 =	vadd.f32 v15, v11  }
0x250: {  	v9 =	vmul.f32 v9, v45;
	v13 =	vadd.f32 v31, v13;
	v10 =	vadd.f32 v17, v10  }
0x251: {  	v12 =	vadd.f32 v26, v62;
	v11 =	vadd.f32 v63, v11  }
0x252: {  	s0 =	sadd.s32 s5, s8;
	s4 =	sadd.s32 $0x1, s4;
	v13 =	vadd.f32 v61, v13;
	v9 =	vadd.f32 v9, v10  }
0x253: {  	p0 =	sne.s32 s4, $0x5;
	v10 =	vor.u32 s0, v0  }
.Ltmp7:
0x254: {  	v11 =	vadd.f32 v11, v12;
	v9 =	vadd.f32 v13, v9;
	(pc) =	sbr.rel @p0 .LBB2_15-.Ltmp7, $3  }
0x255: {  	_ = 	snop  }
0x256: {  	v9 =	vadd.f32 v11, v9;
	_ =	sdelay $0x1  }
0x257: {  	[tilespmem:v10+s16+$0x0] =	vst.idx.msk $0xffff, v9  }
0x258: {  	s0 =	sadd.s32 $0x2D0, s2  }
0x259: {  	[tilespmem:s21], [sflag:$0x4] =	stream.indirect.gather [hbm4b:s3+s10], $0x48, s0, s10, $0xb8;
	[tilespmem:$0x18330] =	vst v63  }
0x25a: {  	s14 =	sadd.s32 $0x29E0, s2  }
0x25b: {  	[tilespmem:s23], [sflag:$0xA] =	stream.indirect.gather [hbm4b:s3+s10], $0x48, s14, s10, $0xb8;
	[tilespmem:$0x18330] =	vst v63  }
0x25c: {  	_ =	swait.ge [sflag:s31], $0x1680  }
0x25d: {  	[sflag:s31] =	ssyncset.done $0x0  }
0x25e: {  	[sflag:s31] =	ssyncadd.s32 $0xFFFFE980  }
0x25f: {  	_ =	swait.ge [sflag:s9], $0x1680  }
0x260: {  	s8 =	sadd.s32 $0x140, s2;
	[sflag:s9] =	ssyncset.done $0x0  }
0x261: {  	s6 =	simm.s32 $0x0;
	s4 =	simm.s32 $0x0;
	[sflag:s9] =	ssyncadd.s32 $0xFFFFE980  }
.LBB2_19:
0x262: {  	s5 =	sshll.u32 s4, $0x4  }
0x263: {  	v10 =	vmov s6;
	v9 =	vmov s5  }
0x264: {  	v10 =	vshrl.u32 v10, $0x3;
	v9 =	vmul.u32 $0x48, v9  }
0x265: {  	v10 =	vshll.u32 v10, $0x3  }
0x266: {  	v10 =	vadd.s32 v9, v10  }
0x267: {  	v10 =	vbroadcast v10, $0x0;
	_ =	sdelay $0x1  }
0x268: {  	v11 =	vadd.s32 v2, v10  }
0x269: {  	v12 =	vadd.s32 v6, v10  }
0x26a: {  	v13 =	vadd.s32 v3, v10  }
0x26b: {  	v14 =	vadd.s32 v8, v10  }
0x26c: {  	v15 =	vadd.s32 v5, v10  }
0x26d: {  	v16 =	vld.idx.msk [tilespmem:v11+s28+$0x0], $0xffff  }
0x26e: {  	v17 =	vld.idx.msk [tilespmem:v12+s28+$0x0], $0xffff  }
0x26f: {  	v18 =	vadd.s32 v7, v10;
	v19 =	vld.idx.msk [tilespmem:v13+s25+$0x0], $0xffff  }
0x270: {  	v20 =	vld.idx.msk [tilespmem:v14+s25+$0x0], $0xffff  }
0x271: {  	v21 =	vadd.s32 v4, v10;
	v22 =	vld.idx.msk [tilespmem:v15+s25+$0x0], $0xffff  }
0x272: {  	v23 =	vld.idx.msk [tilespmem:v15+s28+$0x0], $0xffff  }
0x273: {  	v10 =	vadd.s32 v1, v10;
	v14 =	vld.idx.msk [tilespmem:v14+s28+$0x0], $0xffff  }
0x274: {  	v15 =	vld.idx.msk [tilespmem:v18+s25+$0x0], $0xffff  }
0x275: {  	v12 =	vld.idx.msk [tilespmem:v12+s25+$0x0], $0xffff  }
0x276: {  	s0 =	simm.s32 $0x8;
	v27 =	vld.idx.msk [tilespmem:v21+s25+$0x0], $0xffff  }
0x277: {  	v33 =	vmov s0;
	v21 =	vld.idx.msk [tilespmem:v21+s28+$0x0], $0xffff  }
0x278: {  	v24 =	vimm.f32 $0.0e+00;
	v33 =	vshrl.u32 v33, $0x3;
	v32 =	vld.idx.msk [tilespmem:v10+s25+$0x0], $0xffff  }
0x279: {  	v33 =	vshll.u32 v33, $0x3;
	v11 =	vld.idx.msk [tilespmem:v11+s25+$0x0], $0xffff;
	v25 =	vunpack.i.u.bf16.f32 v16;
	v16 =	vunpack.i.l.bf16.f32 v16  }
0x27a: {  	v26 =	vunpack.i.u.bf16.f32 v17;
	v28 =	vunpack.i.l.bf16.f32 v19;
	v17 =	vunpack.i.l.bf16.f32 v17  }
0x27b: {  	v29 =	vunpack.i.l.bf16.f32 v20;
	v30 =	vunpack.i.u.bf16.f32 v22;
	v31 =	vunpack.i.u.bf16.f32 v23  }
0x27c: {  	v22 =	vunpack.i.l.bf16.f32 v22;
	v34 =	vunpack.i.u.bf16.f32 v14;
	v19 =	vunpack.i.u.bf16.f32 v19  }
0x27d: {  	v35 =	vunpack.i.l.bf16.f32 v12;
	v12 =	vunpack.i.u.bf16.f32 v12;
	v36 =	vunpack.i.l.bf16.f32 v15  }
0x27e: {  	v10 =	vld.idx.msk [tilespmem:v10+s28+$0x0], $0xffff;
	v57 =	vunpack.i.u.bf16.f32 v21;
	v37 =	vunpack.i.l.bf16.f32 v32;
	v38 =	vunpack.i.l.bf16.f32 v11  }
0x27f: {  	v32 =	vunpack.i.u.bf16.f32 v32;
	v35 =	vmul.f32 v17, v35;
	v17 =	vadd.s32 v9, v33  }
0x280: {  	v21 =	vunpack.i.l.bf16.f32 v21;
	v11 =	vunpack.i.u.bf16.f32 v11;
	v17 =	vbroadcast v17, $0x0  }
0x281: {  	v13 =	vld.idx.msk [tilespmem:v13+s28+$0x0], $0xffff;
	v14 =	vunpack.i.l.bf16.f32 v14;
	v30 =	vmul.f32 v31, v30;
	v31 =	vunpack.i.u.bf16.f32 v15  }
0x282: {  	v15 =	vunpack.i.u.bf16.f32 v27;
	v27 =	vunpack.i.l.bf16.f32 v27;
	v41 =	vadd.s32 v2, v17  }
0x283: {  	v39 =	vmul.f32 v26, v12;
	v12 =	vunpack.i.l.bf16.f32 v10;
	v43 =	vadd.s32 v6, v17  }
0x284: {  	v16 =	vmul.f32 v16, v38;
	v10 =	vunpack.i.u.bf16.f32 v10;
	v45 =	vadd.s32 v3, v17  }
0x285: {  	v59 =	vmul.f32 v14, v29;
	v44 =	vmul.f32 v12, v37;
	v12 =	vld.idx.msk [tilespmem:v18+s28+$0x0], $0xffff;
	v18 =	vadd.s32 v8, v17  }
0x286: {  	v10 =	vmul.f32 v10, v32;
	v21 =	vmul.f32 v21, v27;
	v27 =	vunpack.i.u.bf16.f32 v13  }
0x287: {  	v13 =	vunpack.i.l.bf16.f32 v13;
	v16 =	vadd.f32 v16, v24;
	v26 =	vadd.s32 v5, v17;
	v58 =	vld.idx.msk [tilespmem:v41+s28+$0x0], $0xffff  }
0x288: {  	v47 =	vmul.f32 v57, v15;
	v19 =	vmul.f32 v27, v19;
	v40 =	vadd.s32 v1, v17;
	v60 =	vld.idx.msk [tilespmem:v43+s28+$0x0], $0xffff  }
0x289: {  	v42 =	vadd.s32 v4, v17;
	v17 =	vadd.s32 v7, v17;
	v16 =	vadd.f32 v21, v16;
	v46 =	vld.idx.msk [tilespmem:v45+s25+$0x0], $0xffff  }
0x28a: {  	v28 =	vmul.f32 v13, v28;
	v10 =	vadd.f32 v10, v24;
	v61 =	vadd.f32 v44, v24;
	v14 =	vld.idx.msk [tilespmem:v18+s28+$0x0], $0xffff  }
0x28b: {  	v29 =	vunpack.i.u.bf16.f32 v12;
	v12 =	vunpack.i.l.bf16.f32 v12;
	v16 =	vadd.f32 v35, v16;
	v15 =	vld.idx.msk [tilespmem:v18+s25+$0x0], $0xffff  }
0x28c: {  	v18 =	vmul.f32 v25, v11;
	v11 =	vunpack.i.l.bf16.f32 v23;
	v25 =	vmul.f32 v29, v31;
	v31 =	vld.idx.msk [tilespmem:v26+s25+$0x0], $0xffff  }
0x28d: {  	v27 =	vmul.f32 v12, v36;
	v12 =	vld.idx.msk [tilespmem:v26+s28+$0x0], $0xffff;
	v29 =	vmul.f32 v11, v22;
	v22 =	vadd.f32 v19, v10  }
0x28e: {  	v20 =	vunpack.i.u.bf16.f32 v20;
	v38 =	vadd.f32 v28, v61;
	v33 =	vld.idx.msk [tilespmem:v17+s25+$0x0], $0xffff;
	v18 =	vadd.f32 v18, v24  }
0x28f: {  	v20 =	vmul.f32 v34, v20;
	v37 =	vld.idx.msk [tilespmem:v43+s25+$0x0], $0xffff;
	v19 =	vadd.f32 v59, v16;
	v22 =	vadd.f32 v30, v22  }
0x290: {  	v34 =	vld.idx.msk [tilespmem:v42+s25+$0x0], $0xffff;
	v13 =	vadd.f32 v47, v18;
	v11 =	vunpack.i.u.bf16.f32 v58;
	v21 =	vunpack.i.l.bf16.f32 v58  }
0x291: {  	v32 =	vld.idx.msk [tilespmem:v42+s28+$0x0], $0xffff;
	v26 =	vunpack.i.u.bf16.f32 v60;
	v10 =	vunpack.i.l.bf16.f32 v46;
	v36 =	vunpack.i.l.bf16.f32 v60  }
0x292: {  	v35 =	vld.idx.msk [tilespmem:v40+s25+$0x0], $0xffff;
	v23 =	vunpack.i.l.bf16.f32 v15;
	v62 =	vunpack.i.u.bf16.f32 v31;
	v18 =	vunpack.i.l.bf16.f32 v31  }
0x293: {  	v28 =	vld.idx.msk [tilespmem:v45+s28+$0x0], $0xffff;
	v16 =	vunpack.i.u.bf16.f32 v14;
	v24 =	vadd.f32 v25, v22;
	v63 =	vadd.f32 v39, v13  }
0x294: {  	v30 =	vld.idx.msk [tilespmem:v41+s25+$0x0], $0xffff;
	v22 =	vunpack.i.u.bf16.f32 v33;
	v25 =	vunpack.i.u.bf16.f32 v46;
	v13 =	vunpack.i.u.bf16.f32 v12  }
0x295: {  	s14 =	simm.s32 $0x10;
	s0 =	simm.s32 $0x18;
	v31 =	vld.idx.msk [tilespmem:v40+s28+$0x0], $0xffff;
	v39 =	vunpack.i.l.bf16.f32 v37;
	v13 =	vmul.f32 v13, v62;
	v20 =	vadd.f32 v20, v63  }
.LBB2_20:
0x296: {  	p0 =	sne.s32 s0, $0x38;
	v40 =	vmov s14;
	v37 =	vunpack.i.u.bf16.f32 v37;
	v33 =	vunpack.i.l.bf16.f32 v33;
	s14 =	smov.u32 s0;
	s0 =	sadd.s32 $0x8, s0  }
0x297: {  	v41 =	vunpack.i.u.bf16.f32 v34;
	v29 =	vadd.f32 v29, v38;
	v40 =	vshrl.u32 v40, $0x3  }
0x298: {  	v34 =	vunpack.i.l.bf16.f32 v34;
	v36 =	vmul.f32 v36, v39;
	v38 =	vshll.u32 v40, $0x3  }
0x299: {  	v39 =	vunpack.i.u.bf16.f32 v32;
	v40 =	vadd.f32 v27, v29;
	v38 =	vadd.s32 v9, v38  }
0x29a: {  	v29 =	vunpack.i.l.bf16.f32 v35;
	v27 =	vbroadcast v38, $0x0;
	v38 =	vunpack.i.l.bf16.f32 v30  }
0x29b: {  	v32 =	vunpack.i.l.bf16.f32 v32;
	v42 =	vmul.f32 v26, v37;
	v35 =	vunpack.i.u.bf16.f32 v35  }
0x29c: {  	v26 =	vunpack.i.l.bf16.f32 v31;
	v43 =	vadd.s32 v1, v27;
	v44 =	vadd.s32 v2, v27  }
0x29d: {  	v46 =	vmul.f32 v26, v29;
	v45 =	vadd.s32 v4, v27;
	v37 =	vadd.s32 v6, v27;
	v26 =	vld.idx.msk [tilespmem:v17+s28+$0x0], $0xffff  }
0x29e: {  	v29 =	vunpack.i.u.bf16.f32 v30;
	v21 =	vmul.f32 v21, v38;
	v47 =	vadd.s32 v3, v27  }
0x29f: {  	v30 =	vadd.s32 v5, v27;
	v38 =	vadd.s32 v8, v27;
	v17 =	vunpack.i.u.bf16.f32 v31  }
0x2a0: {  	v14 =	vunpack.i.l.bf16.f32 v14;
	v32 =	vmul.f32 v32, v34;
	v31 =	vmul.f32 v17, v35  }
0x2a1: {  	v48 =	vunpack.i.u.bf16.f32 v15;
	v23 =	vmul.f32 v14, v23;
	v35 =	vunpack.i.u.bf16.f32 v28;
	v34 =	vld.idx.msk [tilespmem:v44+s28+$0x0], $0xffff  }
0x2a2: {  	v15 =	vadd.f32 v21, v19;
	v17 =	vadd.s32 v7, v27;
	v24 =	vadd.f32 v31, v24;
	v49 =	vld.idx.msk [tilespmem:v37+s28+$0x0], $0xffff  }
0x2a3: {  	v28 =	vunpack.i.l.bf16.f32 v28;
	v31 =	vmul.f32 v39, v41;
	v19 =	vunpack.i.u.bf16.f32 v26;
	v50 =	vld.idx.msk [tilespmem:v47+s25+$0x0], $0xffff  }
0x2a4: {  	v25 =	vmul.f32 v35, v25;
	v21 =	vadd.f32 v32, v15;
	v26 =	vunpack.i.l.bf16.f32 v26;
	v14 =	vld.idx.msk [tilespmem:v38+s28+$0x0], $0xffff  }
0x2a5: {  	v32 =	vmul.f32 v11, v29;
	v11 =	vunpack.i.l.bf16.f32 v12;
	v22 =	vmul.f32 v19, v22;
	v15 =	vld.idx.msk [tilespmem:v38+s25+$0x0], $0xffff  }
0x2a6: {  	v29 =	vmul.f32 v11, v18;
	v18 =	vadd.f32 v36, v21;
	v27 =	vmul.f32 v26, v33;
	v35 =	vld.idx.msk [tilespmem:v30+s25+$0x0], $0xffff  }
0x2a7: {  	v20 =	vadd.f32 v32, v20;
	v11 =	vunpack.i.u.bf16.f32 v34;
	v21 =	vunpack.i.l.bf16.f32 v34;
	v12 =	vld.idx.msk [tilespmem:v30+s28+$0x0], $0xffff  }
0x2a8: {  	v24 =	vadd.f32 v25, v24;
	v19 =	vadd.f32 v23, v18;
	v26 =	vunpack.i.u.bf16.f32 v49;
	v33 =	vld.idx.msk [tilespmem:v17+s25+$0x0], $0xffff  }
0x2a9: {  	v41 =	vmul.f32 v16, v48;
	v25 =	vmul.f32 v28, v10;
	v10 =	vunpack.i.l.bf16.f32 v50;
	v37 =	vld.idx.msk [tilespmem:v37+s25+$0x0], $0xffff  }
0x2aa: {  	v28 =	vadd.f32 v46, v40;
	v16 =	vadd.f32 v31, v20;
	v34 =	vld.idx.msk [tilespmem:v45+s25+$0x0], $0xffff  }
.Ltmp8:
0x2ab: {  	v13 =	vadd.f32 v13, v24;
	v36 =	vunpack.i.l.bf16.f32 v49;
	v23 =	vunpack.i.l.bf16.f32 v15;
	v32 =	vld.idx.msk [tilespmem:v45+s28+$0x0], $0xffff;
	(pc) =	sbr.rel @p0 .LBB2_20-.Ltmp8, $4  }
0x2ac: {  	v40 =	vadd.f32 v42, v16;
	v20 =	vunpack.i.u.bf16.f32 v35;
	v18 =	vunpack.i.l.bf16.f32 v35;
	v30 =	vld.idx.msk [tilespmem:v44+s25+$0x0], $0xffff  }
0x2ad: {  	v24 =	vadd.f32 v22, v13;
	v16 =	vunpack.i.u.bf16.f32 v14;
	v38 =	vunpack.i.u.bf16.f32 v12;
	v35 =	vld.idx.msk [tilespmem:v43+s25+$0x0], $0xffff  }
0x2ae: {  	v13 =	vmul.f32 v38, v20;
	v22 =	vunpack.i.u.bf16.f32 v33;
	v38 =	vadd.f32 v25, v28;
	v31 =	vld.idx.msk [tilespmem:v43+s28+$0x0], $0xffff  }
0x2af: {  	v25 =	vunpack.i.u.bf16.f32 v50;
	v20 =	vadd.f32 v41, v40;
	v39 =	vunpack.i.l.bf16.f32 v37;
	v28 =	vld.idx.msk [tilespmem:v47+s28+$0x0], $0xffff  }
0x2b0: {  	v40 =	vmov s14  }
0x2b1: {  	v37 =	vunpack.i.u.bf16.f32 v37;
	v41 =	vunpack.i.u.bf16.f32 v34;
	v29 =	vadd.f32 v29, v38  }
0x2b2: {  	v51 =	vunpack.i.l.bf16.f32 v34;
	v36 =	vmul.f32 v36, v39;
	v52 =	vunpack.i.u.bf16.f32 v32  }
0x2b3: {  	v56 =	vunpack.i.l.bf16.f32 v32;
	v14 =	vunpack.i.l.bf16.f32 v14;
	v40 =	vshrl.u32 v40, $0x3  }
0x2b4: {  	v15 =	vunpack.i.u.bf16.f32 v15;
	v12 =	vunpack.i.l.bf16.f32 v12;
	v50 =	vshll.u32 v40, $0x3  }
0x2b5: {  	v26 =	vmul.f32 v26, v37;
	v32 =	vmul.f32 v56, v51;
	v9 =	vadd.s32 v9, v50  }
0x2b6: {  	v54 =	vunpack.i.l.bf16.f32 v30;
	v14 =	vmul.f32 v14, v23;
	v9 =	vbroadcast v9, $0x0  }
0x2b7: {  	v57 =	vunpack.i.u.bf16.f32 v30;
	v48 =	vmul.f32 v52, v41;
	v12 =	vmul.f32 v12, v18  }
0x2b8: {  	v15 =	vmul.f32 v16, v15;
	v27 =	vadd.f32 v27, v29;
	v40 =	vadd.s32 v2, v9  }
0x2b9: {  	v53 =	vunpack.i.l.bf16.f32 v35;
	v42 =	vunpack.i.l.bf16.f32 v31;
	v44 =	vadd.s32 v6, v9  }
0x2ba: {  	v55 =	vunpack.i.u.bf16.f32 v35;
	v29 =	vmul.f32 v42, v53;
	v42 =	vadd.s32 v3, v9  }
0x2bb: {  	v21 =	vmul.f32 v21, v54;
	v59 =	vunpack.i.u.bf16.f32 v31;
	v58 =	vadd.s32 v8, v9  }
0x2bc: {  	v33 =	vunpack.i.l.bf16.f32 v33;
	v17 =	vld.idx.msk [tilespmem:v17+s28+$0x0], $0xffff;
	v11 =	vmul.f32 v11, v57;
	v31 =	vmul.f32 v59, v55  }
0x2bd: {  	v61 =	vunpack.i.u.bf16.f32 v28;
	v19 =	vadd.f32 v21, v19;
	v45 =	vadd.s32 v5, v9;
	v60 =	vld.idx.msk [tilespmem:v40+s28+$0x0], $0xffff  }
0x2be: {  	v47 =	vunpack.i.l.bf16.f32 v28;
	v11 =	vadd.f32 v11, v20;
	v25 =	vmul.f32 v61, v25;
	v62 =	vld.idx.msk [tilespmem:v44+s28+$0x0], $0xffff  }
0x2bf: {  	v37 =	vadd.s32 v1, v9;
	v43 =	vadd.s32 v4, v9;
	v9 =	vadd.s32 v7, v9;
	v46 =	vld.idx.msk [tilespmem:v42+s25+$0x0], $0xffff  }
0x2c0: {  	v10 =	vmul.f32 v47, v10;
	v63 =	vadd.f32 v31, v24;
	v27 =	vadd.f32 v29, v27;
	v41 =	vld.idx.msk [tilespmem:v58+s28+$0x0], $0xffff  }
0x2c1: {  	v49 =	vunpack.i.u.bf16.f32 v17;
	v19 =	vadd.f32 v32, v19;
	v11 =	vadd.f32 v48, v11;
	v32 =	vld.idx.msk [tilespmem:v58+s25+$0x0], $0xffff  }
0x2c2: {  	v17 =	vunpack.i.l.bf16.f32 v17;
	v21 =	vadd.f32 v25, v63;
	v10 =	vadd.f32 v10, v27;
	v50 =	vld.idx.msk [tilespmem:v45+s25+$0x0], $0xffff  }
0x2c3: {  	v22 =	vmul.f32 v49, v22;
	v51 =	vadd.f32 v36, v19;
	v11 =	vadd.f32 v26, v11;
	v34 =	vld.idx.msk [tilespmem:v45+s28+$0x0], $0xffff  }
0x2c4: {  	v17 =	vmul.f32 v17, v33;
	v13 =	vadd.f32 v13, v21;
	v10 =	vadd.f32 v12, v10;
	v53 =	vld.idx.msk [tilespmem:v9+s25+$0x0], $0xffff  }
0x2c5: {  	v14 =	vadd.f32 v14, v51;
	v11 =	vadd.f32 v15, v11;
	v54 =	vld.idx.msk [tilespmem:v44+s25+$0x0], $0xffff  }
0x2c6: {  	v55 =	vld.idx.msk [tilespmem:v43+s25+$0x0], $0xffff;
	v13 =	vadd.f32 v22, v13;
	v10 =	vadd.f32 v17, v10  }
0x2c7: {  	v56 =	vld.idx.msk [tilespmem:v43+s28+$0x0], $0xffff;
	v19 =	vunpack.i.u.bf16.f32 v60;
	v33 =	vunpack.i.l.bf16.f32 v60;
	v52 =	vunpack.i.u.bf16.f32 v62  }
0x2c8: {  	v58 =	vld.idx.msk [tilespmem:v40+s25+$0x0], $0xffff;
	v18 =	vunpack.i.l.bf16.f32 v46;
	v23 =	vunpack.i.l.bf16.f32 v62;
	v57 =	vunpack.i.l.bf16.f32 v32  }
0x2c9: {  	v47 =	vld.idx.msk [tilespmem:v42+s28+$0x0], $0xffff;
	v59 =	vunpack.i.u.bf16.f32 v50;
	v30 =	vunpack.i.l.bf16.f32 v50;
	v61 =	vunpack.i.u.bf16.f32 v34  }
0x2ca: {  	v38 =	vunpack.i.u.bf16.f32 v41;
	v63 =	vunpack.i.u.bf16.f32 v53;
	v24 =	vunpack.i.u.bf16.f32 v46  }
0x2cb: {  	v43 =	vunpack.i.l.bf16.f32 v54;
	v44 =	vunpack.i.u.bf16.f32 v54;
	v45 =	vunpack.i.l.bf16.f32 v53  }
0x2cc: {  	v46 =	vunpack.i.u.bf16.f32 v55;
	v16 =	vunpack.i.l.bf16.f32 v55;
	v48 =	vunpack.i.u.bf16.f32 v56  }
0x2cd: {  	v60 =	vld.idx.msk [tilespmem:v37+s25+$0x0], $0xffff;
	v50 =	vunpack.i.l.bf16.f32 v58;
	v28 =	vunpack.i.l.bf16.f32 v56;
	v54 =	vunpack.i.l.bf16.f32 v41  }
0x2ce: {  	v62 =	vld.idx.msk [tilespmem:v37+s28+$0x0], $0xffff;
	v55 =	vunpack.i.u.bf16.f32 v47;
	v31 =	vmul.f32 v61, v59;
	v23 =	vmul.f32 v23, v43  }
0x2cf: {  	v32 =	vunpack.i.u.bf16.f32 v32;
	v15 =	vmul.f32 v52, v44;
	v53 =	vmul.f32 v33, v50  }
0x2d0: {  	v56 =	vunpack.i.l.bf16.f32 v47;
	v16 =	vmul.f32 v28, v16;
	v12 =	vmul.f32 v48, v46  }
0x2d1: {  	v9 =	vld.idx.msk [tilespmem:v9+s28+$0x0], $0xffff;
	v52 =	vunpack.i.u.bf16.f32 v58;
	v58 =	vmul.f32 v55, v24;
	v59 =	vmul.f32 v56, v18  }
0x2d2: {  	v19 =	vmul.f32 v19, v52;
	v14 =	vadd.f32 v53, v14;
	v49 =	vunpack.i.l.bf16.f32 v60  }
0x2d3: {  	v26 =	vunpack.i.u.bf16.f32 v60;
	v51 =	vunpack.i.l.bf16.f32 v62;
	v22 =	vunpack.i.u.bf16.f32 v62  }
0x2d4: {  	v11 =	vadd.f32 v19, v11;
	v17 =	vmul.f32 v51, v49;
	v22 =	vmul.f32 v22, v26  }
0x2d5: {  	v14 =	vadd.f32 v16, v14;
	v60 =	vunpack.i.l.bf16.f32 v34;
	v26 =	vmul.f32 v54, v57  }
0x2d6: {  	v57 =	vunpack.i.u.bf16.f32 v9;
	v13 =	vadd.f32 v22, v13;
	v10 =	vadd.f32 v17, v10  }
0x2d7: {  	v9 =	vunpack.i.l.bf16.f32 v9;
	v11 =	vadd.f32 v12, v11;
	v61 =	vmul.f32 v57, v63  }
0x2d8: {  	v17 =	vmul.f32 v60, v30;
	v13 =	vadd.f32 v58, v13;
	v10 =	vadd.f32 v59, v10  }
0x2d9: {  	v62 =	vadd.f32 v23, v14;
	v63 =	vmul.f32 v38, v32;
	v11 =	vadd.f32 v15, v11  }
0x2da: {  	v9 =	vmul.f32 v9, v45;
	v13 =	vadd.f32 v31, v13;
	v10 =	vadd.f32 v17, v10  }
0x2db: {  	v12 =	vadd.f32 v26, v62;
	v11 =	vadd.f32 v63, v11  }
0x2dc: {  	s0 =	sadd.s32 s5, s8;
	s4 =	sadd.s32 $0x1, s4;
	v13 =	vadd.f32 v61, v13;
	v9 =	vadd.f32 v9, v10  }
0x2dd: {  	p0 =	sne.s32 s4, $0x5;
	v10 =	vor.u32 s0, v0  }
.Ltmp9:
0x2de: {  	v11 =	vadd.f32 v11, v12;
	v9 =	vadd.f32 v13, v9;
	(pc) =	sbr.rel @p0 .LBB2_19-.Ltmp9, $3  }
0x2df: {  	_ = 	snop  }
0x2e0: {  	v9 =	vadd.f32 v11, v9;
	_ =	sdelay $0x1  }
0x2e1: {  	[tilespmem:v10+s16+$0x0] =	vst.idx.msk $0xffff, v9  }
0x2e2: {  	s0 =	sadd.s32 $0x320, s2  }
0x2e3: {  	[tilespmem:s25], [sflag:$0x5] =	stream.indirect.gather [hbm4b:s3+s10], $0x48, s0, s10, $0xb8;
	[tilespmem:$0x18330] =	vst v63  }
0x2e4: {  	s6 =	sadd.s32 $0x2A30, s2;
	s8 =	simm.s32 $0x6  }
0x2e5: {  	[tilespmem:s28], [sflag:$0xB] =	stream.indirect.gather [hbm4b:s3+s10], $0x48, s6, s10, $0xb8;
	[tilespmem:$0x18330] =	vst v63  }
0x2e6: {  	_ =	swait.ge [sflag:s8], $0x1680  }
0x2e7: {  	[sflag:s8] =	ssyncset.done $0x0  }
0x2e8: {  	s14 =	simm.s32 $0xC;
	[sflag:s8] =	ssyncadd.s32 $0xFFFFE980  }
0x2e9: {  	_ =	swait.ge [sflag:s14], $0x1680  }
0x2ea: {  	s4 =	simm.s32 $0x0;
	[sflag:s14] =	ssyncset.done $0x0  }
0x2eb: {  	s6 =	simm.s32 $0x0;
	s8 =	sadd.s32 $0x190, s2;
	[sflag:s14] =	ssyncadd.s32 $0xFFFFE980  }
.LBB2_23:
0x2ec: {  	s5 =	sshll.u32 s4, $0x4  }
0x2ed: {  	v10 =	vmov s6;
	v9 =	vmov s5  }
0x2ee: {  	v10 =	vshrl.u32 v10, $0x3;
	v9 =	vmul.u32 $0x48, v9  }
0x2ef: {  	v10 =	vshll.u32 v10, $0x3  }
0x2f0: {  	v10 =	vadd.s32 v9, v10  }
0x2f1: {  	v10 =	vbroadcast v10, $0x0;
	_ =	sdelay $0x1  }
0x2f2: {  	v11 =	vadd.s32 v2, v10  }
0x2f3: {  	v12 =	vadd.s32 v6, v10  }
0x2f4: {  	v13 =	vadd.s32 v3, v10  }
0x2f5: {  	v14 =	vadd.s32 v8, v10  }
0x2f6: {  	v15 =	vadd.s32 v5, v10  }
0x2f7: {  	v16 =	vld.idx.msk [tilespmem:v11+s1+$0x0], $0xffff  }
0x2f8: {  	v17 =	vld.idx.msk [tilespmem:v12+s1+$0x0], $0xffff  }
0x2f9: {  	v18 =	vadd.s32 v7, v10;
	v19 =	vld.idx.msk [tilespmem:v13+s30+$0x0], $0xffff  }
0x2fa: {  	v20 =	vld.idx.msk [tilespmem:v14+s30+$0x0], $0xffff  }
0x2fb: {  	v21 =	vadd.s32 v4, v10;
	v22 =	vld.idx.msk [tilespmem:v15+s30+$0x0], $0xffff  }
0x2fc: {  	v23 =	vld.idx.msk [tilespmem:v15+s1+$0x0], $0xffff  }
0x2fd: {  	v10 =	vadd.s32 v1, v10;
	v14 =	vld.idx.msk [tilespmem:v14+s1+$0x0], $0xffff  }
0x2fe: {  	v15 =	vld.idx.msk [tilespmem:v18+s30+$0x0], $0xffff  }
0x2ff: {  	v12 =	vld.idx.msk [tilespmem:v12+s30+$0x0], $0xffff  }
0x300: {  	s0 =	simm.s32 $0x8;
	v27 =	vld.idx.msk [tilespmem:v21+s30+$0x0], $0xffff  }
0x301: {  	v33 =	vmov s0;
	v21 =	vld.idx.msk [tilespmem:v21+s1+$0x0], $0xffff  }
0x302: {  	v24 =	vimm.f32 $0.0e+00;
	v33 =	vshrl.u32 v33, $0x3;
	v32 =	vld.idx.msk [tilespmem:v10+s30+$0x0], $0xffff  }
0x303: {  	v33 =	vshll.u32 v33, $0x3;
	v11 =	vld.idx.msk [tilespmem:v11+s30+$0x0], $0xffff;
	v25 =	vunpack.i.u.bf16.f32 v16;
	v16 =	vunpack.i.l.bf16.f32 v16  }
0x304: {  	v26 =	vunpack.i.u.bf16.f32 v17;
	v28 =	vunpack.i.l.bf16.f32 v19;
	v17 =	vunpack.i.l.bf16.f32 v17  }
0x305: {  	v29 =	vunpack.i.l.bf16.f32 v20;
	v30 =	vunpack.i.u.bf16.f32 v22;
	v31 =	vunpack.i.u.bf16.f32 v23  }
0x306: {  	v22 =	vunpack.i.l.bf16.f32 v22;
	v34 =	vunpack.i.u.bf16.f32 v14;
	v19 =	vunpack.i.u.bf16.f32 v19  }
0x307: {  	v35 =	vunpack.i.l.bf16.f32 v12;
	v12 =	vunpack.i.u.bf16.f32 v12;
	v36 =	vunpack.i.l.bf16.f32 v15  }
0x308: {  	v10 =	vld.idx.msk [tilespmem:v10+s1+$0x0], $0xffff;
	v57 =	vunpack.i.u.bf16.f32 v21;
	v37 =	vunpack.i.l.bf16.f32 v32;
	v38 =	vunpack.i.l.bf16.f32 v11  }
0x309: {  	v32 =	vunpack.i.u.bf16.f32 v32;
	v35 =	vmul.f32 v17, v35;
	v17 =	vadd.s32 v9, v33  }
0x30a: {  	v21 =	vunpack.i.l.bf16.f32 v21;
	v11 =	vunpack.i.u.bf16.f32 v11;
	v17 =	vbroadcast v17, $0x0  }
0x30b: {  	v13 =	vld.idx.msk [tilespmem:v13+s1+$0x0], $0xffff;
	v14 =	vunpack.i.l.bf16.f32 v14;
	v30 =	vmul.f32 v31, v30;
	v31 =	vunpack.i.u.bf16.f32 v15  }
0x30c: {  	v15 =	vunpack.i.u.bf16.f32 v27;
	v27 =	vunpack.i.l.bf16.f32 v27;
	v41 =	vadd.s32 v2, v17  }
0x30d: {  	v39 =	vmul.f32 v26, v12;
	v12 =	vunpack.i.l.bf16.f32 v10;
	v43 =	vadd.s32 v6, v17  }
0x30e: {  	v16 =	vmul.f32 v16, v38;
	v10 =	vunpack.i.u.bf16.f32 v10;
	v45 =	vadd.s32 v3, v17  }
0x30f: {  	v59 =	vmul.f32 v14, v29;
	v44 =	vmul.f32 v12, v37;
	v12 =	vld.idx.msk [tilespmem:v18+s1+$0x0], $0xffff;
	v18 =	vadd.s32 v8, v17  }
0x310: {  	v10 =	vmul.f32 v10, v32;
	v21 =	vmul.f32 v21, v27;
	v27 =	vunpack.i.u.bf16.f32 v13  }
0x311: {  	v13 =	vunpack.i.l.bf16.f32 v13;
	v16 =	vadd.f32 v16, v24;
	v26 =	vadd.s32 v5, v17;
	v58 =	vld.idx.msk [tilespmem:v41+s1+$0x0], $0xffff  }
0x312: {  	v47 =	vmul.f32 v57, v15;
	v19 =	vmul.f32 v27, v19;
	v40 =	vadd.s32 v1, v17;
	v60 =	vld.idx.msk [tilespmem:v43+s1+$0x0], $0xffff  }
0x313: {  	v42 =	vadd.s32 v4, v17;
	v17 =	vadd.s32 v7, v17;
	v16 =	vadd.f32 v21, v16;
	v46 =	vld.idx.msk [tilespmem:v45+s30+$0x0], $0xffff  }
0x314: {  	v28 =	vmul.f32 v13, v28;
	v10 =	vadd.f32 v10, v24;
	v61 =	vadd.f32 v44, v24;
	v14 =	vld.idx.msk [tilespmem:v18+s1+$0x0], $0xffff  }
0x315: {  	v29 =	vunpack.i.u.bf16.f32 v12;
	v12 =	vunpack.i.l.bf16.f32 v12;
	v16 =	vadd.f32 v35, v16;
	v15 =	vld.idx.msk [tilespmem:v18+s30+$0x0], $0xffff  }
0x316: {  	v18 =	vmul.f32 v25, v11;
	v11 =	vunpack.i.l.bf16.f32 v23;
	v25 =	vmul.f32 v29, v31;
	v31 =	vld.idx.msk [tilespmem:v26+s30+$0x0], $0xffff  }
0x317: {  	v27 =	vmul.f32 v12, v36;
	v12 =	vld.idx.msk [tilespmem:v26+s1+$0x0], $0xffff;
	v29 =	vmul.f32 v11, v22;
	v22 =	vadd.f32 v19, v10  }
0x318: {  	v20 =	vunpack.i.u.bf16.f32 v20;
	v38 =	vadd.f32 v28, v61;
	v33 =	vld.idx.msk [tilespmem:v17+s30+$0x0], $0xffff;
	v18 =	vadd.f32 v18, v24  }
0x319: {  	v20 =	vmul.f32 v34, v20;
	v37 =	vld.idx.msk [tilespmem:v43+s30+$0x0], $0xffff;
	v19 =	vadd.f32 v59, v16;
	v22 =	vadd.f32 v30, v22  }
0x31a: {  	v34 =	vld.idx.msk [tilespmem:v42+s30+$0x0], $0xffff;
	v13 =	vadd.f32 v47, v18;
	v11 =	vunpack.i.u.bf16.f32 v58;
	v21 =	vunpack.i.l.bf16.f32 v58  }
0x31b: {  	v32 =	vld.idx.msk [tilespmem:v42+s1+$0x0], $0xffff;
	v26 =	vunpack.i.u.bf16.f32 v60;
	v10 =	vunpack.i.l.bf16.f32 v46;
	v36 =	vunpack.i.l.bf16.f32 v60  }
0x31c: {  	v35 =	vld.idx.msk [tilespmem:v40+s30+$0x0], $0xffff;
	v23 =	vunpack.i.l.bf16.f32 v15;
	v62 =	vunpack.i.u.bf16.f32 v31;
	v18 =	vunpack.i.l.bf16.f32 v31  }
0x31d: {  	v28 =	vld.idx.msk [tilespmem:v45+s1+$0x0], $0xffff;
	v16 =	vunpack.i.u.bf16.f32 v14;
	v24 =	vadd.f32 v25, v22;
	v63 =	vadd.f32 v39, v13  }
0x31e: {  	v30 =	vld.idx.msk [tilespmem:v41+s30+$0x0], $0xffff;
	v22 =	vunpack.i.u.bf16.f32 v33;
	v25 =	vunpack.i.u.bf16.f32 v46;
	v13 =	vunpack.i.u.bf16.f32 v12  }
0x31f: {  	s14 =	simm.s32 $0x10;
	s0 =	simm.s32 $0x18;
	v31 =	vld.idx.msk [tilespmem:v40+s1+$0x0], $0xffff;
	v39 =	vunpack.i.l.bf16.f32 v37;
	v13 =	vmul.f32 v13, v62;
	v20 =	vadd.f32 v20, v63  }
.LBB2_24:
0x320: {  	p0 =	sne.s32 s0, $0x38;
	v40 =	vmov s14;
	v37 =	vunpack.i.u.bf16.f32 v37;
	v33 =	vunpack.i.l.bf16.f32 v33;
	s14 =	smov.u32 s0;
	s0 =	sadd.s32 $0x8, s0  }
0x321: {  	v41 =	vunpack.i.u.bf16.f32 v34;
	v29 =	vadd.f32 v29, v38;
	v40 =	vshrl.u32 v40, $0x3  }
0x322: {  	v34 =	vunpack.i.l.bf16.f32 v34;
	v36 =	vmul.f32 v36, v39;
	v38 =	vshll.u32 v40, $0x3  }
0x323: {  	v39 =	vunpack.i.u.bf16.f32 v32;
	v40 =	vadd.f32 v27, v29;
	v38 =	vadd.s32 v9, v38  }
0x324: {  	v29 =	vunpack.i.l.bf16.f32 v35;
	v27 =	vbroadcast v38, $0x0;
	v38 =	vunpack.i.l.bf16.f32 v30  }
0x325: {  	v32 =	vunpack.i.l.bf16.f32 v32;
	v42 =	vmul.f32 v26, v37;
	v35 =	vunpack.i.u.bf16.f32 v35  }
0x326: {  	v26 =	vunpack.i.l.bf16.f32 v31;
	v43 =	vadd.s32 v1, v27;
	v44 =	vadd.s32 v2, v27  }
0x327: {  	v46 =	vmul.f32 v26, v29;
	v45 =	vadd.s32 v4, v27;
	v37 =	vadd.s32 v6, v27;
	v26 =	vld.idx.msk [tilespmem:v17+s1+$0x0], $0xffff  }
0x328: {  	v29 =	vunpack.i.u.bf16.f32 v30;
	v21 =	vmul.f32 v21, v38;
	v47 =	vadd.s32 v3, v27  }
0x329: {  	v30 =	vadd.s32 v5, v27;
	v38 =	vadd.s32 v8, v27;
	v17 =	vunpack.i.u.bf16.f32 v31  }
0x32a: {  	v14 =	vunpack.i.l.bf16.f32 v14;
	v32 =	vmul.f32 v32, v34;
	v31 =	vmul.f32 v17, v35  }
0x32b: {  	v48 =	vunpack.i.u.bf16.f32 v15;
	v23 =	vmul.f32 v14, v23;
	v35 =	vunpack.i.u.bf16.f32 v28;
	v34 =	vld.idx.msk [tilespmem:v44+s1+$0x0], $0xffff  }
0x32c: {  	v15 =	vadd.f32 v21, v19;
	v17 =	vadd.s32 v7, v27;
	v24 =	vadd.f32 v31, v24;
	v49 =	vld.idx.msk [tilespmem:v37+s1+$0x0], $0xffff  }
0x32d: {  	v28 =	vunpack.i.l.bf16.f32 v28;
	v31 =	vmul.f32 v39, v41;
	v19 =	vunpack.i.u.bf16.f32 v26;
	v50 =	vld.idx.msk [tilespmem:v47+s30+$0x0], $0xffff  }
0x32e: {  	v25 =	vmul.f32 v35, v25;
	v21 =	vadd.f32 v32, v15;
	v26 =	vunpack.i.l.bf16.f32 v26;
	v14 =	vld.idx.msk [tilespmem:v38+s1+$0x0], $0xffff  }
0x32f: {  	v32 =	vmul.f32 v11, v29;
	v11 =	vunpack.i.l.bf16.f32 v12;
	v22 =	vmul.f32 v19, v22;
	v15 =	vld.idx.msk [tilespmem:v38+s30+$0x0], $0xffff  }
0x330: {  	v29 =	vmul.f32 v11, v18;
	v18 =	vadd.f32 v36, v21;
	v27 =	vmul.f32 v26, v33;
	v35 =	vld.idx.msk [tilespmem:v30+s30+$0x0], $0xffff  }
0x331: {  	v20 =	vadd.f32 v32, v20;
	v11 =	vunpack.i.u.bf16.f32 v34;
	v21 =	vunpack.i.l.bf16.f32 v34;
	v12 =	vld.idx.msk [tilespmem:v30+s1+$0x0], $0xffff  }
0x332: {  	v24 =	vadd.f32 v25, v24;
	v19 =	vadd.f32 v23, v18;
	v26 =	vunpack.i.u.bf16.f32 v49;
	v33 =	vld.idx.msk [tilespmem:v17+s30+$0x0], $0xffff  }
0x333: {  	v41 =	vmul.f32 v16, v48;
	v25 =	vmul.f32 v28, v10;
	v10 =	vunpack.i.l.bf16.f32 v50;
	v37 =	vld.idx.msk [tilespmem:v37+s30+$0x0], $0xffff  }
0x334: {  	v28 =	vadd.f32 v46, v40;
	v16 =	vadd.f32 v31, v20;
	v34 =	vld.idx.msk [tilespmem:v45+s30+$0x0], $0xffff  }
.Ltmp10:
0x335: {  	v13 =	vadd.f32 v13, v24;
	v36 =	vunpack.i.l.bf16.f32 v49;
	v23 =	vunpack.i.l.bf16.f32 v15;
	v32 =	vld.idx.msk [tilespmem:v45+s1+$0x0], $0xffff;
	(pc) =	sbr.rel @p0 .LBB2_24-.Ltmp10, $4  }
0x336: {  	v40 =	vadd.f32 v42, v16;
	v20 =	vunpack.i.u.bf16.f32 v35;
	v18 =	vunpack.i.l.bf16.f32 v35;
	v30 =	vld.idx.msk [tilespmem:v44+s30+$0x0], $0xffff  }
0x337: {  	v24 =	vadd.f32 v22, v13;
	v16 =	vunpack.i.u.bf16.f32 v14;
	v38 =	vunpack.i.u.bf16.f32 v12;
	v35 =	vld.idx.msk [tilespmem:v43+s30+$0x0], $0xffff  }
0x338: {  	v13 =	vmul.f32 v38, v20;
	v22 =	vunpack.i.u.bf16.f32 v33;
	v38 =	vadd.f32 v25, v28;
	v31 =	vld.idx.msk [tilespmem:v43+s1+$0x0], $0xffff  }
0x339: {  	v25 =	vunpack.i.u.bf16.f32 v50;
	v20 =	vadd.f32 v41, v40;
	v39 =	vunpack.i.l.bf16.f32 v37;
	v28 =	vld.idx.msk [tilespmem:v47+s1+$0x0], $0xffff  }
0x33a: {  	v40 =	vmov s14  }
0x33b: {  	v37 =	vunpack.i.u.bf16.f32 v37;
	v41 =	vunpack.i.u.bf16.f32 v34;
	v29 =	vadd.f32 v29, v38  }
0x33c: {  	v51 =	vunpack.i.l.bf16.f32 v34;
	v36 =	vmul.f32 v36, v39;
	v52 =	vunpack.i.u.bf16.f32 v32  }
0x33d: {  	v56 =	vunpack.i.l.bf16.f32 v32;
	v14 =	vunpack.i.l.bf16.f32 v14;
	v40 =	vshrl.u32 v40, $0x3  }
0x33e: {  	v15 =	vunpack.i.u.bf16.f32 v15;
	v12 =	vunpack.i.l.bf16.f32 v12;
	v50 =	vshll.u32 v40, $0x3  }
0x33f: {  	v26 =	vmul.f32 v26, v37;
	v32 =	vmul.f32 v56, v51;
	v9 =	vadd.s32 v9, v50  }
0x340: {  	v54 =	vunpack.i.l.bf16.f32 v30;
	v14 =	vmul.f32 v14, v23;
	v9 =	vbroadcast v9, $0x0  }
0x341: {  	v57 =	vunpack.i.u.bf16.f32 v30;
	v48 =	vmul.f32 v52, v41;
	v12 =	vmul.f32 v12, v18  }
0x342: {  	v15 =	vmul.f32 v16, v15;
	v27 =	vadd.f32 v27, v29;
	v40 =	vadd.s32 v2, v9  }
0x343: {  	v53 =	vunpack.i.l.bf16.f32 v35;
	v42 =	vunpack.i.l.bf16.f32 v31;
	v44 =	vadd.s32 v6, v9  }
0x344: {  	v55 =	vunpack.i.u.bf16.f32 v35;
	v29 =	vmul.f32 v42, v53;
	v42 =	vadd.s32 v3, v9  }
0x345: {  	v21 =	vmul.f32 v21, v54;
	v59 =	vunpack.i.u.bf16.f32 v31;
	v58 =	vadd.s32 v8, v9  }
0x346: {  	v33 =	vunpack.i.l.bf16.f32 v33;
	v17 =	vld.idx.msk [tilespmem:v17+s1+$0x0], $0xffff;
	v11 =	vmul.f32 v11, v57;
	v31 =	vmul.f32 v59, v55  }
0x347: {  	v61 =	vunpack.i.u.bf16.f32 v28;
	v19 =	vadd.f32 v21, v19;
	v45 =	vadd.s32 v5, v9;
	v60 =	vld.idx.msk [tilespmem:v40+s1+$0x0], $0xffff  }
0x348: {  	v47 =	vunpack.i.l.bf16.f32 v28;
	v11 =	vadd.f32 v11, v20;
	v25 =	vmul.f32 v61, v25;
	v62 =	vld.idx.msk [tilespmem:v44+s1+$0x0], $0xffff  }
0x349: {  	v37 =	vadd.s32 v1, v9;
	v43 =	vadd.s32 v4, v9;
	v9 =	vadd.s32 v7, v9;
	v46 =	vld.idx.msk [tilespmem:v42+s30+$0x0], $0xffff  }
0x34a: {  	v10 =	vmul.f32 v47, v10;
	v63 =	vadd.f32 v31, v24;
	v27 =	vadd.f32 v29, v27;
	v41 =	vld.idx.msk [tilespmem:v58+s1+$0x0], $0xffff  }
0x34b: {  	v49 =	vunpack.i.u.bf16.f32 v17;
	v19 =	vadd.f32 v32, v19;
	v11 =	vadd.f32 v48, v11;
	v32 =	vld.idx.msk [tilespmem:v58+s30+$0x0], $0xffff  }
0x34c: {  	v17 =	vunpack.i.l.bf16.f32 v17;
	v21 =	vadd.f32 v25, v63;
	v10 =	vadd.f32 v10, v27;
	v50 =	vld.idx.msk [tilespmem:v45+s30+$0x0], $0xffff  }
0x34d: {  	v22 =	vmul.f32 v49, v22;
	v51 =	vadd.f32 v36, v19;
	v11 =	vadd.f32 v26, v11;
	v34 =	vld.idx.msk [tilespmem:v45+s1+$0x0], $0xffff  }
0x34e: {  	v17 =	vmul.f32 v17, v33;
	v13 =	vadd.f32 v13, v21;
	v10 =	vadd.f32 v12, v10;
	v53 =	vld.idx.msk [tilespmem:v9+s30+$0x0], $0xffff  }
0x34f: {  	v14 =	vadd.f32 v14, v51;
	v11 =	vadd.f32 v15, v11;
	v54 =	vld.idx.msk [tilespmem:v44+s30+$0x0], $0xffff  }
0x350: {  	v55 =	vld.idx.msk [tilespmem:v43+s30+$0x0], $0xffff;
	v13 =	vadd.f32 v22, v13;
	v10 =	vadd.f32 v17, v10  }
0x351: {  	v56 =	vld.idx.msk [tilespmem:v43+s1+$0x0], $0xffff;
	v19 =	vunpack.i.u.bf16.f32 v60;
	v33 =	vunpack.i.l.bf16.f32 v60;
	v52 =	vunpack.i.u.bf16.f32 v62  }
0x352: {  	v58 =	vld.idx.msk [tilespmem:v40+s30+$0x0], $0xffff;
	v18 =	vunpack.i.l.bf16.f32 v46;
	v23 =	vunpack.i.l.bf16.f32 v62;
	v57 =	vunpack.i.l.bf16.f32 v32  }
0x353: {  	v47 =	vld.idx.msk [tilespmem:v42+s1+$0x0], $0xffff;
	v59 =	vunpack.i.u.bf16.f32 v50;
	v30 =	vunpack.i.l.bf16.f32 v50;
	v61 =	vunpack.i.u.bf16.f32 v34  }
0x354: {  	v38 =	vunpack.i.u.bf16.f32 v41;
	v63 =	vunpack.i.u.bf16.f32 v53;
	v24 =	vunpack.i.u.bf16.f32 v46  }
0x355: {  	v43 =	vunpack.i.l.bf16.f32 v54;
	v44 =	vunpack.i.u.bf16.f32 v54;
	v45 =	vunpack.i.l.bf16.f32 v53  }
0x356: {  	v46 =	vunpack.i.u.bf16.f32 v55;
	v16 =	vunpack.i.l.bf16.f32 v55;
	v48 =	vunpack.i.u.bf16.f32 v56  }
0x357: {  	v60 =	vld.idx.msk [tilespmem:v37+s30+$0x0], $0xffff;
	v50 =	vunpack.i.l.bf16.f32 v58;
	v28 =	vunpack.i.l.bf16.f32 v56;
	v54 =	vunpack.i.l.bf16.f32 v41  }
0x358: {  	v62 =	vld.idx.msk [tilespmem:v37+s1+$0x0], $0xffff;
	v55 =	vunpack.i.u.bf16.f32 v47;
	v31 =	vmul.f32 v61, v59;
	v23 =	vmul.f32 v23, v43  }
0x359: {  	v32 =	vunpack.i.u.bf16.f32 v32;
	v15 =	vmul.f32 v52, v44;
	v53 =	vmul.f32 v33, v50  }
0x35a: {  	v56 =	vunpack.i.l.bf16.f32 v47;
	v16 =	vmul.f32 v28, v16;
	v12 =	vmul.f32 v48, v46  }
0x35b: {  	v9 =	vld.idx.msk [tilespmem:v9+s1+$0x0], $0xffff;
	v52 =	vunpack.i.u.bf16.f32 v58;
	v58 =	vmul.f32 v55, v24;
	v59 =	vmul.f32 v56, v18  }
0x35c: {  	v19 =	vmul.f32 v19, v52;
	v14 =	vadd.f32 v53, v14;
	v49 =	vunpack.i.l.bf16.f32 v60  }
0x35d: {  	v26 =	vunpack.i.u.bf16.f32 v60;
	v51 =	vunpack.i.l.bf16.f32 v62;
	v22 =	vunpack.i.u.bf16.f32 v62  }
0x35e: {  	v11 =	vadd.f32 v19, v11;
	v17 =	vmul.f32 v51, v49;
	v22 =	vmul.f32 v22, v26  }
0x35f: {  	v14 =	vadd.f32 v16, v14;
	v60 =	vunpack.i.l.bf16.f32 v34;
	v26 =	vmul.f32 v54, v57  }
0x360: {  	v57 =	vunpack.i.u.bf16.f32 v9;
	v13 =	vadd.f32 v22, v13;
	v10 =	vadd.f32 v17, v10  }
0x361: {  	v9 =	vunpack.i.l.bf16.f32 v9;
	v11 =	vadd.f32 v12, v11;
	v61 =	vmul.f32 v57, v63  }
0x362: {  	v17 =	vmul.f32 v60, v30;
	v13 =	vadd.f32 v58, v13;
	v10 =	vadd.f32 v59, v10  }
0x363: {  	v62 =	vadd.f32 v23, v14;
	v63 =	vmul.f32 v38, v32;
	v11 =	vadd.f32 v15, v11  }
0x364: {  	v9 =	vmul.f32 v9, v45;
	v13 =	vadd.f32 v31, v13;
	v10 =	vadd.f32 v17, v10  }
0x365: {  	v12 =	vadd.f32 v26, v62;
	v11 =	vadd.f32 v63, v11  }
0x366: {  	s0 =	sadd.s32 s5, s8;
	s4 =	sadd.s32 $0x1, s4;
	v13 =	vadd.f32 v61, v13;
	v9 =	vadd.f32 v9, v10  }
0x367: {  	p0 =	sne.s32 s4, $0x5;
	v10 =	vor.u32 s0, v0  }
.Ltmp11:
0x368: {  	v11 =	vadd.f32 v11, v12;
	v9 =	vadd.f32 v13, v9;
	(pc) =	sbr.rel @p0 .LBB2_23-.Ltmp11, $3  }
0x369: {  	_ = 	snop  }
0x36a: {  	v9 =	vadd.f32 v11, v9;
	_ =	sdelay $0x1  }
0x36b: {  	[tilespmem:v10+s16+$0x0] =	vst.idx.msk $0xffff, v9  }
0x36c: {  	p0 =	seq.s32 s7, $0x13  }
.Ltmp12:
0x36d: {  	_ = 	snop;
	(pc) =	sbr.rel @p0 .LBB2_28-.Ltmp12, $1  }
0x36e: {  	_ =	sdelay $0x3  }
.Ltmp13:
0x36f: {  	(pc) =	sbr.rel .LBB2_2-.Ltmp13, $4  }
0x370: {  	s0 =	sadd.s32 $0x370, s2  }
0x371: {  	[tilespmem:s30], [sflag:$0x6] =	stream.indirect.gather [hbm4b:s3+s10], $0x48, s0, s10, $0xb8;
	[tilespmem:$0x18330] =	vst v63  }
0x372: {  	s14 =	sadd.s32 $0x2A80, s2;
	s7 =	sadd.s32 $0x1, s7  }
0x373: {  	[tilespmem:s1], [sflag:$0xC] =	stream.indirect.gather [hbm4b:s3+s10], $0x48, s14, s10, $0xb8;
	[tilespmem:$0x18330] =	vst v63  }
.LBB2_28:
0x374: {  	s0 =	simm.s32 $0x1  }
0x375: {  	_ =	swait.ge [sflag:s0], $0x1680  }
0x376: {  	[sflag:s0] =	ssyncset.done $0x0  }
0x377: {  	s14 =	simm.s32 $0x7;
	[sflag:s0] =	ssyncadd.s32 $0xFFFFE980  }
0x378: {  	_ =	swait.ge [sflag:s14], $0x1680  }
0x379: {  	[sflag:s14] =	ssyncset.done $0x0  }
0x37a: {  	s2 =	simm.s32 $0x0;
	s4 =	simm.s32 $0x0;
	[sflag:s14] =	ssyncadd.s32 $0xFFFFE980  }
.LBB2_29:
0x37b: {  	s5 =	sshll.u32 s4, $0x4  }
0x37c: {  	v10 =	vmov s2;
	v9 =	vmov s5  }
0x37d: {  	v10 =	vshrl.u32 v10, $0x3;
	v9 =	vmul.u32 $0x48, v9  }
0x37e: {  	v10 =	vshll.u32 v10, $0x3  }
0x37f: {  	v10 =	vadd.s32 v9, v10  }
0x380: {  	v10 =	vbroadcast v10, $0x0;
	_ =	sdelay $0x1  }
0x381: {  	v11 =	vadd.s32 v2, v10  }
0x382: {  	v12 =	vadd.s32 v6, v10  }
0x383: {  	v13 =	vadd.s32 v3, v10  }
0x384: {  	v14 =	vadd.s32 v8, v10  }
0x385: {  	v15 =	vadd.s32 v5, v10  }
0x386: {  	v16 =	vld.idx.msk [tilespmem:v11+s12+$0x0], $0xffff  }
0x387: {  	v17 =	vld.idx.msk [tilespmem:v12+s12+$0x0], $0xffff  }
0x388: {  	v18 =	vadd.s32 v7, v10;
	v19 =	vld.idx.msk [tilespmem:v13+s11+$0x0], $0xffff  }
0x389: {  	v20 =	vld.idx.msk [tilespmem:v14+s11+$0x0], $0xffff  }
0x38a: {  	v21 =	vadd.s32 v4, v10;
	v22 =	vld.idx.msk [tilespmem:v15+s11+$0x0], $0xffff  }
0x38b: {  	v23 =	vld.idx.msk [tilespmem:v15+s12+$0x0], $0xffff  }
0x38c: {  	v10 =	vadd.s32 v1, v10;
	v14 =	vld.idx.msk [tilespmem:v14+s12+$0x0], $0xffff  }
0x38d: {  	v15 =	vld.idx.msk [tilespmem:v18+s11+$0x0], $0xffff  }
0x38e: {  	v12 =	vld.idx.msk [tilespmem:v12+s11+$0x0], $0xffff  }
0x38f: {  	s0 =	simm.s32 $0x8;
	v27 =	vld.idx.msk [tilespmem:v21+s11+$0x0], $0xffff  }
0x390: {  	v33 =	vmov s0;
	v21 =	vld.idx.msk [tilespmem:v21+s12+$0x0], $0xffff  }
0x391: {  	v24 =	vimm.f32 $0.0e+00;
	v33 =	vshrl.u32 v33, $0x3;
	v32 =	vld.idx.msk [tilespmem:v10+s11+$0x0], $0xffff  }
0x392: {  	v33 =	vshll.u32 v33, $0x3;
	v11 =	vld.idx.msk [tilespmem:v11+s11+$0x0], $0xffff;
	v25 =	vunpack.i.u.bf16.f32 v16;
	v16 =	vunpack.i.l.bf16.f32 v16  }
0x393: {  	v26 =	vunpack.i.u.bf16.f32 v17;
	v28 =	vunpack.i.l.bf16.f32 v19;
	v17 =	vunpack.i.l.bf16.f32 v17  }
0x394: {  	v29 =	vunpack.i.l.bf16.f32 v20;
	v30 =	vunpack.i.u.bf16.f32 v22;
	v31 =	vunpack.i.u.bf16.f32 v23  }
0x395: {  	v22 =	vunpack.i.l.bf16.f32 v22;
	v34 =	vunpack.i.u.bf16.f32 v14;
	v19 =	vunpack.i.u.bf16.f32 v19  }
0x396: {  	v35 =	vunpack.i.l.bf16.f32 v12;
	v12 =	vunpack.i.u.bf16.f32 v12;
	v36 =	vunpack.i.l.bf16.f32 v15  }
0x397: {  	v10 =	vld.idx.msk [tilespmem:v10+s12+$0x0], $0xffff;
	v57 =	vunpack.i.u.bf16.f32 v21;
	v37 =	vunpack.i.l.bf16.f32 v32;
	v38 =	vunpack.i.l.bf16.f32 v11  }
0x398: {  	v32 =	vunpack.i.u.bf16.f32 v32;
	v35 =	vmul.f32 v17, v35;
	v17 =	vadd.s32 v9, v33  }
0x399: {  	v21 =	vunpack.i.l.bf16.f32 v21;
	v11 =	vunpack.i.u.bf16.f32 v11;
	v17 =	vbroadcast v17, $0x0  }
0x39a: {  	v13 =	vld.idx.msk [tilespmem:v13+s12+$0x0], $0xffff;
	v14 =	vunpack.i.l.bf16.f32 v14;
	v30 =	vmul.f32 v31, v30;
	v31 =	vunpack.i.u.bf16.f32 v15  }
0x39b: {  	v15 =	vunpack.i.u.bf16.f32 v27;
	v27 =	vunpack.i.l.bf16.f32 v27;
	v41 =	vadd.s32 v2, v17  }
0x39c: {  	v39 =	vmul.f32 v26, v12;
	v12 =	vunpack.i.l.bf16.f32 v10;
	v43 =	vadd.s32 v6, v17  }
0x39d: {  	v16 =	vmul.f32 v16, v38;
	v10 =	vunpack.i.u.bf16.f32 v10;
	v45 =	vadd.s32 v3, v17  }
0x39e: {  	v59 =	vmul.f32 v14, v29;
	v44 =	vmul.f32 v12, v37;
	v12 =	vld.idx.msk [tilespmem:v18+s12+$0x0], $0xffff;
	v18 =	vadd.s32 v8, v17  }
0x39f: {  	v10 =	vmul.f32 v10, v32;
	v21 =	vmul.f32 v21, v27;
	v27 =	vunpack.i.u.bf16.f32 v13  }
0x3a0: {  	v13 =	vunpack.i.l.bf16.f32 v13;
	v16 =	vadd.f32 v16, v24;
	v26 =	vadd.s32 v5, v17;
	v58 =	vld.idx.msk [tilespmem:v41+s12+$0x0], $0xffff  }
0x3a1: {  	v47 =	vmul.f32 v57, v15;
	v19 =	vmul.f32 v27, v19;
	v40 =	vadd.s32 v1, v17;
	v60 =	vld.idx.msk [tilespmem:v43+s12+$0x0], $0xffff  }
0x3a2: {  	v42 =	vadd.s32 v4, v17;
	v17 =	vadd.s32 v7, v17;
	v16 =	vadd.f32 v21, v16;
	v46 =	vld.idx.msk [tilespmem:v45+s11+$0x0], $0xffff  }
0x3a3: {  	v28 =	vmul.f32 v13, v28;
	v10 =	vadd.f32 v10, v24;
	v61 =	vadd.f32 v44, v24;
	v14 =	vld.idx.msk [tilespmem:v18+s12+$0x0], $0xffff  }
0x3a4: {  	v29 =	vunpack.i.u.bf16.f32 v12;
	v12 =	vunpack.i.l.bf16.f32 v12;
	v16 =	vadd.f32 v35, v16;
	v15 =	vld.idx.msk [tilespmem:v18+s11+$0x0], $0xffff  }
0x3a5: {  	v18 =	vmul.f32 v25, v11;
	v11 =	vunpack.i.l.bf16.f32 v23;
	v25 =	vmul.f32 v29, v31;
	v31 =	vld.idx.msk [tilespmem:v26+s11+$0x0], $0xffff  }
0x3a6: {  	v27 =	vmul.f32 v12, v36;
	v12 =	vld.idx.msk [tilespmem:v26+s12+$0x0], $0xffff;
	v29 =	vmul.f32 v11, v22;
	v22 =	vadd.f32 v19, v10  }
0x3a7: {  	v20 =	vunpack.i.u.bf16.f32 v20;
	v38 =	vadd.f32 v28, v61;
	v33 =	vld.idx.msk [tilespmem:v17+s11+$0x0], $0xffff;
	v18 =	vadd.f32 v18, v24  }
0x3a8: {  	v20 =	vmul.f32 v34, v20;
	v37 =	vld.idx.msk [tilespmem:v43+s11+$0x0], $0xffff;
	v19 =	vadd.f32 v59, v16;
	v22 =	vadd.f32 v30, v22  }
0x3a9: {  	v34 =	vld.idx.msk [tilespmem:v42+s11+$0x0], $0xffff;
	v13 =	vadd.f32 v47, v18;
	v11 =	vunpack.i.u.bf16.f32 v58;
	v21 =	vunpack.i.l.bf16.f32 v58  }
0x3aa: {  	v32 =	vld.idx.msk [tilespmem:v42+s12+$0x0], $0xffff;
	v26 =	vunpack.i.u.bf16.f32 v60;
	v10 =	vunpack.i.l.bf16.f32 v46;
	v36 =	vunpack.i.l.bf16.f32 v60  }
0x3ab: {  	v35 =	vld.idx.msk [tilespmem:v40+s11+$0x0], $0xffff;
	v23 =	vunpack.i.l.bf16.f32 v15;
	v62 =	vunpack.i.u.bf16.f32 v31;
	v18 =	vunpack.i.l.bf16.f32 v31  }
0x3ac: {  	v28 =	vld.idx.msk [tilespmem:v45+s12+$0x0], $0xffff;
	v16 =	vunpack.i.u.bf16.f32 v14;
	v24 =	vadd.f32 v25, v22;
	v63 =	vadd.f32 v39, v13  }
0x3ad: {  	v30 =	vld.idx.msk [tilespmem:v41+s11+$0x0], $0xffff;
	v22 =	vunpack.i.u.bf16.f32 v33;
	v25 =	vunpack.i.u.bf16.f32 v46;
	v13 =	vunpack.i.u.bf16.f32 v12  }
0x3ae: {  	s6 =	simm.s32 $0x10;
	s0 =	simm.s32 $0x18;
	v31 =	vld.idx.msk [tilespmem:v40+s12+$0x0], $0xffff;
	v39 =	vunpack.i.l.bf16.f32 v37;
	v13 =	vmul.f32 v13, v62;
	v20 =	vadd.f32 v20, v63  }
.LBB2_30:
0x3af: {  	p0 =	sne.s32 s0, $0x38;
	v40 =	vmov s6;
	v37 =	vunpack.i.u.bf16.f32 v37;
	v33 =	vunpack.i.l.bf16.f32 v33;
	s6 =	smov.u32 s0;
	s0 =	sadd.s32 $0x8, s0  }
0x3b0: {  	v41 =	vunpack.i.u.bf16.f32 v34;
	v29 =	vadd.f32 v29, v38;
	v40 =	vshrl.u32 v40, $0x3  }
0x3b1: {  	v34 =	vunpack.i.l.bf16.f32 v34;
	v36 =	vmul.f32 v36, v39;
	v38 =	vshll.u32 v40, $0x3  }
0x3b2: {  	v39 =	vunpack.i.u.bf16.f32 v32;
	v40 =	vadd.f32 v27, v29;
	v38 =	vadd.s32 v9, v38  }
0x3b3: {  	v29 =	vunpack.i.l.bf16.f32 v35;
	v27 =	vbroadcast v38, $0x0;
	v38 =	vunpack.i.l.bf16.f32 v30  }
0x3b4: {  	v32 =	vunpack.i.l.bf16.f32 v32;
	v42 =	vmul.f32 v26, v37;
	v35 =	vunpack.i.u.bf16.f32 v35  }
0x3b5: {  	v26 =	vunpack.i.l.bf16.f32 v31;
	v43 =	vadd.s32 v1, v27;
	v44 =	vadd.s32 v2, v27  }
0x3b6: {  	v46 =	vmul.f32 v26, v29;
	v45 =	vadd.s32 v4, v27;
	v37 =	vadd.s32 v6, v27;
	v26 =	vld.idx.msk [tilespmem:v17+s12+$0x0], $0xffff  }
0x3b7: {  	v29 =	vunpack.i.u.bf16.f32 v30;
	v21 =	vmul.f32 v21, v38;
	v47 =	vadd.s32 v3, v27  }
0x3b8: {  	v30 =	vadd.s32 v5, v27;
	v38 =	vadd.s32 v8, v27;
	v17 =	vunpack.i.u.bf16.f32 v31  }
0x3b9: {  	v14 =	vunpack.i.l.bf16.f32 v14;
	v32 =	vmul.f32 v32, v34;
	v31 =	vmul.f32 v17, v35  }
0x3ba: {  	v48 =	vunpack.i.u.bf16.f32 v15;
	v23 =	vmul.f32 v14, v23;
	v35 =	vunpack.i.u.bf16.f32 v28;
	v34 =	vld.idx.msk [tilespmem:v44+s12+$0x0], $0xffff  }
0x3bb: {  	v15 =	vadd.f32 v21, v19;
	v17 =	vadd.s32 v7, v27;
	v24 =	vadd.f32 v31, v24;
	v49 =	vld.idx.msk [tilespmem:v37+s12+$0x0], $0xffff  }
0x3bc: {  	v28 =	vunpack.i.l.bf16.f32 v28;
	v31 =	vmul.f32 v39, v41;
	v19 =	vunpack.i.u.bf16.f32 v26;
	v50 =	vld.idx.msk [tilespmem:v47+s11+$0x0], $0xffff  }
0x3bd: {  	v25 =	vmul.f32 v35, v25;
	v21 =	vadd.f32 v32, v15;
	v26 =	vunpack.i.l.bf16.f32 v26;
	v14 =	vld.idx.msk [tilespmem:v38+s12+$0x0], $0xffff  }
0x3be: {  	v32 =	vmul.f32 v11, v29;
	v11 =	vunpack.i.l.bf16.f32 v12;
	v22 =	vmul.f32 v19, v22;
	v15 =	vld.idx.msk [tilespmem:v38+s11+$0x0], $0xffff  }
0x3bf: {  	v29 =	vmul.f32 v11, v18;
	v18 =	vadd.f32 v36, v21;
	v27 =	vmul.f32 v26, v33;
	v35 =	vld.idx.msk [tilespmem:v30+s11+$0x0], $0xffff  }
0x3c0: {  	v20 =	vadd.f32 v32, v20;
	v11 =	vunpack.i.u.bf16.f32 v34;
	v21 =	vunpack.i.l.bf16.f32 v34;
	v12 =	vld.idx.msk [tilespmem:v30+s12+$0x0], $0xffff  }
0x3c1: {  	v24 =	vadd.f32 v25, v24;
	v19 =	vadd.f32 v23, v18;
	v26 =	vunpack.i.u.bf16.f32 v49;
	v33 =	vld.idx.msk [tilespmem:v17+s11+$0x0], $0xffff  }
0x3c2: {  	v41 =	vmul.f32 v16, v48;
	v25 =	vmul.f32 v28, v10;
	v10 =	vunpack.i.l.bf16.f32 v50;
	v37 =	vld.idx.msk [tilespmem:v37+s11+$0x0], $0xffff  }
0x3c3: {  	v28 =	vadd.f32 v46, v40;
	v16 =	vadd.f32 v31, v20;
	v34 =	vld.idx.msk [tilespmem:v45+s11+$0x0], $0xffff  }
.Ltmp14:
0x3c4: {  	v13 =	vadd.f32 v13, v24;
	v36 =	vunpack.i.l.bf16.f32 v49;
	v23 =	vunpack.i.l.bf16.f32 v15;
	v32 =	vld.idx.msk [tilespmem:v45+s12+$0x0], $0xffff;
	(pc) =	sbr.rel @p0 .LBB2_30-.Ltmp14, $4  }
0x3c5: {  	v40 =	vadd.f32 v42, v16;
	v20 =	vunpack.i.u.bf16.f32 v35;
	v18 =	vunpack.i.l.bf16.f32 v35;
	v30 =	vld.idx.msk [tilespmem:v44+s11+$0x0], $0xffff  }
0x3c6: {  	v24 =	vadd.f32 v22, v13;
	v16 =	vunpack.i.u.bf16.f32 v14;
	v38 =	vunpack.i.u.bf16.f32 v12;
	v35 =	vld.idx.msk [tilespmem:v43+s11+$0x0], $0xffff  }
0x3c7: {  	v13 =	vmul.f32 v38, v20;
	v22 =	vunpack.i.u.bf16.f32 v33;
	v38 =	vadd.f32 v25, v28;
	v31 =	vld.idx.msk [tilespmem:v43+s12+$0x0], $0xffff  }
0x3c8: {  	v25 =	vunpack.i.u.bf16.f32 v50;
	v20 =	vadd.f32 v41, v40;
	v39 =	vunpack.i.l.bf16.f32 v37;
	v28 =	vld.idx.msk [tilespmem:v47+s12+$0x0], $0xffff  }
0x3c9: {  	v40 =	vmov s6  }
0x3ca: {  	v37 =	vunpack.i.u.bf16.f32 v37;
	v41 =	vunpack.i.u.bf16.f32 v34;
	v29 =	vadd.f32 v29, v38  }
0x3cb: {  	v51 =	vunpack.i.l.bf16.f32 v34;
	v36 =	vmul.f32 v36, v39;
	v52 =	vunpack.i.u.bf16.f32 v32  }
0x3cc: {  	v56 =	vunpack.i.l.bf16.f32 v32;
	v14 =	vunpack.i.l.bf16.f32 v14;
	v40 =	vshrl.u32 v40, $0x3  }
0x3cd: {  	v15 =	vunpack.i.u.bf16.f32 v15;
	v12 =	vunpack.i.l.bf16.f32 v12;
	v50 =	vshll.u32 v40, $0x3  }
0x3ce: {  	v26 =	vmul.f32 v26, v37;
	v32 =	vmul.f32 v56, v51;
	v9 =	vadd.s32 v9, v50  }
0x3cf: {  	v54 =	vunpack.i.l.bf16.f32 v30;
	v14 =	vmul.f32 v14, v23;
	v9 =	vbroadcast v9, $0x0  }
0x3d0: {  	v57 =	vunpack.i.u.bf16.f32 v30;
	v48 =	vmul.f32 v52, v41;
	v12 =	vmul.f32 v12, v18  }
0x3d1: {  	v15 =	vmul.f32 v16, v15;
	v27 =	vadd.f32 v27, v29;
	v40 =	vadd.s32 v2, v9  }
0x3d2: {  	v53 =	vunpack.i.l.bf16.f32 v35;
	v42 =	vunpack.i.l.bf16.f32 v31;
	v44 =	vadd.s32 v6, v9  }
0x3d3: {  	v55 =	vunpack.i.u.bf16.f32 v35;
	v29 =	vmul.f32 v42, v53;
	v42 =	vadd.s32 v3, v9  }
0x3d4: {  	v21 =	vmul.f32 v21, v54;
	v59 =	vunpack.i.u.bf16.f32 v31;
	v58 =	vadd.s32 v8, v9  }
0x3d5: {  	v33 =	vunpack.i.l.bf16.f32 v33;
	v17 =	vld.idx.msk [tilespmem:v17+s12+$0x0], $0xffff;
	v11 =	vmul.f32 v11, v57;
	v31 =	vmul.f32 v59, v55  }
0x3d6: {  	v61 =	vunpack.i.u.bf16.f32 v28;
	v19 =	vadd.f32 v21, v19;
	v45 =	vadd.s32 v5, v9;
	v60 =	vld.idx.msk [tilespmem:v40+s12+$0x0], $0xffff  }
0x3d7: {  	v47 =	vunpack.i.l.bf16.f32 v28;
	v11 =	vadd.f32 v11, v20;
	v25 =	vmul.f32 v61, v25;
	v62 =	vld.idx.msk [tilespmem:v44+s12+$0x0], $0xffff  }
0x3d8: {  	v37 =	vadd.s32 v1, v9;
	v43 =	vadd.s32 v4, v9;
	v9 =	vadd.s32 v7, v9;
	v46 =	vld.idx.msk [tilespmem:v42+s11+$0x0], $0xffff  }
0x3d9: {  	v10 =	vmul.f32 v47, v10;
	v63 =	vadd.f32 v31, v24;
	v27 =	vadd.f32 v29, v27;
	v41 =	vld.idx.msk [tilespmem:v58+s12+$0x0], $0xffff  }
0x3da: {  	v49 =	vunpack.i.u.bf16.f32 v17;
	v19 =	vadd.f32 v32, v19;
	v11 =	vadd.f32 v48, v11;
	v32 =	vld.idx.msk [tilespmem:v58+s11+$0x0], $0xffff  }
0x3db: {  	v17 =	vunpack.i.l.bf16.f32 v17;
	v21 =	vadd.f32 v25, v63;
	v10 =	vadd.f32 v10, v27;
	v50 =	vld.idx.msk [tilespmem:v45+s11+$0x0], $0xffff  }
0x3dc: {  	v22 =	vmul.f32 v49, v22;
	v51 =	vadd.f32 v36, v19;
	v11 =	vadd.f32 v26, v11;
	v34 =	vld.idx.msk [tilespmem:v45+s12+$0x0], $0xffff  }
0x3dd: {  	v17 =	vmul.f32 v17, v33;
	v13 =	vadd.f32 v13, v21;
	v10 =	vadd.f32 v12, v10;
	v53 =	vld.idx.msk [tilespmem:v9+s11+$0x0], $0xffff  }
0x3de: {  	v14 =	vadd.f32 v14, v51;
	v11 =	vadd.f32 v15, v11;
	v54 =	vld.idx.msk [tilespmem:v44+s11+$0x0], $0xffff  }
0x3df: {  	v55 =	vld.idx.msk [tilespmem:v43+s11+$0x0], $0xffff;
	v13 =	vadd.f32 v22, v13;
	v10 =	vadd.f32 v17, v10  }
0x3e0: {  	v56 =	vld.idx.msk [tilespmem:v43+s12+$0x0], $0xffff;
	v19 =	vunpack.i.u.bf16.f32 v60;
	v33 =	vunpack.i.l.bf16.f32 v60;
	v52 =	vunpack.i.u.bf16.f32 v62  }
0x3e1: {  	v58 =	vld.idx.msk [tilespmem:v40+s11+$0x0], $0xffff;
	v18 =	vunpack.i.l.bf16.f32 v46;
	v23 =	vunpack.i.l.bf16.f32 v62;
	v57 =	vunpack.i.l.bf16.f32 v32  }
0x3e2: {  	v47 =	vld.idx.msk [tilespmem:v42+s12+$0x0], $0xffff;
	v59 =	vunpack.i.u.bf16.f32 v50;
	v30 =	vunpack.i.l.bf16.f32 v50;
	v61 =	vunpack.i.u.bf16.f32 v34  }
0x3e3: {  	v38 =	vunpack.i.u.bf16.f32 v41;
	v63 =	vunpack.i.u.bf16.f32 v53;
	v24 =	vunpack.i.u.bf16.f32 v46  }
0x3e4: {  	v43 =	vunpack.i.l.bf16.f32 v54;
	v44 =	vunpack.i.u.bf16.f32 v54;
	v45 =	vunpack.i.l.bf16.f32 v53  }
0x3e5: {  	v46 =	vunpack.i.u.bf16.f32 v55;
	v16 =	vunpack.i.l.bf16.f32 v55;
	v48 =	vunpack.i.u.bf16.f32 v56  }
0x3e6: {  	v60 =	vld.idx.msk [tilespmem:v37+s11+$0x0], $0xffff;
	v50 =	vunpack.i.l.bf16.f32 v58;
	v28 =	vunpack.i.l.bf16.f32 v56;
	v54 =	vunpack.i.l.bf16.f32 v41  }
0x3e7: {  	v62 =	vld.idx.msk [tilespmem:v37+s12+$0x0], $0xffff;
	v55 =	vunpack.i.u.bf16.f32 v47;
	v31 =	vmul.f32 v61, v59;
	v23 =	vmul.f32 v23, v43  }
0x3e8: {  	v32 =	vunpack.i.u.bf16.f32 v32;
	v15 =	vmul.f32 v52, v44;
	v53 =	vmul.f32 v33, v50  }
0x3e9: {  	v56 =	vunpack.i.l.bf16.f32 v47;
	v16 =	vmul.f32 v28, v16;
	v12 =	vmul.f32 v48, v46  }
0x3ea: {  	v9 =	vld.idx.msk [tilespmem:v9+s12+$0x0], $0xffff;
	v52 =	vunpack.i.u.bf16.f32 v58;
	v58 =	vmul.f32 v55, v24;
	v59 =	vmul.f32 v56, v18  }
0x3eb: {  	v19 =	vmul.f32 v19, v52;
	v14 =	vadd.f32 v53, v14;
	v49 =	vunpack.i.l.bf16.f32 v60  }
0x3ec: {  	v26 =	vunpack.i.u.bf16.f32 v60;
	v51 =	vunpack.i.l.bf16.f32 v62;
	v22 =	vunpack.i.u.bf16.f32 v62  }
0x3ed: {  	v11 =	vadd.f32 v19, v11;
	v17 =	vmul.f32 v51, v49;
	v22 =	vmul.f32 v22, v26  }
0x3ee: {  	v14 =	vadd.f32 v16, v14;
	v60 =	vunpack.i.l.bf16.f32 v34;
	v26 =	vmul.f32 v54, v57  }
0x3ef: {  	v57 =	vunpack.i.u.bf16.f32 v9;
	v13 =	vadd.f32 v22, v13;
	v10 =	vadd.f32 v17, v10  }
0x3f0: {  	v9 =	vunpack.i.l.bf16.f32 v9;
	v11 =	vadd.f32 v12, v11;
	v61 =	vmul.f32 v57, v63  }
0x3f1: {  	v17 =	vmul.f32 v60, v30;
	v13 =	vadd.f32 v58, v13;
	v10 =	vadd.f32 v59, v10  }
0x3f2: {  	v62 =	vadd.f32 v23, v14;
	v63 =	vmul.f32 v38, v32;
	v11 =	vadd.f32 v15, v11  }
0x3f3: {  	v9 =	vmul.f32 v9, v45;
	v13 =	vadd.f32 v31, v13;
	v10 =	vadd.f32 v17, v10  }
0x3f4: {  	v12 =	vadd.f32 v26, v62;
	v11 =	vadd.f32 v63, v11  }
0x3f5: {  	s0 =	sor.u32 $0x2580, s5;
	s4 =	sadd.s32 $0x1, s4;
	v13 =	vadd.f32 v61, v13;
	v9 =	vadd.f32 v9, v10  }
0x3f6: {  	p0 =	sne.s32 s4, $0x5;
	v10 =	vor.u32 s0, v0  }
.Ltmp15:
0x3f7: {  	v11 =	vadd.f32 v11, v12;
	v9 =	vadd.f32 v13, v9;
	(pc) =	sbr.rel @p0 .LBB2_29-.Ltmp15, $3  }
0x3f8: {  	_ = 	snop  }
0x3f9: {  	v9 =	vadd.f32 v11, v9;
	_ =	sdelay $0x1  }
0x3fa: {  	[tilespmem:v10+s16+$0x0] =	vst.idx.msk $0xffff, v9  }
0x3fb: {  	_ =	swait.ge [sflag:s18], $0x1680  }
0x3fc: {  	[sflag:s18] =	ssyncset.done $0x0  }
0x3fd: {  	[sflag:s18] =	ssyncadd.s32 $0xFFFFE980  }
0x3fe: {  	_ =	swait.ge [sflag:s20], $0x1680  }
0x3ff: {  	[sflag:s20] =	ssyncset.done $0x0  }
0x400: {  	s2 =	simm.s32 $0x0;
	s4 =	simm.s32 $0x0;
	[sflag:s20] =	ssyncadd.s32 $0xFFFFE980  }
.LBB2_33:
0x401: {  	s5 =	sshll.u32 s4, $0x4  }
0x402: {  	v10 =	vmov s2;
	v9 =	vmov s5  }
0x403: {  	v10 =	vshrl.u32 v10, $0x3;
	v9 =	vmul.u32 $0x48, v9  }
0x404: {  	v10 =	vshll.u32 v10, $0x3  }
0x405: {  	v10 =	vadd.s32 v9, v10  }
0x406: {  	v10 =	vbroadcast v10, $0x0;
	_ =	sdelay $0x1  }
0x407: {  	v11 =	vadd.s32 v2, v10  }
0x408: {  	v12 =	vadd.s32 v6, v10  }
0x409: {  	v13 =	vadd.s32 v3, v10  }
0x40a: {  	v14 =	vadd.s32 v8, v10  }
0x40b: {  	v15 =	vadd.s32 v5, v10  }
0x40c: {  	v16 =	vld.idx.msk [tilespmem:v11+s15+$0x0], $0xffff  }
0x40d: {  	v17 =	vld.idx.msk [tilespmem:v12+s15+$0x0], $0xffff  }
0x40e: {  	v18 =	vadd.s32 v7, v10;
	v19 =	vld.idx.msk [tilespmem:v13+s13+$0x0], $0xffff  }
0x40f: {  	v20 =	vld.idx.msk [tilespmem:v14+s13+$0x0], $0xffff  }
0x410: {  	v21 =	vadd.s32 v4, v10;
	v22 =	vld.idx.msk [tilespmem:v15+s13+$0x0], $0xffff  }
0x411: {  	v23 =	vld.idx.msk [tilespmem:v15+s15+$0x0], $0xffff  }
0x412: {  	v10 =	vadd.s32 v1, v10;
	v14 =	vld.idx.msk [tilespmem:v14+s15+$0x0], $0xffff  }
0x413: {  	v15 =	vld.idx.msk [tilespmem:v18+s13+$0x0], $0xffff  }
0x414: {  	v12 =	vld.idx.msk [tilespmem:v12+s13+$0x0], $0xffff  }
0x415: {  	s0 =	simm.s32 $0x8;
	v27 =	vld.idx.msk [tilespmem:v21+s13+$0x0], $0xffff  }
0x416: {  	v33 =	vmov s0;
	v21 =	vld.idx.msk [tilespmem:v21+s15+$0x0], $0xffff  }
0x417: {  	v24 =	vimm.f32 $0.0e+00;
	v33 =	vshrl.u32 v33, $0x3;
	v32 =	vld.idx.msk [tilespmem:v10+s13+$0x0], $0xffff  }
0x418: {  	v33 =	vshll.u32 v33, $0x3;
	v11 =	vld.idx.msk [tilespmem:v11+s13+$0x0], $0xffff;
	v25 =	vunpack.i.u.bf16.f32 v16;
	v16 =	vunpack.i.l.bf16.f32 v16  }
0x419: {  	v26 =	vunpack.i.u.bf16.f32 v17;
	v28 =	vunpack.i.l.bf16.f32 v19;
	v17 =	vunpack.i.l.bf16.f32 v17  }
0x41a: {  	v29 =	vunpack.i.l.bf16.f32 v20;
	v30 =	vunpack.i.u.bf16.f32 v22;
	v31 =	vunpack.i.u.bf16.f32 v23  }
0x41b: {  	v22 =	vunpack.i.l.bf16.f32 v22;
	v34 =	vunpack.i.u.bf16.f32 v14;
	v19 =	vunpack.i.u.bf16.f32 v19  }
0x41c: {  	v35 =	vunpack.i.l.bf16.f32 v12;
	v12 =	vunpack.i.u.bf16.f32 v12;
	v36 =	vunpack.i.l.bf16.f32 v15  }
0x41d: {  	v10 =	vld.idx.msk [tilespmem:v10+s15+$0x0], $0xffff;
	v57 =	vunpack.i.u.bf16.f32 v21;
	v37 =	vunpack.i.l.bf16.f32 v32;
	v38 =	vunpack.i.l.bf16.f32 v11  }
0x41e: {  	v32 =	vunpack.i.u.bf16.f32 v32;
	v35 =	vmul.f32 v17, v35;
	v17 =	vadd.s32 v9, v33  }
0x41f: {  	v21 =	vunpack.i.l.bf16.f32 v21;
	v11 =	vunpack.i.u.bf16.f32 v11;
	v17 =	vbroadcast v17, $0x0  }
0x420: {  	v13 =	vld.idx.msk [tilespmem:v13+s15+$0x0], $0xffff;
	v14 =	vunpack.i.l.bf16.f32 v14;
	v30 =	vmul.f32 v31, v30;
	v31 =	vunpack.i.u.bf16.f32 v15  }
0x421: {  	v15 =	vunpack.i.u.bf16.f32 v27;
	v27 =	vunpack.i.l.bf16.f32 v27;
	v41 =	vadd.s32 v2, v17  }
0x422: {  	v39 =	vmul.f32 v26, v12;
	v12 =	vunpack.i.l.bf16.f32 v10;
	v43 =	vadd.s32 v6, v17  }
0x423: {  	v16 =	vmul.f32 v16, v38;
	v10 =	vunpack.i.u.bf16.f32 v10;
	v45 =	vadd.s32 v3, v17  }
0x424: {  	v59 =	vmul.f32 v14, v29;
	v44 =	vmul.f32 v12, v37;
	v12 =	vld.idx.msk [tilespmem:v18+s15+$0x0], $0xffff;
	v18 =	vadd.s32 v8, v17  }
0x425: {  	v10 =	vmul.f32 v10, v32;
	v21 =	vmul.f32 v21, v27;
	v27 =	vunpack.i.u.bf16.f32 v13  }
0x426: {  	v13 =	vunpack.i.l.bf16.f32 v13;
	v16 =	vadd.f32 v16, v24;
	v26 =	vadd.s32 v5, v17;
	v58 =	vld.idx.msk [tilespmem:v41+s15+$0x0], $0xffff  }
0x427: {  	v47 =	vmul.f32 v57, v15;
	v19 =	vmul.f32 v27, v19;
	v40 =	vadd.s32 v1, v17;
	v60 =	vld.idx.msk [tilespmem:v43+s15+$0x0], $0xffff  }
0x428: {  	v42 =	vadd.s32 v4, v17;
	v17 =	vadd.s32 v7, v17;
	v16 =	vadd.f32 v21, v16;
	v46 =	vld.idx.msk [tilespmem:v45+s13+$0x0], $0xffff  }
0x429: {  	v28 =	vmul.f32 v13, v28;
	v10 =	vadd.f32 v10, v24;
	v61 =	vadd.f32 v44, v24;
	v14 =	vld.idx.msk [tilespmem:v18+s15+$0x0], $0xffff  }
0x42a: {  	v29 =	vunpack.i.u.bf16.f32 v12;
	v12 =	vunpack.i.l.bf16.f32 v12;
	v16 =	vadd.f32 v35, v16;
	v15 =	vld.idx.msk [tilespmem:v18+s13+$0x0], $0xffff  }
0x42b: {  	v18 =	vmul.f32 v25, v11;
	v11 =	vunpack.i.l.bf16.f32 v23;
	v25 =	vmul.f32 v29, v31;
	v31 =	vld.idx.msk [tilespmem:v26+s13+$0x0], $0xffff  }
0x42c: {  	v27 =	vmul.f32 v12, v36;
	v12 =	vld.idx.msk [tilespmem:v26+s15+$0x0], $0xffff;
	v29 =	vmul.f32 v11, v22;
	v22 =	vadd.f32 v19, v10  }
0x42d: {  	v20 =	vunpack.i.u.bf16.f32 v20;
	v38 =	vadd.f32 v28, v61;
	v33 =	vld.idx.msk [tilespmem:v17+s13+$0x0], $0xffff;
	v18 =	vadd.f32 v18, v24  }
0x42e: {  	v20 =	vmul.f32 v34, v20;
	v37 =	vld.idx.msk [tilespmem:v43+s13+$0x0], $0xffff;
	v19 =	vadd.f32 v59, v16;
	v22 =	vadd.f32 v30, v22  }
0x42f: {  	v34 =	vld.idx.msk [tilespmem:v42+s13+$0x0], $0xffff;
	v13 =	vadd.f32 v47, v18;
	v11 =	vunpack.i.u.bf16.f32 v58;
	v21 =	vunpack.i.l.bf16.f32 v58  }
0x430: {  	v32 =	vld.idx.msk [tilespmem:v42+s15+$0x0], $0xffff;
	v26 =	vunpack.i.u.bf16.f32 v60;
	v10 =	vunpack.i.l.bf16.f32 v46;
	v36 =	vunpack.i.l.bf16.f32 v60  }
0x431: {  	v35 =	vld.idx.msk [tilespmem:v40+s13+$0x0], $0xffff;
	v23 =	vunpack.i.l.bf16.f32 v15;
	v62 =	vunpack.i.u.bf16.f32 v31;
	v18 =	vunpack.i.l.bf16.f32 v31  }
0x432: {  	v28 =	vld.idx.msk [tilespmem:v45+s15+$0x0], $0xffff;
	v16 =	vunpack.i.u.bf16.f32 v14;
	v24 =	vadd.f32 v25, v22;
	v63 =	vadd.f32 v39, v13  }
0x433: {  	v30 =	vld.idx.msk [tilespmem:v41+s13+$0x0], $0xffff;
	v22 =	vunpack.i.u.bf16.f32 v33;
	v25 =	vunpack.i.u.bf16.f32 v46;
	v13 =	vunpack.i.u.bf16.f32 v12  }
0x434: {  	s6 =	simm.s32 $0x10;
	s0 =	simm.s32 $0x18;
	v31 =	vld.idx.msk [tilespmem:v40+s15+$0x0], $0xffff;
	v39 =	vunpack.i.l.bf16.f32 v37;
	v13 =	vmul.f32 v13, v62;
	v20 =	vadd.f32 v20, v63  }
.LBB2_34:
0x435: {  	p0 =	sne.s32 s0, $0x38;
	v40 =	vmov s6;
	v37 =	vunpack.i.u.bf16.f32 v37;
	v33 =	vunpack.i.l.bf16.f32 v33;
	s6 =	smov.u32 s0;
	s0 =	sadd.s32 $0x8, s0  }
0x436: {  	v41 =	vunpack.i.u.bf16.f32 v34;
	v29 =	vadd.f32 v29, v38;
	v40 =	vshrl.u32 v40, $0x3  }
0x437: {  	v34 =	vunpack.i.l.bf16.f32 v34;
	v36 =	vmul.f32 v36, v39;
	v38 =	vshll.u32 v40, $0x3  }
0x438: {  	v39 =	vunpack.i.u.bf16.f32 v32;
	v40 =	vadd.f32 v27, v29;
	v38 =	vadd.s32 v9, v38  }
0x439: {  	v29 =	vunpack.i.l.bf16.f32 v35;
	v27 =	vbroadcast v38, $0x0;
	v38 =	vunpack.i.l.bf16.f32 v30  }
0x43a: {  	v32 =	vunpack.i.l.bf16.f32 v32;
	v42 =	vmul.f32 v26, v37;
	v35 =	vunpack.i.u.bf16.f32 v35  }
0x43b: {  	v26 =	vunpack.i.l.bf16.f32 v31;
	v43 =	vadd.s32 v1, v27;
	v44 =	vadd.s32 v2, v27  }
0x43c: {  	v46 =	vmul.f32 v26, v29;
	v45 =	vadd.s32 v4, v27;
	v37 =	vadd.s32 v6, v27;
	v26 =	vld.idx.msk [tilespmem:v17+s15+$0x0], $0xffff  }
0x43d: {  	v29 =	vunpack.i.u.bf16.f32 v30;
	v21 =	vmul.f32 v21, v38;
	v47 =	vadd.s32 v3, v27  }
0x43e: {  	v30 =	vadd.s32 v5, v27;
	v38 =	vadd.s32 v8, v27;
	v17 =	vunpack.i.u.bf16.f32 v31  }
0x43f: {  	v14 =	vunpack.i.l.bf16.f32 v14;
	v32 =	vmul.f32 v32, v34;
	v31 =	vmul.f32 v17, v35  }
0x440: {  	v48 =	vunpack.i.u.bf16.f32 v15;
	v23 =	vmul.f32 v14, v23;
	v35 =	vunpack.i.u.bf16.f32 v28;
	v34 =	vld.idx.msk [tilespmem:v44+s15+$0x0], $0xffff  }
0x441: {  	v15 =	vadd.f32 v21, v19;
	v17 =	vadd.s32 v7, v27;
	v24 =	vadd.f32 v31, v24;
	v49 =	vld.idx.msk [tilespmem:v37+s15+$0x0], $0xffff  }
0x442: {  	v28 =	vunpack.i.l.bf16.f32 v28;
	v31 =	vmul.f32 v39, v41;
	v19 =	vunpack.i.u.bf16.f32 v26;
	v50 =	vld.idx.msk [tilespmem:v47+s13+$0x0], $0xffff  }
0x443: {  	v25 =	vmul.f32 v35, v25;
	v21 =	vadd.f32 v32, v15;
	v26 =	vunpack.i.l.bf16.f32 v26;
	v14 =	vld.idx.msk [tilespmem:v38+s15+$0x0], $0xffff  }
0x444: {  	v32 =	vmul.f32 v11, v29;
	v11 =	vunpack.i.l.bf16.f32 v12;
	v22 =	vmul.f32 v19, v22;
	v15 =	vld.idx.msk [tilespmem:v38+s13+$0x0], $0xffff  }
0x445: {  	v29 =	vmul.f32 v11, v18;
	v18 =	vadd.f32 v36, v21;
	v27 =	vmul.f32 v26, v33;
	v35 =	vld.idx.msk [tilespmem:v30+s13+$0x0], $0xffff  }
0x446: {  	v20 =	vadd.f32 v32, v20;
	v11 =	vunpack.i.u.bf16.f32 v34;
	v21 =	vunpack.i.l.bf16.f32 v34;
	v12 =	vld.idx.msk [tilespmem:v30+s15+$0x0], $0xffff  }
0x447: {  	v24 =	vadd.f32 v25, v24;
	v19 =	vadd.f32 v23, v18;
	v26 =	vunpack.i.u.bf16.f32 v49;
	v33 =	vld.idx.msk [tilespmem:v17+s13+$0x0], $0xffff  }
0x448: {  	v41 =	vmul.f32 v16, v48;
	v25 =	vmul.f32 v28, v10;
	v10 =	vunpack.i.l.bf16.f32 v50;
	v37 =	vld.idx.msk [tilespmem:v37+s13+$0x0], $0xffff  }
0x449: {  	v28 =	vadd.f32 v46, v40;
	v16 =	vadd.f32 v31, v20;
	v34 =	vld.idx.msk [tilespmem:v45+s13+$0x0], $0xffff  }
.Ltmp16:
0x44a: {  	v13 =	vadd.f32 v13, v24;
	v36 =	vunpack.i.l.bf16.f32 v49;
	v23 =	vunpack.i.l.bf16.f32 v15;
	v32 =	vld.idx.msk [tilespmem:v45+s15+$0x0], $0xffff;
	(pc) =	sbr.rel @p0 .LBB2_34-.Ltmp16, $4  }
0x44b: {  	v40 =	vadd.f32 v42, v16;
	v20 =	vunpack.i.u.bf16.f32 v35;
	v18 =	vunpack.i.l.bf16.f32 v35;
	v30 =	vld.idx.msk [tilespmem:v44+s13+$0x0], $0xffff  }
0x44c: {  	v24 =	vadd.f32 v22, v13;
	v16 =	vunpack.i.u.bf16.f32 v14;
	v38 =	vunpack.i.u.bf16.f32 v12;
	v35 =	vld.idx.msk [tilespmem:v43+s13+$0x0], $0xffff  }
0x44d: {  	v13 =	vmul.f32 v38, v20;
	v22 =	vunpack.i.u.bf16.f32 v33;
	v38 =	vadd.f32 v25, v28;
	v31 =	vld.idx.msk [tilespmem:v43+s15+$0x0], $0xffff  }
0x44e: {  	v25 =	vunpack.i.u.bf16.f32 v50;
	v20 =	vadd.f32 v41, v40;
	v39 =	vunpack.i.l.bf16.f32 v37;
	v28 =	vld.idx.msk [tilespmem:v47+s15+$0x0], $0xffff  }
0x44f: {  	v40 =	vmov s6  }
0x450: {  	v37 =	vunpack.i.u.bf16.f32 v37;
	v41 =	vunpack.i.u.bf16.f32 v34;
	v29 =	vadd.f32 v29, v38  }
0x451: {  	v51 =	vunpack.i.l.bf16.f32 v34;
	v36 =	vmul.f32 v36, v39;
	v52 =	vunpack.i.u.bf16.f32 v32  }
0x452: {  	v56 =	vunpack.i.l.bf16.f32 v32;
	v14 =	vunpack.i.l.bf16.f32 v14;
	v40 =	vshrl.u32 v40, $0x3  }
0x453: {  	v15 =	vunpack.i.u.bf16.f32 v15;
	v12 =	vunpack.i.l.bf16.f32 v12;
	v50 =	vshll.u32 v40, $0x3  }
0x454: {  	v26 =	vmul.f32 v26, v37;
	v32 =	vmul.f32 v56, v51;
	v9 =	vadd.s32 v9, v50  }
0x455: {  	v54 =	vunpack.i.l.bf16.f32 v30;
	v14 =	vmul.f32 v14, v23;
	v9 =	vbroadcast v9, $0x0  }
0x456: {  	v57 =	vunpack.i.u.bf16.f32 v30;
	v48 =	vmul.f32 v52, v41;
	v12 =	vmul.f32 v12, v18  }
0x457: {  	v15 =	vmul.f32 v16, v15;
	v27 =	vadd.f32 v27, v29;
	v40 =	vadd.s32 v2, v9  }
0x458: {  	v53 =	vunpack.i.l.bf16.f32 v35;
	v42 =	vunpack.i.l.bf16.f32 v31;
	v44 =	vadd.s32 v6, v9  }
0x459: {  	v55 =	vunpack.i.u.bf16.f32 v35;
	v29 =	vmul.f32 v42, v53;
	v42 =	vadd.s32 v3, v9  }
0x45a: {  	v21 =	vmul.f32 v21, v54;
	v59 =	vunpack.i.u.bf16.f32 v31;
	v58 =	vadd.s32 v8, v9  }
0x45b: {  	v33 =	vunpack.i.l.bf16.f32 v33;
	v17 =	vld.idx.msk [tilespmem:v17+s15+$0x0], $0xffff;
	v11 =	vmul.f32 v11, v57;
	v31 =	vmul.f32 v59, v55  }
0x45c: {  	v61 =	vunpack.i.u.bf16.f32 v28;
	v19 =	vadd.f32 v21, v19;
	v45 =	vadd.s32 v5, v9;
	v60 =	vld.idx.msk [tilespmem:v40+s15+$0x0], $0xffff  }
0x45d: {  	v47 =	vunpack.i.l.bf16.f32 v28;
	v11 =	vadd.f32 v11, v20;
	v25 =	vmul.f32 v61, v25;
	v62 =	vld.idx.msk [tilespmem:v44+s15+$0x0], $0xffff  }
0x45e: {  	v37 =	vadd.s32 v1, v9;
	v43 =	vadd.s32 v4, v9;
	v9 =	vadd.s32 v7, v9;
	v46 =	vld.idx.msk [tilespmem:v42+s13+$0x0], $0xffff  }
0x45f: {  	v10 =	vmul.f32 v47, v10;
	v63 =	vadd.f32 v31, v24;
	v27 =	vadd.f32 v29, v27;
	v41 =	vld.idx.msk [tilespmem:v58+s15+$0x0], $0xffff  }
0x460: {  	v49 =	vunpack.i.u.bf16.f32 v17;
	v19 =	vadd.f32 v32, v19;
	v11 =	vadd.f32 v48, v11;
	v32 =	vld.idx.msk [tilespmem:v58+s13+$0x0], $0xffff  }
0x461: {  	v17 =	vunpack.i.l.bf16.f32 v17;
	v21 =	vadd.f32 v25, v63;
	v10 =	vadd.f32 v10, v27;
	v50 =	vld.idx.msk [tilespmem:v45+s13+$0x0], $0xffff  }
0x462: {  	v22 =	vmul.f32 v49, v22;
	v51 =	vadd.f32 v36, v19;
	v11 =	vadd.f32 v26, v11;
	v34 =	vld.idx.msk [tilespmem:v45+s15+$0x0], $0xffff  }
0x463: {  	v17 =	vmul.f32 v17, v33;
	v13 =	vadd.f32 v13, v21;
	v10 =	vadd.f32 v12, v10;
	v53 =	vld.idx.msk [tilespmem:v9+s13+$0x0], $0xffff  }
0x464: {  	v14 =	vadd.f32 v14, v51;
	v11 =	vadd.f32 v15, v11;
	v54 =	vld.idx.msk [tilespmem:v44+s13+$0x0], $0xffff  }
0x465: {  	v55 =	vld.idx.msk [tilespmem:v43+s13+$0x0], $0xffff;
	v13 =	vadd.f32 v22, v13;
	v10 =	vadd.f32 v17, v10  }
0x466: {  	v56 =	vld.idx.msk [tilespmem:v43+s15+$0x0], $0xffff;
	v19 =	vunpack.i.u.bf16.f32 v60;
	v33 =	vunpack.i.l.bf16.f32 v60;
	v52 =	vunpack.i.u.bf16.f32 v62  }
0x467: {  	v58 =	vld.idx.msk [tilespmem:v40+s13+$0x0], $0xffff;
	v18 =	vunpack.i.l.bf16.f32 v46;
	v23 =	vunpack.i.l.bf16.f32 v62;
	v57 =	vunpack.i.l.bf16.f32 v32  }
0x468: {  	v47 =	vld.idx.msk [tilespmem:v42+s15+$0x0], $0xffff;
	v59 =	vunpack.i.u.bf16.f32 v50;
	v30 =	vunpack.i.l.bf16.f32 v50;
	v61 =	vunpack.i.u.bf16.f32 v34  }
0x469: {  	v38 =	vunpack.i.u.bf16.f32 v41;
	v63 =	vunpack.i.u.bf16.f32 v53;
	v24 =	vunpack.i.u.bf16.f32 v46  }
0x46a: {  	v43 =	vunpack.i.l.bf16.f32 v54;
	v44 =	vunpack.i.u.bf16.f32 v54;
	v45 =	vunpack.i.l.bf16.f32 v53  }
0x46b: {  	v46 =	vunpack.i.u.bf16.f32 v55;
	v16 =	vunpack.i.l.bf16.f32 v55;
	v48 =	vunpack.i.u.bf16.f32 v56  }
0x46c: {  	v60 =	vld.idx.msk [tilespmem:v37+s13+$0x0], $0xffff;
	v50 =	vunpack.i.l.bf16.f32 v58;
	v28 =	vunpack.i.l.bf16.f32 v56;
	v54 =	vunpack.i.l.bf16.f32 v41  }
0x46d: {  	v62 =	vld.idx.msk [tilespmem:v37+s15+$0x0], $0xffff;
	v55 =	vunpack.i.u.bf16.f32 v47;
	v31 =	vmul.f32 v61, v59;
	v23 =	vmul.f32 v23, v43  }
0x46e: {  	v32 =	vunpack.i.u.bf16.f32 v32;
	v15 =	vmul.f32 v52, v44;
	v53 =	vmul.f32 v33, v50  }
0x46f: {  	v56 =	vunpack.i.l.bf16.f32 v47;
	v16 =	vmul.f32 v28, v16;
	v12 =	vmul.f32 v48, v46  }
0x470: {  	v9 =	vld.idx.msk [tilespmem:v9+s15+$0x0], $0xffff;
	v52 =	vunpack.i.u.bf16.f32 v58;
	v58 =	vmul.f32 v55, v24;
	v59 =	vmul.f32 v56, v18  }
0x471: {  	v19 =	vmul.f32 v19, v52;
	v14 =	vadd.f32 v53, v14;
	v49 =	vunpack.i.l.bf16.f32 v60  }
0x472: {  	v26 =	vunpack.i.u.bf16.f32 v60;
	v51 =	vunpack.i.l.bf16.f32 v62;
	v22 =	vunpack.i.u.bf16.f32 v62  }
0x473: {  	v11 =	vadd.f32 v19, v11;
	v17 =	vmul.f32 v51, v49;
	v22 =	vmul.f32 v22, v26  }
0x474: {  	v14 =	vadd.f32 v16, v14;
	v60 =	vunpack.i.l.bf16.f32 v34;
	v26 =	vmul.f32 v54, v57  }
0x475: {  	v57 =	vunpack.i.u.bf16.f32 v9;
	v13 =	vadd.f32 v22, v13;
	v10 =	vadd.f32 v17, v10  }
0x476: {  	v9 =	vunpack.i.l.bf16.f32 v9;
	v11 =	vadd.f32 v12, v11;
	v61 =	vmul.f32 v57, v63  }
0x477: {  	v17 =	vmul.f32 v60, v30;
	v13 =	vadd.f32 v58, v13;
	v10 =	vadd.f32 v59, v10  }
0x478: {  	v62 =	vadd.f32 v23, v14;
	v63 =	vmul.f32 v38, v32;
	v11 =	vadd.f32 v15, v11  }
0x479: {  	v9 =	vmul.f32 v9, v45;
	v13 =	vadd.f32 v31, v13;
	v10 =	vadd.f32 v17, v10  }
0x47a: {  	v12 =	vadd.f32 v26, v62;
	v11 =	vadd.f32 v63, v11  }
0x47b: {  	s0 =	sadd.s32 $0x25D0, s5;
	s4 =	sadd.s32 $0x1, s4;
	v13 =	vadd.f32 v61, v13;
	v9 =	vadd.f32 v9, v10  }
0x47c: {  	p0 =	sne.s32 s4, $0x5;
	v10 =	vor.u32 s0, v0  }
.Ltmp17:
0x47d: {  	v11 =	vadd.f32 v11, v12;
	v9 =	vadd.f32 v13, v9;
	(pc) =	sbr.rel @p0 .LBB2_33-.Ltmp17, $3  }
0x47e: {  	_ = 	snop  }
0x47f: {  	v9 =	vadd.f32 v11, v9;
	_ =	sdelay $0x1  }
0x480: {  	[tilespmem:v10+s16+$0x0] =	vst.idx.msk $0xffff, v9  }
0x481: {  	_ =	swait.ge [sflag:s22], $0x1680  }
0x482: {  	[sflag:s22] =	ssyncset.done $0x0  }
0x483: {  	[sflag:s22] =	ssyncadd.s32 $0xFFFFE980  }
0x484: {  	_ =	swait.ge [sflag:s24], $0x1680  }
0x485: {  	[sflag:s24] =	ssyncset.done $0x0  }
0x486: {  	s2 =	simm.s32 $0x0;
	s4 =	simm.s32 $0x0;
	[sflag:s24] =	ssyncadd.s32 $0xFFFFE980  }
.LBB2_37:
0x487: {  	s5 =	sshll.u32 s4, $0x4  }
0x488: {  	v10 =	vmov s2;
	v9 =	vmov s5  }
0x489: {  	v10 =	vshrl.u32 v10, $0x3;
	v9 =	vmul.u32 $0x48, v9  }
0x48a: {  	v10 =	vshll.u32 v10, $0x3  }
0x48b: {  	v10 =	vadd.s32 v9, v10  }
0x48c: {  	v10 =	vbroadcast v10, $0x0;
	_ =	sdelay $0x1  }
0x48d: {  	v11 =	vadd.s32 v2, v10  }
0x48e: {  	v12 =	vadd.s32 v6, v10  }
0x48f: {  	v13 =	vadd.s32 v3, v10  }
0x490: {  	v14 =	vadd.s32 v8, v10  }
0x491: {  	v15 =	vadd.s32 v5, v10  }
0x492: {  	v16 =	vld.idx.msk [tilespmem:v11+s19+$0x0], $0xffff  }
0x493: {  	v17 =	vld.idx.msk [tilespmem:v12+s19+$0x0], $0xffff  }
0x494: {  	v18 =	vadd.s32 v7, v10;
	v19 =	vld.idx.msk [tilespmem:v13+s17+$0x0], $0xffff  }
0x495: {  	v20 =	vld.idx.msk [tilespmem:v14+s17+$0x0], $0xffff  }
0x496: {  	v21 =	vadd.s32 v4, v10;
	v22 =	vld.idx.msk [tilespmem:v15+s17+$0x0], $0xffff  }
0x497: {  	v23 =	vld.idx.msk [tilespmem:v15+s19+$0x0], $0xffff  }
0x498: {  	v10 =	vadd.s32 v1, v10;
	v14 =	vld.idx.msk [tilespmem:v14+s19+$0x0], $0xffff  }
0x499: {  	v15 =	vld.idx.msk [tilespmem:v18+s17+$0x0], $0xffff  }
0x49a: {  	v12 =	vld.idx.msk [tilespmem:v12+s17+$0x0], $0xffff  }
0x49b: {  	s0 =	simm.s32 $0x8;
	v27 =	vld.idx.msk [tilespmem:v21+s17+$0x0], $0xffff  }
0x49c: {  	v33 =	vmov s0;
	v21 =	vld.idx.msk [tilespmem:v21+s19+$0x0], $0xffff  }
0x49d: {  	v24 =	vimm.f32 $0.0e+00;
	v33 =	vshrl.u32 v33, $0x3;
	v32 =	vld.idx.msk [tilespmem:v10+s17+$0x0], $0xffff  }
0x49e: {  	v33 =	vshll.u32 v33, $0x3;
	v11 =	vld.idx.msk [tilespmem:v11+s17+$0x0], $0xffff;
	v25 =	vunpack.i.u.bf16.f32 v16;
	v16 =	vunpack.i.l.bf16.f32 v16  }
0x49f: {  	v26 =	vunpack.i.u.bf16.f32 v17;
	v28 =	vunpack.i.l.bf16.f32 v19;
	v17 =	vunpack.i.l.bf16.f32 v17  }
0x4a0: {  	v29 =	vunpack.i.l.bf16.f32 v20;
	v30 =	vunpack.i.u.bf16.f32 v22;
	v31 =	vunpack.i.u.bf16.f32 v23  }
0x4a1: {  	v22 =	vunpack.i.l.bf16.f32 v22;
	v34 =	vunpack.i.u.bf16.f32 v14;
	v19 =	vunpack.i.u.bf16.f32 v19  }
0x4a2: {  	v35 =	vunpack.i.l.bf16.f32 v12;
	v12 =	vunpack.i.u.bf16.f32 v12;
	v36 =	vunpack.i.l.bf16.f32 v15  }
0x4a3: {  	v10 =	vld.idx.msk [tilespmem:v10+s19+$0x0], $0xffff;
	v57 =	vunpack.i.u.bf16.f32 v21;
	v37 =	vunpack.i.l.bf16.f32 v32;
	v38 =	vunpack.i.l.bf16.f32 v11  }
0x4a4: {  	v32 =	vunpack.i.u.bf16.f32 v32;
	v35 =	vmul.f32 v17, v35;
	v17 =	vadd.s32 v9, v33  }
0x4a5: {  	v21 =	vunpack.i.l.bf16.f32 v21;
	v11 =	vunpack.i.u.bf16.f32 v11;
	v17 =	vbroadcast v17, $0x0  }
0x4a6: {  	v13 =	vld.idx.msk [tilespmem:v13+s19+$0x0], $0xffff;
	v14 =	vunpack.i.l.bf16.f32 v14;
	v30 =	vmul.f32 v31, v30;
	v31 =	vunpack.i.u.bf16.f32 v15  }
0x4a7: {  	v15 =	vunpack.i.u.bf16.f32 v27;
	v27 =	vunpack.i.l.bf16.f32 v27;
	v41 =	vadd.s32 v2, v17  }
0x4a8: {  	v39 =	vmul.f32 v26, v12;
	v12 =	vunpack.i.l.bf16.f32 v10;
	v43 =	vadd.s32 v6, v17  }
0x4a9: {  	v16 =	vmul.f32 v16, v38;
	v10 =	vunpack.i.u.bf16.f32 v10;
	v45 =	vadd.s32 v3, v17  }
0x4aa: {  	v59 =	vmul.f32 v14, v29;
	v44 =	vmul.f32 v12, v37;
	v12 =	vld.idx.msk [tilespmem:v18+s19+$0x0], $0xffff;
	v18 =	vadd.s32 v8, v17  }
0x4ab: {  	v10 =	vmul.f32 v10, v32;
	v21 =	vmul.f32 v21, v27;
	v27 =	vunpack.i.u.bf16.f32 v13  }
0x4ac: {  	v13 =	vunpack.i.l.bf16.f32 v13;
	v16 =	vadd.f32 v16, v24;
	v26 =	vadd.s32 v5, v17;
	v58 =	vld.idx.msk [tilespmem:v41+s19+$0x0], $0xffff  }
0x4ad: {  	v47 =	vmul.f32 v57, v15;
	v19 =	vmul.f32 v27, v19;
	v40 =	vadd.s32 v1, v17;
	v60 =	vld.idx.msk [tilespmem:v43+s19+$0x0], $0xffff  }
0x4ae: {  	v42 =	vadd.s32 v4, v17;
	v17 =	vadd.s32 v7, v17;
	v16 =	vadd.f32 v21, v16;
	v46 =	vld.idx.msk [tilespmem:v45+s17+$0x0], $0xffff  }
0x4af: {  	v28 =	vmul.f32 v13, v28;
	v10 =	vadd.f32 v10, v24;
	v61 =	vadd.f32 v44, v24;
	v14 =	vld.idx.msk [tilespmem:v18+s19+$0x0], $0xffff  }
0x4b0: {  	v29 =	vunpack.i.u.bf16.f32 v12;
	v12 =	vunpack.i.l.bf16.f32 v12;
	v16 =	vadd.f32 v35, v16;
	v15 =	vld.idx.msk [tilespmem:v18+s17+$0x0], $0xffff  }
0x4b1: {  	v18 =	vmul.f32 v25, v11;
	v11 =	vunpack.i.l.bf16.f32 v23;
	v25 =	vmul.f32 v29, v31;
	v31 =	vld.idx.msk [tilespmem:v26+s17+$0x0], $0xffff  }
0x4b2: {  	v27 =	vmul.f32 v12, v36;
	v12 =	vld.idx.msk [tilespmem:v26+s19+$0x0], $0xffff;
	v29 =	vmul.f32 v11, v22;
	v22 =	vadd.f32 v19, v10  }
0x4b3: {  	v20 =	vunpack.i.u.bf16.f32 v20;
	v38 =	vadd.f32 v28, v61;
	v33 =	vld.idx.msk [tilespmem:v17+s17+$0x0], $0xffff;
	v18 =	vadd.f32 v18, v24  }
0x4b4: {  	v20 =	vmul.f32 v34, v20;
	v37 =	vld.idx.msk [tilespmem:v43+s17+$0x0], $0xffff;
	v19 =	vadd.f32 v59, v16;
	v22 =	vadd.f32 v30, v22  }
0x4b5: {  	v34 =	vld.idx.msk [tilespmem:v42+s17+$0x0], $0xffff;
	v13 =	vadd.f32 v47, v18;
	v11 =	vunpack.i.u.bf16.f32 v58;
	v21 =	vunpack.i.l.bf16.f32 v58  }
0x4b6: {  	v32 =	vld.idx.msk [tilespmem:v42+s19+$0x0], $0xffff;
	v26 =	vunpack.i.u.bf16.f32 v60;
	v10 =	vunpack.i.l.bf16.f32 v46;
	v36 =	vunpack.i.l.bf16.f32 v60  }
0x4b7: {  	v35 =	vld.idx.msk [tilespmem:v40+s17+$0x0], $0xffff;
	v23 =	vunpack.i.l.bf16.f32 v15;
	v62 =	vunpack.i.u.bf16.f32 v31;
	v18 =	vunpack.i.l.bf16.f32 v31  }
0x4b8: {  	v28 =	vld.idx.msk [tilespmem:v45+s19+$0x0], $0xffff;
	v16 =	vunpack.i.u.bf16.f32 v14;
	v24 =	vadd.f32 v25, v22;
	v63 =	vadd.f32 v39, v13  }
0x4b9: {  	v30 =	vld.idx.msk [tilespmem:v41+s17+$0x0], $0xffff;
	v22 =	vunpack.i.u.bf16.f32 v33;
	v25 =	vunpack.i.u.bf16.f32 v46;
	v13 =	vunpack.i.u.bf16.f32 v12  }
0x4ba: {  	s6 =	simm.s32 $0x10;
	s0 =	simm.s32 $0x18;
	v31 =	vld.idx.msk [tilespmem:v40+s19+$0x0], $0xffff;
	v39 =	vunpack.i.l.bf16.f32 v37;
	v13 =	vmul.f32 v13, v62;
	v20 =	vadd.f32 v20, v63  }
.LBB2_38:
0x4bb: {  	p0 =	sne.s32 s0, $0x38;
	v40 =	vmov s6;
	v37 =	vunpack.i.u.bf16.f32 v37;
	v33 =	vunpack.i.l.bf16.f32 v33;
	s6 =	smov.u32 s0;
	s0 =	sadd.s32 $0x8, s0  }
0x4bc: {  	v41 =	vunpack.i.u.bf16.f32 v34;
	v29 =	vadd.f32 v29, v38;
	v40 =	vshrl.u32 v40, $0x3  }
0x4bd: {  	v34 =	vunpack.i.l.bf16.f32 v34;
	v36 =	vmul.f32 v36, v39;
	v38 =	vshll.u32 v40, $0x3  }
0x4be: {  	v39 =	vunpack.i.u.bf16.f32 v32;
	v40 =	vadd.f32 v27, v29;
	v38 =	vadd.s32 v9, v38  }
0x4bf: {  	v29 =	vunpack.i.l.bf16.f32 v35;
	v27 =	vbroadcast v38, $0x0;
	v38 =	vunpack.i.l.bf16.f32 v30  }
0x4c0: {  	v32 =	vunpack.i.l.bf16.f32 v32;
	v42 =	vmul.f32 v26, v37;
	v35 =	vunpack.i.u.bf16.f32 v35  }
0x4c1: {  	v26 =	vunpack.i.l.bf16.f32 v31;
	v43 =	vadd.s32 v1, v27;
	v44 =	vadd.s32 v2, v27  }
0x4c2: {  	v46 =	vmul.f32 v26, v29;
	v45 =	vadd.s32 v4, v27;
	v37 =	vadd.s32 v6, v27;
	v26 =	vld.idx.msk [tilespmem:v17+s19+$0x0], $0xffff  }
0x4c3: {  	v29 =	vunpack.i.u.bf16.f32 v30;
	v21 =	vmul.f32 v21, v38;
	v47 =	vadd.s32 v3, v27  }
0x4c4: {  	v30 =	vadd.s32 v5, v27;
	v38 =	vadd.s32 v8, v27;
	v17 =	vunpack.i.u.bf16.f32 v31  }
0x4c5: {  	v14 =	vunpack.i.l.bf16.f32 v14;
	v32 =	vmul.f32 v32, v34;
	v31 =	vmul.f32 v17, v35  }
0x4c6: {  	v48 =	vunpack.i.u.bf16.f32 v15;
	v23 =	vmul.f32 v14, v23;
	v35 =	vunpack.i.u.bf16.f32 v28;
	v34 =	vld.idx.msk [tilespmem:v44+s19+$0x0], $0xffff  }
0x4c7: {  	v15 =	vadd.f32 v21, v19;
	v17 =	vadd.s32 v7, v27;
	v24 =	vadd.f32 v31, v24;
	v49 =	vld.idx.msk [tilespmem:v37+s19+$0x0], $0xffff  }
0x4c8: {  	v28 =	vunpack.i.l.bf16.f32 v28;
	v31 =	vmul.f32 v39, v41;
	v19 =	vunpack.i.u.bf16.f32 v26;
	v50 =	vld.idx.msk [tilespmem:v47+s17+$0x0], $0xffff  }
0x4c9: {  	v25 =	vmul.f32 v35, v25;
	v21 =	vadd.f32 v32, v15;
	v26 =	vunpack.i.l.bf16.f32 v26;
	v14 =	vld.idx.msk [tilespmem:v38+s19+$0x0], $0xffff  }
0x4ca: {  	v32 =	vmul.f32 v11, v29;
	v11 =	vunpack.i.l.bf16.f32 v12;
	v22 =	vmul.f32 v19, v22;
	v15 =	vld.idx.msk [tilespmem:v38+s17+$0x0], $0xffff  }
0x4cb: {  	v29 =	vmul.f32 v11, v18;
	v18 =	vadd.f32 v36, v21;
	v27 =	vmul.f32 v26, v33;
	v35 =	vld.idx.msk [tilespmem:v30+s17+$0x0], $0xffff  }
0x4cc: {  	v20 =	vadd.f32 v32, v20;
	v11 =	vunpack.i.u.bf16.f32 v34;
	v21 =	vunpack.i.l.bf16.f32 v34;
	v12 =	vld.idx.msk [tilespmem:v30+s19+$0x0], $0xffff  }
0x4cd: {  	v24 =	vadd.f32 v25, v24;
	v19 =	vadd.f32 v23, v18;
	v26 =	vunpack.i.u.bf16.f32 v49;
	v33 =	vld.idx.msk [tilespmem:v17+s17+$0x0], $0xffff  }
0x4ce: {  	v41 =	vmul.f32 v16, v48;
	v25 =	vmul.f32 v28, v10;
	v10 =	vunpack.i.l.bf16.f32 v50;
	v37 =	vld.idx.msk [tilespmem:v37+s17+$0x0], $0xffff  }
0x4cf: {  	v28 =	vadd.f32 v46, v40;
	v16 =	vadd.f32 v31, v20;
	v34 =	vld.idx.msk [tilespmem:v45+s17+$0x0], $0xffff  }
.Ltmp18:
0x4d0: {  	v13 =	vadd.f32 v13, v24;
	v36 =	vunpack.i.l.bf16.f32 v49;
	v23 =	vunpack.i.l.bf16.f32 v15;
	v32 =	vld.idx.msk [tilespmem:v45+s19+$0x0], $0xffff;
	(pc) =	sbr.rel @p0 .LBB2_38-.Ltmp18, $4  }
0x4d1: {  	v40 =	vadd.f32 v42, v16;
	v20 =	vunpack.i.u.bf16.f32 v35;
	v18 =	vunpack.i.l.bf16.f32 v35;
	v30 =	vld.idx.msk [tilespmem:v44+s17+$0x0], $0xffff  }
0x4d2: {  	v24 =	vadd.f32 v22, v13;
	v16 =	vunpack.i.u.bf16.f32 v14;
	v38 =	vunpack.i.u.bf16.f32 v12;
	v35 =	vld.idx.msk [tilespmem:v43+s17+$0x0], $0xffff  }
0x4d3: {  	v13 =	vmul.f32 v38, v20;
	v22 =	vunpack.i.u.bf16.f32 v33;
	v38 =	vadd.f32 v25, v28;
	v31 =	vld.idx.msk [tilespmem:v43+s19+$0x0], $0xffff  }
0x4d4: {  	v25 =	vunpack.i.u.bf16.f32 v50;
	v20 =	vadd.f32 v41, v40;
	v39 =	vunpack.i.l.bf16.f32 v37;
	v28 =	vld.idx.msk [tilespmem:v47+s19+$0x0], $0xffff  }
0x4d5: {  	v40 =	vmov s6  }
0x4d6: {  	v37 =	vunpack.i.u.bf16.f32 v37;
	v41 =	vunpack.i.u.bf16.f32 v34;
	v29 =	vadd.f32 v29, v38  }
0x4d7: {  	v51 =	vunpack.i.l.bf16.f32 v34;
	v36 =	vmul.f32 v36, v39;
	v52 =	vunpack.i.u.bf16.f32 v32  }
0x4d8: {  	v56 =	vunpack.i.l.bf16.f32 v32;
	v14 =	vunpack.i.l.bf16.f32 v14;
	v40 =	vshrl.u32 v40, $0x3  }
0x4d9: {  	v15 =	vunpack.i.u.bf16.f32 v15;
	v12 =	vunpack.i.l.bf16.f32 v12;
	v50 =	vshll.u32 v40, $0x3  }
0x4da: {  	v26 =	vmul.f32 v26, v37;
	v32 =	vmul.f32 v56, v51;
	v9 =	vadd.s32 v9, v50  }
0x4db: {  	v54 =	vunpack.i.l.bf16.f32 v30;
	v14 =	vmul.f32 v14, v23;
	v9 =	vbroadcast v9, $0x0  }
0x4dc: {  	v57 =	vunpack.i.u.bf16.f32 v30;
	v48 =	vmul.f32 v52, v41;
	v12 =	vmul.f32 v12, v18  }
0x4dd: {  	v15 =	vmul.f32 v16, v15;
	v27 =	vadd.f32 v27, v29;
	v40 =	vadd.s32 v2, v9  }
0x4de: {  	v53 =	vunpack.i.l.bf16.f32 v35;
	v42 =	vunpack.i.l.bf16.f32 v31;
	v44 =	vadd.s32 v6, v9  }
0x4df: {  	v55 =	vunpack.i.u.bf16.f32 v35;
	v29 =	vmul.f32 v42, v53;
	v42 =	vadd.s32 v3, v9  }
0x4e0: {  	v21 =	vmul.f32 v21, v54;
	v59 =	vunpack.i.u.bf16.f32 v31;
	v58 =	vadd.s32 v8, v9  }
0x4e1: {  	v33 =	vunpack.i.l.bf16.f32 v33;
	v17 =	vld.idx.msk [tilespmem:v17+s19+$0x0], $0xffff;
	v11 =	vmul.f32 v11, v57;
	v31 =	vmul.f32 v59, v55  }
0x4e2: {  	v61 =	vunpack.i.u.bf16.f32 v28;
	v19 =	vadd.f32 v21, v19;
	v45 =	vadd.s32 v5, v9;
	v60 =	vld.idx.msk [tilespmem:v40+s19+$0x0], $0xffff  }
0x4e3: {  	v47 =	vunpack.i.l.bf16.f32 v28;
	v11 =	vadd.f32 v11, v20;
	v25 =	vmul.f32 v61, v25;
	v62 =	vld.idx.msk [tilespmem:v44+s19+$0x0], $0xffff  }
0x4e4: {  	v37 =	vadd.s32 v1, v9;
	v43 =	vadd.s32 v4, v9;
	v9 =	vadd.s32 v7, v9;
	v46 =	vld.idx.msk [tilespmem:v42+s17+$0x0], $0xffff  }
0x4e5: {  	v10 =	vmul.f32 v47, v10;
	v63 =	vadd.f32 v31, v24;
	v27 =	vadd.f32 v29, v27;
	v41 =	vld.idx.msk [tilespmem:v58+s19+$0x0], $0xffff  }
0x4e6: {  	v49 =	vunpack.i.u.bf16.f32 v17;
	v19 =	vadd.f32 v32, v19;
	v11 =	vadd.f32 v48, v11;
	v32 =	vld.idx.msk [tilespmem:v58+s17+$0x0], $0xffff  }
0x4e7: {  	v17 =	vunpack.i.l.bf16.f32 v17;
	v21 =	vadd.f32 v25, v63;
	v10 =	vadd.f32 v10, v27;
	v50 =	vld.idx.msk [tilespmem:v45+s17+$0x0], $0xffff  }
0x4e8: {  	v22 =	vmul.f32 v49, v22;
	v51 =	vadd.f32 v36, v19;
	v11 =	vadd.f32 v26, v11;
	v34 =	vld.idx.msk [tilespmem:v45+s19+$0x0], $0xffff  }
0x4e9: {  	v17 =	vmul.f32 v17, v33;
	v13 =	vadd.f32 v13, v21;
	v10 =	vadd.f32 v12, v10;
	v53 =	vld.idx.msk [tilespmem:v9+s17+$0x0], $0xffff  }
0x4ea: {  	v14 =	vadd.f32 v14, v51;
	v11 =	vadd.f32 v15, v11;
	v54 =	vld.idx.msk [tilespmem:v44+s17+$0x0], $0xffff  }
0x4eb: {  	v55 =	vld.idx.msk [tilespmem:v43+s17+$0x0], $0xffff;
	v13 =	vadd.f32 v22, v13;
	v10 =	vadd.f32 v17, v10  }
0x4ec: {  	v56 =	vld.idx.msk [tilespmem:v43+s19+$0x0], $0xffff;
	v19 =	vunpack.i.u.bf16.f32 v60;
	v33 =	vunpack.i.l.bf16.f32 v60;
	v52 =	vunpack.i.u.bf16.f32 v62  }
0x4ed: {  	v58 =	vld.idx.msk [tilespmem:v40+s17+$0x0], $0xffff;
	v18 =	vunpack.i.l.bf16.f32 v46;
	v23 =	vunpack.i.l.bf16.f32 v62;
	v57 =	vunpack.i.l.bf16.f32 v32  }
0x4ee: {  	v47 =	vld.idx.msk [tilespmem:v42+s19+$0x0], $0xffff;
	v59 =	vunpack.i.u.bf16.f32 v50;
	v30 =	vunpack.i.l.bf16.f32 v50;
	v61 =	vunpack.i.u.bf16.f32 v34  }
0x4ef: {  	v38 =	vunpack.i.u.bf16.f32 v41;
	v63 =	vunpack.i.u.bf16.f32 v53;
	v24 =	vunpack.i.u.bf16.f32 v46  }
0x4f0: {  	v43 =	vunpack.i.l.bf16.f32 v54;
	v44 =	vunpack.i.u.bf16.f32 v54;
	v45 =	vunpack.i.l.bf16.f32 v53  }
0x4f1: {  	v46 =	vunpack.i.u.bf16.f32 v55;
	v16 =	vunpack.i.l.bf16.f32 v55;
	v48 =	vunpack.i.u.bf16.f32 v56  }
0x4f2: {  	v60 =	vld.idx.msk [tilespmem:v37+s17+$0x0], $0xffff;
	v50 =	vunpack.i.l.bf16.f32 v58;
	v28 =	vunpack.i.l.bf16.f32 v56;
	v54 =	vunpack.i.l.bf16.f32 v41  }
0x4f3: {  	v62 =	vld.idx.msk [tilespmem:v37+s19+$0x0], $0xffff;
	v55 =	vunpack.i.u.bf16.f32 v47;
	v31 =	vmul.f32 v61, v59;
	v23 =	vmul.f32 v23, v43  }
0x4f4: {  	v32 =	vunpack.i.u.bf16.f32 v32;
	v15 =	vmul.f32 v52, v44;
	v53 =	vmul.f32 v33, v50  }
0x4f5: {  	v56 =	vunpack.i.l.bf16.f32 v47;
	v16 =	vmul.f32 v28, v16;
	v12 =	vmul.f32 v48, v46  }
0x4f6: {  	v9 =	vld.idx.msk [tilespmem:v9+s19+$0x0], $0xffff;
	v52 =	vunpack.i.u.bf16.f32 v58;
	v58 =	vmul.f32 v55, v24;
	v59 =	vmul.f32 v56, v18  }
0x4f7: {  	v19 =	vmul.f32 v19, v52;
	v14 =	vadd.f32 v53, v14;
	v49 =	vunpack.i.l.bf16.f32 v60  }
0x4f8: {  	v26 =	vunpack.i.u.bf16.f32 v60;
	v51 =	vunpack.i.l.bf16.f32 v62;
	v22 =	vunpack.i.u.bf16.f32 v62  }
0x4f9: {  	v11 =	vadd.f32 v19, v11;
	v17 =	vmul.f32 v51, v49;
	v22 =	vmul.f32 v22, v26  }
0x4fa: {  	v14 =	vadd.f32 v16, v14;
	v60 =	vunpack.i.l.bf16.f32 v34;
	v26 =	vmul.f32 v54, v57  }
0x4fb: {  	v57 =	vunpack.i.u.bf16.f32 v9;
	v13 =	vadd.f32 v22, v13;
	v10 =	vadd.f32 v17, v10  }
0x4fc: {  	v9 =	vunpack.i.l.bf16.f32 v9;
	v11 =	vadd.f32 v12, v11;
	v61 =	vmul.f32 v57, v63  }
0x4fd: {  	v17 =	vmul.f32 v60, v30;
	v13 =	vadd.f32 v58, v13;
	v10 =	vadd.f32 v59, v10  }
0x4fe: {  	v62 =	vadd.f32 v23, v14;
	v63 =	vmul.f32 v38, v32;
	v11 =	vadd.f32 v15, v11  }
0x4ff: {  	v9 =	vmul.f32 v9, v45;
	v13 =	vadd.f32 v31, v13;
	v10 =	vadd.f32 v17, v10  }
0x500: {  	v12 =	vadd.f32 v26, v62;
	v11 =	vadd.f32 v63, v11  }
0x501: {  	s0 =	sadd.s32 $0x2620, s5;
	s4 =	sadd.s32 $0x1, s4;
	v13 =	vadd.f32 v61, v13;
	v9 =	vadd.f32 v9, v10  }
0x502: {  	p0 =	sne.s32 s4, $0x5;
	v10 =	vor.u32 s0, v0  }
.Ltmp19:
0x503: {  	v11 =	vadd.f32 v11, v12;
	v9 =	vadd.f32 v13, v9;
	(pc) =	sbr.rel @p0 .LBB2_37-.Ltmp19, $3  }
0x504: {  	_ = 	snop  }
0x505: {  	v9 =	vadd.f32 v11, v9;
	_ =	sdelay $0x1  }
0x506: {  	[tilespmem:v10+s16+$0x0] =	vst.idx.msk $0xffff, v9  }
0x507: {  	_ =	swait.ge [sflag:s26], $0x1680  }
0x508: {  	[sflag:s26] =	ssyncset.done $0x0  }
0x509: {  	[sflag:s26] =	ssyncadd.s32 $0xFFFFE980  }
0x50a: {  	_ =	swait.ge [sflag:s29], $0x1680  }
0x50b: {  	[sflag:s29] =	ssyncset.done $0x0  }
0x50c: {  	s2 =	simm.s32 $0x0;
	s4 =	simm.s32 $0x0;
	[sflag:s29] =	ssyncadd.s32 $0xFFFFE980  }
.LBB2_41:
0x50d: {  	s5 =	sshll.u32 s4, $0x4  }
0x50e: {  	v10 =	vmov s2;
	v9 =	vmov s5  }
0x50f: {  	v10 =	vshrl.u32 v10, $0x3;
	v9 =	vmul.u32 $0x48, v9  }
0x510: {  	v10 =	vshll.u32 v10, $0x3  }
0x511: {  	v10 =	vadd.s32 v9, v10  }
0x512: {  	v10 =	vbroadcast v10, $0x0;
	_ =	sdelay $0x1  }
0x513: {  	v11 =	vadd.s32 v2, v10  }
0x514: {  	v12 =	vadd.s32 v6, v10  }
0x515: {  	v13 =	vadd.s32 v3, v10  }
0x516: {  	v14 =	vadd.s32 v8, v10  }
0x517: {  	v15 =	vadd.s32 v5, v10  }
0x518: {  	v16 =	vld.idx.msk [tilespmem:v11+s23+$0x0], $0xffff  }
0x519: {  	v17 =	vld.idx.msk [tilespmem:v12+s23+$0x0], $0xffff  }
0x51a: {  	v18 =	vadd.s32 v7, v10;
	v19 =	vld.idx.msk [tilespmem:v13+s21+$0x0], $0xffff  }
0x51b: {  	v20 =	vld.idx.msk [tilespmem:v14+s21+$0x0], $0xffff  }
0x51c: {  	v21 =	vadd.s32 v4, v10;
	v22 =	vld.idx.msk [tilespmem:v15+s21+$0x0], $0xffff  }
0x51d: {  	v23 =	vld.idx.msk [tilespmem:v15+s23+$0x0], $0xffff  }
0x51e: {  	v10 =	vadd.s32 v1, v10;
	v14 =	vld.idx.msk [tilespmem:v14+s23+$0x0], $0xffff  }
0x51f: {  	v15 =	vld.idx.msk [tilespmem:v18+s21+$0x0], $0xffff  }
0x520: {  	v12 =	vld.idx.msk [tilespmem:v12+s21+$0x0], $0xffff  }
0x521: {  	s0 =	simm.s32 $0x8;
	v27 =	vld.idx.msk [tilespmem:v21+s21+$0x0], $0xffff  }
0x522: {  	v33 =	vmov s0;
	v21 =	vld.idx.msk [tilespmem:v21+s23+$0x0], $0xffff  }
0x523: {  	v24 =	vimm.f32 $0.0e+00;
	v33 =	vshrl.u32 v33, $0x3;
	v32 =	vld.idx.msk [tilespmem:v10+s21+$0x0], $0xffff  }
0x524: {  	v33 =	vshll.u32 v33, $0x3;
	v11 =	vld.idx.msk [tilespmem:v11+s21+$0x0], $0xffff;
	v25 =	vunpack.i.u.bf16.f32 v16;
	v16 =	vunpack.i.l.bf16.f32 v16  }
0x525: {  	v26 =	vunpack.i.u.bf16.f32 v17;
	v28 =	vunpack.i.l.bf16.f32 v19;
	v17 =	vunpack.i.l.bf16.f32 v17  }
0x526: {  	v29 =	vunpack.i.l.bf16.f32 v20;
	v30 =	vunpack.i.u.bf16.f32 v22;
	v31 =	vunpack.i.u.bf16.f32 v23  }
0x527: {  	v22 =	vunpack.i.l.bf16.f32 v22;
	v34 =	vunpack.i.u.bf16.f32 v14;
	v19 =	vunpack.i.u.bf16.f32 v19  }
0x528: {  	v35 =	vunpack.i.l.bf16.f32 v12;
	v12 =	vunpack.i.u.bf16.f32 v12;
	v36 =	vunpack.i.l.bf16.f32 v15  }
0x529: {  	v10 =	vld.idx.msk [tilespmem:v10+s23+$0x0], $0xffff;
	v57 =	vunpack.i.u.bf16.f32 v21;
	v37 =	vunpack.i.l.bf16.f32 v32;
	v38 =	vunpack.i.l.bf16.f32 v11  }
0x52a: {  	v32 =	vunpack.i.u.bf16.f32 v32;
	v35 =	vmul.f32 v17, v35;
	v17 =	vadd.s32 v9, v33  }
0x52b: {  	v21 =	vunpack.i.l.bf16.f32 v21;
	v11 =	vunpack.i.u.bf16.f32 v11;
	v17 =	vbroadcast v17, $0x0  }
0x52c: {  	v13 =	vld.idx.msk [tilespmem:v13+s23+$0x0], $0xffff;
	v14 =	vunpack.i.l.bf16.f32 v14;
	v30 =	vmul.f32 v31, v30;
	v31 =	vunpack.i.u.bf16.f32 v15  }
0x52d: {  	v15 =	vunpack.i.u.bf16.f32 v27;
	v27 =	vunpack.i.l.bf16.f32 v27;
	v41 =	vadd.s32 v2, v17  }
0x52e: {  	v39 =	vmul.f32 v26, v12;
	v12 =	vunpack.i.l.bf16.f32 v10;
	v43 =	vadd.s32 v6, v17  }
0x52f: {  	v16 =	vmul.f32 v16, v38;
	v10 =	vunpack.i.u.bf16.f32 v10;
	v45 =	vadd.s32 v3, v17  }
0x530: {  	v59 =	vmul.f32 v14, v29;
	v44 =	vmul.f32 v12, v37;
	v12 =	vld.idx.msk [tilespmem:v18+s23+$0x0], $0xffff;
	v18 =	vadd.s32 v8, v17  }
0x531: {  	v10 =	vmul.f32 v10, v32;
	v21 =	vmul.f32 v21, v27;
	v27 =	vunpack.i.u.bf16.f32 v13  }
0x532: {  	v13 =	vunpack.i.l.bf16.f32 v13;
	v16 =	vadd.f32 v16, v24;
	v26 =	vadd.s32 v5, v17;
	v58 =	vld.idx.msk [tilespmem:v41+s23+$0x0], $0xffff  }
0x533: {  	v47 =	vmul.f32 v57, v15;
	v19 =	vmul.f32 v27, v19;
	v40 =	vadd.s32 v1, v17;
	v60 =	vld.idx.msk [tilespmem:v43+s23+$0x0], $0xffff  }
0x534: {  	v42 =	vadd.s32 v4, v17;
	v17 =	vadd.s32 v7, v17;
	v16 =	vadd.f32 v21, v16;
	v46 =	vld.idx.msk [tilespmem:v45+s21+$0x0], $0xffff  }
0x535: {  	v28 =	vmul.f32 v13, v28;
	v10 =	vadd.f32 v10, v24;
	v61 =	vadd.f32 v44, v24;
	v14 =	vld.idx.msk [tilespmem:v18+s23+$0x0], $0xffff  }
0x536: {  	v29 =	vunpack.i.u.bf16.f32 v12;
	v12 =	vunpack.i.l.bf16.f32 v12;
	v16 =	vadd.f32 v35, v16;
	v15 =	vld.idx.msk [tilespmem:v18+s21+$0x0], $0xffff  }
0x537: {  	v18 =	vmul.f32 v25, v11;
	v11 =	vunpack.i.l.bf16.f32 v23;
	v25 =	vmul.f32 v29, v31;
	v31 =	vld.idx.msk [tilespmem:v26+s21+$0x0], $0xffff  }
0x538: {  	v27 =	vmul.f32 v12, v36;
	v12 =	vld.idx.msk [tilespmem:v26+s23+$0x0], $0xffff;
	v29 =	vmul.f32 v11, v22;
	v22 =	vadd.f32 v19, v10  }
0x539: {  	v20 =	vunpack.i.u.bf16.f32 v20;
	v38 =	vadd.f32 v28, v61;
	v33 =	vld.idx.msk [tilespmem:v17+s21+$0x0], $0xffff;
	v18 =	vadd.f32 v18, v24  }
0x53a: {  	v20 =	vmul.f32 v34, v20;
	v37 =	vld.idx.msk [tilespmem:v43+s21+$0x0], $0xffff;
	v19 =	vadd.f32 v59, v16;
	v22 =	vadd.f32 v30, v22  }
0x53b: {  	v34 =	vld.idx.msk [tilespmem:v42+s21+$0x0], $0xffff;
	v13 =	vadd.f32 v47, v18;
	v11 =	vunpack.i.u.bf16.f32 v58;
	v21 =	vunpack.i.l.bf16.f32 v58  }
0x53c: {  	v32 =	vld.idx.msk [tilespmem:v42+s23+$0x0], $0xffff;
	v26 =	vunpack.i.u.bf16.f32 v60;
	v10 =	vunpack.i.l.bf16.f32 v46;
	v36 =	vunpack.i.l.bf16.f32 v60  }
0x53d: {  	v35 =	vld.idx.msk [tilespmem:v40+s21+$0x0], $0xffff;
	v23 =	vunpack.i.l.bf16.f32 v15;
	v62 =	vunpack.i.u.bf16.f32 v31;
	v18 =	vunpack.i.l.bf16.f32 v31  }
0x53e: {  	v28 =	vld.idx.msk [tilespmem:v45+s23+$0x0], $0xffff;
	v16 =	vunpack.i.u.bf16.f32 v14;
	v24 =	vadd.f32 v25, v22;
	v63 =	vadd.f32 v39, v13  }
0x53f: {  	v30 =	vld.idx.msk [tilespmem:v41+s21+$0x0], $0xffff;
	v22 =	vunpack.i.u.bf16.f32 v33;
	v25 =	vunpack.i.u.bf16.f32 v46;
	v13 =	vunpack.i.u.bf16.f32 v12  }
0x540: {  	s6 =	simm.s32 $0x10;
	s0 =	simm.s32 $0x18;
	v31 =	vld.idx.msk [tilespmem:v40+s23+$0x0], $0xffff;
	v39 =	vunpack.i.l.bf16.f32 v37;
	v13 =	vmul.f32 v13, v62;
	v20 =	vadd.f32 v20, v63  }
.LBB2_42:
0x541: {  	p0 =	sne.s32 s0, $0x38;
	v40 =	vmov s6;
	v37 =	vunpack.i.u.bf16.f32 v37;
	v33 =	vunpack.i.l.bf16.f32 v33;
	s6 =	smov.u32 s0;
	s0 =	sadd.s32 $0x8, s0  }
0x542: {  	v41 =	vunpack.i.u.bf16.f32 v34;
	v29 =	vadd.f32 v29, v38;
	v40 =	vshrl.u32 v40, $0x3  }
0x543: {  	v34 =	vunpack.i.l.bf16.f32 v34;
	v36 =	vmul.f32 v36, v39;
	v38 =	vshll.u32 v40, $0x3  }
0x544: {  	v39 =	vunpack.i.u.bf16.f32 v32;
	v40 =	vadd.f32 v27, v29;
	v38 =	vadd.s32 v9, v38  }
0x545: {  	v29 =	vunpack.i.l.bf16.f32 v35;
	v27 =	vbroadcast v38, $0x0;
	v38 =	vunpack.i.l.bf16.f32 v30  }
0x546: {  	v32 =	vunpack.i.l.bf16.f32 v32;
	v42 =	vmul.f32 v26, v37;
	v35 =	vunpack.i.u.bf16.f32 v35  }
0x547: {  	v26 =	vunpack.i.l.bf16.f32 v31;
	v43 =	vadd.s32 v1, v27;
	v44 =	vadd.s32 v2, v27  }
0x548: {  	v46 =	vmul.f32 v26, v29;
	v45 =	vadd.s32 v4, v27;
	v37 =	vadd.s32 v6, v27;
	v26 =	vld.idx.msk [tilespmem:v17+s23+$0x0], $0xffff  }
0x549: {  	v29 =	vunpack.i.u.bf16.f32 v30;
	v21 =	vmul.f32 v21, v38;
	v47 =	vadd.s32 v3, v27  }
0x54a: {  	v30 =	vadd.s32 v5, v27;
	v38 =	vadd.s32 v8, v27;
	v17 =	vunpack.i.u.bf16.f32 v31  }
0x54b: {  	v14 =	vunpack.i.l.bf16.f32 v14;
	v32 =	vmul.f32 v32, v34;
	v31 =	vmul.f32 v17, v35  }
0x54c: {  	v48 =	vunpack.i.u.bf16.f32 v15;
	v23 =	vmul.f32 v14, v23;
	v35 =	vunpack.i.u.bf16.f32 v28;
	v34 =	vld.idx.msk [tilespmem:v44+s23+$0x0], $0xffff  }
0x54d: {  	v15 =	vadd.f32 v21, v19;
	v17 =	vadd.s32 v7, v27;
	v24 =	vadd.f32 v31, v24;
	v49 =	vld.idx.msk [tilespmem:v37+s23+$0x0], $0xffff  }
0x54e: {  	v28 =	vunpack.i.l.bf16.f32 v28;
	v31 =	vmul.f32 v39, v41;
	v19 =	vunpack.i.u.bf16.f32 v26;
	v50 =	vld.idx.msk [tilespmem:v47+s21+$0x0], $0xffff  }
0x54f: {  	v25 =	vmul.f32 v35, v25;
	v21 =	vadd.f32 v32, v15;
	v26 =	vunpack.i.l.bf16.f32 v26;
	v14 =	vld.idx.msk [tilespmem:v38+s23+$0x0], $0xffff  }
0x550: {  	v32 =	vmul.f32 v11, v29;
	v11 =	vunpack.i.l.bf16.f32 v12;
	v22 =	vmul.f32 v19, v22;
	v15 =	vld.idx.msk [tilespmem:v38+s21+$0x0], $0xffff  }
0x551: {  	v29 =	vmul.f32 v11, v18;
	v18 =	vadd.f32 v36, v21;
	v27 =	vmul.f32 v26, v33;
	v35 =	vld.idx.msk [tilespmem:v30+s21+$0x0], $0xffff  }
0x552: {  	v20 =	vadd.f32 v32, v20;
	v11 =	vunpack.i.u.bf16.f32 v34;
	v21 =	vunpack.i.l.bf16.f32 v34;
	v12 =	vld.idx.msk [tilespmem:v30+s23+$0x0], $0xffff  }
0x553: {  	v24 =	vadd.f32 v25, v24;
	v19 =	vadd.f32 v23, v18;
	v26 =	vunpack.i.u.bf16.f32 v49;
	v33 =	vld.idx.msk [tilespmem:v17+s21+$0x0], $0xffff  }
0x554: {  	v41 =	vmul.f32 v16, v48;
	v25 =	vmul.f32 v28, v10;
	v10 =	vunpack.i.l.bf16.f32 v50;
	v37 =	vld.idx.msk [tilespmem:v37+s21+$0x0], $0xffff  }
0x555: {  	v28 =	vadd.f32 v46, v40;
	v16 =	vadd.f32 v31, v20;
	v34 =	vld.idx.msk [tilespmem:v45+s21+$0x0], $0xffff  }
.Ltmp20:
0x556: {  	v13 =	vadd.f32 v13, v24;
	v36 =	vunpack.i.l.bf16.f32 v49;
	v23 =	vunpack.i.l.bf16.f32 v15;
	v32 =	vld.idx.msk [tilespmem:v45+s23+$0x0], $0xffff;
	(pc) =	sbr.rel @p0 .LBB2_42-.Ltmp20, $4  }
0x557: {  	v40 =	vadd.f32 v42, v16;
	v20 =	vunpack.i.u.bf16.f32 v35;
	v18 =	vunpack.i.l.bf16.f32 v35;
	v30 =	vld.idx.msk [tilespmem:v44+s21+$0x0], $0xffff  }
0x558: {  	v24 =	vadd.f32 v22, v13;
	v16 =	vunpack.i.u.bf16.f32 v14;
	v38 =	vunpack.i.u.bf16.f32 v12;
	v35 =	vld.idx.msk [tilespmem:v43+s21+$0x0], $0xffff  }
0x559: {  	v13 =	vmul.f32 v38, v20;
	v22 =	vunpack.i.u.bf16.f32 v33;
	v38 =	vadd.f32 v25, v28;
	v31 =	vld.idx.msk [tilespmem:v43+s23+$0x0], $0xffff  }
0x55a: {  	v25 =	vunpack.i.u.bf16.f32 v50;
	v20 =	vadd.f32 v41, v40;
	v39 =	vunpack.i.l.bf16.f32 v37;
	v28 =	vld.idx.msk [tilespmem:v47+s23+$0x0], $0xffff  }
0x55b: {  	v40 =	vmov s6  }
0x55c: {  	v37 =	vunpack.i.u.bf16.f32 v37;
	v41 =	vunpack.i.u.bf16.f32 v34;
	v29 =	vadd.f32 v29, v38  }
0x55d: {  	v51 =	vunpack.i.l.bf16.f32 v34;
	v36 =	vmul.f32 v36, v39;
	v52 =	vunpack.i.u.bf16.f32 v32  }
0x55e: {  	v56 =	vunpack.i.l.bf16.f32 v32;
	v14 =	vunpack.i.l.bf16.f32 v14;
	v40 =	vshrl.u32 v40, $0x3  }
0x55f: {  	v15 =	vunpack.i.u.bf16.f32 v15;
	v12 =	vunpack.i.l.bf16.f32 v12;
	v50 =	vshll.u32 v40, $0x3  }
0x560: {  	v26 =	vmul.f32 v26, v37;
	v32 =	vmul.f32 v56, v51;
	v9 =	vadd.s32 v9, v50  }
0x561: {  	v54 =	vunpack.i.l.bf16.f32 v30;
	v14 =	vmul.f32 v14, v23;
	v9 =	vbroadcast v9, $0x0  }
0x562: {  	v57 =	vunpack.i.u.bf16.f32 v30;
	v48 =	vmul.f32 v52, v41;
	v12 =	vmul.f32 v12, v18  }
0x563: {  	v15 =	vmul.f32 v16, v15;
	v27 =	vadd.f32 v27, v29;
	v40 =	vadd.s32 v2, v9  }
0x564: {  	v53 =	vunpack.i.l.bf16.f32 v35;
	v42 =	vunpack.i.l.bf16.f32 v31;
	v44 =	vadd.s32 v6, v9  }
0x565: {  	v55 =	vunpack.i.u.bf16.f32 v35;
	v29 =	vmul.f32 v42, v53;
	v42 =	vadd.s32 v3, v9  }
0x566: {  	v21 =	vmul.f32 v21, v54;
	v59 =	vunpack.i.u.bf16.f32 v31;
	v58 =	vadd.s32 v8, v9  }
0x567: {  	v33 =	vunpack.i.l.bf16.f32 v33;
	v17 =	vld.idx.msk [tilespmem:v17+s23+$0x0], $0xffff;
	v11 =	vmul.f32 v11, v57;
	v31 =	vmul.f32 v59, v55  }
0x568: {  	v61 =	vunpack.i.u.bf16.f32 v28;
	v19 =	vadd.f32 v21, v19;
	v45 =	vadd.s32 v5, v9;
	v60 =	vld.idx.msk [tilespmem:v40+s23+$0x0], $0xffff  }
0x569: {  	v47 =	vunpack.i.l.bf16.f32 v28;
	v11 =	vadd.f32 v11, v20;
	v25 =	vmul.f32 v61, v25;
	v62 =	vld.idx.msk [tilespmem:v44+s23+$0x0], $0xffff  }
0x56a: {  	v37 =	vadd.s32 v1, v9;
	v43 =	vadd.s32 v4, v9;
	v9 =	vadd.s32 v7, v9;
	v46 =	vld.idx.msk [tilespmem:v42+s21+$0x0], $0xffff  }
0x56b: {  	v10 =	vmul.f32 v47, v10;
	v63 =	vadd.f32 v31, v24;
	v27 =	vadd.f32 v29, v27;
	v41 =	vld.idx.msk [tilespmem:v58+s23+$0x0], $0xffff  }
0x56c: {  	v49 =	vunpack.i.u.bf16.f32 v17;
	v19 =	vadd.f32 v32, v19;
	v11 =	vadd.f32 v48, v11;
	v32 =	vld.idx.msk [tilespmem:v58+s21+$0x0], $0xffff  }
0x56d: {  	v17 =	vunpack.i.l.bf16.f32 v17;
	v21 =	vadd.f32 v25, v63;
	v10 =	vadd.f32 v10, v27;
	v50 =	vld.idx.msk [tilespmem:v45+s21+$0x0], $0xffff  }
0x56e: {  	v22 =	vmul.f32 v49, v22;
	v51 =	vadd.f32 v36, v19;
	v11 =	vadd.f32 v26, v11;
	v34 =	vld.idx.msk [tilespmem:v45+s23+$0x0], $0xffff  }
0x56f: {  	v17 =	vmul.f32 v17, v33;
	v13 =	vadd.f32 v13, v21;
	v10 =	vadd.f32 v12, v10;
	v53 =	vld.idx.msk [tilespmem:v9+s21+$0x0], $0xffff  }
0x570: {  	v14 =	vadd.f32 v14, v51;
	v11 =	vadd.f32 v15, v11;
	v54 =	vld.idx.msk [tilespmem:v44+s21+$0x0], $0xffff  }
0x571: {  	v55 =	vld.idx.msk [tilespmem:v43+s21+$0x0], $0xffff;
	v13 =	vadd.f32 v22, v13;
	v10 =	vadd.f32 v17, v10  }
0x572: {  	v56 =	vld.idx.msk [tilespmem:v43+s23+$0x0], $0xffff;
	v19 =	vunpack.i.u.bf16.f32 v60;
	v33 =	vunpack.i.l.bf16.f32 v60;
	v52 =	vunpack.i.u.bf16.f32 v62  }
0x573: {  	v58 =	vld.idx.msk [tilespmem:v40+s21+$0x0], $0xffff;
	v18 =	vunpack.i.l.bf16.f32 v46;
	v23 =	vunpack.i.l.bf16.f32 v62;
	v57 =	vunpack.i.l.bf16.f32 v32  }
0x574: {  	v47 =	vld.idx.msk [tilespmem:v42+s23+$0x0], $0xffff;
	v59 =	vunpack.i.u.bf16.f32 v50;
	v30 =	vunpack.i.l.bf16.f32 v50;
	v61 =	vunpack.i.u.bf16.f32 v34  }
0x575: {  	v38 =	vunpack.i.u.bf16.f32 v41;
	v63 =	vunpack.i.u.bf16.f32 v53;
	v24 =	vunpack.i.u.bf16.f32 v46  }
0x576: {  	v43 =	vunpack.i.l.bf16.f32 v54;
	v44 =	vunpack.i.u.bf16.f32 v54;
	v45 =	vunpack.i.l.bf16.f32 v53  }
0x577: {  	v46 =	vunpack.i.u.bf16.f32 v55;
	v16 =	vunpack.i.l.bf16.f32 v55;
	v48 =	vunpack.i.u.bf16.f32 v56  }
0x578: {  	v60 =	vld.idx.msk [tilespmem:v37+s21+$0x0], $0xffff;
	v50 =	vunpack.i.l.bf16.f32 v58;
	v28 =	vunpack.i.l.bf16.f32 v56;
	v54 =	vunpack.i.l.bf16.f32 v41  }
0x579: {  	v62 =	vld.idx.msk [tilespmem:v37+s23+$0x0], $0xffff;
	v55 =	vunpack.i.u.bf16.f32 v47;
	v31 =	vmul.f32 v61, v59;
	v23 =	vmul.f32 v23, v43  }
0x57a: {  	v32 =	vunpack.i.u.bf16.f32 v32;
	v15 =	vmul.f32 v52, v44;
	v53 =	vmul.f32 v33, v50  }
0x57b: {  	v56 =	vunpack.i.l.bf16.f32 v47;
	v16 =	vmul.f32 v28, v16;
	v12 =	vmul.f32 v48, v46  }
0x57c: {  	v9 =	vld.idx.msk [tilespmem:v9+s23+$0x0], $0xffff;
	v52 =	vunpack.i.u.bf16.f32 v58;
	v58 =	vmul.f32 v55, v24;
	v59 =	vmul.f32 v56, v18  }
0x57d: {  	v19 =	vmul.f32 v19, v52;
	v14 =	vadd.f32 v53, v14;
	v49 =	vunpack.i.l.bf16.f32 v60  }
0x57e: {  	v26 =	vunpack.i.u.bf16.f32 v60;
	v51 =	vunpack.i.l.bf16.f32 v62;
	v22 =	vunpack.i.u.bf16.f32 v62  }
0x57f: {  	v11 =	vadd.f32 v19, v11;
	v17 =	vmul.f32 v51, v49;
	v22 =	vmul.f32 v22, v26  }
0x580: {  	v14 =	vadd.f32 v16, v14;
	v60 =	vunpack.i.l.bf16.f32 v34;
	v26 =	vmul.f32 v54, v57  }
0x581: {  	v57 =	vunpack.i.u.bf16.f32 v9;
	v13 =	vadd.f32 v22, v13;
	v10 =	vadd.f32 v17, v10  }
0x582: {  	v9 =	vunpack.i.l.bf16.f32 v9;
	v11 =	vadd.f32 v12, v11;
	v61 =	vmul.f32 v57, v63  }
0x583: {  	v17 =	vmul.f32 v60, v30;
	v13 =	vadd.f32 v58, v13;
	v10 =	vadd.f32 v59, v10  }
0x584: {  	v62 =	vadd.f32 v23, v14;
	v63 =	vmul.f32 v38, v32;
	v11 =	vadd.f32 v15, v11  }
0x585: {  	v9 =	vmul.f32 v9, v45;
	v13 =	vadd.f32 v31, v13;
	v10 =	vadd.f32 v17, v10  }
0x586: {  	v12 =	vadd.f32 v26, v62;
	v11 =	vadd.f32 v63, v11  }
0x587: {  	s0 =	sadd.s32 $0x2670, s5;
	s4 =	sadd.s32 $0x1, s4;
	v13 =	vadd.f32 v61, v13;
	v9 =	vadd.f32 v9, v10  }
0x588: {  	p0 =	sne.s32 s4, $0x5;
	v10 =	vor.u32 s0, v0  }
.Ltmp21:
0x589: {  	v11 =	vadd.f32 v11, v12;
	v9 =	vadd.f32 v13, v9;
	(pc) =	sbr.rel @p0 .LBB2_41-.Ltmp21, $3  }
0x58a: {  	_ = 	snop  }
0x58b: {  	v9 =	vadd.f32 v11, v9;
	_ =	sdelay $0x1  }
0x58c: {  	[tilespmem:v10+s16+$0x0] =	vst.idx.msk $0xffff, v9  }
0x58d: {  	_ =	swait.ge [sflag:s31], $0x1680  }
0x58e: {  	[sflag:s31] =	ssyncset.done $0x0  }
0x58f: {  	[sflag:s31] =	ssyncadd.s32 $0xFFFFE980  }
0x590: {  	_ =	swait.ge [sflag:s9], $0x1680  }
0x591: {  	[sflag:s9] =	ssyncset.done $0x0  }
0x592: {  	s2 =	simm.s32 $0x0;
	s4 =	simm.s32 $0x0;
	[sflag:s9] =	ssyncadd.s32 $0xFFFFE980  }
.LBB2_45:
0x593: {  	s5 =	sshll.u32 s4, $0x4  }
0x594: {  	v10 =	vmov s2;
	v9 =	vmov s5  }
0x595: {  	v10 =	vshrl.u32 v10, $0x3;
	v9 =	vmul.u32 $0x48, v9  }
0x596: {  	v10 =	vshll.u32 v10, $0x3  }
0x597: {  	v10 =	vadd.s32 v9, v10  }
0x598: {  	v10 =	vbroadcast v10, $0x0;
	_ =	sdelay $0x1  }
0x599: {  	v11 =	vadd.s32 v2, v10  }
0x59a: {  	v12 =	vadd.s32 v6, v10  }
0x59b: {  	v13 =	vadd.s32 v3, v10  }
0x59c: {  	v14 =	vadd.s32 v8, v10  }
0x59d: {  	v15 =	vadd.s32 v5, v10  }
0x59e: {  	v16 =	vld.idx.msk [tilespmem:v11+s28+$0x0], $0xffff  }
0x59f: {  	v17 =	vld.idx.msk [tilespmem:v12+s28+$0x0], $0xffff  }
0x5a0: {  	v18 =	vadd.s32 v7, v10;
	v19 =	vld.idx.msk [tilespmem:v13+s25+$0x0], $0xffff  }
0x5a1: {  	v20 =	vld.idx.msk [tilespmem:v14+s25+$0x0], $0xffff  }
0x5a2: {  	v21 =	vadd.s32 v4, v10;
	v22 =	vld.idx.msk [tilespmem:v15+s25+$0x0], $0xffff  }
0x5a3: {  	v23 =	vld.idx.msk [tilespmem:v15+s28+$0x0], $0xffff  }
0x5a4: {  	v10 =	vadd.s32 v1, v10;
	v14 =	vld.idx.msk [tilespmem:v14+s28+$0x0], $0xffff  }
0x5a5: {  	v15 =	vld.idx.msk [tilespmem:v18+s25+$0x0], $0xffff  }
0x5a6: {  	v12 =	vld.idx.msk [tilespmem:v12+s25+$0x0], $0xffff  }
0x5a7: {  	s0 =	simm.s32 $0x8;
	v27 =	vld.idx.msk [tilespmem:v21+s25+$0x0], $0xffff  }
0x5a8: {  	v33 =	vmov s0;
	v21 =	vld.idx.msk [tilespmem:v21+s28+$0x0], $0xffff  }
0x5a9: {  	v24 =	vimm.f32 $0.0e+00;
	v33 =	vshrl.u32 v33, $0x3;
	v32 =	vld.idx.msk [tilespmem:v10+s25+$0x0], $0xffff  }
0x5aa: {  	v33 =	vshll.u32 v33, $0x3;
	v11 =	vld.idx.msk [tilespmem:v11+s25+$0x0], $0xffff;
	v25 =	vunpack.i.u.bf16.f32 v16;
	v16 =	vunpack.i.l.bf16.f32 v16  }
0x5ab: {  	v26 =	vunpack.i.u.bf16.f32 v17;
	v28 =	vunpack.i.l.bf16.f32 v19;
	v17 =	vunpack.i.l.bf16.f32 v17  }
0x5ac: {  	v29 =	vunpack.i.l.bf16.f32 v20;
	v30 =	vunpack.i.u.bf16.f32 v22;
	v31 =	vunpack.i.u.bf16.f32 v23  }
0x5ad: {  	v22 =	vunpack.i.l.bf16.f32 v22;
	v34 =	vunpack.i.u.bf16.f32 v14;
	v19 =	vunpack.i.u.bf16.f32 v19  }
0x5ae: {  	v35 =	vunpack.i.l.bf16.f32 v12;
	v12 =	vunpack.i.u.bf16.f32 v12;
	v36 =	vunpack.i.l.bf16.f32 v15  }
0x5af: {  	v10 =	vld.idx.msk [tilespmem:v10+s28+$0x0], $0xffff;
	v57 =	vunpack.i.u.bf16.f32 v21;
	v37 =	vunpack.i.l.bf16.f32 v32;
	v38 =	vunpack.i.l.bf16.f32 v11  }
0x5b0: {  	v32 =	vunpack.i.u.bf16.f32 v32;
	v35 =	vmul.f32 v17, v35;
	v17 =	vadd.s32 v9, v33  }
0x5b1: {  	v21 =	vunpack.i.l.bf16.f32 v21;
	v11 =	vunpack.i.u.bf16.f32 v11;
	v17 =	vbroadcast v17, $0x0  }
0x5b2: {  	v13 =	vld.idx.msk [tilespmem:v13+s28+$0x0], $0xffff;
	v14 =	vunpack.i.l.bf16.f32 v14;
	v30 =	vmul.f32 v31, v30;
	v31 =	vunpack.i.u.bf16.f32 v15  }
0x5b3: {  	v15 =	vunpack.i.u.bf16.f32 v27;
	v27 =	vunpack.i.l.bf16.f32 v27;
	v41 =	vadd.s32 v2, v17  }
0x5b4: {  	v39 =	vmul.f32 v26, v12;
	v12 =	vunpack.i.l.bf16.f32 v10;
	v43 =	vadd.s32 v6, v17  }
0x5b5: {  	v16 =	vmul.f32 v16, v38;
	v10 =	vunpack.i.u.bf16.f32 v10;
	v45 =	vadd.s32 v3, v17  }
0x5b6: {  	v59 =	vmul.f32 v14, v29;
	v44 =	vmul.f32 v12, v37;
	v12 =	vld.idx.msk [tilespmem:v18+s28+$0x0], $0xffff;
	v18 =	vadd.s32 v8, v17  }
0x5b7: {  	v10 =	vmul.f32 v10, v32;
	v21 =	vmul.f32 v21, v27;
	v27 =	vunpack.i.u.bf16.f32 v13  }
0x5b8: {  	v13 =	vunpack.i.l.bf16.f32 v13;
	v16 =	vadd.f32 v16, v24;
	v26 =	vadd.s32 v5, v17;
	v58 =	vld.idx.msk [tilespmem:v41+s28+$0x0], $0xffff  }
0x5b9: {  	v47 =	vmul.f32 v57, v15;
	v19 =	vmul.f32 v27, v19;
	v40 =	vadd.s32 v1, v17;
	v60 =	vld.idx.msk [tilespmem:v43+s28+$0x0], $0xffff  }
0x5ba: {  	v42 =	vadd.s32 v4, v17;
	v17 =	vadd.s32 v7, v17;
	v16 =	vadd.f32 v21, v16;
	v46 =	vld.idx.msk [tilespmem:v45+s25+$0x0], $0xffff  }
0x5bb: {  	v28 =	vmul.f32 v13, v28;
	v10 =	vadd.f32 v10, v24;
	v61 =	vadd.f32 v44, v24;
	v14 =	vld.idx.msk [tilespmem:v18+s28+$0x0], $0xffff  }
0x5bc: {  	v29 =	vunpack.i.u.bf16.f32 v12;
	v12 =	vunpack.i.l.bf16.f32 v12;
	v16 =	vadd.f32 v35, v16;
	v15 =	vld.idx.msk [tilespmem:v18+s25+$0x0], $0xffff  }
0x5bd: {  	v18 =	vmul.f32 v25, v11;
	v11 =	vunpack.i.l.bf16.f32 v23;
	v25 =	vmul.f32 v29, v31;
	v31 =	vld.idx.msk [tilespmem:v26+s25+$0x0], $0xffff  }
0x5be: {  	v27 =	vmul.f32 v12, v36;
	v12 =	vld.idx.msk [tilespmem:v26+s28+$0x0], $0xffff;
	v29 =	vmul.f32 v11, v22;
	v22 =	vadd.f32 v19, v10  }
0x5bf: {  	v20 =	vunpack.i.u.bf16.f32 v20;
	v38 =	vadd.f32 v28, v61;
	v33 =	vld.idx.msk [tilespmem:v17+s25+$0x0], $0xffff;
	v18 =	vadd.f32 v18, v24  }
0x5c0: {  	v20 =	vmul.f32 v34, v20;
	v37 =	vld.idx.msk [tilespmem:v43+s25+$0x0], $0xffff;
	v19 =	vadd.f32 v59, v16;
	v22 =	vadd.f32 v30, v22  }
0x5c1: {  	v34 =	vld.idx.msk [tilespmem:v42+s25+$0x0], $0xffff;
	v13 =	vadd.f32 v47, v18;
	v11 =	vunpack.i.u.bf16.f32 v58;
	v21 =	vunpack.i.l.bf16.f32 v58  }
0x5c2: {  	v32 =	vld.idx.msk [tilespmem:v42+s28+$0x0], $0xffff;
	v26 =	vunpack.i.u.bf16.f32 v60;
	v10 =	vunpack.i.l.bf16.f32 v46;
	v36 =	vunpack.i.l.bf16.f32 v60  }
0x5c3: {  	v35 =	vld.idx.msk [tilespmem:v40+s25+$0x0], $0xffff;
	v23 =	vunpack.i.l.bf16.f32 v15;
	v62 =	vunpack.i.u.bf16.f32 v31;
	v18 =	vunpack.i.l.bf16.f32 v31  }
0x5c4: {  	v28 =	vld.idx.msk [tilespmem:v45+s28+$0x0], $0xffff;
	v16 =	vunpack.i.u.bf16.f32 v14;
	v24 =	vadd.f32 v25, v22;
	v63 =	vadd.f32 v39, v13  }
0x5c5: {  	v30 =	vld.idx.msk [tilespmem:v41+s25+$0x0], $0xffff;
	v22 =	vunpack.i.u.bf16.f32 v33;
	v25 =	vunpack.i.u.bf16.f32 v46;
	v13 =	vunpack.i.u.bf16.f32 v12  }
0x5c6: {  	s6 =	simm.s32 $0x10;
	s0 =	simm.s32 $0x18;
	v31 =	vld.idx.msk [tilespmem:v40+s28+$0x0], $0xffff;
	v39 =	vunpack.i.l.bf16.f32 v37;
	v13 =	vmul.f32 v13, v62;
	v20 =	vadd.f32 v20, v63  }
.LBB2_46:
0x5c7: {  	p0 =	sne.s32 s0, $0x38;
	v40 =	vmov s6;
	v37 =	vunpack.i.u.bf16.f32 v37;
	v33 =	vunpack.i.l.bf16.f32 v33;
	s6 =	smov.u32 s0;
	s0 =	sadd.s32 $0x8, s0  }
0x5c8: {  	v41 =	vunpack.i.u.bf16.f32 v34;
	v29 =	vadd.f32 v29, v38;
	v40 =	vshrl.u32 v40, $0x3  }
0x5c9: {  	v34 =	vunpack.i.l.bf16.f32 v34;
	v36 =	vmul.f32 v36, v39;
	v38 =	vshll.u32 v40, $0x3  }
0x5ca: {  	v39 =	vunpack.i.u.bf16.f32 v32;
	v40 =	vadd.f32 v27, v29;
	v38 =	vadd.s32 v9, v38  }
0x5cb: {  	v29 =	vunpack.i.l.bf16.f32 v35;
	v27 =	vbroadcast v38, $0x0;
	v38 =	vunpack.i.l.bf16.f32 v30  }
0x5cc: {  	v32 =	vunpack.i.l.bf16.f32 v32;
	v42 =	vmul.f32 v26, v37;
	v35 =	vunpack.i.u.bf16.f32 v35  }
0x5cd: {  	v26 =	vunpack.i.l.bf16.f32 v31;
	v43 =	vadd.s32 v1, v27;
	v44 =	vadd.s32 v2, v27  }
0x5ce: {  	v46 =	vmul.f32 v26, v29;
	v45 =	vadd.s32 v4, v27;
	v37 =	vadd.s32 v6, v27;
	v26 =	vld.idx.msk [tilespmem:v17+s28+$0x0], $0xffff  }
0x5cf: {  	v29 =	vunpack.i.u.bf16.f32 v30;
	v21 =	vmul.f32 v21, v38;
	v47 =	vadd.s32 v3, v27  }
0x5d0: {  	v30 =	vadd.s32 v5, v27;
	v38 =	vadd.s32 v8, v27;
	v17 =	vunpack.i.u.bf16.f32 v31  }
0x5d1: {  	v14 =	vunpack.i.l.bf16.f32 v14;
	v32 =	vmul.f32 v32, v34;
	v31 =	vmul.f32 v17, v35  }
0x5d2: {  	v48 =	vunpack.i.u.bf16.f32 v15;
	v23 =	vmul.f32 v14, v23;
	v35 =	vunpack.i.u.bf16.f32 v28;
	v34 =	vld.idx.msk [tilespmem:v44+s28+$0x0], $0xffff  }
0x5d3: {  	v15 =	vadd.f32 v21, v19;
	v17 =	vadd.s32 v7, v27;
	v24 =	vadd.f32 v31, v24;
	v49 =	vld.idx.msk [tilespmem:v37+s28+$0x0], $0xffff  }
0x5d4: {  	v28 =	vunpack.i.l.bf16.f32 v28;
	v31 =	vmul.f32 v39, v41;
	v19 =	vunpack.i.u.bf16.f32 v26;
	v50 =	vld.idx.msk [tilespmem:v47+s25+$0x0], $0xffff  }
0x5d5: {  	v25 =	vmul.f32 v35, v25;
	v21 =	vadd.f32 v32, v15;
	v26 =	vunpack.i.l.bf16.f32 v26;
	v14 =	vld.idx.msk [tilespmem:v38+s28+$0x0], $0xffff  }
0x5d6: {  	v32 =	vmul.f32 v11, v29;
	v11 =	vunpack.i.l.bf16.f32 v12;
	v22 =	vmul.f32 v19, v22;
	v15 =	vld.idx.msk [tilespmem:v38+s25+$0x0], $0xffff  }
0x5d7: {  	v29 =	vmul.f32 v11, v18;
	v18 =	vadd.f32 v36, v21;
	v27 =	vmul.f32 v26, v33;
	v35 =	vld.idx.msk [tilespmem:v30+s25+$0x0], $0xffff  }
0x5d8: {  	v20 =	vadd.f32 v32, v20;
	v11 =	vunpack.i.u.bf16.f32 v34;
	v21 =	vunpack.i.l.bf16.f32 v34;
	v12 =	vld.idx.msk [tilespmem:v30+s28+$0x0], $0xffff  }
0x5d9: {  	v24 =	vadd.f32 v25, v24;
	v19 =	vadd.f32 v23, v18;
	v26 =	vunpack.i.u.bf16.f32 v49;
	v33 =	vld.idx.msk [tilespmem:v17+s25+$0x0], $0xffff  }
0x5da: {  	v41 =	vmul.f32 v16, v48;
	v25 =	vmul.f32 v28, v10;
	v10 =	vunpack.i.l.bf16.f32 v50;
	v37 =	vld.idx.msk [tilespmem:v37+s25+$0x0], $0xffff  }
0x5db: {  	v28 =	vadd.f32 v46, v40;
	v16 =	vadd.f32 v31, v20;
	v34 =	vld.idx.msk [tilespmem:v45+s25+$0x0], $0xffff  }
.Ltmp22:
0x5dc: {  	v13 =	vadd.f32 v13, v24;
	v36 =	vunpack.i.l.bf16.f32 v49;
	v23 =	vunpack.i.l.bf16.f32 v15;
	v32 =	vld.idx.msk [tilespmem:v45+s28+$0x0], $0xffff;
	(pc) =	sbr.rel @p0 .LBB2_46-.Ltmp22, $4  }
0x5dd: {  	v40 =	vadd.f32 v42, v16;
	v20 =	vunpack.i.u.bf16.f32 v35;
	v18 =	vunpack.i.l.bf16.f32 v35;
	v30 =	vld.idx.msk [tilespmem:v44+s25+$0x0], $0xffff  }
0x5de: {  	v24 =	vadd.f32 v22, v13;
	v16 =	vunpack.i.u.bf16.f32 v14;
	v38 =	vunpack.i.u.bf16.f32 v12;
	v35 =	vld.idx.msk [tilespmem:v43+s25+$0x0], $0xffff  }
0x5df: {  	v13 =	vmul.f32 v38, v20;
	v22 =	vunpack.i.u.bf16.f32 v33;
	v38 =	vadd.f32 v25, v28;
	v31 =	vld.idx.msk [tilespmem:v43+s28+$0x0], $0xffff  }
0x5e0: {  	v25 =	vunpack.i.u.bf16.f32 v50;
	v20 =	vadd.f32 v41, v40;
	v39 =	vunpack.i.l.bf16.f32 v37;
	v28 =	vld.idx.msk [tilespmem:v47+s28+$0x0], $0xffff  }
0x5e1: {  	v40 =	vmov s6  }
0x5e2: {  	v37 =	vunpack.i.u.bf16.f32 v37;
	v41 =	vunpack.i.u.bf16.f32 v34;
	v29 =	vadd.f32 v29, v38  }
0x5e3: {  	v51 =	vunpack.i.l.bf16.f32 v34;
	v36 =	vmul.f32 v36, v39;
	v52 =	vunpack.i.u.bf16.f32 v32  }
0x5e4: {  	v56 =	vunpack.i.l.bf16.f32 v32;
	v14 =	vunpack.i.l.bf16.f32 v14;
	v40 =	vshrl.u32 v40, $0x3  }
0x5e5: {  	v15 =	vunpack.i.u.bf16.f32 v15;
	v12 =	vunpack.i.l.bf16.f32 v12;
	v50 =	vshll.u32 v40, $0x3  }
0x5e6: {  	v26 =	vmul.f32 v26, v37;
	v32 =	vmul.f32 v56, v51;
	v9 =	vadd.s32 v9, v50  }
0x5e7: {  	v54 =	vunpack.i.l.bf16.f32 v30;
	v14 =	vmul.f32 v14, v23;
	v9 =	vbroadcast v9, $0x0  }
0x5e8: {  	v57 =	vunpack.i.u.bf16.f32 v30;
	v48 =	vmul.f32 v52, v41;
	v12 =	vmul.f32 v12, v18  }
0x5e9: {  	v15 =	vmul.f32 v16, v15;
	v27 =	vadd.f32 v27, v29;
	v40 =	vadd.s32 v2, v9  }
0x5ea: {  	v53 =	vunpack.i.l.bf16.f32 v35;
	v42 =	vunpack.i.l.bf16.f32 v31;
	v44 =	vadd.s32 v6, v9  }
0x5eb: {  	v55 =	vunpack.i.u.bf16.f32 v35;
	v29 =	vmul.f32 v42, v53;
	v42 =	vadd.s32 v3, v9  }
0x5ec: {  	v21 =	vmul.f32 v21, v54;
	v59 =	vunpack.i.u.bf16.f32 v31;
	v58 =	vadd.s32 v8, v9  }
0x5ed: {  	v33 =	vunpack.i.l.bf16.f32 v33;
	v17 =	vld.idx.msk [tilespmem:v17+s28+$0x0], $0xffff;
	v11 =	vmul.f32 v11, v57;
	v31 =	vmul.f32 v59, v55  }
0x5ee: {  	v61 =	vunpack.i.u.bf16.f32 v28;
	v19 =	vadd.f32 v21, v19;
	v45 =	vadd.s32 v5, v9;
	v60 =	vld.idx.msk [tilespmem:v40+s28+$0x0], $0xffff  }
0x5ef: {  	v47 =	vunpack.i.l.bf16.f32 v28;
	v11 =	vadd.f32 v11, v20;
	v25 =	vmul.f32 v61, v25;
	v62 =	vld.idx.msk [tilespmem:v44+s28+$0x0], $0xffff  }
0x5f0: {  	v37 =	vadd.s32 v1, v9;
	v43 =	vadd.s32 v4, v9;
	v9 =	vadd.s32 v7, v9;
	v46 =	vld.idx.msk [tilespmem:v42+s25+$0x0], $0xffff  }
0x5f1: {  	v10 =	vmul.f32 v47, v10;
	v63 =	vadd.f32 v31, v24;
	v27 =	vadd.f32 v29, v27;
	v41 =	vld.idx.msk [tilespmem:v58+s28+$0x0], $0xffff  }
0x5f2: {  	v49 =	vunpack.i.u.bf16.f32 v17;
	v19 =	vadd.f32 v32, v19;
	v11 =	vadd.f32 v48, v11;
	v32 =	vld.idx.msk [tilespmem:v58+s25+$0x0], $0xffff  }
0x5f3: {  	v17 =	vunpack.i.l.bf16.f32 v17;
	v21 =	vadd.f32 v25, v63;
	v10 =	vadd.f32 v10, v27;
	v50 =	vld.idx.msk [tilespmem:v45+s25+$0x0], $0xffff  }
0x5f4: {  	v22 =	vmul.f32 v49, v22;
	v51 =	vadd.f32 v36, v19;
	v11 =	vadd.f32 v26, v11;
	v34 =	vld.idx.msk [tilespmem:v45+s28+$0x0], $0xffff  }
0x5f5: {  	v17 =	vmul.f32 v17, v33;
	v13 =	vadd.f32 v13, v21;
	v10 =	vadd.f32 v12, v10;
	v53 =	vld.idx.msk [tilespmem:v9+s25+$0x0], $0xffff  }
0x5f6: {  	v14 =	vadd.f32 v14, v51;
	v11 =	vadd.f32 v15, v11;
	v54 =	vld.idx.msk [tilespmem:v44+s25+$0x0], $0xffff  }
0x5f7: {  	v55 =	vld.idx.msk [tilespmem:v43+s25+$0x0], $0xffff;
	v13 =	vadd.f32 v22, v13;
	v10 =	vadd.f32 v17, v10  }
0x5f8: {  	v56 =	vld.idx.msk [tilespmem:v43+s28+$0x0], $0xffff;
	v19 =	vunpack.i.u.bf16.f32 v60;
	v33 =	vunpack.i.l.bf16.f32 v60;
	v52 =	vunpack.i.u.bf16.f32 v62  }
0x5f9: {  	v58 =	vld.idx.msk [tilespmem:v40+s25+$0x0], $0xffff;
	v18 =	vunpack.i.l.bf16.f32 v46;
	v23 =	vunpack.i.l.bf16.f32 v62;
	v57 =	vunpack.i.l.bf16.f32 v32  }
0x5fa: {  	v47 =	vld.idx.msk [tilespmem:v42+s28+$0x0], $0xffff;
	v59 =	vunpack.i.u.bf16.f32 v50;
	v30 =	vunpack.i.l.bf16.f32 v50;
	v61 =	vunpack.i.u.bf16.f32 v34  }
0x5fb: {  	v38 =	vunpack.i.u.bf16.f32 v41;
	v63 =	vunpack.i.u.bf16.f32 v53;
	v24 =	vunpack.i.u.bf16.f32 v46  }
0x5fc: {  	v43 =	vunpack.i.l.bf16.f32 v54;
	v44 =	vunpack.i.u.bf16.f32 v54;
	v45 =	vunpack.i.l.bf16.f32 v53  }
0x5fd: {  	v46 =	vunpack.i.u.bf16.f32 v55;
	v16 =	vunpack.i.l.bf16.f32 v55;
	v48 =	vunpack.i.u.bf16.f32 v56  }
0x5fe: {  	v60 =	vld.idx.msk [tilespmem:v37+s25+$0x0], $0xffff;
	v50 =	vunpack.i.l.bf16.f32 v58;
	v28 =	vunpack.i.l.bf16.f32 v56;
	v54 =	vunpack.i.l.bf16.f32 v41  }
0x5ff: {  	v62 =	vld.idx.msk [tilespmem:v37+s28+$0x0], $0xffff;
	v55 =	vunpack.i.u.bf16.f32 v47;
	v31 =	vmul.f32 v61, v59;
	v23 =	vmul.f32 v23, v43  }
0x600: {  	v32 =	vunpack.i.u.bf16.f32 v32;
	v15 =	vmul.f32 v52, v44;
	v53 =	vmul.f32 v33, v50  }
0x601: {  	v56 =	vunpack.i.l.bf16.f32 v47;
	v16 =	vmul.f32 v28, v16;
	v12 =	vmul.f32 v48, v46  }
0x602: {  	v9 =	vld.idx.msk [tilespmem:v9+s28+$0x0], $0xffff;
	v52 =	vunpack.i.u.bf16.f32 v58;
	v58 =	vmul.f32 v55, v24;
	v59 =	vmul.f32 v56, v18  }
0x603: {  	v19 =	vmul.f32 v19, v52;
	v14 =	vadd.f32 v53, v14;
	v49 =	vunpack.i.l.bf16.f32 v60  }
0x604: {  	v26 =	vunpack.i.u.bf16.f32 v60;
	v51 =	vunpack.i.l.bf16.f32 v62;
	v22 =	vunpack.i.u.bf16.f32 v62  }
0x605: {  	v11 =	vadd.f32 v19, v11;
	v17 =	vmul.f32 v51, v49;
	v22 =	vmul.f32 v22, v26  }
0x606: {  	v14 =	vadd.f32 v16, v14;
	v60 =	vunpack.i.l.bf16.f32 v34;
	v26 =	vmul.f32 v54, v57  }
0x607: {  	v57 =	vunpack.i.u.bf16.f32 v9;
	v13 =	vadd.f32 v22, v13;
	v10 =	vadd.f32 v17, v10  }
0x608: {  	v9 =	vunpack.i.l.bf16.f32 v9;
	v11 =	vadd.f32 v12, v11;
	v61 =	vmul.f32 v57, v63  }
0x609: {  	v17 =	vmul.f32 v60, v30;
	v13 =	vadd.f32 v58, v13;
	v10 =	vadd.f32 v59, v10  }
0x60a: {  	v62 =	vadd.f32 v23, v14;
	v63 =	vmul.f32 v38, v32;
	v11 =	vadd.f32 v15, v11  }
0x60b: {  	v9 =	vmul.f32 v9, v45;
	v13 =	vadd.f32 v31, v13;
	v10 =	vadd.f32 v17, v10  }
0x60c: {  	v12 =	vadd.f32 v26, v62;
	v11 =	vadd.f32 v63, v11  }
0x60d: {  	s0 =	sadd.s32 $0x26C0, s5;
	s4 =	sadd.s32 $0x1, s4;
	v13 =	vadd.f32 v61, v13;
	v9 =	vadd.f32 v9, v10  }
0x60e: {  	p0 =	sne.s32 s4, $0x5;
	v10 =	vor.u32 s0, v0  }
.Ltmp23:
0x60f: {  	v11 =	vadd.f32 v11, v12;
	v9 =	vadd.f32 v13, v9;
	(pc) =	sbr.rel @p0 .LBB2_45-.Ltmp23, $3  }
0x610: {  	_ = 	snop  }
0x611: {  	v9 =	vadd.f32 v11, v9;
	_ =	sdelay $0x1  }
0x612: {  	[tilespmem:v10+s16+$0x0] =	vst.idx.msk $0xffff, v9  }
0x613: {  	s6 =	simm.s32 $0x0;
	s0 =	rddreg [dreg:$0x5];
	s2 =	simm.s32 $0xD  }
0x614: {  	[hbm4b:s0+s6] =	stream.linear.scatter [tilespmem:s16], [sflag:$0xD], $0x2710, $0x38;
	[tilespmem:$0x18330] =	vst v63  }
0x615: {  	_ =	swait.ge [sflag:s2], $0x2710  }
0x616: {  	s4 =	rddreg [dreg:$0x7]  }
0x617: {  	s14 =	rddreg [dreg:$0x6];
	s4 =	sadd.s32 $0x1, s4  }
0x618: {  	p0 =	sne.s32 s4, s14  }
.Ltmp24:
0x619: {  	_ = 	snop;
	(pc) =	sbr.rel @p0 .LBB2_1-.Ltmp24, $3  }
0x61a: {  	_ =	sdelay $0x1  }
0x61b: {  	[sflag:s2] =	ssyncset.done $0x0  }
0x61c: {  	[sflag:s2] =	ssyncadd.s32 $0xFFFFD8F0  }
0x61d: {  	_ =	sfence.sel $0x180000  }
0x61e: {  	[bflag:$0x0] =	sbarrier.arrive $0xFFFF  }
0x61f: {  	_ =	strace $0x90000047  }
0x620: {  	s0 =	stileid.u32;
	[bflag:$0x2] =	sbarrier.arrive $0xFFFF  }
0x621: {  	p0 =	sne.s32 s0, $0x0;
	s0 =	rddreg [dreg:$0x2]  }
0x622: {  	s0 =	sadd.s32 @!p0 $0x100000, s0  }
0x623: {  	[sflag:s0] =	ssyncadd.tile.s32 @!p0 $0x1;
	_ =	shalt  }
.Lfunc_end2:
_tile_overlayer_lowered:
.L_overlay_start_2:
0x624: {  	(tag) =	ssettag $0x2  }
0x625: {  	s0 =	rddreg [dreg:$0x0];
	s2 =	stileid.u32  }
0x626: {  	s1 =	rddreg [dreg:$0x1];
	p0 =	sne.s32 s2, $0x0  }
0x627: {  	s3 =	rddreg [dreg:$0x2];
	[bflag:$0x3] =	sbarrier.arrive $0xFFFF;
	s2 =	simm.s32 @!p0 $0x1C0D  }
0x628: {  	[timem:s3], [sflag:s2] =	dma.local @!p0 [hbm:s0], s1  }
0x629: {  	s0 =	simm.s32 @!p0 $0xD  }
0x62a: {  	_ =	swait.ge @!p0 [sflag:s0], s1  }
0x62b: {  	s1 =	ssub.s32 @!p0 $0x0, s1;
	[sflag:s0] =	ssyncset.done @!p0 $0x0  }
0x62c: {  	[sflag:s0] =	ssyncadd.s32 @!p0 s1  }
0x62d: {  	[bflag:$0x3] =	sbarrier.arrive $0xFFFF  }
0x62e: {  	_ =	shalt  }

</sc_bundles>
